<compile_context>
chip_gen: v7x
topology: tpu7x:2x2x1
jax: 0.10.2.dev20260603
libtpu: 0.0.44.dev20260713+nightly
codegen_flags: <defaults>
</compile_context>

<pallas_src>
import jax
import jax.numpy as jnp
from jax import lax
from jax.experimental import pallas as pl
from jax.experimental.pallas import tpu as pltpu, tpu_sc as plsc

B, L, C, V = 1024, 8192, 4, 16
NC, NS = 2, 16
NW = NC * NS
ROWS_PER_W = B // NW
LANES = 16
UNROLL = 16


def _sc_body(x_hbm, w_hbm, out_hbm, w_v, x0, x1, o0, o1, sem_in, sem_out):
    cid = lax.axis_index("c")
    sid = lax.axis_index("s")
    wid = sid * NC + cid
    base_row = wid * ROWS_PER_W

    dnums = lax.GatherDimensionNumbers(
        offset_dims=(), collapsed_slice_dims=(0,), start_index_map=(0,))

    def vgather(data, idx):
        return lax.gather(data, idx.reshape(LANES, 1), dnums,
                          slice_sizes=(1,),
                          mode=lax.GatherScatterMode.PROMISE_IN_BOUNDS)

    pltpu.sync_copy(w_hbm, w_v)
    wcols = [w_v[c] for c in range(C)]

    xbufs = (x0, x1)
    obufs = (o0, o1)

    def compute_row(xb, ob):
        def chunk_body(j, carry):
            offs = [(j * UNROLL + u) * LANES for u in range(UNROLL)]
            vis = [xb[pl.ds(off, LANES)] for off in offs]
            for u, off in enumerate(offs):
                for c in range(C):
                    ob[c, pl.ds(off, LANES)] = vgather(wcols[c], vis[u])
            return carry
        lax.fori_loop(0, L // (LANES * UNROLL), chunk_body, 0)

    pltpu.async_copy(x_hbm.at[pl.ds(base_row, 2)], x0, sem_in)

    def super_body(s, carry):
        for q in range(2):
            g = s * 2 + q
            xb = xbufs[q]
            pltpu.make_async_copy(
                x_hbm.at[pl.ds(base_row + g * 2, 2)], xb, sem_in).wait()
            @pl.when(g < ROWS_PER_W // 2 - 1)
            def _():
                pltpu.async_copy(
                    x_hbm.at[pl.ds(base_row + g * 2 + 2, 2)],
                    xbufs[1 - q], sem_in)
            for p in range(2):
                r = g * 2 + p
                row = base_row + r
                ob = obufs[p]
                @pl.when(r >= 2)
                def _():
                    pltpu.make_async_copy(
                        ob, out_hbm.at[row - 2], sem_out).wait()
                compute_row(xb.at[p], ob)
                pltpu.async_copy(ob, out_hbm.at[row], sem_out)
        return carry

    lax.fori_loop(0, ROWS_PER_W // 4, super_body, 0)
    last = base_row + ROWS_PER_W
    pltpu.make_async_copy(o0, out_hbm.at[last - 2], sem_out).wait()
    pltpu.make_async_copy(o1, out_hbm.at[last - 1], sem_out).wait()


@jax.jit
def kernel(x, W):
    mesh = plsc.VectorSubcoreMesh(core_axis_name="c", subcore_axis_name="s")
    k = pl.kernel(
        _sc_body,
        out_type=jax.ShapeDtypeStruct((B, C, L), jnp.float32),
        mesh=mesh,
        scratch_types=[
            pltpu.VMEM((C, V), jnp.float32),
            pltpu.VMEM((2, L), jnp.int32),
            pltpu.VMEM((2, L), jnp.int32),
            pltpu.VMEM((C, L), jnp.float32),
            pltpu.VMEM((C, L), jnp.float32),
            pltpu.SemaphoreType.DMA,
            pltpu.SemaphoreType.DMA,
        ],
    )
    return k(x.astype(jnp.int32), W.T.reshape(C, V))

# --- scband reference (transcript-rebuilt; emitter-appended) ---
"""Pipeline reference for scband-nucleotide-embedding-34196529611074 (READ-ONLY COPY).

The authoritative reference and input builder live on the scoring server;
editing this copy changes nothing except your own understanding.
"""

import jax, jax.numpy as jnp
import numpy as np

_TABLE = np.array([[0,0,0,0],[1,0,0,0],[0,1,0,0],[0,0,1,0],[0,0,0,1],[1,0,0,1],[0,1,1,0],[0,0,1,1],[1,1,0,0],[0,1,0,1],[1,0,1,0],[0,1,1,1],[1,0,1,1],[1,1,0,1],[1,1,1,0],[1,1,1,1]], dtype=np.float32)

def setup_inputs(seed: int = 0) -> dict:
    key = jax.random.key(seed)
    x = jax.random.randint(key, (1024, 8192), 0, 16, dtype=jnp.int64) if jax.config.jax_enable_x64 else jax.random.randint(key, (1024, 8192), 0, 16, dtype=jnp.int32)
    W = jnp.asarray(_TABLE)
    return {"x": x, "W": W}

def reference(x, W):
    # embedding lookup: table[idx] -> [B, L, 4], then transpose(1, 2) -> [B, 4, L]
    idx = x.astype(jnp.int32)
    emb = jnp.take(W, idx, axis=0)
    return jnp.transpose(emb, (0, 2, 1))

if __name__ == "__main__":
    import jax
    _d = setup_inputs()
    print(jax.jit(kernel)(*tuple(_d.values())))

</pallas_src>

<mosaic_0001>
#map = affine_map<(d0, d1) -> (0, 0)>
#map1 = affine_map<(d0, d1) -> (0, 0, 0)>
module attributes {stable_mosaic.version = 14 : i64} {
  func.func @_sc_body(%arg0: i32, %arg1: i32, %arg2: memref<1024x8192xi32, #tpu.memory_space<hbm>>, %arg3: memref<4x16xf32, #tpu.memory_space<hbm>>, %arg4: memref<1024x4x8192xf32, #tpu.memory_space<hbm>>, %arg5: memref<4x16xf32, #tpu.memory_space<vmem>>, %arg6: memref<2x8192xi32, #tpu.memory_space<vmem>>, %arg7: memref<2x8192xi32, #tpu.memory_space<vmem>>, %arg8: memref<4x8192xf32, #tpu.memory_space<vmem>>, %arg9: memref<4x8192xf32, #tpu.memory_space<vmem>>, %arg10: memref<!tpu.dma_semaphore, #tpu.memory_space<semaphore_mem>>, %arg11: memref<!tpu.dma_semaphore, #tpu.memory_space<semaphore_mem>>) attributes {dimension_semantics = [#tpu.dimension_semantics<core_parallel>, #tpu.dimension_semantics<subcore_parallel>], iteration_bounds = array<i64: 2, 16>, scalar_prefetch = 0 : i64, scratch_operands = 7 : i64, tpu.core_type = #tpu.core_type<sc_vector_subcore>, window_params = [{transform_indices = #map}, {transform_indices = #map}, {transform_indices = #map1}]} {
    %mul3A = arith.constant 2 : i32
    %mul3A_0 = arith.muli %arg1, %mul3A : i32
    %add3A = arith.addi %mul3A_0, %arg0 : i32
    %mul3A_1 = arith.constant 32 : i32
    %mul3A_2 = arith.muli %add3A, %mul3A_1 : i32
    "tpu.region"() ({
      %run_scoped3A = tpu.sem_alloc : memref<!tpu.dma_semaphore, #tpu.memory_space<semaphore_mem>>
      tpu.enqueue_dma source(%arg3 : memref<4x16xf32, #tpu.memory_space<hbm>>) target(%arg5 : memref<4x16xf32, #tpu.memory_space<vmem>>) target_semaphore(%run_scoped3A : memref<!tpu.dma_semaphore, #tpu.memory_space<semaphore_mem>>)
      tpu.wait_dma2 semaphore(%run_scoped3A : memref<!tpu.dma_semaphore, #tpu.memory_space<semaphore_mem>>) src(%arg3 : memref<4x16xf32, #tpu.memory_space<hbm>>) dst(%arg5 : memref<4x16xf32, #tpu.memory_space<vmem>>)
      tpu.yield
    }) : () -> ()
    %get3A = arith.constant 0 : i32
    %get3A_3 = arith.index_cast %get3A : i32 to index
    %get3A_4 = arith.constant 0 : index
    %get3A_5 = tpu.vector_load %arg5[%get3A_3, %get3A_4] {strides = array<i32>} : memref<4x16xf32, #tpu.memory_space<vmem>>, vector<1x16xf32>,
    %get3A_6 = vector.shape_cast %get3A_5 : vector<1x16xf32> to vector<16xf32>
    %get3A_7 = arith.constant 1 : i32
    %get3A_8 = arith.index_cast %get3A_7 : i32 to index
    %get3A_9 = arith.constant 0 : index
    %get3A_10 = tpu.vector_load %arg5[%get3A_8, %get3A_9] {strides = array<i32>} : memref<4x16xf32, #tpu.memory_space<vmem>>, vector<1x16xf32>,
    %get3A_11 = vector.shape_cast %get3A_10 : vector<1x16xf32> to vector<16xf32>
    %get3A_12 = arith.constant 2 : i32
    %get3A_13 = arith.index_cast %get3A_12 : i32 to index
    %get3A_14 = arith.constant 0 : index
    %get3A_15 = tpu.vector_load %arg5[%get3A_13, %get3A_14] {strides = array<i32>} : memref<4x16xf32, #tpu.memory_space<vmem>>, vector<1x16xf32>,
    %get3A_16 = vector.shape_cast %get3A_15 : vector<1x16xf32> to vector<16xf32>
    %get3A_17 = arith.constant 3 : i32
    %get3A_18 = arith.index_cast %get3A_17 : i32 to index
    %get3A_19 = arith.constant 0 : index
    %get3A_20 = tpu.vector_load %arg5[%get3A_18, %get3A_19] {strides = array<i32>} : memref<4x16xf32, #tpu.memory_space<vmem>>, vector<1x16xf32>,
    %get3A_21 = vector.shape_cast %get3A_20 : vector<1x16xf32> to vector<16xf32>
    %dma_start3A = arith.constant 0 : i32
    %dma_start3A_22 = tpu.memref_slice %arg2[%mul3A_2, %dma_start3A] : memref<1024x8192xi32, #tpu.memory_space<hbm>> -> memref<2x8192xi32, #tpu.memory_space<hbm>>
    %dma_start3A_23 = arith.constant 0 : i32
    %dma_start3A_24 = tpu.memref_slice %arg2[%mul3A_2, %dma_start3A_23] : memref<1024x8192xi32, #tpu.memory_space<hbm>> -> memref<2x8192xi32, #tpu.memory_space<hbm>>
    tpu.enqueue_dma source(%dma_start3A_24 : memref<2x8192xi32, #tpu.memory_space<hbm>>) target(%arg6 : memref<2x8192xi32, #tpu.memory_space<vmem>>) target_semaphore(%arg10 : memref<!tpu.dma_semaphore, #tpu.memory_space<semaphore_mem>>)
    %scan3A = arith.constant 0 : i32
    %scan3A_25 = arith.constant 0 : i32
    %scan3A_26 = arith.constant 8 : i32
    %scan3A_27 = arith.addi %scan3A_25, %scan3A_26 : i32
    %scan3A_28 = arith.constant 1 : i32
    scf.for %scan3A_50 = %scan3A_25 to %scan3A_27 step %scan3A_28  : i32 {
      %mul3A_51 = arith.constant 2 : i32
      %mul3A_52 = arith.muli %scan3A_50, %mul3A_51 : i32
      %add3A_53 = arith.constant 0 : i32
      %add3A_54 = arith.addi %mul3A_52, %add3A_53 : i32
      %mul3A_55 = arith.constant 2 : i32
      %mul3A_56 = arith.muli %add3A_54, %mul3A_55 : i32
      %add3A_57 = arith.addi %mul3A_2, %mul3A_56 : i32
      %dma_wait3A_58 = arith.constant 0 : i32
      %dma_wait3A_59 = tpu.memref_slice %arg2[%add3A_57, %dma_wait3A_58] : memref<1024x8192xi32, #tpu.memory_space<hbm>> -> memref<2x8192xi32, #tpu.memory_space<hbm>>
      %dma_wait3A_60 = arith.constant 0 : i32
      %dma_wait3A_61 = tpu.memref_slice %arg2[%add3A_57, %dma_wait3A_60] : memref<1024x8192xi32, #tpu.memory_space<hbm>> -> memref<2x8192xi32, #tpu.memory_space<hbm>>
      tpu.wait_dma2 semaphore(%arg10 : memref<!tpu.dma_semaphore, #tpu.memory_space<semaphore_mem>>) src(%dma_wait3A_61 : memref<2x8192xi32, #tpu.memory_space<hbm>>) dst(%arg6 : memref<2x8192xi32, #tpu.memory_space<vmem>>)
      %lt3A = arith.constant 15 : i32
      %lt3A_62 = arith.cmpi slt, %add3A_54, %lt3A : i32
      %convert_element_type3A = arith.extui %lt3A_62 : i1 to i32
      %cond3A = arith.constant 0 : i32
      %cond3A_63 = arith.cmpi ne, %convert_element_type3A, %cond3A : i32
      scf.if %cond3A_63 {
        %mul3A_179 = arith.constant 2 : i32
        %mul3A_180 = arith.muli %add3A_54, %mul3A_179 : i32
        %add3A_181 = arith.addi %mul3A_2, %mul3A_180 : i32
        %add3A_182 = arith.constant 2 : i32
        %add3A_183 = arith.addi %add3A_181, %add3A_182 : i32
        %dma_start3A_184 = arith.constant 0 : i32
        %dma_start3A_185 = tpu.memref_slice %arg2[%add3A_183, %dma_start3A_184] : memref<1024x8192xi32, #tpu.memory_space<hbm>> -> memref<2x8192xi32, #tpu.memory_space<hbm>>
        %dma_start3A_186 = arith.constant 0 : i32
        %dma_start3A_187 = tpu.memref_slice %arg2[%add3A_183, %dma_start3A_186] : memref<1024x8192xi32, #tpu.memory_space<hbm>> -> memref<2x8192xi32, #tpu.memory_space<hbm>>
        tpu.enqueue_dma source(%dma_start3A_187 : memref<2x8192xi32, #tpu.memory_space<hbm>>) target(%arg7 : memref<2x8192xi32, #tpu.memory_space<vmem>>) target_semaphore(%arg10 : memref<!tpu.dma_semaphore, #tpu.memory_space<semaphore_mem>>)
      } else {
      }
      %mul3A_64 = arith.constant 2 : i32
      %mul3A_65 = arith.muli %add3A_54, %mul3A_64 : i32
      %add3A_66 = arith.constant 0 : i32
      %add3A_67 = arith.addi %mul3A_65, %add3A_66 : i32
      %add3A_68 = arith.addi %mul3A_2, %add3A_67 : i32
      %ge3A = arith.constant 2 : i32
      %ge3A_69 = arith.cmpi sge, %add3A_67, %ge3A : i32
      %convert_element_type3A_70 = arith.extui %ge3A_69 : i1 to i32
      %cond3A_71 = arith.constant 0 : i32
      %cond3A_72 = arith.cmpi ne, %convert_element_type3A_70, %cond3A_71 : i32
      scf.if %cond3A_72 {
        %sub3A_179 = arith.constant 2 : i32
        %sub3A_180 = arith.subi %add3A_68, %sub3A_179 : i32
        %dma_wait3A_181 = arith.constant 0 : i32
        %dma_wait3A_182 = arith.constant 0 : i32
        %dma_wait3A_183 = tpu.memref_slice %arg4[%sub3A_180, %dma_wait3A_181, %dma_wait3A_182] : memref<1024x4x8192xf32, #tpu.memory_space<hbm>> -> memref<1x4x8192xf32, #tpu.memory_space<hbm>>
        %dma_wait3A_184 = tpu.memref_squeeze %dma_wait3A_183 : memref<1x4x8192xf32, #tpu.memory_space<hbm>> -> memref<4x8192xf32, #tpu.memory_space<hbm>>
        %dma_wait3A_185 = arith.constant 0 : i32
        %dma_wait3A_186 = arith.constant 0 : i32
        %dma_wait3A_187 = tpu.memref_slice %arg4[%sub3A_180, %dma_wait3A_185, %dma_wait3A_186] : memref<1024x4x8192xf32, #tpu.memory_space<hbm>> -> memref<1x4x8192xf32, #tpu.memory_space<hbm>>
        %dma_wait3A_188 = tpu.memref_squeeze %dma_wait3A_187 : memref<1x4x8192xf32, #tpu.memory_space<hbm>> -> memref<4x8192xf32, #tpu.memory_space<hbm>>
        tpu.wait_dma2 semaphore(%arg11 : memref<!tpu.dma_semaphore, #tpu.memory_space<semaphore_mem>>) src(%arg8 : memref<4x8192xf32, #tpu.memory_space<vmem>>) dst(%dma_wait3A_188 : memref<4x8192xf32, #tpu.memory_space<hbm>>)
      } else {
      }
      %scan3A_73 = arith.constant 0 : i32
      %scan3A_74 = arith.constant 0 : i32
      %scan3A_75 = arith.constant 0 : i32
      %scan3A_76 = arith.constant 32 : i32
      %scan3A_77 = arith.addi %scan3A_75, %scan3A_76 : i32
      %scan3A_78 = arith.constant 1 : i32
      scf.for %scan3A_179 = %scan3A_75 to %scan3A_77 step %scan3A_78  : i32 {
        %mul3A_180 = arith.constant 16 : i32
        %mul3A_181 = arith.muli %scan3A_179, %mul3A_180 : i32
        %add3A_182 = arith.constant 0 : i32
        %add3A_183 = arith.addi %mul3A_181, %add3A_182 : i32
        %mul3A_184 = arith.constant 16 : i32
        %mul3A_185 = arith.muli %add3A_183, %mul3A_184 : i32
        %mul3A_186 = arith.constant 16 : i32
        %mul3A_187 = arith.muli %scan3A_179, %mul3A_186 : i32
        %add3A_188 = arith.constant 1 : i32
        %add3A_189 = arith.addi %mul3A_187, %add3A_188 : i32
        %mul3A_190 = arith.constant 16 : i32
        %mul3A_191 = arith.muli %add3A_189, %mul3A_190 : i32
        %mul3A_192 = arith.constant 16 : i32
        %mul3A_193 = arith.muli %scan3A_179, %mul3A_192 : i32
        %add3A_194 = arith.constant 2 : i32
        %add3A_195 = arith.addi %mul3A_193, %add3A_194 : i32
        %mul3A_196 = arith.constant 16 : i32
        %mul3A_197 = arith.muli %add3A_195, %mul3A_196 : i32
        %mul3A_198 = arith.constant 16 : i32
        %mul3A_199 = arith.muli %scan3A_179, %mul3A_198 : i32
        %add3A_200 = arith.constant 3 : i32
        %add3A_201 = arith.addi %mul3A_199, %add3A_200 : i32
        %mul3A_202 = arith.constant 16 : i32
        %mul3A_203 = arith.muli %add3A_201, %mul3A_202 : i32
        %mul3A_204 = arith.constant 16 : i32
        %mul3A_205 = arith.muli %scan3A_179, %mul3A_204 : i32
        %add3A_206 = arith.constant 4 : i32
        %add3A_207 = arith.addi %mul3A_205, %add3A_206 : i32
        %mul3A_208 = arith.constant 16 : i32
        %mul3A_209 = arith.muli %add3A_207, %mul3A_208 : i32
        %mul3A_210 = arith.constant 16 : i32
        %mul3A_211 = arith.muli %scan3A_179, %mul3A_210 : i32
        %add3A_212 = arith.constant 5 : i32
        %add3A_213 = arith.addi %mul3A_211, %add3A_212 : i32
        %mul3A_214 = arith.constant 16 : i32
        %mul3A_215 = arith.muli %add3A_213, %mul3A_214 : i32
        %mul3A_216 = arith.constant 16 : i32
        %mul3A_217 = arith.muli %scan3A_179, %mul3A_216 : i32
        %add3A_218 = arith.constant 6 : i32
        %add3A_219 = arith.addi %mul3A_217, %add3A_218 : i32
        %mul3A_220 = arith.constant 16 : i32
        %mul3A_221 = arith.muli %add3A_219, %mul3A_220 : i32
        %mul3A_222 = arith.constant 16 : i32
        %mul3A_223 = arith.muli %scan3A_179, %mul3A_222 : i32
        %add3A_224 = arith.constant 7 : i32
        %add3A_225 = arith.addi %mul3A_223, %add3A_224 : i32
        %mul3A_226 = arith.constant 16 : i32
        %mul3A_227 = arith.muli %add3A_225, %mul3A_226 : i32
        %mul3A_228 = arith.constant 16 : i32
        %mul3A_229 = arith.muli %scan3A_179, %mul3A_228 : i32
        %add3A_230 = arith.constant 8 : i32
        %add3A_231 = arith.addi %mul3A_229, %add3A_230 : i32
        %mul3A_232 = arith.constant 16 : i32
        %mul3A_233 = arith.muli %add3A_231, %mul3A_232 : i32
        %mul3A_234 = arith.constant 16 : i32
        %mul3A_235 = arith.muli %scan3A_179, %mul3A_234 : i32
        %add3A_236 = arith.constant 9 : i32
        %add3A_237 = arith.addi %mul3A_235, %add3A_236 : i32
        %mul3A_238 = arith.constant 16 : i32
        %mul3A_239 = arith.muli %add3A_237, %mul3A_238 : i32
        %mul3A_240 = arith.constant 16 : i32
        %mul3A_241 = arith.muli %scan3A_179, %mul3A_240 : i32
        %add3A_242 = arith.constant 10 : i32
        %add3A_243 = arith.addi %mul3A_241, %add3A_242 : i32
        %mul3A_244 = arith.constant 16 : i32
        %mul3A_245 = arith.muli %add3A_243, %mul3A_244 : i32
        %mul3A_246 = arith.constant 16 : i32
        %mul3A_247 = arith.muli %scan3A_179, %mul3A_246 : i32
        %add3A_248 = arith.constant 11 : i32
        %add3A_249 = arith.addi %mul3A_247, %add3A_248 : i32
        %mul3A_250 = arith.constant 16 : i32
        %mul3A_251 = arith.muli %add3A_249, %mul3A_250 : i32
        %mul3A_252 = arith.constant 16 : i32
        %mul3A_253 = arith.muli %scan3A_179, %mul3A_252 : i32
        %add3A_254 = arith.constant 12 : i32
        %add3A_255 = arith.addi %mul3A_253, %add3A_254 : i32
        %mul3A_256 = arith.constant 16 : i32
        %mul3A_257 = arith.muli %add3A_255, %mul3A_256 : i32
        %mul3A_258 = arith.constant 16 : i32
        %mul3A_259 = arith.muli %scan3A_179, %mul3A_258 : i32
        %add3A_260 = arith.constant 13 : i32
        %add3A_261 = arith.addi %mul3A_259, %add3A_260 : i32
        %mul3A_262 = arith.constant 16 : i32
        %mul3A_263 = arith.muli %add3A_261, %mul3A_262 : i32
        %mul3A_264 = arith.constant 16 : i32
        %mul3A_265 = arith.muli %scan3A_179, %mul3A_264 : i32
        %add3A_266 = arith.constant 14 : i32
        %add3A_267 = arith.addi %mul3A_265, %add3A_266 : i32
        %mul3A_268 = arith.constant 16 : i32
        %mul3A_269 = arith.muli %add3A_267, %mul3A_268 : i32
        %mul3A_270 = arith.constant 16 : i32
        %mul3A_271 = arith.muli %scan3A_179, %mul3A_270 : i32
        %add3A_272 = arith.constant 15 : i32
        %add3A_273 = arith.addi %mul3A_271, %add3A_272 : i32
        %mul3A_274 = arith.constant 16 : i32
        %mul3A_275 = arith.muli %add3A_273, %mul3A_274 : i32
        %get3A_276 = arith.constant 0 : i32
        %get3A_277 = tpu.memref_slice %arg6[%scan3A_74, %get3A_276] : memref<2x8192xi32, #tpu.memory_space<vmem>> -> memref<1x8192xi32, #tpu.memory_space<vmem>>
        %get3A_278 = tpu.memref_squeeze %get3A_277 : memref<1x8192xi32, #tpu.memory_space<vmem>> -> memref<8192xi32, #tpu.memory_space<vmem>>
        %get3A_279 = arith.index_cast %mul3A_185 : i32 to index
        %get3A_280 = tpu.vector_load %get3A_278[%get3A_279] {strides = array<i32>} : memref<8192xi32, #tpu.memory_space<vmem>>, vector<16xi32>,
        %get3A_281 = vector.shape_cast %get3A_280 : vector<16xi32> to vector<16xi32>
        %get3A_282 = arith.constant 0 : i32
        %get3A_283 = tpu.memref_slice %arg6[%scan3A_74, %get3A_282] : memref<2x8192xi32, #tpu.memory_space<vmem>> -> memref<1x8192xi32, #tpu.memory_space<vmem>>
        %get3A_284 = tpu.memref_squeeze %get3A_283 : memref<1x8192xi32, #tpu.memory_space<vmem>> -> memref<8192xi32, #tpu.memory_space<vmem>>
        %get3A_285 = arith.index_cast %mul3A_191 : i32 to index
        %get3A_286 = tpu.vector_load %get3A_284[%get3A_285] {strides = array<i32>} : memref<8192xi32, #tpu.memory_space<vmem>>, vector<16xi32>,
        %get3A_287 = vector.shape_cast %get3A_286 : vector<16xi32> to vector<16xi32>
        %get3A_288 = arith.constant 0 : i32
        %get3A_289 = tpu.memref_slice %arg6[%scan3A_74, %get3A_288] : memref<2x8192xi32, #tpu.memory_space<vmem>> -> memref<1x8192xi32, #tpu.memory_space<vmem>>
        %get3A_290 = tpu.memref_squeeze %get3A_289 : memref<1x8192xi32, #tpu.memory_space<vmem>> -> memref<8192xi32, #tpu.memory_space<vmem>>
        %get3A_291 = arith.index_cast %mul3A_197 : i32 to index
        %get3A_292 = tpu.vector_load %get3A_290[%get3A_291] {strides = array<i32>} : memref<8192xi32, #tpu.memory_space<vmem>>, vector<16xi32>,
        %get3A_293 = vector.shape_cast %get3A_292 : vector<16xi32> to vector<16xi32>
        %get3A_294 = arith.constant 0 : i32
        %get3A_295 = tpu.memref_slice %arg6[%scan3A_74, %get3A_294] : memref<2x8192xi32, #tpu.memory_space<vmem>> -> memref<1x8192xi32, #tpu.memory_space<vmem>>
        %get3A_296 = tpu.memref_squeeze %get3A_295 : memref<1x8192xi32, #tpu.memory_space<vmem>> -> memref<8192xi32, #tpu.memory_space<vmem>>
        %get3A_297 = arith.index_cast %mul3A_203 : i32 to index
        %get3A_298 = tpu.vector_load %get3A_296[%get3A_297] {strides = array<i32>} : memref<8192xi32, #tpu.memory_space<vmem>>, vector<16xi32>,
        %get3A_299 = vector.shape_cast %get3A_298 : vector<16xi32> to vector<16xi32>
        %get3A_300 = arith.constant 0 : i32
        %get3A_301 = tpu.memref_slice %arg6[%scan3A_74, %get3A_300] : memref<2x8192xi32, #tpu.memory_space<vmem>> -> memref<1x8192xi32, #tpu.memory_space<vmem>>
        %get3A_302 = tpu.memref_squeeze %get3A_301 : memref<1x8192xi32, #tpu.memory_space<vmem>> -> memref<8192xi32, #tpu.memory_space<vmem>>
        %get3A_303 = arith.index_cast %mul3A_209 : i32 to index
        %get3A_304 = tpu.vector_load %get3A_302[%get3A_303] {strides = array<i32>} : memref<8192xi32, #tpu.memory_space<vmem>>, vector<16xi32>,
        %get3A_305 = vector.shape_cast %get3A_304 : vector<16xi32> to vector<16xi32>
        %get3A_306 = arith.constant 0 : i32
        %get3A_307 = tpu.memref_slice %arg6[%scan3A_74, %get3A_306] : memref<2x8192xi32, #tpu.memory_space<vmem>> -> memref<1x8192xi32, #tpu.memory_space<vmem>>
        %get3A_308 = tpu.memref_squeeze %get3A_307 : memref<1x8192xi32, #tpu.memory_space<vmem>> -> memref<8192xi32, #tpu.memory_space<vmem>>
        %get3A_309 = arith.index_cast %mul3A_215 : i32 to index
        %get3A_310 = tpu.vector_load %get3A_308[%get3A_309] {strides = array<i32>} : memref<8192xi32, #tpu.memory_space<vmem>>, vector<16xi32>,
        %get3A_311 = vector.shape_cast %get3A_310 : vector<16xi32> to vector<16xi32>
        %get3A_312 = arith.constant 0 : i32
        %get3A_313 = tpu.memref_slice %arg6[%scan3A_74, %get3A_312] : memref<2x8192xi32, #tpu.memory_space<vmem>> -> memref<1x8192xi32, #tpu.memory_space<vmem>>
        %get3A_314 = tpu.memref_squeeze %get3A_313 : memref<1x8192xi32, #tpu.memory_space<vmem>> -> memref<8192xi32, #tpu.memory_space<vmem>>
        %get3A_315 = arith.index_cast %mul3A_221 : i32 to index
        %get3A_316 = tpu.vector_load %get3A_314[%get3A_315] {strides = array<i32>} : memref<8192xi32, #tpu.memory_space<vmem>>, vector<16xi32>,
        %get3A_317 = vector.shape_cast %get3A_316 : vector<16xi32> to vector<16xi32>
        %get3A_318 = arith.constant 0 : i32
        %get3A_319 = tpu.memref_slice %arg6[%scan3A_74, %get3A_318] : memref<2x8192xi32, #tpu.memory_space<vmem>> -> memref<1x8192xi32, #tpu.memory_space<vmem>>
        %get3A_320 = tpu.memref_squeeze %get3A_319 : memref<1x8192xi32, #tpu.memory_space<vmem>> -> memref<8192xi32, #tpu.memory_space<vmem>>
        %get3A_321 = arith.index_cast %mul3A_227 : i32 to index
        %get3A_322 = tpu.vector_load %get3A_320[%get3A_321] {strides = array<i32>} : memref<8192xi32, #tpu.memory_space<vmem>>, vector<16xi32>,
        %get3A_323 = vector.shape_cast %get3A_322 : vector<16xi32> to vector<16xi32>
        %get3A_324 = arith.constant 0 : i32
        %get3A_325 = tpu.memref_slice %arg6[%scan3A_74, %get3A_324] : memref<2x8192xi32, #tpu.memory_space<vmem>> -> memref<1x8192xi32, #tpu.memory_space<vmem>>
        %get3A_326 = tpu.memref_squeeze %get3A_325 : memref<1x8192xi32, #tpu.memory_space<vmem>> -> memref<8192xi32, #tpu.memory_space<vmem>>
        %get3A_327 = arith.index_cast %mul3A_233 : i32 to index
        %get3A_328 = tpu.vector_load %get3A_326[%get3A_327] {strides = array<i32>} : memref<8192xi32, #tpu.memory_space<vmem>>, vector<16xi32>,
        %get3A_329 = vector.shape_cast %get3A_328 : vector<16xi32> to vector<16xi32>
        %get3A_330 = arith.constant 0 : i32
        %get3A_331 = tpu.memref_slice %arg6[%scan3A_74, %get3A_330] : memref<2x8192xi32, #tpu.memory_space<vmem>> -> memref<1x8192xi32, #tpu.memory_space<vmem>>
        %get3A_332 = tpu.memref_squeeze %get3A_331 : memref<1x8192xi32, #tpu.memory_space<vmem>> -> memref<8192xi32, #tpu.memory_space<vmem>>
        %get3A_333 = arith.index_cast %mul3A_239 : i32 to index
        %get3A_334 = tpu.vector_load %get3A_332[%get3A_333] {strides = array<i32>} : memref<8192xi32, #tpu.memory_space<vmem>>, vector<16xi32>,
        %get3A_335 = vector.shape_cast %get3A_334 : vector<16xi32> to vector<16xi32>
        %get3A_336 = arith.constant 0 : i32
        %get3A_337 = tpu.memref_slice %arg6[%scan3A_74, %get3A_336] : memref<2x8192xi32, #tpu.memory_space<vmem>> -> memref<1x8192xi32, #tpu.memory_space<vmem>>
        %get3A_338 = tpu.memref_squeeze %get3A_337 : memref<1x8192xi32, #tpu.memory_space<vmem>> -> memref<8192xi32, #tpu.memory_space<vmem>>
        %get3A_339 = arith.index_cast %mul3A_245 : i32 to index
        %get3A_340 = tpu.vector_load %get3A_338[%get3A_339] {strides = array<i32>} : memref<8192xi32, #tpu.memory_space<vmem>>, vector<16xi32>,
        %get3A_341 = vector.shape_cast %get3A_340 : vector<16xi32> to vector<16xi32>
        %get3A_342 = arith.constant 0 : i32
        %get3A_343 = tpu.memref_slice %arg6[%scan3A_74, %get3A_342] : memref<2x8192xi32, #tpu.memory_space<vmem>> -> memref<1x8192xi32, #tpu.memory_space<vmem>>
        %get3A_344 = tpu.memref_squeeze %get3A_343 : memref<1x8192xi32, #tpu.memory_space<vmem>> -> memref<8192xi32, #tpu.memory_space<vmem>>
        %get3A_345 = arith.index_cast %mul3A_251 : i32 to index
        %get3A_346 = tpu.vector_load %get3A_344[%get3A_345] {strides = array<i32>} : memref<8192xi32, #tpu.memory_space<vmem>>, vector<16xi32>,
        %get3A_347 = vector.shape_cast %get3A_346 : vector<16xi32> to vector<16xi32>
        %get3A_348 = arith.constant 0 : i32
        %get3A_349 = tpu.memref_slice %arg6[%scan3A_74, %get3A_348] : memref<2x8192xi32, #tpu.memory_space<vmem>> -> memref<1x8192xi32, #tpu.memory_space<vmem>>
        %get3A_350 = tpu.memref_squeeze %get3A_349 : memref<1x8192xi32, #tpu.memory_space<vmem>> -> memref<8192xi32, #tpu.memory_space<vmem>>
        %get3A_351 = arith.index_cast %mul3A_257 : i32 to index
        %get3A_352 = tpu.vector_load %get3A_350[%get3A_351] {strides = array<i32>} : memref<8192xi32, #tpu.memory_space<vmem>>, vector<16xi32>,
        %get3A_353 = vector.shape_cast %get3A_352 : vector<16xi32> to vector<16xi32>
        %get3A_354 = arith.constant 0 : i32
        %get3A_355 = tpu.memref_slice %arg6[%scan3A_74, %get3A_354] : memref<2x8192xi32, #tpu.memory_space<vmem>> -> memref<1x8192xi32, #tpu.memory_space<vmem>>
        %get3A_356 = tpu.memref_squeeze %get3A_355 : memref<1x8192xi32, #tpu.memory_space<vmem>> -> memref<8192xi32, #tpu.memory_space<vmem>>
        %get3A_357 = arith.index_cast %mul3A_263 : i32 to index
        %get3A_358 = tpu.vector_load %get3A_356[%get3A_357] {strides = array<i32>} : memref<8192xi32, #tpu.memory_space<vmem>>, vector<16xi32>,
        %get3A_359 = vector.shape_cast %get3A_358 : vector<16xi32> to vector<16xi32>
        %get3A_360 = arith.constant 0 : i32
        %get3A_361 = tpu.memref_slice %arg6[%scan3A_74, %get3A_360] : memref<2x8192xi32, #tpu.memory_space<vmem>> -> memref<1x8192xi32, #tpu.memory_space<vmem>>
        %get3A_362 = tpu.memref_squeeze %get3A_361 : memref<1x8192xi32, #tpu.memory_space<vmem>> -> memref<8192xi32, #tpu.memory_space<vmem>>
        %get3A_363 = arith.index_cast %mul3A_269 : i32 to index
        %get3A_364 = tpu.vector_load %get3A_362[%get3A_363] {strides = array<i32>} : memref<8192xi32, #tpu.memory_space<vmem>>, vector<16xi32>,
        %get3A_365 = vector.shape_cast %get3A_364 : vector<16xi32> to vector<16xi32>
        %get3A_366 = arith.constant 0 : i32
        %get3A_367 = tpu.memref_slice %arg6[%scan3A_74, %get3A_366] : memref<2x8192xi32, #tpu.memory_space<vmem>> -> memref<1x8192xi32, #tpu.memory_space<vmem>>
        %get3A_368 = tpu.memref_squeeze %get3A_367 : memref<1x8192xi32, #tpu.memory_space<vmem>> -> memref<8192xi32, #tpu.memory_space<vmem>>
        %get3A_369 = arith.index_cast %mul3A_275 : i32 to index
        %get3A_370 = tpu.vector_load %get3A_368[%get3A_369] {strides = array<i32>} : memref<8192xi32, #tpu.memory_space<vmem>>, vector<16xi32>,
        %get3A_371 = vector.shape_cast %get3A_370 : vector<16xi32> to vector<16xi32>
        %reshape3A = vector.shape_cast %get3A_281 : vector<16xi32> to vector<16x1xi32>
        %gather3A = vector.shape_cast %reshape3A : vector<16x1xi32> to vector<16xi32>
        %gather3A_372 = tpu.dynamic_gather %get3A_6[%gather3A] in [0] : vector<16xf32>, vector<16xi32> -> vector<16xf32>
        %swap3A = arith.constant 0 : i32
        %swap3A_373 = arith.index_cast %swap3A : i32 to index
        %swap3A_374 = arith.index_cast %mul3A_185 : i32 to index
        %swap3A_375 = tpu.vector_load %arg8[%swap3A_373, %swap3A_374] {strides = array<i32>} : memref<4x8192xf32, #tpu.memory_space<vmem>>, vector<1x16xf32>,
        %swap3A_376 = vector.shape_cast %swap3A_375 : vector<1x16xf32> to vector<16xf32>
        %swap3A_377 = vector.shape_cast %gather3A_372 : vector<16xf32> to vector<1x16xf32>
        tpu.vector_store %arg8[%swap3A_373, %swap3A_374], %swap3A_377 {strides = array<i32>} : memref<4x8192xf32, #tpu.memory_space<vmem>>, vector<1x16xf32>,
        %reshape3A_378 = vector.shape_cast %get3A_281 : vector<16xi32> to vector<16x1xi32>
        %gather3A_379 = vector.shape_cast %reshape3A_378 : vector<16x1xi32> to vector<16xi32>
        %gather3A_380 = tpu.dynamic_gather %get3A_11[%gather3A_379] in [0] : vector<16xf32>, vector<16xi32> -> vector<16xf32>
        %swap3A_381 = arith.constant 1 : i32
        %swap3A_382 = arith.index_cast %swap3A_381 : i32 to index
        %swap3A_383 = arith.index_cast %mul3A_185 : i32 to index
        %swap3A_384 = tpu.vector_load %arg8[%swap3A_382, %swap3A_383] {strides = array<i32>} : memref<4x8192xf32, #tpu.memory_space<vmem>>, vector<1x16xf32>,
        %swap3A_385 = vector.shape_cast %swap3A_384 : vector<1x16xf32> to vector<16xf32>
        %swap3A_386 = vector.shape_cast %gather3A_380 : vector<16xf32> to vector<1x16xf32>
        tpu.vector_store %arg8[%swap3A_382, %swap3A_383], %swap3A_386 {strides = array<i32>} : memref<4x8192xf32, #tpu.memory_space<vmem>>, vector<1x16xf32>,
        %reshape3A_387 = vector.shape_cast %get3A_281 : vector<16xi32> to vector<16x1xi32>
        %gather3A_388 = vector.shape_cast %reshape3A_387 : vector<16x1xi32> to vector<16xi32>
        %gather3A_389 = tpu.dynamic_gather %get3A_16[%gather3A_388] in [0] : vector<16xf32>, vector<16xi32> -> vector<16xf32>
        %swap3A_390 = arith.constant 2 : i32
        %swap3A_391 = arith.index_cast %swap3A_390 : i32 to index
        %swap3A_392 = arith.index_cast %mul3A_185 : i32 to index
        %swap3A_393 = tpu.vector_load %arg8[%swap3A_391, %swap3A_392] {strides = array<i32>} : memref<4x8192xf32, #tpu.memory_space<vmem>>, vector<1x16xf32>,
        %swap3A_394 = vector.shape_cast %swap3A_393 : vector<1x16xf32> to vector<16xf32>
        %swap3A_395 = vector.shape_cast %gather3A_389 : vector<16xf32> to vector<1x16xf32>
        tpu.vector_store %arg8[%swap3A_391, %swap3A_392], %swap3A_395 {strides = array<i32>} : memref<4x8192xf32, #tpu.memory_space<vmem>>, vector<1x16xf32>,
        %reshape3A_396 = vector.shape_cast %get3A_281 : vector<16xi32> to vector<16x1xi32>
        %gather3A_397 = vector.shape_cast %reshape3A_396 : vector<16x1xi32> to vector<16xi32>
        %gather3A_398 = tpu.dynamic_gather %get3A_21[%gather3A_397] in [0] : vector<16xf32>, vector<16xi32> -> vector<16xf32>
        %swap3A_399 = arith.constant 3 : i32
        %swap3A_400 = arith.index_cast %swap3A_399 : i32 to index
        %swap3A_401 = arith.index_cast %mul3A_185 : i32 to index
        %swap3A_402 = tpu.vector_load %arg8[%swap3A_400, %swap3A_401] {strides = array<i32>} : memref<4x8192xf32, #tpu.memory_space<vmem>>, vector<1x16xf32>,
        %swap3A_403 = vector.shape_cast %swap3A_402 : vector<1x16xf32> to vector<16xf32>
        %swap3A_404 = vector.shape_cast %gather3A_398 : vector<16xf32> to vector<1x16xf32>
        tpu.vector_store %arg8[%swap3A_400, %swap3A_401], %swap3A_404 {strides = array<i32>} : memref<4x8192xf32, #tpu.memory_space<vmem>>, vector<1x16xf32>,
        %reshape3A_405 = vector.shape_cast %get3A_287 : vector<16xi32> to vector<16x1xi32>
        %gather3A_406 = vector.shape_cast %reshape3A_405 : vector<16x1xi32> to vector<16xi32>
        %gather3A_407 = tpu.dynamic_gather %get3A_6[%gather3A_406] in [0] : vector<16xf32>, vector<16xi32> -> vector<16xf32>
        %swap3A_408 = arith.constant 0 : i32
        %swap3A_409 = arith.index_cast %swap3A_408 : i32 to index
        %swap3A_410 = arith.index_cast %mul3A_191 : i32 to index
        %swap3A_411 = tpu.vector_load %arg8[%swap3A_409, %swap3A_410] {strides = array<i32>} : memref<4x8192xf32, #tpu.memory_space<vmem>>, vector<1x16xf32>,
        %swap3A_412 = vector.shape_cast %swap3A_411 : vector<1x16xf32> to vector<16xf32>
        %swap3A_413 = vector.shape_cast %gather3A_407 : vector<16xf32> to vector<1x16xf32>
        tpu.vector_store %arg8[%swap3A_409, %swap3A_410], %swap3A_413 {strides = array<i32>} : memref<4x8192xf32, #tpu.memory_space<vmem>>, vector<1x16xf32>,
        %reshape3A_414 = vector.shape_cast %get3A_287 : vector<16xi32> to vector<16x1xi32>
        %gather3A_415 = vector.shape_cast %reshape3A_414 : vector<16x1xi32> to vector<16xi32>
        %gather3A_416 = tpu.dynamic_gather %get3A_11[%gather3A_415] in [0] : vector<16xf32>, vector<16xi32> -> vector<16xf32>
        %swap3A_417 = arith.constant 1 : i32
        %swap3A_418 = arith.index_cast %swap3A_417 : i32 to index
        %swap3A_419 = arith.index_cast %mul3A_191 : i32 to index
        %swap3A_420 = tpu.vector_load %arg8[%swap3A_418, %swap3A_419] {strides = array<i32>} : memref<4x8192xf32, #tpu.memory_space<vmem>>, vector<1x16xf32>,
        %swap3A_421 = vector.shape_cast %swap3A_420 : vector<1x16xf32> to vector<16xf32>
        %swap3A_422 = vector.shape_cast %gather3A_416 : vector<16xf32> to vector<1x16xf32>
        tpu.vector_store %arg8[%swap3A_418, %swap3A_419], %swap3A_422 {strides = array<i32>} : memref<4x8192xf32, #tpu.memory_space<vmem>>, vector<1x16xf32>,
        %reshape3A_423 = vector.shape_cast %get3A_287 : vector<16xi32> to vector<16x1xi32>
        %gather3A_424 = vector.shape_cast %reshape3A_423 : vector<16x1xi32> to vector<16xi32>
        %gather3A_425 = tpu.dynamic_gather %get3A_16[%gather3A_424] in [0] : vector<16xf32>, vector<16xi32> -> vector<16xf32>
        %swap3A_426 = arith.constant 2 : i32
        %swap3A_427 = arith.index_cast %swap3A_426 : i32 to index
        %swap3A_428 = arith.index_cast %mul3A_191 : i32 to index
        %swap3A_429 = tpu.vector_load %arg8[%swap3A_427, %swap3A_428] {strides = array<i32>} : memref<4x8192xf32, #tpu.memory_space<vmem>>, vector<1x16xf32>,
        %swap3A_430 = vector.shape_cast %swap3A_429 : vector<1x16xf32> to vector<16xf32>
        %swap3A_431 = vector.shape_cast %gather3A_425 : vector<16xf32> to vector<1x16xf32>
        tpu.vector_store %arg8[%swap3A_427, %swap3A_428], %swap3A_431 {strides = array<i32>} : memref<4x8192xf32, #tpu.memory_space<vmem>>, vector<1x16xf32>,
        %reshape3A_432 = vector.shape_cast %get3A_287 : vector<16xi32> to vector<16x1xi32>
        %gather3A_433 = vector.shape_cast %reshape3A_432 : vector<16x1xi32> to vector<16xi32>
        %gather3A_434 = tpu.dynamic_gather %get3A_21[%gather3A_433] in [0] : vector<16xf32>, vector<16xi32> -> vector<16xf32>
        %swap3A_435 = arith.constant 3 : i32
        %swap3A_436 = arith.index_cast %swap3A_435 : i32 to index
        %swap3A_437 = arith.index_cast %mul3A_191 : i32 to index
        %swap3A_438 = tpu.vector_load %arg8[%swap3A_436, %swap3A_437] {strides = array<i32>} : memref<4x8192xf32, #tpu.memory_space<vmem>>, vector<1x16xf32>,
        %swap3A_439 = vector.shape_cast %swap3A_438 : vector<1x16xf32> to vector<16xf32>
        %swap3A_440 = vector.shape_cast %gather3A_434 : vector<16xf32> to vector<1x16xf32>
        tpu.vector_store %arg8[%swap3A_436, %swap3A_437], %swap3A_440 {strides = array<i32>} : memref<4x8192xf32, #tpu.memory_space<vmem>>, vector<1x16xf32>,
        %reshape3A_441 = vector.shape_cast %get3A_293 : vector<16xi32> to vector<16x1xi32>
        %gather3A_442 = vector.shape_cast %reshape3A_441 : vector<16x1xi32> to vector<16xi32>
        %gather3A_443 = tpu.dynamic_gather %get3A_6[%gather3A_442] in [0] : vector<16xf32>, vector<16xi32> -> vector<16xf32>
        %swap3A_444 = arith.constant 0 : i32
        %swap3A_445 = arith.index_cast %swap3A_444 : i32 to index
        %swap3A_446 = arith.index_cast %mul3A_197 : i32 to index
        %swap3A_447 = tpu.vector_load %arg8[%swap3A_445, %swap3A_446] {strides = array<i32>} : memref<4x8192xf32, #tpu.memory_space<vmem>>, vector<1x16xf32>,
        %swap3A_448 = vector.shape_cast %swap3A_447 : vector<1x16xf32> to vector<16xf32>
        %swap3A_449 = vector.shape_cast %gather3A_443 : vector<16xf32> to vector<1x16xf32>
        tpu.vector_store %arg8[%swap3A_445, %swap3A_446], %swap3A_449 {strides = array<i32>} : memref<4x8192xf32, #tpu.memory_space<vmem>>, vector<1x16xf32>,
        %reshape3A_450 = vector.shape_cast %get3A_293 : vector<16xi32> to vector<16x1xi32>
        %gather3A_451 = vector.shape_cast %reshape3A_450 : vector<16x1xi32> to vector<16xi32>
        %gather3A_452 = tpu.dynamic_gather %get3A_11[%gather3A_451] in [0] : vector<16xf32>, vector<16xi32> -> vector<16xf32>
        %swap3A_453 = arith.constant 1 : i32
        %swap3A_454 = arith.index_cast %swap3A_453 : i32 to index
        %swap3A_455 = arith.index_cast %mul3A_197 : i32 to index
        %swap3A_456 = tpu.vector_load %arg8[%swap3A_454, %swap3A_455] {strides = array<i32>} : memref<4x8192xf32, #tpu.memory_space<vmem>>, vector<1x16xf32>,
        %swap3A_457 = vector.shape_cast %swap3A_456 : vector<1x16xf32> to vector<16xf32>
        %swap3A_458 = vector.shape_cast %gather3A_452 : vector<16xf32> to vector<1x16xf32>
        tpu.vector_store %arg8[%swap3A_454, %swap3A_455], %swap3A_458 {strides = array<i32>} : memref<4x8192xf32, #tpu.memory_space<vmem>>, vector<1x16xf32>,
        %reshape3A_459 = vector.shape_cast %get3A_293 : vector<16xi32> to vector<16x1xi32>
        %gather3A_460 = vector.shape_cast %reshape3A_459 : vector<16x1xi32> to vector<16xi32>
        %gather3A_461 = tpu.dynamic_gather %get3A_16[%gather3A_460] in [0] : vector<16xf32>, vector<16xi32> -> vector<16xf32>
        %swap3A_462 = arith.constant 2 : i32
        %swap3A_463 = arith.index_cast %swap3A_462 : i32 to index
        %swap3A_464 = arith.index_cast %mul3A_197 : i32 to index
        %swap3A_465 = tpu.vector_load %arg8[%swap3A_463, %swap3A_464] {strides = array<i32>} : memref<4x8192xf32, #tpu.memory_space<vmem>>, vector<1x16xf32>,
        %swap3A_466 = vector.shape_cast %swap3A_465 : vector<1x16xf32> to vector<16xf32>
        %swap3A_467 = vector.shape_cast %gather3A_461 : vector<16xf32> to vector<1x16xf32>
        tpu.vector_store %arg8[%swap3A_463, %swap3A_464], %swap3A_467 {strides = array<i32>} : memref<4x8192xf32, #tpu.memory_space<vmem>>, vector<1x16xf32>,
        %reshape3A_468 = vector.shape_cast %get3A_293 : vector<16xi32> to vector<16x1xi32>
        %gather3A_469 = vector.shape_cast %reshape3A_468 : vector<16x1xi32> to vector<16xi32>
        %gather3A_470 = tpu.dynamic_gather %get3A_21[%gather3A_469] in [0] : vector<16xf32>, vector<16xi32> -> vector<16xf32>
        %swap3A_471 = arith.constant 3 : i32
        %swap3A_472 = arith.index_cast %swap3A_471 : i32 to index
        %swap3A_473 = arith.index_cast %mul3A_197 : i32 to index
        %swap3A_474 = tpu.vector_load %arg8[%swap3A_472, %swap3A_473] {strides = array<i32>} : memref<4x8192xf32, #tpu.memory_space<vmem>>, vector<1x16xf32>,
        %swap3A_475 = vector.shape_cast %swap3A_474 : vector<1x16xf32> to vector<16xf32>
        %swap3A_476 = vector.shape_cast %gather3A_470 : vector<16xf32> to vector<1x16xf32>
        tpu.vector_store %arg8[%swap3A_472, %swap3A_473], %swap3A_476 {strides = array<i32>} : memref<4x8192xf32, #tpu.memory_space<vmem>>, vector<1x16xf32>,
        %reshape3A_477 = vector.shape_cast %get3A_299 : vector<16xi32> to vector<16x1xi32>
        %gather3A_478 = vector.shape_cast %reshape3A_477 : vector<16x1xi32> to vector<16xi32>
        %gather3A_479 = tpu.dynamic_gather %get3A_6[%gather3A_478] in [0] : vector<16xf32>, vector<16xi32> -> vector<16xf32>
        %swap3A_480 = arith.constant 0 : i32
        %swap3A_481 = arith.index_cast %swap3A_480 : i32 to index
        %swap3A_482 = arith.index_cast %mul3A_203 : i32 to index
        %swap3A_483 = tpu.vector_load %arg8[%swap3A_481, %swap3A_482] {strides = array<i32>} : memref<4x8192xf32, #tpu.memory_space<vmem>>, vector<1x16xf32>,
        %swap3A_484 = vector.shape_cast %swap3A_483 : vector<1x16xf32> to vector<16xf32>
        %swap3A_485 = vector.shape_cast %gather3A_479 : vector<16xf32> to vector<1x16xf32>
        tpu.vector_store %arg8[%swap3A_481, %swap3A_482], %swap3A_485 {strides = array<i32>} : memref<4x8192xf32, #tpu.memory_space<vmem>>, vector<1x16xf32>,
        %reshape3A_486 = vector.shape_cast %get3A_299 : vector<16xi32> to vector<16x1xi32>
        %gather3A_487 = vector.shape_cast %reshape3A_486 : vector<16x1xi32> to vector<16xi32>
        %gather3A_488 = tpu.dynamic_gather %get3A_11[%gather3A_487] in [0] : vector<16xf32>, vector<16xi32> -> vector<16xf32>
        %swap3A_489 = arith.constant 1 : i32
        %swap3A_490 = arith.index_cast %swap3A_489 : i32 to index
        %swap3A_491 = arith.index_cast %mul3A_203 : i32 to index
        %swap3A_492 = tpu.vector_load %arg8[%swap3A_490, %swap3A_491] {strides = array<i32>} : memref<4x8192xf32, #tpu.memory_space<vmem>>, vector<1x16xf32>,
        %swap3A_493 = vector.shape_cast %swap3A_492 : vector<1x16xf32> to vector<16xf32>
        %swap3A_494 = vector.shape_cast %gather3A_488 : vector<16xf32> to vector<1x16xf32>
        tpu.vector_store %arg8[%swap3A_490, %swap3A_491], %swap3A_494 {strides = array<i32>} : memref<4x8192xf32, #tpu.memory_space<vmem>>, vector<1x16xf32>,
        %reshape3A_495 = vector.shape_cast %get3A_299 : vector<16xi32> to vector<16x1xi32>
        %gather3A_496 = vector.shape_cast %reshape3A_495 : vector<16x1xi32> to vector<16xi32>
        %gather3A_497 = tpu.dynamic_gather %get3A_16[%gather3A_496] in [0] : vector<16xf32>, vector<16xi32> -> vector<16xf32>
        %swap3A_498 = arith.constant 2 : i32
        %swap3A_499 = arith.index_cast %swap3A_498 : i32 to index
        %swap3A_500 = arith.index_cast %mul3A_203 : i32 to index
        %swap3A_501 = tpu.vector_load %arg8[%swap3A_499, %swap3A_500] {strides = array<i32>} : memref<4x8192xf32, #tpu.memory_space<vmem>>, vector<1x16xf32>,
        %swap3A_502 = vector.shape_cast %swap3A_501 : vector<1x16xf32> to vector<16xf32>
        %swap3A_503 = vector.shape_cast %gather3A_497 : vector<16xf32> to vector<1x16xf32>
        tpu.vector_store %arg8[%swap3A_499, %swap3A_500], %swap3A_503 {strides = array<i32>} : memref<4x8192xf32, #tpu.memory_space<vmem>>, vector<1x16xf32>,
        %reshape3A_504 = vector.shape_cast %get3A_299 : vector<16xi32> to vector<16x1xi32>
        %gather3A_505 = vector.shape_cast %reshape3A_504 : vector<16x1xi32> to vector<16xi32>
        %gather3A_506 = tpu.dynamic_gather %get3A_21[%gather3A_505] in [0] : vector<16xf32>, vector<16xi32> -> vector<16xf32>
        %swap3A_507 = arith.constant 3 : i32
        %swap3A_508 = arith.index_cast %swap3A_507 : i32 to index
        %swap3A_509 = arith.index_cast %mul3A_203 : i32 to index
        %swap3A_510 = tpu.vector_load %arg8[%swap3A_508, %swap3A_509] {strides = array<i32>} : memref<4x8192xf32, #tpu.memory_space<vmem>>, vector<1x16xf32>,
        %swap3A_511 = vector.shape_cast %swap3A_510 : vector<1x16xf32> to vector<16xf32>
        %swap3A_512 = vector.shape_cast %gather3A_506 : vector<16xf32> to vector<1x16xf32>
        tpu.vector_store %arg8[%swap3A_508, %swap3A_509], %swap3A_512 {strides = array<i32>} : memref<4x8192xf32, #tpu.memory_space<vmem>>, vector<1x16xf32>,
        %reshape3A_513 = vector.shape_cast %get3A_305 : vector<16xi32> to vector<16x1xi32>
        %gather3A_514 = vector.shape_cast %reshape3A_513 : vector<16x1xi32> to vector<16xi32>
        %gather3A_515 = tpu.dynamic_gather %get3A_6[%gather3A_514] in [0] : vector<16xf32>, vector<16xi32> -> vector<16xf32>
        %swap3A_516 = arith.constant 0 : i32
        %swap3A_517 = arith.index_cast %swap3A_516 : i32 to index
        %swap3A_518 = arith.index_cast %mul3A_209 : i32 to index
        %swap3A_519 = tpu.vector_load %arg8[%swap3A_517, %swap3A_518] {strides = array<i32>} : memref<4x8192xf32, #tpu.memory_space<vmem>>, vector<1x16xf32>,
        %swap3A_520 = vector.shape_cast %swap3A_519 : vector<1x16xf32> to vector<16xf32>
        %swap3A_521 = vector.shape_cast %gather3A_515 : vector<16xf32> to vector<1x16xf32>
        tpu.vector_store %arg8[%swap3A_517, %swap3A_518], %swap3A_521 {strides = array<i32>} : memref<4x8192xf32, #tpu.memory_space<vmem>>, vector<1x16xf32>,
        %reshape3A_522 = vector.shape_cast %get3A_305 : vector<16xi32> to vector<16x1xi32>
        %gather3A_523 = vector.shape_cast %reshape3A_522 : vector<16x1xi32> to vector<16xi32>
        %gather3A_524 = tpu.dynamic_gather %get3A_11[%gather3A_523] in [0] : vector<16xf32>, vector<16xi32> -> vector<16xf32>
        %swap3A_525 = arith.constant 1 : i32
        %swap3A_526 = arith.index_cast %swap3A_525 : i32 to index
        %swap3A_527 = arith.index_cast %mul3A_209 : i32 to index
        %swap3A_528 = tpu.vector_load %arg8[%swap3A_526, %swap3A_527] {strides = array<i32>} : memref<4x8192xf32, #tpu.memory_space<vmem>>, vector<1x16xf32>,
        %swap3A_529 = vector.shape_cast %swap3A_528 : vector<1x16xf32> to vector<16xf32>
        %swap3A_530 = vector.shape_cast %gather3A_524 : vector<16xf32> to vector<1x16xf32>
        tpu.vector_store %arg8[%swap3A_526, %swap3A_527], %swap3A_530 {strides = array<i32>} : memref<4x8192xf32, #tpu.memory_space<vmem>>, vector<1x16xf32>,
        %reshape3A_531 = vector.shape_cast %get3A_305 : vector<16xi32> to vector<16x1xi32>
        %gather3A_532 = vector.shape_cast %reshape3A_531 : vector<16x1xi32> to vector<16xi32>
        %gather3A_533 = tpu.dynamic_gather %get3A_16[%gather3A_532] in [0] : vector<16xf32>, vector<16xi32> -> vector<16xf32>
        %swap3A_534 = arith.constant 2 : i32
        %swap3A_535 = arith.index_cast %swap3A_534 : i32 to index
        %swap3A_536 = arith.index_cast %mul3A_209 : i32 to index
        %swap3A_537 = tpu.vector_load %arg8[%swap3A_535, %swap3A_536] {strides = array<i32>} : memref<4x8192xf32, #tpu.memory_space<vmem>>, vector<1x16xf32>,
        %swap3A_538 = vector.shape_cast %swap3A_537 : vector<1x16xf32> to vector<16xf32>
        %swap3A_539 = vector.shape_cast %gather3A_533 : vector<16xf32> to vector<1x16xf32>
        tpu.vector_store %arg8[%swap3A_535, %swap3A_536], %swap3A_539 {strides = array<i32>} : memref<4x8192xf32, #tpu.memory_space<vmem>>, vector<1x16xf32>,
        %reshape3A_540 = vector.shape_cast %get3A_305 : vector<16xi32> to vector<16x1xi32>
        %gather3A_541 = vector.shape_cast %reshape3A_540 : vector<16x1xi32> to vector<16xi32>
        %gather3A_542 = tpu.dynamic_gather %get3A_21[%gather3A_541] in [0] : vector<16xf32>, vector<16xi32> -> vector<16xf32>
        %swap3A_543 = arith.constant 3 : i32
        %swap3A_544 = arith.index_cast %swap3A_543 : i32 to index
        %swap3A_545 = arith.index_cast %mul3A_209 : i32 to index
        %swap3A_546 = tpu.vector_load %arg8[%swap3A_544, %swap3A_545] {strides = array<i32>} : memref<4x8192xf32, #tpu.memory_space<vmem>>, vector<1x16xf32>,
        %swap3A_547 = vector.shape_cast %swap3A_546 : vector<1x16xf32> to vector<16xf32>
        %swap3A_548 = vector.shape_cast %gather3A_542 : vector<16xf32> to vector<1x16xf32>
        tpu.vector_store %arg8[%swap3A_544, %swap3A_545], %swap3A_548 {strides = array<i32>} : memref<4x8192xf32, #tpu.memory_space<vmem>>, vector<1x16xf32>,
        %reshape3A_549 = vector.shape_cast %get3A_311 : vector<16xi32> to vector<16x1xi32>
        %gather3A_550 = vector.shape_cast %reshape3A_549 : vector<16x1xi32> to vector<16xi32>
        %gather3A_551 = tpu.dynamic_gather %get3A_6[%gather3A_550] in [0] : vector<16xf32>, vector<16xi32> -> vector<16xf32>
        %swap3A_552 = arith.constant 0 : i32
        %swap3A_553 = arith.index_cast %swap3A_552 : i32 to index
        %swap3A_554 = arith.index_cast %mul3A_215 : i32 to index
        %swap3A_555 = tpu.vector_load %arg8[%swap3A_553, %swap3A_554] {strides = array<i32>} : memref<4x8192xf32, #tpu.memory_space<vmem>>, vector<1x16xf32>,
        %swap3A_556 = vector.shape_cast %swap3A_555 : vector<1x16xf32> to vector<16xf32>
        %swap3A_557 = vector.shape_cast %gather3A_551 : vector<16xf32> to vector<1x16xf32>
        tpu.vector_store %arg8[%swap3A_553, %swap3A_554], %swap3A_557 {strides = array<i32>} : memref<4x8192xf32, #tpu.memory_space<vmem>>, vector<1x16xf32>,
        %reshape3A_558 = vector.shape_cast %get3A_311 : vector<16xi32> to vector<16x1xi32>
        %gather3A_559 = vector.shape_cast %reshape3A_558 : vector<16x1xi32> to vector<16xi32>
        %gather3A_560 = tpu.dynamic_gather %get3A_11[%gather3A_559] in [0] : vector<16xf32>, vector<16xi32> -> vector<16xf32>
        %swap3A_561 = arith.constant 1 : i32
        %swap3A_562 = arith.index_cast %swap3A_561 : i32 to index
        %swap3A_563 = arith.index_cast %mul3A_215 : i32 to index
        %swap3A_564 = tpu.vector_load %arg8[%swap3A_562, %swap3A_563] {strides = array<i32>} : memref<4x8192xf32, #tpu.memory_space<vmem>>, vector<1x16xf32>,
        %swap3A_565 = vector.shape_cast %swap3A_564 : vector<1x16xf32> to vector<16xf32>
        %swap3A_566 = vector.shape_cast %gather3A_560 : vector<16xf32> to vector<1x16xf32>
        tpu.vector_store %arg8[%swap3A_562, %swap3A_563], %swap3A_566 {strides = array<i32>} : memref<4x8192xf32, #tpu.memory_space<vmem>>, vector<1x16xf32>,
        %reshape3A_567 = vector.shape_cast %get3A_311 : vector<16xi32> to vector<16x1xi32>
        %gather3A_568 = vector.shape_cast %reshape3A_567 : vector<16x1xi32> to vector<16xi32>
        %gather3A_569 = tpu.dynamic_gather %get3A_16[%gather3A_568] in [0] : vector<16xf32>, vector<16xi32> -> vector<16xf32>
        %swap3A_570 = arith.constant 2 : i32
        %swap3A_571 = arith.index_cast %swap3A_570 : i32 to index
        %swap3A_572 = arith.index_cast %mul3A_215 : i32 to index
        %swap3A_573 = tpu.vector_load %arg8[%swap3A_571, %swap3A_572] {strides = array<i32>} : memref<4x8192xf32, #tpu.memory_space<vmem>>, vector<1x16xf32>,
        %swap3A_574 = vector.shape_cast %swap3A_573 : vector<1x16xf32> to vector<16xf32>
        %swap3A_575 = vector.shape_cast %gather3A_569 : vector<16xf32> to vector<1x16xf32>
        tpu.vector_store %arg8[%swap3A_571, %swap3A_572], %swap3A_575 {strides = array<i32>} : memref<4x8192xf32, #tpu.memory_space<vmem>>, vector<1x16xf32>,
        %reshape3A_576 = vector.shape_cast %get3A_311 : vector<16xi32> to vector<16x1xi32>
        %gather3A_577 = vector.shape_cast %reshape3A_576 : vector<16x1xi32> to vector<16xi32>
        %gather3A_578 = tpu.dynamic_gather %get3A_21[%gather3A_577] in [0] : vector<16xf32>, vector<16xi32> -> vector<16xf32>
        %swap3A_579 = arith.constant 3 : i32
        %swap3A_580 = arith.index_cast %swap3A_579 : i32 to index
        %swap3A_581 = arith.index_cast %mul3A_215 : i32 to index
        %swap3A_582 = tpu.vector_load %arg8[%swap3A_580, %swap3A_581] {strides = array<i32>} : memref<4x8192xf32, #tpu.memory_space<vmem>>, vector<1x16xf32>,
        %swap3A_583 = vector.shape_cast %swap3A_582 : vector<1x16xf32> to vector<16xf32>
        %swap3A_584 = vector.shape_cast %gather3A_578 : vector<16xf32> to vector<1x16xf32>
        tpu.vector_store %arg8[%swap3A_580, %swap3A_581], %swap3A_584 {strides = array<i32>} : memref<4x8192xf32, #tpu.memory_space<vmem>>, vector<1x16xf32>,
        %reshape3A_585 = vector.shape_cast %get3A_317 : vector<16xi32> to vector<16x1xi32>
        %gather3A_586 = vector.shape_cast %reshape3A_585 : vector<16x1xi32> to vector<16xi32>
        %gather3A_587 = tpu.dynamic_gather %get3A_6[%gather3A_586] in [0] : vector<16xf32>, vector<16xi32> -> vector<16xf32>
        %swap3A_588 = arith.constant 0 : i32
        %swap3A_589 = arith.index_cast %swap3A_588 : i32 to index
        %swap3A_590 = arith.index_cast %mul3A_221 : i32 to index
        %swap3A_591 = tpu.vector_load %arg8[%swap3A_589, %swap3A_590] {strides = array<i32>} : memref<4x8192xf32, #tpu.memory_space<vmem>>, vector<1x16xf32>,
        %swap3A_592 = vector.shape_cast %swap3A_591 : vector<1x16xf32> to vector<16xf32>
        %swap3A_593 = vector.shape_cast %gather3A_587 : vector<16xf32> to vector<1x16xf32>
        tpu.vector_store %arg8[%swap3A_589, %swap3A_590], %swap3A_593 {strides = array<i32>} : memref<4x8192xf32, #tpu.memory_space<vmem>>, vector<1x16xf32>,
        %reshape3A_594 = vector.shape_cast %get3A_317 : vector<16xi32> to vector<16x1xi32>
        %gather3A_595 = vector.shape_cast %reshape3A_594 : vector<16x1xi32> to vector<16xi32>
        %gather3A_596 = tpu.dynamic_gather %get3A_11[%gather3A_595] in [0] : vector<16xf32>, vector<16xi32> -> vector<16xf32>
        %swap3A_597 = arith.constant 1 : i32
        %swap3A_598 = arith.index_cast %swap3A_597 : i32 to index
        %swap3A_599 = arith.index_cast %mul3A_221 : i32 to index
        %swap3A_600 = tpu.vector_load %arg8[%swap3A_598, %swap3A_599] {strides = array<i32>} : memref<4x8192xf32, #tpu.memory_space<vmem>>, vector<1x16xf32>,
        %swap3A_601 = vector.shape_cast %swap3A_600 : vector<1x16xf32> to vector<16xf32>
        %swap3A_602 = vector.shape_cast %gather3A_596 : vector<16xf32> to vector<1x16xf32>
        tpu.vector_store %arg8[%swap3A_598, %swap3A_599], %swap3A_602 {strides = array<i32>} : memref<4x8192xf32, #tpu.memory_space<vmem>>, vector<1x16xf32>,
        %reshape3A_603 = vector.shape_cast %get3A_317 : vector<16xi32> to vector<16x1xi32>
        %gather3A_604 = vector.shape_cast %reshape3A_603 : vector<16x1xi32> to vector<16xi32>
        %gather3A_605 = tpu.dynamic_gather %get3A_16[%gather3A_604] in [0] : vector<16xf32>, vector<16xi32> -> vector<16xf32>
        %swap3A_606 = arith.constant 2 : i32
        %swap3A_607 = arith.index_cast %swap3A_606 : i32 to index
        %swap3A_608 = arith.index_cast %mul3A_221 : i32 to index
        %swap3A_609 = tpu.vector_load %arg8[%swap3A_607, %swap3A_608] {strides = array<i32>} : memref<4x8192xf32, #tpu.memory_space<vmem>>, vector<1x16xf32>,
        %swap3A_610 = vector.shape_cast %swap3A_609 : vector<1x16xf32> to vector<16xf32>
        %swap3A_611 = vector.shape_cast %gather3A_605 : vector<16xf32> to vector<1x16xf32>
        tpu.vector_store %arg8[%swap3A_607, %swap3A_608], %swap3A_611 {strides = array<i32>} : memref<4x8192xf32, #tpu.memory_space<vmem>>, vector<1x16xf32>,
        %reshape3A_612 = vector.shape_cast %get3A_317 : vector<16xi32> to vector<16x1xi32>
        %gather3A_613 = vector.shape_cast %reshape3A_612 : vector<16x1xi32> to vector<16xi32>
        %gather3A_614 = tpu.dynamic_gather %get3A_21[%gather3A_613] in [0] : vector<16xf32>, vector<16xi32> -> vector<16xf32>
        %swap3A_615 = arith.constant 3 : i32
        %swap3A_616 = arith.index_cast %swap3A_615 : i32 to index
        %swap3A_617 = arith.index_cast %mul3A_221 : i32 to index
        %swap3A_618 = tpu.vector_load %arg8[%swap3A_616, %swap3A_617] {strides = array<i32>} : memref<4x8192xf32, #tpu.memory_space<vmem>>, vector<1x16xf32>,
        %swap3A_619 = vector.shape_cast %swap3A_618 : vector<1x16xf32> to vector<16xf32>
        %swap3A_620 = vector.shape_cast %gather3A_614 : vector<16xf32> to vector<1x16xf32>
        tpu.vector_store %arg8[%swap3A_616, %swap3A_617], %swap3A_620 {strides = array<i32>} : memref<4x8192xf32, #tpu.memory_space<vmem>>, vector<1x16xf32>,
        %reshape3A_621 = vector.shape_cast %get3A_323 : vector<16xi32> to vector<16x1xi32>
        %gather3A_622 = vector.shape_cast %reshape3A_621 : vector<16x1xi32> to vector<16xi32>
        %gather3A_623 = tpu.dynamic_gather %get3A_6[%gather3A_622] in [0] : vector<16xf32>, vector<16xi32> -> vector<16xf32>
        %swap3A_624 = arith.constant 0 : i32
        %swap3A_625 = arith.index_cast %swap3A_624 : i32 to index
        %swap3A_626 = arith.index_cast %mul3A_227 : i32 to index
        %swap3A_627 = tpu.vector_load %arg8[%swap3A_625, %swap3A_626] {strides = array<i32>} : memref<4x8192xf32, #tpu.memory_space<vmem>>, vector<1x16xf32>,
        %swap3A_628 = vector.shape_cast %swap3A_627 : vector<1x16xf32> to vector<16xf32>
        %swap3A_629 = vector.shape_cast %gather3A_623 : vector<16xf32> to vector<1x16xf32>
        tpu.vector_store %arg8[%swap3A_625, %swap3A_626], %swap3A_629 {strides = array<i32>} : memref<4x8192xf32, #tpu.memory_space<vmem>>, vector<1x16xf32>,
        %reshape3A_630 = vector.shape_cast %get3A_323 : vector<16xi32> to vector<16x1xi32>
        %gather3A_631 = vector.shape_cast %reshape3A_630 : vector<16x1xi32> to vector<16xi32>
        %gather3A_632 = tpu.dynamic_gather %get3A_11[%gather3A_631] in [0] : vector<16xf32>, vector<16xi32> -> vector<16xf32>
        %swap3A_633 = arith.constant 1 : i32
        %swap3A_634 = arith.index_cast %swap3A_633 : i32 to index
        %swap3A_635 = arith.index_cast %mul3A_227 : i32 to index
        %swap3A_636 = tpu.vector_load %arg8[%swap3A_634, %swap3A_635] {strides = array<i32>} : memref<4x8192xf32, #tpu.memory_space<vmem>>, vector<1x16xf32>,
        %swap3A_637 = vector.shape_cast %swap3A_636 : vector<1x16xf32> to vector<16xf32>
        %swap3A_638 = vector.shape_cast %gather3A_632 : vector<16xf32> to vector<1x16xf32>
        tpu.vector_store %arg8[%swap3A_634, %swap3A_635], %swap3A_638 {strides = array<i32>} : memref<4x8192xf32, #tpu.memory_space<vmem>>, vector<1x16xf32>,
        %reshape3A_639 = vector.shape_cast %get3A_323 : vector<16xi32> to vector<16x1xi32>
        %gather3A_640 = vector.shape_cast %reshape3A_639 : vector<16x1xi32> to vector<16xi32>
        %gather3A_641 = tpu.dynamic_gather %get3A_16[%gather3A_640] in [0] : vector<16xf32>, vector<16xi32> -> vector<16xf32>
        %swap3A_642 = arith.constant 2 : i32
        %swap3A_643 = arith.index_cast %swap3A_642 : i32 to index
        %swap3A_644 = arith.index_cast %mul3A_227 : i32 to index
        %swap3A_645 = tpu.vector_load %arg8[%swap3A_643, %swap3A_644] {strides = array<i32>} : memref<4x8192xf32, #tpu.memory_space<vmem>>, vector<1x16xf32>,
        %swap3A_646 = vector.shape_cast %swap3A_645 : vector<1x16xf32> to vector<16xf32>
        %swap3A_647 = vector.shape_cast %gather3A_641 : vector<16xf32> to vector<1x16xf32>
        tpu.vector_store %arg8[%swap3A_643, %swap3A_644], %swap3A_647 {strides = array<i32>} : memref<4x8192xf32, #tpu.memory_space<vmem>>, vector<1x16xf32>,
        %reshape3A_648 = vector.shape_cast %get3A_323 : vector<16xi32> to vector<16x1xi32>
        %gather3A_649 = vector.shape_cast %reshape3A_648 : vector<16x1xi32> to vector<16xi32>
        %gather3A_650 = tpu.dynamic_gather %get3A_21[%gather3A_649] in [0] : vector<16xf32>, vector<16xi32> -> vector<16xf32>
        %swap3A_651 = arith.constant 3 : i32
        %swap3A_652 = arith.index_cast %swap3A_651 : i32 to index
        %swap3A_653 = arith.index_cast %mul3A_227 : i32 to index
        %swap3A_654 = tpu.vector_load %arg8[%swap3A_652, %swap3A_653] {strides = array<i32>} : memref<4x8192xf32, #tpu.memory_space<vmem>>, vector<1x16xf32>,
        %swap3A_655 = vector.shape_cast %swap3A_654 : vector<1x16xf32> to vector<16xf32>
        %swap3A_656 = vector.shape_cast %gather3A_650 : vector<16xf32> to vector<1x16xf32>
        tpu.vector_store %arg8[%swap3A_652, %swap3A_653], %swap3A_656 {strides = array<i32>} : memref<4x8192xf32, #tpu.memory_space<vmem>>, vector<1x16xf32>,
        %reshape3A_657 = vector.shape_cast %get3A_329 : vector<16xi32> to vector<16x1xi32>
        %gather3A_658 = vector.shape_cast %reshape3A_657 : vector<16x1xi32> to vector<16xi32>
        %gather3A_659 = tpu.dynamic_gather %get3A_6[%gather3A_658] in [0] : vector<16xf32>, vector<16xi32> -> vector<16xf32>
        %swap3A_660 = arith.constant 0 : i32
        %swap3A_661 = arith.index_cast %swap3A_660 : i32 to index
        %swap3A_662 = arith.index_cast %mul3A_233 : i32 to index
        %swap3A_663 = tpu.vector_load %arg8[%swap3A_661, %swap3A_662] {strides = array<i32>} : memref<4x8192xf32, #tpu.memory_space<vmem>>, vector<1x16xf32>,
        %swap3A_664 = vector.shape_cast %swap3A_663 : vector<1x16xf32> to vector<16xf32>
        %swap3A_665 = vector.shape_cast %gather3A_659 : vector<16xf32> to vector<1x16xf32>
        tpu.vector_store %arg8[%swap3A_661, %swap3A_662], %swap3A_665 {strides = array<i32>} : memref<4x8192xf32, #tpu.memory_space<vmem>>, vector<1x16xf32>,
        %reshape3A_666 = vector.shape_cast %get3A_329 : vector<16xi32> to vector<16x1xi32>
        %gather3A_667 = vector.shape_cast %reshape3A_666 : vector<16x1xi32> to vector<16xi32>
        %gather3A_668 = tpu.dynamic_gather %get3A_11[%gather3A_667] in [0] : vector<16xf32>, vector<16xi32> -> vector<16xf32>
        %swap3A_669 = arith.constant 1 : i32
        %swap3A_670 = arith.index_cast %swap3A_669 : i32 to index
        %swap3A_671 = arith.index_cast %mul3A_233 : i32 to index
        %swap3A_672 = tpu.vector_load %arg8[%swap3A_670, %swap3A_671] {strides = array<i32>} : memref<4x8192xf32, #tpu.memory_space<vmem>>, vector<1x16xf32>,
        %swap3A_673 = vector.shape_cast %swap3A_672 : vector<1x16xf32> to vector<16xf32>
        %swap3A_674 = vector.shape_cast %gather3A_668 : vector<16xf32> to vector<1x16xf32>
        tpu.vector_store %arg8[%swap3A_670, %swap3A_671], %swap3A_674 {strides = array<i32>} : memref<4x8192xf32, #tpu.memory_space<vmem>>, vector<1x16xf32>,
        %reshape3A_675 = vector.shape_cast %get3A_329 : vector<16xi32> to vector<16x1xi32>
        %gather3A_676 = vector.shape_cast %reshape3A_675 : vector<16x1xi32> to vector<16xi32>
        %gather3A_677 = tpu.dynamic_gather %get3A_16[%gather3A_676] in [0] : vector<16xf32>, vector<16xi32> -> vector<16xf32>
        %swap3A_678 = arith.constant 2 : i32
        %swap3A_679 = arith.index_cast %swap3A_678 : i32 to index
        %swap3A_680 = arith.index_cast %mul3A_233 : i32 to index
        %swap3A_681 = tpu.vector_load %arg8[%swap3A_679, %swap3A_680] {strides = array<i32>} : memref<4x8192xf32, #tpu.memory_space<vmem>>, vector<1x16xf32>,
        %swap3A_682 = vector.shape_cast %swap3A_681 : vector<1x16xf32> to vector<16xf32>
        %swap3A_683 = vector.shape_cast %gather3A_677 : vector<16xf32> to vector<1x16xf32>
        tpu.vector_store %arg8[%swap3A_679, %swap3A_680], %swap3A_683 {strides = array<i32>} : memref<4x8192xf32, #tpu.memory_space<vmem>>, vector<1x16xf32>,
        %reshape3A_684 = vector.shape_cast %get3A_329 : vector<16xi32> to vector<16x1xi32>
        %gather3A_685 = vector.shape_cast %reshape3A_684 : vector<16x1xi32> to vector<16xi32>
        %gather3A_686 = tpu.dynamic_gather %get3A_21[%gather3A_685] in [0] : vector<16xf32>, vector<16xi32> -> vector<16xf32>
        %swap3A_687 = arith.constant 3 : i32
        %swap3A_688 = arith.index_cast %swap3A_687 : i32 to index
        %swap3A_689 = arith.index_cast %mul3A_233 : i32 to index
        %swap3A_690 = tpu.vector_load %arg8[%swap3A_688, %swap3A_689] {strides = array<i32>} : memref<4x8192xf32, #tpu.memory_space<vmem>>, vector<1x16xf32>,
        %swap3A_691 = vector.shape_cast %swap3A_690 : vector<1x16xf32> to vector<16xf32>
        %swap3A_692 = vector.shape_cast %gather3A_686 : vector<16xf32> to vector<1x16xf32>
        tpu.vector_store %arg8[%swap3A_688, %swap3A_689], %swap3A_692 {strides = array<i32>} : memref<4x8192xf32, #tpu.memory_space<vmem>>, vector<1x16xf32>,
        %reshape3A_693 = vector.shape_cast %get3A_335 : vector<16xi32> to vector<16x1xi32>
        %gather3A_694 = vector.shape_cast %reshape3A_693 : vector<16x1xi32> to vector<16xi32>
        %gather3A_695 = tpu.dynamic_gather %get3A_6[%gather3A_694] in [0] : vector<16xf32>, vector<16xi32> -> vector<16xf32>
        %swap3A_696 = arith.constant 0 : i32
        %swap3A_697 = arith.index_cast %swap3A_696 : i32 to index
        %swap3A_698 = arith.index_cast %mul3A_239 : i32 to index
        %swap3A_699 = tpu.vector_load %arg8[%swap3A_697, %swap3A_698] {strides = array<i32>} : memref<4x8192xf32, #tpu.memory_space<vmem>>, vector<1x16xf32>,
        %swap3A_700 = vector.shape_cast %swap3A_699 : vector<1x16xf32> to vector<16xf32>
        %swap3A_701 = vector.shape_cast %gather3A_695 : vector<16xf32> to vector<1x16xf32>
        tpu.vector_store %arg8[%swap3A_697, %swap3A_698], %swap3A_701 {strides = array<i32>} : memref<4x8192xf32, #tpu.memory_space<vmem>>, vector<1x16xf32>,
        %reshape3A_702 = vector.shape_cast %get3A_335 : vector<16xi32> to vector<16x1xi32>
        %gather3A_703 = vector.shape_cast %reshape3A_702 : vector<16x1xi32> to vector<16xi32>
        %gather3A_704 = tpu.dynamic_gather %get3A_11[%gather3A_703] in [0] : vector<16xf32>, vector<16xi32> -> vector<16xf32>
        %swap3A_705 = arith.constant 1 : i32
        %swap3A_706 = arith.index_cast %swap3A_705 : i32 to index
        %swap3A_707 = arith.index_cast %mul3A_239 : i32 to index
        %swap3A_708 = tpu.vector_load %arg8[%swap3A_706, %swap3A_707] {strides = array<i32>} : memref<4x8192xf32, #tpu.memory_space<vmem>>, vector<1x16xf32>,
        %swap3A_709 = vector.shape_cast %swap3A_708 : vector<1x16xf32> to vector<16xf32>
        %swap3A_710 = vector.shape_cast %gather3A_704 : vector<16xf32> to vector<1x16xf32>
        tpu.vector_store %arg8[%swap3A_706, %swap3A_707], %swap3A_710 {strides = array<i32>} : memref<4x8192xf32, #tpu.memory_space<vmem>>, vector<1x16xf32>,
        %reshape3A_711 = vector.shape_cast %get3A_335 : vector<16xi32> to vector<16x1xi32>
        %gather3A_712 = vector.shape_cast %reshape3A_711 : vector<16x1xi32> to vector<16xi32>
        %gather3A_713 = tpu.dynamic_gather %get3A_16[%gather3A_712] in [0] : vector<16xf32>, vector<16xi32> -> vector<16xf32>
        %swap3A_714 = arith.constant 2 : i32
        %swap3A_715 = arith.index_cast %swap3A_714 : i32 to index
        %swap3A_716 = arith.index_cast %mul3A_239 : i32 to index
        %swap3A_717 = tpu.vector_load %arg8[%swap3A_715, %swap3A_716] {strides = array<i32>} : memref<4x8192xf32, #tpu.memory_space<vmem>>, vector<1x16xf32>,
        %swap3A_718 = vector.shape_cast %swap3A_717 : vector<1x16xf32> to vector<16xf32>
        %swap3A_719 = vector.shape_cast %gather3A_713 : vector<16xf32> to vector<1x16xf32>
        tpu.vector_store %arg8[%swap3A_715, %swap3A_716], %swap3A_719 {strides = array<i32>} : memref<4x8192xf32, #tpu.memory_space<vmem>>, vector<1x16xf32>,
        %reshape3A_720 = vector.shape_cast %get3A_335 : vector<16xi32> to vector<16x1xi32>
        %gather3A_721 = vector.shape_cast %reshape3A_720 : vector<16x1xi32> to vector<16xi32>
        %gather3A_722 = tpu.dynamic_gather %get3A_21[%gather3A_721] in [0] : vector<16xf32>, vector<16xi32> -> vector<16xf32>
        %swap3A_723 = arith.constant 3 : i32
        %swap3A_724 = arith.index_cast %swap3A_723 : i32 to index
        %swap3A_725 = arith.index_cast %mul3A_239 : i32 to index
        %swap3A_726 = tpu.vector_load %arg8[%swap3A_724, %swap3A_725] {strides = array<i32>} : memref<4x8192xf32, #tpu.memory_space<vmem>>, vector<1x16xf32>,
        %swap3A_727 = vector.shape_cast %swap3A_726 : vector<1x16xf32> to vector<16xf32>
        %swap3A_728 = vector.shape_cast %gather3A_722 : vector<16xf32> to vector<1x16xf32>
        tpu.vector_store %arg8[%swap3A_724, %swap3A_725], %swap3A_728 {strides = array<i32>} : memref<4x8192xf32, #tpu.memory_space<vmem>>, vector<1x16xf32>,
        %reshape3A_729 = vector.shape_cast %get3A_341 : vector<16xi32> to vector<16x1xi32>
        %gather3A_730 = vector.shape_cast %reshape3A_729 : vector<16x1xi32> to vector<16xi32>
        %gather3A_731 = tpu.dynamic_gather %get3A_6[%gather3A_730] in [0] : vector<16xf32>, vector<16xi32> -> vector<16xf32>
        %swap3A_732 = arith.constant 0 : i32
        %swap3A_733 = arith.index_cast %swap3A_732 : i32 to index
        %swap3A_734 = arith.index_cast %mul3A_245 : i32 to index
        %swap3A_735 = tpu.vector_load %arg8[%swap3A_733, %swap3A_734] {strides = array<i32>} : memref<4x8192xf32, #tpu.memory_space<vmem>>, vector<1x16xf32>,
        %swap3A_736 = vector.shape_cast %swap3A_735 : vector<1x16xf32> to vector<16xf32>
        %swap3A_737 = vector.shape_cast %gather3A_731 : vector<16xf32> to vector<1x16xf32>
        tpu.vector_store %arg8[%swap3A_733, %swap3A_734], %swap3A_737 {strides = array<i32>} : memref<4x8192xf32, #tpu.memory_space<vmem>>, vector<1x16xf32>,
        %reshape3A_738 = vector.shape_cast %get3A_341 : vector<16xi32> to vector<16x1xi32>
        %gather3A_739 = vector.shape_cast %reshape3A_738 : vector<16x1xi32> to vector<16xi32>
        %gather3A_740 = tpu.dynamic_gather %get3A_11[%gather3A_739] in [0] : vector<16xf32>, vector<16xi32> -> vector<16xf32>
        %swap3A_741 = arith.constant 1 : i32
        %swap3A_742 = arith.index_cast %swap3A_741 : i32 to index
        %swap3A_743 = arith.index_cast %mul3A_245 : i32 to index
        %swap3A_744 = tpu.vector_load %arg8[%swap3A_742, %swap3A_743] {strides = array<i32>} : memref<4x8192xf32, #tpu.memory_space<vmem>>, vector<1x16xf32>,
        %swap3A_745 = vector.shape_cast %swap3A_744 : vector<1x16xf32> to vector<16xf32>
        %swap3A_746 = vector.shape_cast %gather3A_740 : vector<16xf32> to vector<1x16xf32>
        tpu.vector_store %arg8[%swap3A_742, %swap3A_743], %swap3A_746 {strides = array<i32>} : memref<4x8192xf32, #tpu.memory_space<vmem>>, vector<1x16xf32>,
        %reshape3A_747 = vector.shape_cast %get3A_341 : vector<16xi32> to vector<16x1xi32>
        %gather3A_748 = vector.shape_cast %reshape3A_747 : vector<16x1xi32> to vector<16xi32>
        %gather3A_749 = tpu.dynamic_gather %get3A_16[%gather3A_748] in [0] : vector<16xf32>, vector<16xi32> -> vector<16xf32>
        %swap3A_750 = arith.constant 2 : i32
        %swap3A_751 = arith.index_cast %swap3A_750 : i32 to index
        %swap3A_752 = arith.index_cast %mul3A_245 : i32 to index
        %swap3A_753 = tpu.vector_load %arg8[%swap3A_751, %swap3A_752] {strides = array<i32>} : memref<4x8192xf32, #tpu.memory_space<vmem>>, vector<1x16xf32>,
        %swap3A_754 = vector.shape_cast %swap3A_753 : vector<1x16xf32> to vector<16xf32>
        %swap3A_755 = vector.shape_cast %gather3A_749 : vector<16xf32> to vector<1x16xf32>
        tpu.vector_store %arg8[%swap3A_751, %swap3A_752], %swap3A_755 {strides = array<i32>} : memref<4x8192xf32, #tpu.memory_space<vmem>>, vector<1x16xf32>,
        %reshape3A_756 = vector.shape_cast %get3A_341 : vector<16xi32> to vector<16x1xi32>
        %gather3A_757 = vector.shape_cast %reshape3A_756 : vector<16x1xi32> to vector<16xi32>
        %gather3A_758 = tpu.dynamic_gather %get3A_21[%gather3A_757] in [0] : vector<16xf32>, vector<16xi32> -> vector<16xf32>
        %swap3A_759 = arith.constant 3 : i32
        %swap3A_760 = arith.index_cast %swap3A_759 : i32 to index
        %swap3A_761 = arith.index_cast %mul3A_245 : i32 to index
        %swap3A_762 = tpu.vector_load %arg8[%swap3A_760, %swap3A_761] {strides = array<i32>} : memref<4x8192xf32, #tpu.memory_space<vmem>>, vector<1x16xf32>,
        %swap3A_763 = vector.shape_cast %swap3A_762 : vector<1x16xf32> to vector<16xf32>
        %swap3A_764 = vector.shape_cast %gather3A_758 : vector<16xf32> to vector<1x16xf32>
        tpu.vector_store %arg8[%swap3A_760, %swap3A_761], %swap3A_764 {strides = array<i32>} : memref<4x8192xf32, #tpu.memory_space<vmem>>, vector<1x16xf32>,
        %reshape3A_765 = vector.shape_cast %get3A_347 : vector<16xi32> to vector<16x1xi32>
        %gather3A_766 = vector.shape_cast %reshape3A_765 : vector<16x1xi32> to vector<16xi32>
        %gather3A_767 = tpu.dynamic_gather %get3A_6[%gather3A_766] in [0] : vector<16xf32>, vector<16xi32> -> vector<16xf32>
        %swap3A_768 = arith.constant 0 : i32
        %swap3A_769 = arith.index_cast %swap3A_768 : i32 to index
        %swap3A_770 = arith.index_cast %mul3A_251 : i32 to index
        %swap3A_771 = tpu.vector_load %arg8[%swap3A_769, %swap3A_770] {strides = array<i32>} : memref<4x8192xf32, #tpu.memory_space<vmem>>, vector<1x16xf32>,
        %swap3A_772 = vector.shape_cast %swap3A_771 : vector<1x16xf32> to vector<16xf32>
        %swap3A_773 = vector.shape_cast %gather3A_767 : vector<16xf32> to vector<1x16xf32>
        tpu.vector_store %arg8[%swap3A_769, %swap3A_770], %swap3A_773 {strides = array<i32>} : memref<4x8192xf32, #tpu.memory_space<vmem>>, vector<1x16xf32>,
        %reshape3A_774 = vector.shape_cast %get3A_347 : vector<16xi32> to vector<16x1xi32>
        %gather3A_775 = vector.shape_cast %reshape3A_774 : vector<16x1xi32> to vector<16xi32>
        %gather3A_776 = tpu.dynamic_gather %get3A_11[%gather3A_775] in [0] : vector<16xf32>, vector<16xi32> -> vector<16xf32>
        %swap3A_777 = arith.constant 1 : i32
        %swap3A_778 = arith.index_cast %swap3A_777 : i32 to index
        %swap3A_779 = arith.index_cast %mul3A_251 : i32 to index
        %swap3A_780 = tpu.vector_load %arg8[%swap3A_778, %swap3A_779] {strides = array<i32>} : memref<4x8192xf32, #tpu.memory_space<vmem>>, vector<1x16xf32>,
        %swap3A_781 = vector.shape_cast %swap3A_780 : vector<1x16xf32> to vector<16xf32>
        %swap3A_782 = vector.shape_cast %gather3A_776 : vector<16xf32> to vector<1x16xf32>
        tpu.vector_store %arg8[%swap3A_778, %swap3A_779], %swap3A_782 {strides = array<i32>} : memref<4x8192xf32, #tpu.memory_space<vmem>>, vector<1x16xf32>,
        %reshape3A_783 = vector.shape_cast %get3A_347 : vector<16xi32> to vector<16x1xi32>
        %gather3A_784 = vector.shape_cast %reshape3A_783 : vector<16x1xi32> to vector<16xi32>
        %gather3A_785 = tpu.dynamic_gather %get3A_16[%gather3A_784] in [0] : vector<16xf32>, vector<16xi32> -> vector<16xf32>
        %swap3A_786 = arith.constant 2 : i32
        %swap3A_787 = arith.index_cast %swap3A_786 : i32 to index
        %swap3A_788 = arith.index_cast %mul3A_251 : i32 to index
        %swap3A_789 = tpu.vector_load %arg8[%swap3A_787, %swap3A_788] {strides = array<i32>} : memref<4x8192xf32, #tpu.memory_space<vmem>>, vector<1x16xf32>,
        %swap3A_790 = vector.shape_cast %swap3A_789 : vector<1x16xf32> to vector<16xf32>
        %swap3A_791 = vector.shape_cast %gather3A_785 : vector<16xf32> to vector<1x16xf32>
        tpu.vector_store %arg8[%swap3A_787, %swap3A_788], %swap3A_791 {strides = array<i32>} : memref<4x8192xf32, #tpu.memory_space<vmem>>, vector<1x16xf32>,
        %reshape3A_792 = vector.shape_cast %get3A_347 : vector<16xi32> to vector<16x1xi32>
        %gather3A_793 = vector.shape_cast %reshape3A_792 : vector<16x1xi32> to vector<16xi32>
        %gather3A_794 = tpu.dynamic_gather %get3A_21[%gather3A_793] in [0] : vector<16xf32>, vector<16xi32> -> vector<16xf32>
        %swap3A_795 = arith.constant 3 : i32
        %swap3A_796 = arith.index_cast %swap3A_795 : i32 to index
        %swap3A_797 = arith.index_cast %mul3A_251 : i32 to index
        %swap3A_798 = tpu.vector_load %arg8[%swap3A_796, %swap3A_797] {strides = array<i32>} : memref<4x8192xf32, #tpu.memory_space<vmem>>, vector<1x16xf32>,
        %swap3A_799 = vector.shape_cast %swap3A_798 : vector<1x16xf32> to vector<16xf32>
        %swap3A_800 = vector.shape_cast %gather3A_794 : vector<16xf32> to vector<1x16xf32>
        tpu.vector_store %arg8[%swap3A_796, %swap3A_797], %swap3A_800 {strides = array<i32>} : memref<4x8192xf32, #tpu.memory_space<vmem>>, vector<1x16xf32>,
        %reshape3A_801 = vector.shape_cast %get3A_353 : vector<16xi32> to vector<16x1xi32>
        %gather3A_802 = vector.shape_cast %reshape3A_801 : vector<16x1xi32> to vector<16xi32>
        %gather3A_803 = tpu.dynamic_gather %get3A_6[%gather3A_802] in [0] : vector<16xf32>, vector<16xi32> -> vector<16xf32>
        %swap3A_804 = arith.constant 0 : i32
        %swap3A_805 = arith.index_cast %swap3A_804 : i32 to index
        %swap3A_806 = arith.index_cast %mul3A_257 : i32 to index
        %swap3A_807 = tpu.vector_load %arg8[%swap3A_805, %swap3A_806] {strides = array<i32>} : memref<4x8192xf32, #tpu.memory_space<vmem>>, vector<1x16xf32>,
        %swap3A_808 = vector.shape_cast %swap3A_807 : vector<1x16xf32> to vector<16xf32>
        %swap3A_809 = vector.shape_cast %gather3A_803 : vector<16xf32> to vector<1x16xf32>
        tpu.vector_store %arg8[%swap3A_805, %swap3A_806], %swap3A_809 {strides = array<i32>} : memref<4x8192xf32, #tpu.memory_space<vmem>>, vector<1x16xf32>,
        %reshape3A_810 = vector.shape_cast %get3A_353 : vector<16xi32> to vector<16x1xi32>
        %gather3A_811 = vector.shape_cast %reshape3A_810 : vector<16x1xi32> to vector<16xi32>
        %gather3A_812 = tpu.dynamic_gather %get3A_11[%gather3A_811] in [0] : vector<16xf32>, vector<16xi32> -> vector<16xf32>
        %swap3A_813 = arith.constant 1 : i32
        %swap3A_814 = arith.index_cast %swap3A_813 : i32 to index
        %swap3A_815 = arith.index_cast %mul3A_257 : i32 to index
        %swap3A_816 = tpu.vector_load %arg8[%swap3A_814, %swap3A_815] {strides = array<i32>} : memref<4x8192xf32, #tpu.memory_space<vmem>>, vector<1x16xf32>,
        %swap3A_817 = vector.shape_cast %swap3A_816 : vector<1x16xf32> to vector<16xf32>
        %swap3A_818 = vector.shape_cast %gather3A_812 : vector<16xf32> to vector<1x16xf32>
        tpu.vector_store %arg8[%swap3A_814, %swap3A_815], %swap3A_818 {strides = array<i32>} : memref<4x8192xf32, #tpu.memory_space<vmem>>, vector<1x16xf32>,
        %reshape3A_819 = vector.shape_cast %get3A_353 : vector<16xi32> to vector<16x1xi32>
        %gather3A_820 = vector.shape_cast %reshape3A_819 : vector<16x1xi32> to vector<16xi32>
        %gather3A_821 = tpu.dynamic_gather %get3A_16[%gather3A_820] in [0] : vector<16xf32>, vector<16xi32> -> vector<16xf32>
        %swap3A_822 = arith.constant 2 : i32
        %swap3A_823 = arith.index_cast %swap3A_822 : i32 to index
        %swap3A_824 = arith.index_cast %mul3A_257 : i32 to index
        %swap3A_825 = tpu.vector_load %arg8[%swap3A_823, %swap3A_824] {strides = array<i32>} : memref<4x8192xf32, #tpu.memory_space<vmem>>, vector<1x16xf32>,
        %swap3A_826 = vector.shape_cast %swap3A_825 : vector<1x16xf32> to vector<16xf32>
        %swap3A_827 = vector.shape_cast %gather3A_821 : vector<16xf32> to vector<1x16xf32>
        tpu.vector_store %arg8[%swap3A_823, %swap3A_824], %swap3A_827 {strides = array<i32>} : memref<4x8192xf32, #tpu.memory_space<vmem>>, vector<1x16xf32>,
        %reshape3A_828 = vector.shape_cast %get3A_353 : vector<16xi32> to vector<16x1xi32>
        %gather3A_829 = vector.shape_cast %reshape3A_828 : vector<16x1xi32> to vector<16xi32>
        %gather3A_830 = tpu.dynamic_gather %get3A_21[%gather3A_829] in [0] : vector<16xf32>, vector<16xi32> -> vector<16xf32>
        %swap3A_831 = arith.constant 3 : i32
        %swap3A_832 = arith.index_cast %swap3A_831 : i32 to index
        %swap3A_833 = arith.index_cast %mul3A_257 : i32 to index
        %swap3A_834 = tpu.vector_load %arg8[%swap3A_832, %swap3A_833] {strides = array<i32>} : memref<4x8192xf32, #tpu.memory_space<vmem>>, vector<1x16xf32>,
        %swap3A_835 = vector.shape_cast %swap3A_834 : vector<1x16xf32> to vector<16xf32>
        %swap3A_836 = vector.shape_cast %gather3A_830 : vector<16xf32> to vector<1x16xf32>
        tpu.vector_store %arg8[%swap3A_832, %swap3A_833], %swap3A_836 {strides = array<i32>} : memref<4x8192xf32, #tpu.memory_space<vmem>>, vector<1x16xf32>,
        %reshape3A_837 = vector.shape_cast %get3A_359 : vector<16xi32> to vector<16x1xi32>
        %gather3A_838 = vector.shape_cast %reshape3A_837 : vector<16x1xi32> to vector<16xi32>
        %gather3A_839 = tpu.dynamic_gather %get3A_6[%gather3A_838] in [0] : vector<16xf32>, vector<16xi32> -> vector<16xf32>
        %swap3A_840 = arith.constant 0 : i32
        %swap3A_841 = arith.index_cast %swap3A_840 : i32 to index
        %swap3A_842 = arith.index_cast %mul3A_263 : i32 to index
        %swap3A_843 = tpu.vector_load %arg8[%swap3A_841, %swap3A_842] {strides = array<i32>} : memref<4x8192xf32, #tpu.memory_space<vmem>>, vector<1x16xf32>,
        %swap3A_844 = vector.shape_cast %swap3A_843 : vector<1x16xf32> to vector<16xf32>
        %swap3A_845 = vector.shape_cast %gather3A_839 : vector<16xf32> to vector<1x16xf32>
        tpu.vector_store %arg8[%swap3A_841, %swap3A_842], %swap3A_845 {strides = array<i32>} : memref<4x8192xf32, #tpu.memory_space<vmem>>, vector<1x16xf32>,
        %reshape3A_846 = vector.shape_cast %get3A_359 : vector<16xi32> to vector<16x1xi32>
        %gather3A_847 = vector.shape_cast %reshape3A_846 : vector<16x1xi32> to vector<16xi32>
        %gather3A_848 = tpu.dynamic_gather %get3A_11[%gather3A_847] in [0] : vector<16xf32>, vector<16xi32> -> vector<16xf32>
        %swap3A_849 = arith.constant 1 : i32
        %swap3A_850 = arith.index_cast %swap3A_849 : i32 to index
        %swap3A_851 = arith.index_cast %mul3A_263 : i32 to index
        %swap3A_852 = tpu.vector_load %arg8[%swap3A_850, %swap3A_851] {strides = array<i32>} : memref<4x8192xf32, #tpu.memory_space<vmem>>, vector<1x16xf32>,
        %swap3A_853 = vector.shape_cast %swap3A_852 : vector<1x16xf32> to vector<16xf32>
        %swap3A_854 = vector.shape_cast %gather3A_848 : vector<16xf32> to vector<1x16xf32>
        tpu.vector_store %arg8[%swap3A_850, %swap3A_851], %swap3A_854 {strides = array<i32>} : memref<4x8192xf32, #tpu.memory_space<vmem>>, vector<1x16xf32>,
        %reshape3A_855 = vector.shape_cast %get3A_359 : vector<16xi32> to vector<16x1xi32>
        %gather3A_856 = vector.shape_cast %reshape3A_855 : vector<16x1xi32> to vector<16xi32>
        %gather3A_857 = tpu.dynamic_gather %get3A_16[%gather3A_856] in [0] : vector<16xf32>, vector<16xi32> -> vector<16xf32>
        %swap3A_858 = arith.constant 2 : i32
        %swap3A_859 = arith.index_cast %swap3A_858 : i32 to index
        %swap3A_860 = arith.index_cast %mul3A_263 : i32 to index
        %swap3A_861 = tpu.vector_load %arg8[%swap3A_859, %swap3A_860] {strides = array<i32>} : memref<4x8192xf32, #tpu.memory_space<vmem>>, vector<1x16xf32>,
        %swap3A_862 = vector.shape_cast %swap3A_861 : vector<1x16xf32> to vector<16xf32>
        %swap3A_863 = vector.shape_cast %gather3A_857 : vector<16xf32> to vector<1x16xf32>
        tpu.vector_store %arg8[%swap3A_859, %swap3A_860], %swap3A_863 {strides = array<i32>} : memref<4x8192xf32, #tpu.memory_space<vmem>>, vector<1x16xf32>,
        %reshape3A_864 = vector.shape_cast %get3A_359 : vector<16xi32> to vector<16x1xi32>
        %gather3A_865 = vector.shape_cast %reshape3A_864 : vector<16x1xi32> to vector<16xi32>
        %gather3A_866 = tpu.dynamic_gather %get3A_21[%gather3A_865] in [0] : vector<16xf32>, vector<16xi32> -> vector<16xf32>
        %swap3A_867 = arith.constant 3 : i32
        %swap3A_868 = arith.index_cast %swap3A_867 : i32 to index
        %swap3A_869 = arith.index_cast %mul3A_263 : i32 to index
        %swap3A_870 = tpu.vector_load %arg8[%swap3A_868, %swap3A_869] {strides = array<i32>} : memref<4x8192xf32, #tpu.memory_space<vmem>>, vector<1x16xf32>,
        %swap3A_871 = vector.shape_cast %swap3A_870 : vector<1x16xf32> to vector<16xf32>
        %swap3A_872 = vector.shape_cast %gather3A_866 : vector<16xf32> to vector<1x16xf32>
        tpu.vector_store %arg8[%swap3A_868, %swap3A_869], %swap3A_872 {strides = array<i32>} : memref<4x8192xf32, #tpu.memory_space<vmem>>, vector<1x16xf32>,
        %reshape3A_873 = vector.shape_cast %get3A_365 : vector<16xi32> to vector<16x1xi32>
        %gather3A_874 = vector.shape_cast %reshape3A_873 : vector<16x1xi32> to vector<16xi32>
        %gather3A_875 = tpu.dynamic_gather %get3A_6[%gather3A_874] in [0] : vector<16xf32>, vector<16xi32> -> vector<16xf32>
        %swap3A_876 = arith.constant 0 : i32
        %swap3A_877 = arith.index_cast %swap3A_876 : i32 to index
        %swap3A_878 = arith.index_cast %mul3A_269 : i32 to index
        %swap3A_879 = tpu.vector_load %arg8[%swap3A_877, %swap3A_878] {strides = array<i32>} : memref<4x8192xf32, #tpu.memory_space<vmem>>, vector<1x16xf32>,
        %swap3A_880 = vector.shape_cast %swap3A_879 : vector<1x16xf32> to vector<16xf32>
        %swap3A_881 = vector.shape_cast %gather3A_875 : vector<16xf32> to vector<1x16xf32>
        tpu.vector_store %arg8[%swap3A_877, %swap3A_878], %swap3A_881 {strides = array<i32>} : memref<4x8192xf32, #tpu.memory_space<vmem>>, vector<1x16xf32>,
        %reshape3A_882 = vector.shape_cast %get3A_365 : vector<16xi32> to vector<16x1xi32>
        %gather3A_883 = vector.shape_cast %reshape3A_882 : vector<16x1xi32> to vector<16xi32>
        %gather3A_884 = tpu.dynamic_gather %get3A_11[%gather3A_883] in [0] : vector<16xf32>, vector<16xi32> -> vector<16xf32>
        %swap3A_885 = arith.constant 1 : i32
        %swap3A_886 = arith.index_cast %swap3A_885 : i32 to index
        %swap3A_887 = arith.index_cast %mul3A_269 : i32 to index
        %swap3A_888 = tpu.vector_load %arg8[%swap3A_886, %swap3A_887] {strides = array<i32>} : memref<4x8192xf32, #tpu.memory_space<vmem>>, vector<1x16xf32>,
        %swap3A_889 = vector.shape_cast %swap3A_888 : vector<1x16xf32> to vector<16xf32>
        %swap3A_890 = vector.shape_cast %gather3A_884 : vector<16xf32> to vector<1x16xf32>
        tpu.vector_store %arg8[%swap3A_886, %swap3A_887], %swap3A_890 {strides = array<i32>} : memref<4x8192xf32, #tpu.memory_space<vmem>>, vector<1x16xf32>,
        %reshape3A_891 = vector.shape_cast %get3A_365 : vector<16xi32> to vector<16x1xi32>
        %gather3A_892 = vector.shape_cast %reshape3A_891 : vector<16x1xi32> to vector<16xi32>
        %gather3A_893 = tpu.dynamic_gather %get3A_16[%gather3A_892] in [0] : vector<16xf32>, vector<16xi32> -> vector<16xf32>
        %swap3A_894 = arith.constant 2 : i32
        %swap3A_895 = arith.index_cast %swap3A_894 : i32 to index
        %swap3A_896 = arith.index_cast %mul3A_269 : i32 to index
        %swap3A_897 = tpu.vector_load %arg8[%swap3A_895, %swap3A_896] {strides = array<i32>} : memref<4x8192xf32, #tpu.memory_space<vmem>>, vector<1x16xf32>,
        %swap3A_898 = vector.shape_cast %swap3A_897 : vector<1x16xf32> to vector<16xf32>
        %swap3A_899 = vector.shape_cast %gather3A_893 : vector<16xf32> to vector<1x16xf32>
        tpu.vector_store %arg8[%swap3A_895, %swap3A_896], %swap3A_899 {strides = array<i32>} : memref<4x8192xf32, #tpu.memory_space<vmem>>, vector<1x16xf32>,
        %reshape3A_900 = vector.shape_cast %get3A_365 : vector<16xi32> to vector<16x1xi32>
        %gather3A_901 = vector.shape_cast %reshape3A_900 : vector<16x1xi32> to vector<16xi32>
        %gather3A_902 = tpu.dynamic_gather %get3A_21[%gather3A_901] in [0] : vector<16xf32>, vector<16xi32> -> vector<16xf32>
        %swap3A_903 = arith.constant 3 : i32
        %swap3A_904 = arith.index_cast %swap3A_903 : i32 to index
        %swap3A_905 = arith.index_cast %mul3A_269 : i32 to index
        %swap3A_906 = tpu.vector_load %arg8[%swap3A_904, %swap3A_905] {strides = array<i32>} : memref<4x8192xf32, #tpu.memory_space<vmem>>, vector<1x16xf32>,
        %swap3A_907 = vector.shape_cast %swap3A_906 : vector<1x16xf32> to vector<16xf32>
        %swap3A_908 = vector.shape_cast %gather3A_902 : vector<16xf32> to vector<1x16xf32>
        tpu.vector_store %arg8[%swap3A_904, %swap3A_905], %swap3A_908 {strides = array<i32>} : memref<4x8192xf32, #tpu.memory_space<vmem>>, vector<1x16xf32>,
        %reshape3A_909 = vector.shape_cast %get3A_371 : vector<16xi32> to vector<16x1xi32>
        %gather3A_910 = vector.shape_cast %reshape3A_909 : vector<16x1xi32> to vector<16xi32>
        %gather3A_911 = tpu.dynamic_gather %get3A_6[%gather3A_910] in [0] : vector<16xf32>, vector<16xi32> -> vector<16xf32>
        %swap3A_912 = arith.constant 0 : i32
        %swap3A_913 = arith.index_cast %swap3A_912 : i32 to index
        %swap3A_914 = arith.index_cast %mul3A_275 : i32 to index
        %swap3A_915 = tpu.vector_load %arg8[%swap3A_913, %swap3A_914] {strides = array<i32>} : memref<4x8192xf32, #tpu.memory_space<vmem>>, vector<1x16xf32>,
        %swap3A_916 = vector.shape_cast %swap3A_915 : vector<1x16xf32> to vector<16xf32>
        %swap3A_917 = vector.shape_cast %gather3A_911 : vector<16xf32> to vector<1x16xf32>
        tpu.vector_store %arg8[%swap3A_913, %swap3A_914], %swap3A_917 {strides = array<i32>} : memref<4x8192xf32, #tpu.memory_space<vmem>>, vector<1x16xf32>,
        %reshape3A_918 = vector.shape_cast %get3A_371 : vector<16xi32> to vector<16x1xi32>
        %gather3A_919 = vector.shape_cast %reshape3A_918 : vector<16x1xi32> to vector<16xi32>
        %gather3A_920 = tpu.dynamic_gather %get3A_11[%gather3A_919] in [0] : vector<16xf32>, vector<16xi32> -> vector<16xf32>
        %swap3A_921 = arith.constant 1 : i32
        %swap3A_922 = arith.index_cast %swap3A_921 : i32 to index
        %swap3A_923 = arith.index_cast %mul3A_275 : i32 to index
        %swap3A_924 = tpu.vector_load %arg8[%swap3A_922, %swap3A_923] {strides = array<i32>} : memref<4x8192xf32, #tpu.memory_space<vmem>>, vector<1x16xf32>,
        %swap3A_925 = vector.shape_cast %swap3A_924 : vector<1x16xf32> to vector<16xf32>
        %swap3A_926 = vector.shape_cast %gather3A_920 : vector<16xf32> to vector<1x16xf32>
        tpu.vector_store %arg8[%swap3A_922, %swap3A_923], %swap3A_926 {strides = array<i32>} : memref<4x8192xf32, #tpu.memory_space<vmem>>, vector<1x16xf32>,
        %reshape3A_927 = vector.shape_cast %get3A_371 : vector<16xi32> to vector<16x1xi32>
        %gather3A_928 = vector.shape_cast %reshape3A_927 : vector<16x1xi32> to vector<16xi32>
        %gather3A_929 = tpu.dynamic_gather %get3A_16[%gather3A_928] in [0] : vector<16xf32>, vector<16xi32> -> vector<16xf32>
        %swap3A_930 = arith.constant 2 : i32
        %swap3A_931 = arith.index_cast %swap3A_930 : i32 to index
        %swap3A_932 = arith.index_cast %mul3A_275 : i32 to index
        %swap3A_933 = tpu.vector_load %arg8[%swap3A_931, %swap3A_932] {strides = array<i32>} : memref<4x8192xf32, #tpu.memory_space<vmem>>, vector<1x16xf32>,
        %swap3A_934 = vector.shape_cast %swap3A_933 : vector<1x16xf32> to vector<16xf32>
        %swap3A_935 = vector.shape_cast %gather3A_929 : vector<16xf32> to vector<1x16xf32>
        tpu.vector_store %arg8[%swap3A_931, %swap3A_932], %swap3A_935 {strides = array<i32>} : memref<4x8192xf32, #tpu.memory_space<vmem>>, vector<1x16xf32>,
        %reshape3A_936 = vector.shape_cast %get3A_371 : vector<16xi32> to vector<16x1xi32>
        %gather3A_937 = vector.shape_cast %reshape3A_936 : vector<16x1xi32> to vector<16xi32>
        %gather3A_938 = tpu.dynamic_gather %get3A_21[%gather3A_937] in [0] : vector<16xf32>, vector<16xi32> -> vector<16xf32>
        %swap3A_939 = arith.constant 3 : i32
        %swap3A_940 = arith.index_cast %swap3A_939 : i32 to index
        %swap3A_941 = arith.index_cast %mul3A_275 : i32 to index
        %swap3A_942 = tpu.vector_load %arg8[%swap3A_940, %swap3A_941] {strides = array<i32>} : memref<4x8192xf32, #tpu.memory_space<vmem>>, vector<1x16xf32>,
        %swap3A_943 = vector.shape_cast %swap3A_942 : vector<1x16xf32> to vector<16xf32>
        %swap3A_944 = vector.shape_cast %gather3A_938 : vector<16xf32> to vector<1x16xf32>
        tpu.vector_store %arg8[%swap3A_940, %swap3A_941], %swap3A_944 {strides = array<i32>} : memref<4x8192xf32, #tpu.memory_space<vmem>>, vector<1x16xf32>,
      }
      %scan3A_79 = arith.constant 32 : i32
      %dma_start3A_80 = arith.constant 0 : i32
      %dma_start3A_81 = arith.constant 0 : i32
      %dma_start3A_82 = tpu.memref_slice %arg4[%add3A_68, %dma_start3A_80, %dma_start3A_81] : memref<1024x4x8192xf32, #tpu.memory_space<hbm>> -> memref<1x4x8192xf32, #tpu.memory_space<hbm>>
      %dma_start3A_83 = tpu.memref_squeeze %dma_start3A_82 : memref<1x4x8192xf32, #tpu.memory_space<hbm>> -> memref<4x8192xf32, #tpu.memory_space<hbm>>
      %dma_start3A_84 = arith.constant 0 : i32
      %dma_start3A_85 = arith.constant 0 : i32
      %dma_start3A_86 = tpu.memref_slice %arg4[%add3A_68, %dma_start3A_84, %dma_start3A_85] : memref<1024x4x8192xf32, #tpu.memory_space<hbm>> -> memref<1x4x8192xf32, #tpu.memory_space<hbm>>
      %dma_start3A_87 = tpu.memref_squeeze %dma_start3A_86 : memref<1x4x8192xf32, #tpu.memory_space<hbm>> -> memref<4x8192xf32, #tpu.memory_space<hbm>>
      tpu.enqueue_dma source(%arg8 : memref<4x8192xf32, #tpu.memory_space<vmem>>) target(%dma_start3A_87 : memref<4x8192xf32, #tpu.memory_space<hbm>>) target_semaphore(%arg11 : memref<!tpu.dma_semaphore, #tpu.memory_space<semaphore_mem>>)
      %mul3A_88 = arith.constant 2 : i32
      %mul3A_89 = arith.muli %add3A_54, %mul3A_88 : i32
      %add3A_90 = arith.constant 1 : i32
      %add3A_91 = arith.addi %mul3A_89, %add3A_90 : i32
      %add3A_92 = arith.addi %mul3A_2, %add3A_91 : i32
      %ge3A_93 = arith.constant 2 : i32
      %ge3A_94 = arith.cmpi sge, %add3A_91, %ge3A_93 : i32
      %convert_element_type3A_95 = arith.extui %ge3A_94 : i1 to i32
      %cond3A_96 = arith.constant 0 : i32
      %cond3A_97 = arith.cmpi ne, %convert_element_type3A_95, %cond3A_96 : i32
      scf.if %cond3A_97 {
        %sub3A_179 = arith.constant 2 : i32
        %sub3A_180 = arith.subi %add3A_92, %sub3A_179 : i32
        %dma_wait3A_181 = arith.constant 0 : i32
        %dma_wait3A_182 = arith.constant 0 : i32
        %dma_wait3A_183 = tpu.memref_slice %arg4[%sub3A_180, %dma_wait3A_181, %dma_wait3A_182] : memref<1024x4x8192xf32, #tpu.memory_space<hbm>> -> memref<1x4x8192xf32, #tpu.memory_space<hbm>>
        %dma_wait3A_184 = tpu.memref_squeeze %dma_wait3A_183 : memref<1x4x8192xf32, #tpu.memory_space<hbm>> -> memref<4x8192xf32, #tpu.memory_space<hbm>>
        %dma_wait3A_185 = arith.constant 0 : i32
        %dma_wait3A_186 = arith.constant 0 : i32
        %dma_wait3A_187 = tpu.memref_slice %arg4[%sub3A_180, %dma_wait3A_185, %dma_wait3A_186] : memref<1024x4x8192xf32, #tpu.memory_space<hbm>> -> memref<1x4x8192xf32, #tpu.memory_space<hbm>>
        %dma_wait3A_188 = tpu.memref_squeeze %dma_wait3A_187 : memref<1x4x8192xf32, #tpu.memory_space<hbm>> -> memref<4x8192xf32, #tpu.memory_space<hbm>>
        tpu.wait_dma2 semaphore(%arg11 : memref<!tpu.dma_semaphore, #tpu.memory_space<semaphore_mem>>) src(%arg9 : memref<4x8192xf32, #tpu.memory_space<vmem>>) dst(%dma_wait3A_188 : memref<4x8192xf32, #tpu.memory_space<hbm>>)
      } else {
      }
      %scan3A_98 = arith.constant 0 : i32
      %scan3A_99 = arith.constant 1 : i32
      %scan3A_100 = arith.constant 0 : i32
      %scan3A_101 = arith.constant 32 : i32
      %scan3A_102 = arith.addi %scan3A_100, %scan3A_101 : i32
      %scan3A_103 = arith.constant 1 : i32
      scf.for %scan3A_179 = %scan3A_100 to %scan3A_102 step %scan3A_103  : i32 {
        %mul3A_180 = arith.constant 16 : i32
        %mul3A_181 = arith.muli %scan3A_179, %mul3A_180 : i32
        %add3A_182 = arith.constant 0 : i32
        %add3A_183 = arith.addi %mul3A_181, %add3A_182 : i32
        %mul3A_184 = arith.constant 16 : i32
        %mul3A_185 = arith.muli %add3A_183, %mul3A_184 : i32
        %mul3A_186 = arith.constant 16 : i32
        %mul3A_187 = arith.muli %scan3A_179, %mul3A_186 : i32
        %add3A_188 = arith.constant 1 : i32
        %add3A_189 = arith.addi %mul3A_187, %add3A_188 : i32
        %mul3A_190 = arith.constant 16 : i32
        %mul3A_191 = arith.muli %add3A_189, %mul3A_190 : i32
        %mul3A_192 = arith.constant 16 : i32
        %mul3A_193 = arith.muli %scan3A_179, %mul3A_192 : i32
        %add3A_194 = arith.constant 2 : i32
        %add3A_195 = arith.addi %mul3A_193, %add3A_194 : i32
        %mul3A_196 = arith.constant 16 : i32
        %mul3A_197 = arith.muli %add3A_195, %mul3A_196 : i32
        %mul3A_198 = arith.constant 16 : i32
        %mul3A_199 = arith.muli %scan3A_179, %mul3A_198 : i32
        %add3A_200 = arith.constant 3 : i32
        %add3A_201 = arith.addi %mul3A_199, %add3A_200 : i32
        %mul3A_202 = arith.constant 16 : i32
        %mul3A_203 = arith.muli %add3A_201, %mul3A_202 : i32
        %mul3A_204 = arith.constant 16 : i32
        %mul3A_205 = arith.muli %scan3A_179, %mul3A_204 : i32
        %add3A_206 = arith.constant 4 : i32
        %add3A_207 = arith.addi %mul3A_205, %add3A_206 : i32
        %mul3A_208 = arith.constant 16 : i32
        %mul3A_209 = arith.muli %add3A_207, %mul3A_208 : i32
        %mul3A_210 = arith.constant 16 : i32
        %mul3A_211 = arith.muli %scan3A_179, %mul3A_210 : i32
        %add3A_212 = arith.constant 5 : i32
        %add3A_213 = arith.addi %mul3A_211, %add3A_212 : i32
        %mul3A_214 = arith.constant 16 : i32
        %mul3A_215 = arith.muli %add3A_213, %mul3A_214 : i32
        %mul3A_216 = arith.constant 16 : i32
        %mul3A_217 = arith.muli %scan3A_179, %mul3A_216 : i32
        %add3A_218 = arith.constant 6 : i32
        %add3A_219 = arith.addi %mul3A_217, %add3A_218 : i32
        %mul3A_220 = arith.constant 16 : i32
        %mul3A_221 = arith.muli %add3A_219, %mul3A_220 : i32
        %mul3A_222 = arith.constant 16 : i32
        %mul3A_223 = arith.muli %scan3A_179, %mul3A_222 : i32
        %add3A_224 = arith.constant 7 : i32
        %add3A_225 = arith.addi %mul3A_223, %add3A_224 : i32
        %mul3A_226 = arith.constant 16 : i32
        %mul3A_227 = arith.muli %add3A_225, %mul3A_226 : i32
        %mul3A_228 = arith.constant 16 : i32
        %mul3A_229 = arith.muli %scan3A_179, %mul3A_228 : i32
        %add3A_230 = arith.constant 8 : i32
        %add3A_231 = arith.addi %mul3A_229, %add3A_230 : i32
        %mul3A_232 = arith.constant 16 : i32
        %mul3A_233 = arith.muli %add3A_231, %mul3A_232 : i32
        %mul3A_234 = arith.constant 16 : i32
        %mul3A_235 = arith.muli %scan3A_179, %mul3A_234 : i32
        %add3A_236 = arith.constant 9 : i32
        %add3A_237 = arith.addi %mul3A_235, %add3A_236 : i32
        %mul3A_238 = arith.constant 16 : i32
        %mul3A_239 = arith.muli %add3A_237, %mul3A_238 : i32
        %mul3A_240 = arith.constant 16 : i32
        %mul3A_241 = arith.muli %scan3A_179, %mul3A_240 : i32
        %add3A_242 = arith.constant 10 : i32
        %add3A_243 = arith.addi %mul3A_241, %add3A_242 : i32
        %mul3A_244 = arith.constant 16 : i32
        %mul3A_245 = arith.muli %add3A_243, %mul3A_244 : i32
        %mul3A_246 = arith.constant 16 : i32
        %mul3A_247 = arith.muli %scan3A_179, %mul3A_246 : i32
        %add3A_248 = arith.constant 11 : i32
        %add3A_249 = arith.addi %mul3A_247, %add3A_248 : i32
        %mul3A_250 = arith.constant 16 : i32
        %mul3A_251 = arith.muli %add3A_249, %mul3A_250 : i32
        %mul3A_252 = arith.constant 16 : i32
        %mul3A_253 = arith.muli %scan3A_179, %mul3A_252 : i32
        %add3A_254 = arith.constant 12 : i32
        %add3A_255 = arith.addi %mul3A_253, %add3A_254 : i32
        %mul3A_256 = arith.constant 16 : i32
        %mul3A_257 = arith.muli %add3A_255, %mul3A_256 : i32
        %mul3A_258 = arith.constant 16 : i32
        %mul3A_259 = arith.muli %scan3A_179, %mul3A_258 : i32
        %add3A_260 = arith.constant 13 : i32
        %add3A_261 = arith.addi %mul3A_259, %add3A_260 : i32
        %mul3A_262 = arith.constant 16 : i32
        %mul3A_263 = arith.muli %add3A_261, %mul3A_262 : i32
        %mul3A_264 = arith.constant 16 : i32
        %mul3A_265 = arith.muli %scan3A_179, %mul3A_264 : i32
        %add3A_266 = arith.constant 14 : i32
        %add3A_267 = arith.addi %mul3A_265, %add3A_266 : i32
        %mul3A_268 = arith.constant 16 : i32
        %mul3A_269 = arith.muli %add3A_267, %mul3A_268 : i32
        %mul3A_270 = arith.constant 16 : i32
        %mul3A_271 = arith.muli %scan3A_179, %mul3A_270 : i32
        %add3A_272 = arith.constant 15 : i32
        %add3A_273 = arith.addi %mul3A_271, %add3A_272 : i32
        %mul3A_274 = arith.constant 16 : i32
        %mul3A_275 = arith.muli %add3A_273, %mul3A_274 : i32
        %get3A_276 = arith.constant 0 : i32
        %get3A_277 = tpu.memref_slice %arg6[%scan3A_99, %get3A_276] : memref<2x8192xi32, #tpu.memory_space<vmem>> -> memref<1x8192xi32, #tpu.memory_space<vmem>>
        %get3A_278 = tpu.memref_squeeze %get3A_277 : memref<1x8192xi32, #tpu.memory_space<vmem>> -> memref<8192xi32, #tpu.memory_space<vmem>>
        %get3A_279 = arith.index_cast %mul3A_185 : i32 to index
        %get3A_280 = tpu.vector_load %get3A_278[%get3A_279] {strides = array<i32>} : memref<8192xi32, #tpu.memory_space<vmem>>, vector<16xi32>,
        %get3A_281 = vector.shape_cast %get3A_280 : vector<16xi32> to vector<16xi32>
        %get3A_282 = arith.constant 0 : i32
        %get3A_283 = tpu.memref_slice %arg6[%scan3A_99, %get3A_282] : memref<2x8192xi32, #tpu.memory_space<vmem>> -> memref<1x8192xi32, #tpu.memory_space<vmem>>
        %get3A_284 = tpu.memref_squeeze %get3A_283 : memref<1x8192xi32, #tpu.memory_space<vmem>> -> memref<8192xi32, #tpu.memory_space<vmem>>
        %get3A_285 = arith.index_cast %mul3A_191 : i32 to index
        %get3A_286 = tpu.vector_load %get3A_284[%get3A_285] {strides = array<i32>} : memref<8192xi32, #tpu.memory_space<vmem>>, vector<16xi32>,
        %get3A_287 = vector.shape_cast %get3A_286 : vector<16xi32> to vector<16xi32>
        %get3A_288 = arith.constant 0 : i32
        %get3A_289 = tpu.memref_slice %arg6[%scan3A_99, %get3A_288] : memref<2x8192xi32, #tpu.memory_space<vmem>> -> memref<1x8192xi32, #tpu.memory_space<vmem>>
        %get3A_290 = tpu.memref_squeeze %get3A_289 : memref<1x8192xi32, #tpu.memory_space<vmem>> -> memref<8192xi32, #tpu.memory_space<vmem>>
        %get3A_291 = arith.index_cast %mul3A_197 : i32 to index
        %get3A_292 = tpu.vector_load %get3A_290[%get3A_291] {strides = array<i32>} : memref<8192xi32, #tpu.memory_space<vmem>>, vector<16xi32>,
        %get3A_293 = vector.shape_cast %get3A_292 : vector<16xi32> to vector<16xi32>
        %get3A_294 = arith.constant 0 : i32
        %get3A_295 = tpu.memref_slice %arg6[%scan3A_99, %get3A_294] : memref<2x8192xi32, #tpu.memory_space<vmem>> -> memref<1x8192xi32, #tpu.memory_space<vmem>>
        %get3A_296 = tpu.memref_squeeze %get3A_295 : memref<1x8192xi32, #tpu.memory_space<vmem>> -> memref<8192xi32, #tpu.memory_space<vmem>>
        %get3A_297 = arith.index_cast %mul3A_203 : i32 to index
        %get3A_298 = tpu.vector_load %get3A_296[%get3A_297] {strides = array<i32>} : memref<8192xi32, #tpu.memory_space<vmem>>, vector<16xi32>,
        %get3A_299 = vector.shape_cast %get3A_298 : vector<16xi32> to vector<16xi32>
        %get3A_300 = arith.constant 0 : i32
        %get3A_301 = tpu.memref_slice %arg6[%scan3A_99, %get3A_300] : memref<2x8192xi32, #tpu.memory_space<vmem>> -> memref<1x8192xi32, #tpu.memory_space<vmem>>
        %get3A_302 = tpu.memref_squeeze %get3A_301 : memref<1x8192xi32, #tpu.memory_space<vmem>> -> memref<8192xi32, #tpu.memory_space<vmem>>
        %get3A_303 = arith.index_cast %mul3A_209 : i32 to index
        %get3A_304 = tpu.vector_load %get3A_302[%get3A_303] {strides = array<i32>} : memref<8192xi32, #tpu.memory_space<vmem>>, vector<16xi32>,
        %get3A_305 = vector.shape_cast %get3A_304 : vector<16xi32> to vector<16xi32>
        %get3A_306 = arith.constant 0 : i32
        %get3A_307 = tpu.memref_slice %arg6[%scan3A_99, %get3A_306] : memref<2x8192xi32, #tpu.memory_space<vmem>> -> memref<1x8192xi32, #tpu.memory_space<vmem>>
        %get3A_308 = tpu.memref_squeeze %get3A_307 : memref<1x8192xi32, #tpu.memory_space<vmem>> -> memref<8192xi32, #tpu.memory_space<vmem>>
        %get3A_309 = arith.index_cast %mul3A_215 : i32 to index
        %get3A_310 = tpu.vector_load %get3A_308[%get3A_309] {strides = array<i32>} : memref<8192xi32, #tpu.memory_space<vmem>>, vector<16xi32>,
        %get3A_311 = vector.shape_cast %get3A_310 : vector<16xi32> to vector<16xi32>
        %get3A_312 = arith.constant 0 : i32
        %get3A_313 = tpu.memref_slice %arg6[%scan3A_99, %get3A_312] : memref<2x8192xi32, #tpu.memory_space<vmem>> -> memref<1x8192xi32, #tpu.memory_space<vmem>>
        %get3A_314 = tpu.memref_squeeze %get3A_313 : memref<1x8192xi32, #tpu.memory_space<vmem>> -> memref<8192xi32, #tpu.memory_space<vmem>>
        %get3A_315 = arith.index_cast %mul3A_221 : i32 to index
        %get3A_316 = tpu.vector_load %get3A_314[%get3A_315] {strides = array<i32>} : memref<8192xi32, #tpu.memory_space<vmem>>, vector<16xi32>,
        %get3A_317 = vector.shape_cast %get3A_316 : vector<16xi32> to vector<16xi32>
        %get3A_318 = arith.constant 0 : i32
        %get3A_319 = tpu.memref_slice %arg6[%scan3A_99, %get3A_318] : memref<2x8192xi32, #tpu.memory_space<vmem>> -> memref<1x8192xi32, #tpu.memory_space<vmem>>
        %get3A_320 = tpu.memref_squeeze %get3A_319 : memref<1x8192xi32, #tpu.memory_space<vmem>> -> memref<8192xi32, #tpu.memory_space<vmem>>
        %get3A_321 = arith.index_cast %mul3A_227 : i32 to index
        %get3A_322 = tpu.vector_load %get3A_320[%get3A_321] {strides = array<i32>} : memref<8192xi32, #tpu.memory_space<vmem>>, vector<16xi32>,
        %get3A_323 = vector.shape_cast %get3A_322 : vector<16xi32> to vector<16xi32>
        %get3A_324 = arith.constant 0 : i32
        %get3A_325 = tpu.memref_slice %arg6[%scan3A_99, %get3A_324] : memref<2x8192xi32, #tpu.memory_space<vmem>> -> memref<1x8192xi32, #tpu.memory_space<vmem>>
        %get3A_326 = tpu.memref_squeeze %get3A_325 : memref<1x8192xi32, #tpu.memory_space<vmem>> -> memref<8192xi32, #tpu.memory_space<vmem>>
        %get3A_327 = arith.index_cast %mul3A_233 : i32 to index
        %get3A_328 = tpu.vector_load %get3A_326[%get3A_327] {strides = array<i32>} : memref<8192xi32, #tpu.memory_space<vmem>>, vector<16xi32>,
        %get3A_329 = vector.shape_cast %get3A_328 : vector<16xi32> to vector<16xi32>
        %get3A_330 = arith.constant 0 : i32
        %get3A_331 = tpu.memref_slice %arg6[%scan3A_99, %get3A_330] : memref<2x8192xi32, #tpu.memory_space<vmem>> -> memref<1x8192xi32, #tpu.memory_space<vmem>>
        %get3A_332 = tpu.memref_squeeze %get3A_331 : memref<1x8192xi32, #tpu.memory_space<vmem>> -> memref<8192xi32, #tpu.memory_space<vmem>>
        %get3A_333 = arith.index_cast %mul3A_239 : i32 to index
        %get3A_334 = tpu.vector_load %get3A_332[%get3A_333] {strides = array<i32>} : memref<8192xi32, #tpu.memory_space<vmem>>, vector<16xi32>,
        %get3A_335 = vector.shape_cast %get3A_334 : vector<16xi32> to vector<16xi32>
        %get3A_336 = arith.constant 0 : i32
        %get3A_337 = tpu.memref_slice %arg6[%scan3A_99, %get3A_336] : memref<2x8192xi32, #tpu.memory_space<vmem>> -> memref<1x8192xi32, #tpu.memory_space<vmem>>
        %get3A_338 = tpu.memref_squeeze %get3A_337 : memref<1x8192xi32, #tpu.memory_space<vmem>> -> memref<8192xi32, #tpu.memory_space<vmem>>
        %get3A_339 = arith.index_cast %mul3A_245 : i32 to index
        %get3A_340 = tpu.vector_load %get3A_338[%get3A_339] {strides = array<i32>} : memref<8192xi32, #tpu.memory_space<vmem>>, vector<16xi32>,
        %get3A_341 = vector.shape_cast %get3A_340 : vector<16xi32> to vector<16xi32>
        %get3A_342 = arith.constant 0 : i32
        %get3A_343 = tpu.memref_slice %arg6[%scan3A_99, %get3A_342] : memref<2x8192xi32, #tpu.memory_space<vmem>> -> memref<1x8192xi32, #tpu.memory_space<vmem>>
        %get3A_344 = tpu.memref_squeeze %get3A_343 : memref<1x8192xi32, #tpu.memory_space<vmem>> -> memref<8192xi32, #tpu.memory_space<vmem>>
        %get3A_345 = arith.index_cast %mul3A_251 : i32 to index
        %get3A_346 = tpu.vector_load %get3A_344[%get3A_345] {strides = array<i32>} : memref<8192xi32, #tpu.memory_space<vmem>>, vector<16xi32>,
        %get3A_347 = vector.shape_cast %get3A_346 : vector<16xi32> to vector<16xi32>
        %get3A_348 = arith.constant 0 : i32
        %get3A_349 = tpu.memref_slice %arg6[%scan3A_99, %get3A_348] : memref<2x8192xi32, #tpu.memory_space<vmem>> -> memref<1x8192xi32, #tpu.memory_space<vmem>>
        %get3A_350 = tpu.memref_squeeze %get3A_349 : memref<1x8192xi32, #tpu.memory_space<vmem>> -> memref<8192xi32, #tpu.memory_space<vmem>>
        %get3A_351 = arith.index_cast %mul3A_257 : i32 to index
        %get3A_352 = tpu.vector_load %get3A_350[%get3A_351] {strides = array<i32>} : memref<8192xi32, #tpu.memory_space<vmem>>, vector<16xi32>,
        %get3A_353 = vector.shape_cast %get3A_352 : vector<16xi32> to vector<16xi32>
        %get3A_354 = arith.constant 0 : i32
        %get3A_355 = tpu.memref_slice %arg6[%scan3A_99, %get3A_354] : memref<2x8192xi32, #tpu.memory_space<vmem>> -> memref<1x8192xi32, #tpu.memory_space<vmem>>
        %get3A_356 = tpu.memref_squeeze %get3A_355 : memref<1x8192xi32, #tpu.memory_space<vmem>> -> memref<8192xi32, #tpu.memory_space<vmem>>
        %get3A_357 = arith.index_cast %mul3A_263 : i32 to index
        %get3A_358 = tpu.vector_load %get3A_356[%get3A_357] {strides = array<i32>} : memref<8192xi32, #tpu.memory_space<vmem>>, vector<16xi32>,
        %get3A_359 = vector.shape_cast %get3A_358 : vector<16xi32> to vector<16xi32>
        %get3A_360 = arith.constant 0 : i32
        %get3A_361 = tpu.memref_slice %arg6[%scan3A_99, %get3A_360] : memref<2x8192xi32, #tpu.memory_space<vmem>> -> memref<1x8192xi32, #tpu.memory_space<vmem>>
        %get3A_362 = tpu.memref_squeeze %get3A_361 : memref<1x8192xi32, #tpu.memory_space<vmem>> -> memref<8192xi32, #tpu.memory_space<vmem>>
        %get3A_363 = arith.index_cast %mul3A_269 : i32 to index
        %get3A_364 = tpu.vector_load %get3A_362[%get3A_363] {strides = array<i32>} : memref<8192xi32, #tpu.memory_space<vmem>>, vector<16xi32>,
        %get3A_365 = vector.shape_cast %get3A_364 : vector<16xi32> to vector<16xi32>
        %get3A_366 = arith.constant 0 : i32
        %get3A_367 = tpu.memref_slice %arg6[%scan3A_99, %get3A_366] : memref<2x8192xi32, #tpu.memory_space<vmem>> -> memref<1x8192xi32, #tpu.memory_space<vmem>>
        %get3A_368 = tpu.memref_squeeze %get3A_367 : memref<1x8192xi32, #tpu.memory_space<vmem>> -> memref<8192xi32, #tpu.memory_space<vmem>>
        %get3A_369 = arith.index_cast %mul3A_275 : i32 to index
        %get3A_370 = tpu.vector_load %get3A_368[%get3A_369] {strides = array<i32>} : memref<8192xi32, #tpu.memory_space<vmem>>, vector<16xi32>,
        %get3A_371 = vector.shape_cast %get3A_370 : vector<16xi32> to vector<16xi32>
        %reshape3A = vector.shape_cast %get3A_281 : vector<16xi32> to vector<16x1xi32>
        %gather3A = vector.shape_cast %reshape3A : vector<16x1xi32> to vector<16xi32>
        %gather3A_372 = tpu.dynamic_gather %get3A_6[%gather3A] in [0] : vector<16xf32>, vector<16xi32> -> vector<16xf32>
        %swap3A = arith.constant 0 : i32
        %swap3A_373 = arith.index_cast %swap3A : i32 to index
        %swap3A_374 = arith.index_cast %mul3A_185 : i32 to index
        %swap3A_375 = tpu.vector_load %arg9[%swap3A_373, %swap3A_374] {strides = array<i32>} : memref<4x8192xf32, #tpu.memory_space<vmem>>, vector<1x16xf32>,
        %swap3A_376 = vector.shape_cast %swap3A_375 : vector<1x16xf32> to vector<16xf32>
        %swap3A_377 = vector.shape_cast %gather3A_372 : vector<16xf32> to vector<1x16xf32>
        tpu.vector_store %arg9[%swap3A_373, %swap3A_374], %swap3A_377 {strides = array<i32>} : memref<4x8192xf32, #tpu.memory_space<vmem>>, vector<1x16xf32>,
        %reshape3A_378 = vector.shape_cast %get3A_281 : vector<16xi32> to vector<16x1xi32>
        %gather3A_379 = vector.shape_cast %reshape3A_378 : vector<16x1xi32> to vector<16xi32>
        %gather3A_380 = tpu.dynamic_gather %get3A_11[%gather3A_379] in [0] : vector<16xf32>, vector<16xi32> -> vector<16xf32>
        %swap3A_381 = arith.constant 1 : i32
        %swap3A_382 = arith.index_cast %swap3A_381 : i32 to index
        %swap3A_383 = arith.index_cast %mul3A_185 : i32 to index
        %swap3A_384 = tpu.vector_load %arg9[%swap3A_382, %swap3A_383] {strides = array<i32>} : memref<4x8192xf32, #tpu.memory_space<vmem>>, vector<1x16xf32>,
        %swap3A_385 = vector.shape_cast %swap3A_384 : vector<1x16xf32> to vector<16xf32>
        %swap3A_386 = vector.shape_cast %gather3A_380 : vector<16xf32> to vector<1x16xf32>
        tpu.vector_store %arg9[%swap3A_382, %swap3A_383], %swap3A_386 {strides = array<i32>} : memref<4x8192xf32, #tpu.memory_space<vmem>>, vector<1x16xf32>,
        %reshape3A_387 = vector.shape_cast %get3A_281 : vector<16xi32> to vector<16x1xi32>
        %gather3A_388 = vector.shape_cast %reshape3A_387 : vector<16x1xi32> to vector<16xi32>
        %gather3A_389 = tpu.dynamic_gather %get3A_16[%gather3A_388] in [0] : vector<16xf32>, vector<16xi32> -> vector<16xf32>
        %swap3A_390 = arith.constant 2 : i32
        %swap3A_391 = arith.index_cast %swap3A_390 : i32 to index
        %swap3A_392 = arith.index_cast %mul3A_185 : i32 to index
        %swap3A_393 = tpu.vector_load %arg9[%swap3A_391, %swap3A_392] {strides = array<i32>} : memref<4x8192xf32, #tpu.memory_space<vmem>>, vector<1x16xf32>,
        %swap3A_394 = vector.shape_cast %swap3A_393 : vector<1x16xf32> to vector<16xf32>
        %swap3A_395 = vector.shape_cast %gather3A_389 : vector<16xf32> to vector<1x16xf32>
        tpu.vector_store %arg9[%swap3A_391, %swap3A_392], %swap3A_395 {strides = array<i32>} : memref<4x8192xf32, #tpu.memory_space<vmem>>, vector<1x16xf32>,
        %reshape3A_396 = vector.shape_cast %get3A_281 : vector<16xi32> to vector<16x1xi32>
        %gather3A_397 = vector.shape_cast %reshape3A_396 : vector<16x1xi32> to vector<16xi32>
        %gather3A_398 = tpu.dynamic_gather %get3A_21[%gather3A_397] in [0] : vector<16xf32>, vector<16xi32> -> vector<16xf32>
        %swap3A_399 = arith.constant 3 : i32
        %swap3A_400 = arith.index_cast %swap3A_399 : i32 to index
        %swap3A_401 = arith.index_cast %mul3A_185 : i32 to index
        %swap3A_402 = tpu.vector_load %arg9[%swap3A_400, %swap3A_401] {strides = array<i32>} : memref<4x8192xf32, #tpu.memory_space<vmem>>, vector<1x16xf32>,
        %swap3A_403 = vector.shape_cast %swap3A_402 : vector<1x16xf32> to vector<16xf32>
        %swap3A_404 = vector.shape_cast %gather3A_398 : vector<16xf32> to vector<1x16xf32>
        tpu.vector_store %arg9[%swap3A_400, %swap3A_401], %swap3A_404 {strides = array<i32>} : memref<4x8192xf32, #tpu.memory_space<vmem>>, vector<1x16xf32>,
        %reshape3A_405 = vector.shape_cast %get3A_287 : vector<16xi32> to vector<16x1xi32>
        %gather3A_406 = vector.shape_cast %reshape3A_405 : vector<16x1xi32> to vector<16xi32>
        %gather3A_407 = tpu.dynamic_gather %get3A_6[%gather3A_406] in [0] : vector<16xf32>, vector<16xi32> -> vector<16xf32>
        %swap3A_408 = arith.constant 0 : i32
        %swap3A_409 = arith.index_cast %swap3A_408 : i32 to index
        %swap3A_410 = arith.index_cast %mul3A_191 : i32 to index
        %swap3A_411 = tpu.vector_load %arg9[%swap3A_409, %swap3A_410] {strides = array<i32>} : memref<4x8192xf32, #tpu.memory_space<vmem>>, vector<1x16xf32>,
        %swap3A_412 = vector.shape_cast %swap3A_411 : vector<1x16xf32> to vector<16xf32>
        %swap3A_413 = vector.shape_cast %gather3A_407 : vector<16xf32> to vector<1x16xf32>
        tpu.vector_store %arg9[%swap3A_409, %swap3A_410], %swap3A_413 {strides = array<i32>} : memref<4x8192xf32, #tpu.memory_space<vmem>>, vector<1x16xf32>,
        %reshape3A_414 = vector.shape_cast %get3A_287 : vector<16xi32> to vector<16x1xi32>
        %gather3A_415 = vector.shape_cast %reshape3A_414 : vector<16x1xi32> to vector<16xi32>
        %gather3A_416 = tpu.dynamic_gather %get3A_11[%gather3A_415] in [0] : vector<16xf32>, vector<16xi32> -> vector<16xf32>
        %swap3A_417 = arith.constant 1 : i32
        %swap3A_418 = arith.index_cast %swap3A_417 : i32 to index
        %swap3A_419 = arith.index_cast %mul3A_191 : i32 to index
        %swap3A_420 = tpu.vector_load %arg9[%swap3A_418, %swap3A_419] {strides = array<i32>} : memref<4x8192xf32, #tpu.memory_space<vmem>>, vector<1x16xf32>,
        %swap3A_421 = vector.shape_cast %swap3A_420 : vector<1x16xf32> to vector<16xf32>
        %swap3A_422 = vector.shape_cast %gather3A_416 : vector<16xf32> to vector<1x16xf32>
        tpu.vector_store %arg9[%swap3A_418, %swap3A_419], %swap3A_422 {strides = array<i32>} : memref<4x8192xf32, #tpu.memory_space<vmem>>, vector<1x16xf32>,
        %reshape3A_423 = vector.shape_cast %get3A_287 : vector<16xi32> to vector<16x1xi32>
        %gather3A_424 = vector.shape_cast %reshape3A_423 : vector<16x1xi32> to vector<16xi32>
        %gather3A_425 = tpu.dynamic_gather %get3A_16[%gather3A_424] in [0] : vector<16xf32>, vector<16xi32> -> vector<16xf32>
        %swap3A_426 = arith.constant 2 : i32
        %swap3A_427 = arith.index_cast %swap3A_426 : i32 to index
        %swap3A_428 = arith.index_cast %mul3A_191 : i32 to index
        %swap3A_429 = tpu.vector_load %arg9[%swap3A_427, %swap3A_428] {strides = array<i32>} : memref<4x8192xf32, #tpu.memory_space<vmem>>, vector<1x16xf32>,
        %swap3A_430 = vector.shape_cast %swap3A_429 : vector<1x16xf32> to vector<16xf32>
        %swap3A_431 = vector.shape_cast %gather3A_425 : vector<16xf32> to vector<1x16xf32>
        tpu.vector_store %arg9[%swap3A_427, %swap3A_428], %swap3A_431 {strides = array<i32>} : memref<4x8192xf32, #tpu.memory_space<vmem>>, vector<1x16xf32>,
        %reshape3A_432 = vector.shape_cast %get3A_287 : vector<16xi32> to vector<16x1xi32>
        %gather3A_433 = vector.shape_cast %reshape3A_432 : vector<16x1xi32> to vector<16xi32>
        %gather3A_434 = tpu.dynamic_gather %get3A_21[%gather3A_433] in [0] : vector<16xf32>, vector<16xi32> -> vector<16xf32>
        %swap3A_435 = arith.constant 3 : i32
        %swap3A_436 = arith.index_cast %swap3A_435 : i32 to index
        %swap3A_437 = arith.index_cast %mul3A_191 : i32 to index
        %swap3A_438 = tpu.vector_load %arg9[%swap3A_436, %swap3A_437] {strides = array<i32>} : memref<4x8192xf32, #tpu.memory_space<vmem>>, vector<1x16xf32>,
        %swap3A_439 = vector.shape_cast %swap3A_438 : vector<1x16xf32> to vector<16xf32>
        %swap3A_440 = vector.shape_cast %gather3A_434 : vector<16xf32> to vector<1x16xf32>
        tpu.vector_store %arg9[%swap3A_436, %swap3A_437], %swap3A_440 {strides = array<i32>} : memref<4x8192xf32, #tpu.memory_space<vmem>>, vector<1x16xf32>,
        %reshape3A_441 = vector.shape_cast %get3A_293 : vector<16xi32> to vector<16x1xi32>
        %gather3A_442 = vector.shape_cast %reshape3A_441 : vector<16x1xi32> to vector<16xi32>
        %gather3A_443 = tpu.dynamic_gather %get3A_6[%gather3A_442] in [0] : vector<16xf32>, vector<16xi32> -> vector<16xf32>
        %swap3A_444 = arith.constant 0 : i32
        %swap3A_445 = arith.index_cast %swap3A_444 : i32 to index
        %swap3A_446 = arith.index_cast %mul3A_197 : i32 to index
        %swap3A_447 = tpu.vector_load %arg9[%swap3A_445, %swap3A_446] {strides = array<i32>} : memref<4x8192xf32, #tpu.memory_space<vmem>>, vector<1x16xf32>,
        %swap3A_448 = vector.shape_cast %swap3A_447 : vector<1x16xf32> to vector<16xf32>
        %swap3A_449 = vector.shape_cast %gather3A_443 : vector<16xf32> to vector<1x16xf32>
        tpu.vector_store %arg9[%swap3A_445, %swap3A_446], %swap3A_449 {strides = array<i32>} : memref<4x8192xf32, #tpu.memory_space<vmem>>, vector<1x16xf32>,
        %reshape3A_450 = vector.shape_cast %get3A_293 : vector<16xi32> to vector<16x1xi32>
        %gather3A_451 = vector.shape_cast %reshape3A_450 : vector<16x1xi32> to vector<16xi32>
        %gather3A_452 = tpu.dynamic_gather %get3A_11[%gather3A_451] in [0] : vector<16xf32>, vector<16xi32> -> vector<16xf32>
        %swap3A_453 = arith.constant 1 : i32
        %swap3A_454 = arith.index_cast %swap3A_453 : i32 to index
        %swap3A_455 = arith.index_cast %mul3A_197 : i32 to index
        %swap3A_456 = tpu.vector_load %arg9[%swap3A_454, %swap3A_455] {strides = array<i32>} : memref<4x8192xf32, #tpu.memory_space<vmem>>, vector<1x16xf32>,
        %swap3A_457 = vector.shape_cast %swap3A_456 : vector<1x16xf32> to vector<16xf32>
        %swap3A_458 = vector.shape_cast %gather3A_452 : vector<16xf32> to vector<1x16xf32>
        tpu.vector_store %arg9[%swap3A_454, %swap3A_455], %swap3A_458 {strides = array<i32>} : memref<4x8192xf32, #tpu.memory_space<vmem>>, vector<1x16xf32>,
        %reshape3A_459 = vector.shape_cast %get3A_293 : vector<16xi32> to vector<16x1xi32>
        %gather3A_460 = vector.shape_cast %reshape3A_459 : vector<16x1xi32> to vector<16xi32>
        %gather3A_461 = tpu.dynamic_gather %get3A_16[%gather3A_460] in [0] : vector<16xf32>, vector<16xi32> -> vector<16xf32>
        %swap3A_462 = arith.constant 2 : i32
        %swap3A_463 = arith.index_cast %swap3A_462 : i32 to index
        %swap3A_464 = arith.index_cast %mul3A_197 : i32 to index
        %swap3A_465 = tpu.vector_load %arg9[%swap3A_463, %swap3A_464] {strides = array<i32>} : memref<4x8192xf32, #tpu.memory_space<vmem>>, vector<1x16xf32>,
        %swap3A_466 = vector.shape_cast %swap3A_465 : vector<1x16xf32> to vector<16xf32>
        %swap3A_467 = vector.shape_cast %gather3A_461 : vector<16xf32> to vector<1x16xf32>
        tpu.vector_store %arg9[%swap3A_463, %swap3A_464], %swap3A_467 {strides = array<i32>} : memref<4x8192xf32, #tpu.memory_space<vmem>>, vector<1x16xf32>,
        %reshape3A_468 = vector.shape_cast %get3A_293 : vector<16xi32> to vector<16x1xi32>
        %gather3A_469 = vector.shape_cast %reshape3A_468 : vector<16x1xi32> to vector<16xi32>
        %gather3A_470 = tpu.dynamic_gather %get3A_21[%gather3A_469] in [0] : vector<16xf32>, vector<16xi32> -> vector<16xf32>
        %swap3A_471 = arith.constant 3 : i32
        %swap3A_472 = arith.index_cast %swap3A_471 : i32 to index
        %swap3A_473 = arith.index_cast %mul3A_197 : i32 to index
        %swap3A_474 = tpu.vector_load %arg9[%swap3A_472, %swap3A_473] {strides = array<i32>} : memref<4x8192xf32, #tpu.memory_space<vmem>>, vector<1x16xf32>,
        %swap3A_475 = vector.shape_cast %swap3A_474 : vector<1x16xf32> to vector<16xf32>
        %swap3A_476 = vector.shape_cast %gather3A_470 : vector<16xf32> to vector<1x16xf32>
        tpu.vector_store %arg9[%swap3A_472, %swap3A_473], %swap3A_476 {strides = array<i32>} : memref<4x8192xf32, #tpu.memory_space<vmem>>, vector<1x16xf32>,
        %reshape3A_477 = vector.shape_cast %get3A_299 : vector<16xi32> to vector<16x1xi32>
        %gather3A_478 = vector.shape_cast %reshape3A_477 : vector<16x1xi32> to vector<16xi32>
        %gather3A_479 = tpu.dynamic_gather %get3A_6[%gather3A_478] in [0] : vector<16xf32>, vector<16xi32> -> vector<16xf32>
        %swap3A_480 = arith.constant 0 : i32
        %swap3A_481 = arith.index_cast %swap3A_480 : i32 to index
        %swap3A_482 = arith.index_cast %mul3A_203 : i32 to index
        %swap3A_483 = tpu.vector_load %arg9[%swap3A_481, %swap3A_482] {strides = array<i32>} : memref<4x8192xf32, #tpu.memory_space<vmem>>, vector<1x16xf32>,
        %swap3A_484 = vector.shape_cast %swap3A_483 : vector<1x16xf32> to vector<16xf32>
        %swap3A_485 = vector.shape_cast %gather3A_479 : vector<16xf32> to vector<1x16xf32>
        tpu.vector_store %arg9[%swap3A_481, %swap3A_482], %swap3A_485 {strides = array<i32>} : memref<4x8192xf32, #tpu.memory_space<vmem>>, vector<1x16xf32>,
        %reshape3A_486 = vector.shape_cast %get3A_299 : vector<16xi32> to vector<16x1xi32>
        %gather3A_487 = vector.shape_cast %reshape3A_486 : vector<16x1xi32> to vector<16xi32>
        %gather3A_488 = tpu.dynamic_gather %get3A_11[%gather3A_487] in [0] : vector<16xf32>, vector<16xi32> -> vector<16xf32>
        %swap3A_489 = arith.constant 1 : i32
        %swap3A_490 = arith.index_cast %swap3A_489 : i32 to index
        %swap3A_491 = arith.index_cast %mul3A_203 : i32 to index
        %swap3A_492 = tpu.vector_load %arg9[%swap3A_490, %swap3A_491] {strides = array<i32>} : memref<4x8192xf32, #tpu.memory_space<vmem>>, vector<1x16xf32>,
        %swap3A_493 = vector.shape_cast %swap3A_492 : vector<1x16xf32> to vector<16xf32>
        %swap3A_494 = vector.shape_cast %gather3A_488 : vector<16xf32> to vector<1x16xf32>
        tpu.vector_store %arg9[%swap3A_490, %swap3A_491], %swap3A_494 {strides = array<i32>} : memref<4x8192xf32, #tpu.memory_space<vmem>>, vector<1x16xf32>,
        %reshape3A_495 = vector.shape_cast %get3A_299 : vector<16xi32> to vector<16x1xi32>
        %gather3A_496 = vector.shape_cast %reshape3A_495 : vector<16x1xi32> to vector<16xi32>
        %gather3A_497 = tpu.dynamic_gather %get3A_16[%gather3A_496] in [0] : vector<16xf32>, vector<16xi32> -> vector<16xf32>
        %swap3A_498 = arith.constant 2 : i32
        %swap3A_499 = arith.index_cast %swap3A_498 : i32 to index
        %swap3A_500 = arith.index_cast %mul3A_203 : i32 to index
        %swap3A_501 = tpu.vector_load %arg9[%swap3A_499, %swap3A_500] {strides = array<i32>} : memref<4x8192xf32, #tpu.memory_space<vmem>>, vector<1x16xf32>,
        %swap3A_502 = vector.shape_cast %swap3A_501 : vector<1x16xf32> to vector<16xf32>
        %swap3A_503 = vector.shape_cast %gather3A_497 : vector<16xf32> to vector<1x16xf32>
        tpu.vector_store %arg9[%swap3A_499, %swap3A_500], %swap3A_503 {strides = array<i32>} : memref<4x8192xf32, #tpu.memory_space<vmem>>, vector<1x16xf32>,
        %reshape3A_504 = vector.shape_cast %get3A_299 : vector<16xi32> to vector<16x1xi32>
        %gather3A_505 = vector.shape_cast %reshape3A_504 : vector<16x1xi32> to vector<16xi32>
        %gather3A_506 = tpu.dynamic_gather %get3A_21[%gather3A_505] in [0] : vector<16xf32>, vector<16xi32> -> vector<16xf32>
        %swap3A_507 = arith.constant 3 : i32
        %swap3A_508 = arith.index_cast %swap3A_507 : i32 to index
        %swap3A_509 = arith.index_cast %mul3A_203 : i32 to index
        %swap3A_510 = tpu.vector_load %arg9[%swap3A_508, %swap3A_509] {strides = array<i32>} : memref<4x8192xf32, #tpu.memory_space<vmem>>, vector<1x16xf32>,
        %swap3A_511 = vector.shape_cast %swap3A_510 : vector<1x16xf32> to vector<16xf32>
        %swap3A_512 = vector.shape_cast %gather3A_506 : vector<16xf32> to vector<1x16xf32>
        tpu.vector_store %arg9[%swap3A_508, %swap3A_509], %swap3A_512 {strides = array<i32>} : memref<4x8192xf32, #tpu.memory_space<vmem>>, vector<1x16xf32>,
        %reshape3A_513 = vector.shape_cast %get3A_305 : vector<16xi32> to vector<16x1xi32>
        %gather3A_514 = vector.shape_cast %reshape3A_513 : vector<16x1xi32> to vector<16xi32>
        %gather3A_515 = tpu.dynamic_gather %get3A_6[%gather3A_514] in [0] : vector<16xf32>, vector<16xi32> -> vector<16xf32>
        %swap3A_516 = arith.constant 0 : i32
        %swap3A_517 = arith.index_cast %swap3A_516 : i32 to index
        %swap3A_518 = arith.index_cast %mul3A_209 : i32 to index
        %swap3A_519 = tpu.vector_load %arg9[%swap3A_517, %swap3A_518] {strides = array<i32>} : memref<4x8192xf32, #tpu.memory_space<vmem>>, vector<1x16xf32>,
        %swap3A_520 = vector.shape_cast %swap3A_519 : vector<1x16xf32> to vector<16xf32>
        %swap3A_521 = vector.shape_cast %gather3A_515 : vector<16xf32> to vector<1x16xf32>
        tpu.vector_store %arg9[%swap3A_517, %swap3A_518], %swap3A_521 {strides = array<i32>} : memref<4x8192xf32, #tpu.memory_space<vmem>>, vector<1x16xf32>,
        %reshape3A_522 = vector.shape_cast %get3A_305 : vector<16xi32> to vector<16x1xi32>
        %gather3A_523 = vector.shape_cast %reshape3A_522 : vector<16x1xi32> to vector<16xi32>
        %gather3A_524 = tpu.dynamic_gather %get3A_11[%gather3A_523] in [0] : vector<16xf32>, vector<16xi32> -> vector<16xf32>
        %swap3A_525 = arith.constant 1 : i32
        %swap3A_526 = arith.index_cast %swap3A_525 : i32 to index
        %swap3A_527 = arith.index_cast %mul3A_209 : i32 to index
        %swap3A_528 = tpu.vector_load %arg9[%swap3A_526, %swap3A_527] {strides = array<i32>} : memref<4x8192xf32, #tpu.memory_space<vmem>>, vector<1x16xf32>,
        %swap3A_529 = vector.shape_cast %swap3A_528 : vector<1x16xf32> to vector<16xf32>
        %swap3A_530 = vector.shape_cast %gather3A_524 : vector<16xf32> to vector<1x16xf32>
        tpu.vector_store %arg9[%swap3A_526, %swap3A_527], %swap3A_530 {strides = array<i32>} : memref<4x8192xf32, #tpu.memory_space<vmem>>, vector<1x16xf32>,
        %reshape3A_531 = vector.shape_cast %get3A_305 : vector<16xi32> to vector<16x1xi32>
        %gather3A_532 = vector.shape_cast %reshape3A_531 : vector<16x1xi32> to vector<16xi32>
        %gather3A_533 = tpu.dynamic_gather %get3A_16[%gather3A_532] in [0] : vector<16xf32>, vector<16xi32> -> vector<16xf32>
        %swap3A_534 = arith.constant 2 : i32
        %swap3A_535 = arith.index_cast %swap3A_534 : i32 to index
        %swap3A_536 = arith.index_cast %mul3A_209 : i32 to index
        %swap3A_537 = tpu.vector_load %arg9[%swap3A_535, %swap3A_536] {strides = array<i32>} : memref<4x8192xf32, #tpu.memory_space<vmem>>, vector<1x16xf32>,
        %swap3A_538 = vector.shape_cast %swap3A_537 : vector<1x16xf32> to vector<16xf32>
        %swap3A_539 = vector.shape_cast %gather3A_533 : vector<16xf32> to vector<1x16xf32>
        tpu.vector_store %arg9[%swap3A_535, %swap3A_536], %swap3A_539 {strides = array<i32>} : memref<4x8192xf32, #tpu.memory_space<vmem>>, vector<1x16xf32>,
        %reshape3A_540 = vector.shape_cast %get3A_305 : vector<16xi32> to vector<16x1xi32>
        %gather3A_541 = vector.shape_cast %reshape3A_540 : vector<16x1xi32> to vector<16xi32>
        %gather3A_542 = tpu.dynamic_gather %get3A_21[%gather3A_541] in [0] : vector<16xf32>, vector<16xi32> -> vector<16xf32>
        %swap3A_543 = arith.constant 3 : i32
        %swap3A_544 = arith.index_cast %swap3A_543 : i32 to index
        %swap3A_545 = arith.index_cast %mul3A_209 : i32 to index
        %swap3A_546 = tpu.vector_load %arg9[%swap3A_544, %swap3A_545] {strides = array<i32>} : memref<4x8192xf32, #tpu.memory_space<vmem>>, vector<1x16xf32>,
        %swap3A_547 = vector.shape_cast %swap3A_546 : vector<1x16xf32> to vector<16xf32>
        %swap3A_548 = vector.shape_cast %gather3A_542 : vector<16xf32> to vector<1x16xf32>
        tpu.vector_store %arg9[%swap3A_544, %swap3A_545], %swap3A_548 {strides = array<i32>} : memref<4x8192xf32, #tpu.memory_space<vmem>>, vector<1x16xf32>,
        %reshape3A_549 = vector.shape_cast %get3A_311 : vector<16xi32> to vector<16x1xi32>
        %gather3A_550 = vector.shape_cast %reshape3A_549 : vector<16x1xi32> to vector<16xi32>
        %gather3A_551 = tpu.dynamic_gather %get3A_6[%gather3A_550] in [0] : vector<16xf32>, vector<16xi32> -> vector<16xf32>
        %swap3A_552 = arith.constant 0 : i32
        %swap3A_553 = arith.index_cast %swap3A_552 : i32 to index
        %swap3A_554 = arith.index_cast %mul3A_215 : i32 to index
        %swap3A_555 = tpu.vector_load %arg9[%swap3A_553, %swap3A_554] {strides = array<i32>} : memref<4x8192xf32, #tpu.memory_space<vmem>>, vector<1x16xf32>,
        %swap3A_556 = vector.shape_cast %swap3A_555 : vector<1x16xf32> to vector<16xf32>
        %swap3A_557 = vector.shape_cast %gather3A_551 : vector<16xf32> to vector<1x16xf32>
        tpu.vector_store %arg9[%swap3A_553, %swap3A_554], %swap3A_557 {strides = array<i32>} : memref<4x8192xf32, #tpu.memory_space<vmem>>, vector<1x16xf32>,
        %reshape3A_558 = vector.shape_cast %get3A_311 : vector<16xi32> to vector<16x1xi32>
        %gather3A_559 = vector.shape_cast %reshape3A_558 : vector<16x1xi32> to vector<16xi32>
        %gather3A_560 = tpu.dynamic_gather %get3A_11[%gather3A_559] in [0] : vector<16xf32>, vector<16xi32> -> vector<16xf32>
        %swap3A_561 = arith.constant 1 : i32
        %swap3A_562 = arith.index_cast %swap3A_561 : i32 to index
        %swap3A_563 = arith.index_cast %mul3A_215 : i32 to index
        %swap3A_564 = tpu.vector_load %arg9[%swap3A_562, %swap3A_563] {strides = array<i32>} : memref<4x8192xf32, #tpu.memory_space<vmem>>, vector<1x16xf32>,
        %swap3A_565 = vector.shape_cast %swap3A_564 : vector<1x16xf32> to vector<16xf32>
        %swap3A_566 = vector.shape_cast %gather3A_560 : vector<16xf32> to vector<1x16xf32>
        tpu.vector_store %arg9[%swap3A_562, %swap3A_563], %swap3A_566 {strides = array<i32>} : memref<4x8192xf32, #tpu.memory_space<vmem>>, vector<1x16xf32>,
        %reshape3A_567 = vector.shape_cast %get3A_311 : vector<16xi32> to vector<16x1xi32>
        %gather3A_568 = vector.shape_cast %reshape3A_567 : vector<16x1xi32> to vector<16xi32>
        %gather3A_569 = tpu.dynamic_gather %get3A_16[%gather3A_568] in [0] : vector<16xf32>, vector<16xi32> -> vector<16xf32>
        %swap3A_570 = arith.constant 2 : i32
        %swap3A_571 = arith.index_cast %swap3A_570 : i32 to index
        %swap3A_572 = arith.index_cast %mul3A_215 : i32 to index
        %swap3A_573 = tpu.vector_load %arg9[%swap3A_571, %swap3A_572] {strides = array<i32>} : memref<4x8192xf32, #tpu.memory_space<vmem>>, vector<1x16xf32>,
        %swap3A_574 = vector.shape_cast %swap3A_573 : vector<1x16xf32> to vector<16xf32>
        %swap3A_575 = vector.shape_cast %gather3A_569 : vector<16xf32> to vector<1x16xf32>
        tpu.vector_store %arg9[%swap3A_571, %swap3A_572], %swap3A_575 {strides = array<i32>} : memref<4x8192xf32, #tpu.memory_space<vmem>>, vector<1x16xf32>,
        %reshape3A_576 = vector.shape_cast %get3A_311 : vector<16xi32> to vector<16x1xi32>
        %gather3A_577 = vector.shape_cast %reshape3A_576 : vector<16x1xi32> to vector<16xi32>
        %gather3A_578 = tpu.dynamic_gather %get3A_21[%gather3A_577] in [0] : vector<16xf32>, vector<16xi32> -> vector<16xf32>
        %swap3A_579 = arith.constant 3 : i32
        %swap3A_580 = arith.index_cast %swap3A_579 : i32 to index
        %swap3A_581 = arith.index_cast %mul3A_215 : i32 to index
        %swap3A_582 = tpu.vector_load %arg9[%swap3A_580, %swap3A_581] {strides = array<i32>} : memref<4x8192xf32, #tpu.memory_space<vmem>>, vector<1x16xf32>,
        %swap3A_583 = vector.shape_cast %swap3A_582 : vector<1x16xf32> to vector<16xf32>
        %swap3A_584 = vector.shape_cast %gather3A_578 : vector<16xf32> to vector<1x16xf32>
        tpu.vector_store %arg9[%swap3A_580, %swap3A_581], %swap3A_584 {strides = array<i32>} : memref<4x8192xf32, #tpu.memory_space<vmem>>, vector<1x16xf32>,
        %reshape3A_585 = vector.shape_cast %get3A_317 : vector<16xi32> to vector<16x1xi32>
        %gather3A_586 = vector.shape_cast %reshape3A_585 : vector<16x1xi32> to vector<16xi32>
        %gather3A_587 = tpu.dynamic_gather %get3A_6[%gather3A_586] in [0] : vector<16xf32>, vector<16xi32> -> vector<16xf32>
        %swap3A_588 = arith.constant 0 : i32
        %swap3A_589 = arith.index_cast %swap3A_588 : i32 to index
        %swap3A_590 = arith.index_cast %mul3A_221 : i32 to index
        %swap3A_591 = tpu.vector_load %arg9[%swap3A_589, %swap3A_590] {strides = array<i32>} : memref<4x8192xf32, #tpu.memory_space<vmem>>, vector<1x16xf32>,
        %swap3A_592 = vector.shape_cast %swap3A_591 : vector<1x16xf32> to vector<16xf32>
        %swap3A_593 = vector.shape_cast %gather3A_587 : vector<16xf32> to vector<1x16xf32>
        tpu.vector_store %arg9[%swap3A_589, %swap3A_590], %swap3A_593 {strides = array<i32>} : memref<4x8192xf32, #tpu.memory_space<vmem>>, vector<1x16xf32>,
        %reshape3A_594 = vector.shape_cast %get3A_317 : vector<16xi32> to vector<16x1xi32>
        %gather3A_595 = vector.shape_cast %reshape3A_594 : vector<16x1xi32> to vector<16xi32>
        %gather3A_596 = tpu.dynamic_gather %get3A_11[%gather3A_595] in [0] : vector<16xf32>, vector<16xi32> -> vector<16xf32>
        %swap3A_597 = arith.constant 1 : i32
        %swap3A_598 = arith.index_cast %swap3A_597 : i32 to index
        %swap3A_599 = arith.index_cast %mul3A_221 : i32 to index
        %swap3A_600 = tpu.vector_load %arg9[%swap3A_598, %swap3A_599] {strides = array<i32>} : memref<4x8192xf32, #tpu.memory_space<vmem>>, vector<1x16xf32>,
        %swap3A_601 = vector.shape_cast %swap3A_600 : vector<1x16xf32> to vector<16xf32>
        %swap3A_602 = vector.shape_cast %gather3A_596 : vector<16xf32> to vector<1x16xf32>
        tpu.vector_store %arg9[%swap3A_598, %swap3A_599], %swap3A_602 {strides = array<i32>} : memref<4x8192xf32, #tpu.memory_space<vmem>>, vector<1x16xf32>,
        %reshape3A_603 = vector.shape_cast %get3A_317 : vector<16xi32> to vector<16x1xi32>
        %gather3A_604 = vector.shape_cast %reshape3A_603 : vector<16x1xi32> to vector<16xi32>
        %gather3A_605 = tpu.dynamic_gather %get3A_16[%gather3A_604] in [0] : vector<16xf32>, vector<16xi32> -> vector<16xf32>
        %swap3A_606 = arith.constant 2 : i32
        %swap3A_607 = arith.index_cast %swap3A_606 : i32 to index
        %swap3A_608 = arith.index_cast %mul3A_221 : i32 to index
        %swap3A_609 = tpu.vector_load %arg9[%swap3A_607, %swap3A_608] {strides = array<i32>} : memref<4x8192xf32, #tpu.memory_space<vmem>>, vector<1x16xf32>,
        %swap3A_610 = vector.shape_cast %swap3A_609 : vector<1x16xf32> to vector<16xf32>
        %swap3A_611 = vector.shape_cast %gather3A_605 : vector<16xf32> to vector<1x16xf32>
        tpu.vector_store %arg9[%swap3A_607, %swap3A_608], %swap3A_611 {strides = array<i32>} : memref<4x8192xf32, #tpu.memory_space<vmem>>, vector<1x16xf32>,
        %reshape3A_612 = vector.shape_cast %get3A_317 : vector<16xi32> to vector<16x1xi32>
        %gather3A_613 = vector.shape_cast %reshape3A_612 : vector<16x1xi32> to vector<16xi32>
        %gather3A_614 = tpu.dynamic_gather %get3A_21[%gather3A_613] in [0] : vector<16xf32>, vector<16xi32> -> vector<16xf32>
        %swap3A_615 = arith.constant 3 : i32
        %swap3A_616 = arith.index_cast %swap3A_615 : i32 to index
        %swap3A_617 = arith.index_cast %mul3A_221 : i32 to index
        %swap3A_618 = tpu.vector_load %arg9[%swap3A_616, %swap3A_617] {strides = array<i32>} : memref<4x8192xf32, #tpu.memory_space<vmem>>, vector<1x16xf32>,
        %swap3A_619 = vector.shape_cast %swap3A_618 : vector<1x16xf32> to vector<16xf32>
        %swap3A_620 = vector.shape_cast %gather3A_614 : vector<16xf32> to vector<1x16xf32>
        tpu.vector_store %arg9[%swap3A_616, %swap3A_617], %swap3A_620 {strides = array<i32>} : memref<4x8192xf32, #tpu.memory_space<vmem>>, vector<1x16xf32>,
        %reshape3A_621 = vector.shape_cast %get3A_323 : vector<16xi32> to vector<16x1xi32>
        %gather3A_622 = vector.shape_cast %reshape3A_621 : vector<16x1xi32> to vector<16xi32>
        %gather3A_623 = tpu.dynamic_gather %get3A_6[%gather3A_622] in [0] : vector<16xf32>, vector<16xi32> -> vector<16xf32>
        %swap3A_624 = arith.constant 0 : i32
        %swap3A_625 = arith.index_cast %swap3A_624 : i32 to index
        %swap3A_626 = arith.index_cast %mul3A_227 : i32 to index
        %swap3A_627 = tpu.vector_load %arg9[%swap3A_625, %swap3A_626] {strides = array<i32>} : memref<4x8192xf32, #tpu.memory_space<vmem>>, vector<1x16xf32>,
        %swap3A_628 = vector.shape_cast %swap3A_627 : vector<1x16xf32> to vector<16xf32>
        %swap3A_629 = vector.shape_cast %gather3A_623 : vector<16xf32> to vector<1x16xf32>
        tpu.vector_store %arg9[%swap3A_625, %swap3A_626], %swap3A_629 {strides = array<i32>} : memref<4x8192xf32, #tpu.memory_space<vmem>>, vector<1x16xf32>,
        %reshape3A_630 = vector.shape_cast %get3A_323 : vector<16xi32> to vector<16x1xi32>
        %gather3A_631 = vector.shape_cast %reshape3A_630 : vector<16x1xi32> to vector<16xi32>
        %gather3A_632 = tpu.dynamic_gather %get3A_11[%gather3A_631] in [0] : vector<16xf32>, vector<16xi32> -> vector<16xf32>
        %swap3A_633 = arith.constant 1 : i32
        %swap3A_634 = arith.index_cast %swap3A_633 : i32 to index
        %swap3A_635 = arith.index_cast %mul3A_227 : i32 to index
        %swap3A_636 = tpu.vector_load %arg9[%swap3A_634, %swap3A_635] {strides = array<i32>} : memref<4x8192xf32, #tpu.memory_space<vmem>>, vector<1x16xf32>,
        %swap3A_637 = vector.shape_cast %swap3A_636 : vector<1x16xf32> to vector<16xf32>
        %swap3A_638 = vector.shape_cast %gather3A_632 : vector<16xf32> to vector<1x16xf32>
        tpu.vector_store %arg9[%swap3A_634, %swap3A_635], %swap3A_638 {strides = array<i32>} : memref<4x8192xf32, #tpu.memory_space<vmem>>, vector<1x16xf32>,
        %reshape3A_639 = vector.shape_cast %get3A_323 : vector<16xi32> to vector<16x1xi32>
        %gather3A_640 = vector.shape_cast %reshape3A_639 : vector<16x1xi32> to vector<16xi32>
        %gather3A_641 = tpu.dynamic_gather %get3A_16[%gather3A_640] in [0] : vector<16xf32>, vector<16xi32> -> vector<16xf32>
        %swap3A_642 = arith.constant 2 : i32
        %swap3A_643 = arith.index_cast %swap3A_642 : i32 to index
        %swap3A_644 = arith.index_cast %mul3A_227 : i32 to index
        %swap3A_645 = tpu.vector_load %arg9[%swap3A_643, %swap3A_644] {strides = array<i32>} : memref<4x8192xf32, #tpu.memory_space<vmem>>, vector<1x16xf32>,
        %swap3A_646 = vector.shape_cast %swap3A_645 : vector<1x16xf32> to vector<16xf32>
        %swap3A_647 = vector.shape_cast %gather3A_641 : vector<16xf32> to vector<1x16xf32>
        tpu.vector_store %arg9[%swap3A_643, %swap3A_644], %swap3A_647 {strides = array<i32>} : memref<4x8192xf32, #tpu.memory_space<vmem>>, vector<1x16xf32>,
        %reshape3A_648 = vector.shape_cast %get3A_323 : vector<16xi32> to vector<16x1xi32>
        %gather3A_649 = vector.shape_cast %reshape3A_648 : vector<16x1xi32> to vector<16xi32>
        %gather3A_650 = tpu.dynamic_gather %get3A_21[%gather3A_649] in [0] : vector<16xf32>, vector<16xi32> -> vector<16xf32>
        %swap3A_651 = arith.constant 3 : i32
        %swap3A_652 = arith.index_cast %swap3A_651 : i32 to index
        %swap3A_653 = arith.index_cast %mul3A_227 : i32 to index
        %swap3A_654 = tpu.vector_load %arg9[%swap3A_652, %swap3A_653] {strides = array<i32>} : memref<4x8192xf32, #tpu.memory_space<vmem>>, vector<1x16xf32>,
        %swap3A_655 = vector.shape_cast %swap3A_654 : vector<1x16xf32> to vector<16xf32>
        %swap3A_656 = vector.shape_cast %gather3A_650 : vector<16xf32> to vector<1x16xf32>
        tpu.vector_store %arg9[%swap3A_652, %swap3A_653], %swap3A_656 {strides = array<i32>} : memref<4x8192xf32, #tpu.memory_space<vmem>>, vector<1x16xf32>,
        %reshape3A_657 = vector.shape_cast %get3A_329 : vector<16xi32> to vector<16x1xi32>
        %gather3A_658 = vector.shape_cast %reshape3A_657 : vector<16x1xi32> to vector<16xi32>
        %gather3A_659 = tpu.dynamic_gather %get3A_6[%gather3A_658] in [0] : vector<16xf32>, vector<16xi32> -> vector<16xf32>
        %swap3A_660 = arith.constant 0 : i32
        %swap3A_661 = arith.index_cast %swap3A_660 : i32 to index
        %swap3A_662 = arith.index_cast %mul3A_233 : i32 to index
        %swap3A_663 = tpu.vector_load %arg9[%swap3A_661, %swap3A_662] {strides = array<i32>} : memref<4x8192xf32, #tpu.memory_space<vmem>>, vector<1x16xf32>,
        %swap3A_664 = vector.shape_cast %swap3A_663 : vector<1x16xf32> to vector<16xf32>
        %swap3A_665 = vector.shape_cast %gather3A_659 : vector<16xf32> to vector<1x16xf32>
        tpu.vector_store %arg9[%swap3A_661, %swap3A_662], %swap3A_665 {strides = array<i32>} : memref<4x8192xf32, #tpu.memory_space<vmem>>, vector<1x16xf32>,
        %reshape3A_666 = vector.shape_cast %get3A_329 : vector<16xi32> to vector<16x1xi32>
        %gather3A_667 = vector.shape_cast %reshape3A_666 : vector<16x1xi32> to vector<16xi32>
        %gather3A_668 = tpu.dynamic_gather %get3A_11[%gather3A_667] in [0] : vector<16xf32>, vector<16xi32> -> vector<16xf32>
        %swap3A_669 = arith.constant 1 : i32
        %swap3A_670 = arith.index_cast %swap3A_669 : i32 to index
        %swap3A_671 = arith.index_cast %mul3A_233 : i32 to index
        %swap3A_672 = tpu.vector_load %arg9[%swap3A_670, %swap3A_671] {strides = array<i32>} : memref<4x8192xf32, #tpu.memory_space<vmem>>, vector<1x16xf32>,
        %swap3A_673 = vector.shape_cast %swap3A_672 : vector<1x16xf32> to vector<16xf32>
        %swap3A_674 = vector.shape_cast %gather3A_668 : vector<16xf32> to vector<1x16xf32>
        tpu.vector_store %arg9[%swap3A_670, %swap3A_671], %swap3A_674 {strides = array<i32>} : memref<4x8192xf32, #tpu.memory_space<vmem>>, vector<1x16xf32>,
        %reshape3A_675 = vector.shape_cast %get3A_329 : vector<16xi32> to vector<16x1xi32>
        %gather3A_676 = vector.shape_cast %reshape3A_675 : vector<16x1xi32> to vector<16xi32>
        %gather3A_677 = tpu.dynamic_gather %get3A_16[%gather3A_676] in [0] : vector<16xf32>, vector<16xi32> -> vector<16xf32>
        %swap3A_678 = arith.constant 2 : i32
        %swap3A_679 = arith.index_cast %swap3A_678 : i32 to index
        %swap3A_680 = arith.index_cast %mul3A_233 : i32 to index
        %swap3A_681 = tpu.vector_load %arg9[%swap3A_679, %swap3A_680] {strides = array<i32>} : memref<4x8192xf32, #tpu.memory_space<vmem>>, vector<1x16xf32>,
        %swap3A_682 = vector.shape_cast %swap3A_681 : vector<1x16xf32> to vector<16xf32>
        %swap3A_683 = vector.shape_cast %gather3A_677 : vector<16xf32> to vector<1x16xf32>
        tpu.vector_store %arg9[%swap3A_679, %swap3A_680], %swap3A_683 {strides = array<i32>} : memref<4x8192xf32, #tpu.memory_space<vmem>>, vector<1x16xf32>,
        %reshape3A_684 = vector.shape_cast %get3A_329 : vector<16xi32> to vector<16x1xi32>
        %gather3A_685 = vector.shape_cast %reshape3A_684 : vector<16x1xi32> to vector<16xi32>
        %gather3A_686 = tpu.dynamic_gather %get3A_21[%gather3A_685] in [0] : vector<16xf32>, vector<16xi32> -> vector<16xf32>
        %swap3A_687 = arith.constant 3 : i32
        %swap3A_688 = arith.index_cast %swap3A_687 : i32 to index
        %swap3A_689 = arith.index_cast %mul3A_233 : i32 to index
        %swap3A_690 = tpu.vector_load %arg9[%swap3A_688, %swap3A_689] {strides = array<i32>} : memref<4x8192xf32, #tpu.memory_space<vmem>>, vector<1x16xf32>,
        %swap3A_691 = vector.shape_cast %swap3A_690 : vector<1x16xf32> to vector<16xf32>
        %swap3A_692 = vector.shape_cast %gather3A_686 : vector<16xf32> to vector<1x16xf32>
        tpu.vector_store %arg9[%swap3A_688, %swap3A_689], %swap3A_692 {strides = array<i32>} : memref<4x8192xf32, #tpu.memory_space<vmem>>, vector<1x16xf32>,
        %reshape3A_693 = vector.shape_cast %get3A_335 : vector<16xi32> to vector<16x1xi32>
        %gather3A_694 = vector.shape_cast %reshape3A_693 : vector<16x1xi32> to vector<16xi32>
        %gather3A_695 = tpu.dynamic_gather %get3A_6[%gather3A_694] in [0] : vector<16xf32>, vector<16xi32> -> vector<16xf32>
        %swap3A_696 = arith.constant 0 : i32
        %swap3A_697 = arith.index_cast %swap3A_696 : i32 to index
        %swap3A_698 = arith.index_cast %mul3A_239 : i32 to index
        %swap3A_699 = tpu.vector_load %arg9[%swap3A_697, %swap3A_698] {strides = array<i32>} : memref<4x8192xf32, #tpu.memory_space<vmem>>, vector<1x16xf32>,
        %swap3A_700 = vector.shape_cast %swap3A_699 : vector<1x16xf32> to vector<16xf32>
        %swap3A_701 = vector.shape_cast %gather3A_695 : vector<16xf32> to vector<1x16xf32>
        tpu.vector_store %arg9[%swap3A_697, %swap3A_698], %swap3A_701 {strides = array<i32>} : memref<4x8192xf32, #tpu.memory_space<vmem>>, vector<1x16xf32>,
        %reshape3A_702 = vector.shape_cast %get3A_335 : vector<16xi32> to vector<16x1xi32>
        %gather3A_703 = vector.shape_cast %reshape3A_702 : vector<16x1xi32> to vector<16xi32>
        %gather3A_704 = tpu.dynamic_gather %get3A_11[%gather3A_703] in [0] : vector<16xf32>, vector<16xi32> -> vector<16xf32>
        %swap3A_705 = arith.constant 1 : i32
        %swap3A_706 = arith.index_cast %swap3A_705 : i32 to index
        %swap3A_707 = arith.index_cast %mul3A_239 : i32 to index
        %swap3A_708 = tpu.vector_load %arg9[%swap3A_706, %swap3A_707] {strides = array<i32>} : memref<4x8192xf32, #tpu.memory_space<vmem>>, vector<1x16xf32>,
        %swap3A_709 = vector.shape_cast %swap3A_708 : vector<1x16xf32> to vector<16xf32>
        %swap3A_710 = vector.shape_cast %gather3A_704 : vector<16xf32> to vector<1x16xf32>
        tpu.vector_store %arg9[%swap3A_706, %swap3A_707], %swap3A_710 {strides = array<i32>} : memref<4x8192xf32, #tpu.memory_space<vmem>>, vector<1x16xf32>,
        %reshape3A_711 = vector.shape_cast %get3A_335 : vector<16xi32> to vector<16x1xi32>
        %gather3A_712 = vector.shape_cast %reshape3A_711 : vector<16x1xi32> to vector<16xi32>
        %gather3A_713 = tpu.dynamic_gather %get3A_16[%gather3A_712] in [0] : vector<16xf32>, vector<16xi32> -> vector<16xf32>
        %swap3A_714 = arith.constant 2 : i32
        %swap3A_715 = arith.index_cast %swap3A_714 : i32 to index
        %swap3A_716 = arith.index_cast %mul3A_239 : i32 to index
        %swap3A_717 = tpu.vector_load %arg9[%swap3A_715, %swap3A_716] {strides = array<i32>} : memref<4x8192xf32, #tpu.memory_space<vmem>>, vector<1x16xf32>,
        %swap3A_718 = vector.shape_cast %swap3A_717 : vector<1x16xf32> to vector<16xf32>
        %swap3A_719 = vector.shape_cast %gather3A_713 : vector<16xf32> to vector<1x16xf32>
        tpu.vector_store %arg9[%swap3A_715, %swap3A_716], %swap3A_719 {strides = array<i32>} : memref<4x8192xf32, #tpu.memory_space<vmem>>, vector<1x16xf32>,
        %reshape3A_720 = vector.shape_cast %get3A_335 : vector<16xi32> to vector<16x1xi32>
        %gather3A_721 = vector.shape_cast %reshape3A_720 : vector<16x1xi32> to vector<16xi32>
        %gather3A_722 = tpu.dynamic_gather %get3A_21[%gather3A_721] in [0] : vector<16xf32>, vector<16xi32> -> vector<16xf32>
        %swap3A_723 = arith.constant 3 : i32
        %swap3A_724 = arith.index_cast %swap3A_723 : i32 to index
        %swap3A_725 = arith.index_cast %mul3A_239 : i32 to index
        %swap3A_726 = tpu.vector_load %arg9[%swap3A_724, %swap3A_725] {strides = array<i32>} : memref<4x8192xf32, #tpu.memory_space<vmem>>, vector<1x16xf32>,
        %swap3A_727 = vector.shape_cast %swap3A_726 : vector<1x16xf32> to vector<16xf32>
        %swap3A_728 = vector.shape_cast %gather3A_722 : vector<16xf32> to vector<1x16xf32>
        tpu.vector_store %arg9[%swap3A_724, %swap3A_725], %swap3A_728 {strides = array<i32>} : memref<4x8192xf32, #tpu.memory_space<vmem>>, vector<1x16xf32>,
        %reshape3A_729 = vector.shape_cast %get3A_341 : vector<16xi32> to vector<16x1xi32>
        %gather3A_730 = vector.shape_cast %reshape3A_729 : vector<16x1xi32> to vector<16xi32>
        %gather3A_731 = tpu.dynamic_gather %get3A_6[%gather3A_730] in [0] : vector<16xf32>, vector<16xi32> -> vector<16xf32>
        %swap3A_732 = arith.constant 0 : i32
        %swap3A_733 = arith.index_cast %swap3A_732 : i32 to index
        %swap3A_734 = arith.index_cast %mul3A_245 : i32 to index
        %swap3A_735 = tpu.vector_load %arg9[%swap3A_733, %swap3A_734] {strides = array<i32>} : memref<4x8192xf32, #tpu.memory_space<vmem>>, vector<1x16xf32>,
        %swap3A_736 = vector.shape_cast %swap3A_735 : vector<1x16xf32> to vector<16xf32>
        %swap3A_737 = vector.shape_cast %gather3A_731 : vector<16xf32> to vector<1x16xf32>
        tpu.vector_store %arg9[%swap3A_733, %swap3A_734], %swap3A_737 {strides = array<i32>} : memref<4x8192xf32, #tpu.memory_space<vmem>>, vector<1x16xf32>,
        %reshape3A_738 = vector.shape_cast %get3A_341 : vector<16xi32> to vector<16x1xi32>
        %gather3A_739 = vector.shape_cast %reshape3A_738 : vector<16x1xi32> to vector<16xi32>
        %gather3A_740 = tpu.dynamic_gather %get3A_11[%gather3A_739] in [0] : vector<16xf32>, vector<16xi32> -> vector<16xf32>
        %swap3A_741 = arith.constant 1 : i32
        %swap3A_742 = arith.index_cast %swap3A_741 : i32 to index
        %swap3A_743 = arith.index_cast %mul3A_245 : i32 to index
        %swap3A_744 = tpu.vector_load %arg9[%swap3A_742, %swap3A_743] {strides = array<i32>} : memref<4x8192xf32, #tpu.memory_space<vmem>>, vector<1x16xf32>,
        %swap3A_745 = vector.shape_cast %swap3A_744 : vector<1x16xf32> to vector<16xf32>
        %swap3A_746 = vector.shape_cast %gather3A_740 : vector<16xf32> to vector<1x16xf32>
        tpu.vector_store %arg9[%swap3A_742, %swap3A_743], %swap3A_746 {strides = array<i32>} : memref<4x8192xf32, #tpu.memory_space<vmem>>, vector<1x16xf32>,
        %reshape3A_747 = vector.shape_cast %get3A_341 : vector<16xi32> to vector<16x1xi32>
        %gather3A_748 = vector.shape_cast %reshape3A_747 : vector<16x1xi32> to vector<16xi32>
        %gather3A_749 = tpu.dynamic_gather %get3A_16[%gather3A_748] in [0] : vector<16xf32>, vector<16xi32> -> vector<16xf32>
        %swap3A_750 = arith.constant 2 : i32
        %swap3A_751 = arith.index_cast %swap3A_750 : i32 to index
        %swap3A_752 = arith.index_cast %mul3A_245 : i32 to index
        %swap3A_753 = tpu.vector_load %arg9[%swap3A_751, %swap3A_752] {strides = array<i32>} : memref<4x8192xf32, #tpu.memory_space<vmem>>, vector<1x16xf32>,
        %swap3A_754 = vector.shape_cast %swap3A_753 : vector<1x16xf32> to vector<16xf32>
        %swap3A_755 = vector.shape_cast %gather3A_749 : vector<16xf32> to vector<1x16xf32>
        tpu.vector_store %arg9[%swap3A_751, %swap3A_752], %swap3A_755 {strides = array<i32>} : memref<4x8192xf32, #tpu.memory_space<vmem>>, vector<1x16xf32>,
        %reshape3A_756 = vector.shape_cast %get3A_341 : vector<16xi32> to vector<16x1xi32>
        %gather3A_757 = vector.shape_cast %reshape3A_756 : vector<16x1xi32> to vector<16xi32>
        %gather3A_758 = tpu.dynamic_gather %get3A_21[%gather3A_757] in [0] : vector<16xf32>, vector<16xi32> -> vector<16xf32>
        %swap3A_759 = arith.constant 3 : i32
        %swap3A_760 = arith.index_cast %swap3A_759 : i32 to index
        %swap3A_761 = arith.index_cast %mul3A_245 : i32 to index
        %swap3A_762 = tpu.vector_load %arg9[%swap3A_760, %swap3A_761] {strides = array<i32>} : memref<4x8192xf32, #tpu.memory_space<vmem>>, vector<1x16xf32>,
        %swap3A_763 = vector.shape_cast %swap3A_762 : vector<1x16xf32> to vector<16xf32>
        %swap3A_764 = vector.shape_cast %gather3A_758 : vector<16xf32> to vector<1x16xf32>
        tpu.vector_store %arg9[%swap3A_760, %swap3A_761], %swap3A_764 {strides = array<i32>} : memref<4x8192xf32, #tpu.memory_space<vmem>>, vector<1x16xf32>,
        %reshape3A_765 = vector.shape_cast %get3A_347 : vector<16xi32> to vector<16x1xi32>
        %gather3A_766 = vector.shape_cast %reshape3A_765 : vector<16x1xi32> to vector<16xi32>
        %gather3A_767 = tpu.dynamic_gather %get3A_6[%gather3A_766] in [0] : vector<16xf32>, vector<16xi32> -> vector<16xf32>
        %swap3A_768 = arith.constant 0 : i32
        %swap3A_769 = arith.index_cast %swap3A_768 : i32 to index
        %swap3A_770 = arith.index_cast %mul3A_251 : i32 to index
        %swap3A_771 = tpu.vector_load %arg9[%swap3A_769, %swap3A_770] {strides = array<i32>} : memref<4x8192xf32, #tpu.memory_space<vmem>>, vector<1x16xf32>,
        %swap3A_772 = vector.shape_cast %swap3A_771 : vector<1x16xf32> to vector<16xf32>
        %swap3A_773 = vector.shape_cast %gather3A_767 : vector<16xf32> to vector<1x16xf32>
        tpu.vector_store %arg9[%swap3A_769, %swap3A_770], %swap3A_773 {strides = array<i32>} : memref<4x8192xf32, #tpu.memory_space<vmem>>, vector<1x16xf32>,
        %reshape3A_774 = vector.shape_cast %get3A_347 : vector<16xi32> to vector<16x1xi32>
        %gather3A_775 = vector.shape_cast %reshape3A_774 : vector<16x1xi32> to vector<16xi32>
        %gather3A_776 = tpu.dynamic_gather %get3A_11[%gather3A_775] in [0] : vector<16xf32>, vector<16xi32> -> vector<16xf32>
        %swap3A_777 = arith.constant 1 : i32
        %swap3A_778 = arith.index_cast %swap3A_777 : i32 to index
        %swap3A_779 = arith.index_cast %mul3A_251 : i32 to index
        %swap3A_780 = tpu.vector_load %arg9[%swap3A_778, %swap3A_779] {strides = array<i32>} : memref<4x8192xf32, #tpu.memory_space<vmem>>, vector<1x16xf32>,
        %swap3A_781 = vector.shape_cast %swap3A_780 : vector<1x16xf32> to vector<16xf32>
        %swap3A_782 = vector.shape_cast %gather3A_776 : vector<16xf32> to vector<1x16xf32>
        tpu.vector_store %arg9[%swap3A_778, %swap3A_779], %swap3A_782 {strides = array<i32>} : memref<4x8192xf32, #tpu.memory_space<vmem>>, vector<1x16xf32>,
        %reshape3A_783 = vector.shape_cast %get3A_347 : vector<16xi32> to vector<16x1xi32>
        %gather3A_784 = vector.shape_cast %reshape3A_783 : vector<16x1xi32> to vector<16xi32>
        %gather3A_785 = tpu.dynamic_gather %get3A_16[%gather3A_784] in [0] : vector<16xf32>, vector<16xi32> -> vector<16xf32>
        %swap3A_786 = arith.constant 2 : i32
        %swap3A_787 = arith.index_cast %swap3A_786 : i32 to index
        %swap3A_788 = arith.index_cast %mul3A_251 : i32 to index
        %swap3A_789 = tpu.vector_load %arg9[%swap3A_787, %swap3A_788] {strides = array<i32>} : memref<4x8192xf32, #tpu.memory_space<vmem>>, vector<1x16xf32>,
        %swap3A_790 = vector.shape_cast %swap3A_789 : vector<1x16xf32> to vector<16xf32>
        %swap3A_791 = vector.shape_cast %gather3A_785 : vector<16xf32> to vector<1x16xf32>
        tpu.vector_store %arg9[%swap3A_787, %swap3A_788], %swap3A_791 {strides = array<i32>} : memref<4x8192xf32, #tpu.memory_space<vmem>>, vector<1x16xf32>,
        %reshape3A_792 = vector.shape_cast %get3A_347 : vector<16xi32> to vector<16x1xi32>
        %gather3A_793 = vector.shape_cast %reshape3A_792 : vector<16x1xi32> to vector<16xi32>
        %gather3A_794 = tpu.dynamic_gather %get3A_21[%gather3A_793] in [0] : vector<16xf32>, vector<16xi32> -> vector<16xf32>
        %swap3A_795 = arith.constant 3 : i32
        %swap3A_796 = arith.index_cast %swap3A_795 : i32 to index
        %swap3A_797 = arith.index_cast %mul3A_251 : i32 to index
        %swap3A_798 = tpu.vector_load %arg9[%swap3A_796, %swap3A_797] {strides = array<i32>} : memref<4x8192xf32, #tpu.memory_space<vmem>>, vector<1x16xf32>,
        %swap3A_799 = vector.shape_cast %swap3A_798 : vector<1x16xf32> to vector<16xf32>
        %swap3A_800 = vector.shape_cast %gather3A_794 : vector<16xf32> to vector<1x16xf32>
        tpu.vector_store %arg9[%swap3A_796, %swap3A_797], %swap3A_800 {strides = array<i32>} : memref<4x8192xf32, #tpu.memory_space<vmem>>, vector<1x16xf32>,
        %reshape3A_801 = vector.shape_cast %get3A_353 : vector<16xi32> to vector<16x1xi32>
        %gather3A_802 = vector.shape_cast %reshape3A_801 : vector<16x1xi32> to vector<16xi32>
        %gather3A_803 = tpu.dynamic_gather %get3A_6[%gather3A_802] in [0] : vector<16xf32>, vector<16xi32> -> vector<16xf32>
        %swap3A_804 = arith.constant 0 : i32
        %swap3A_805 = arith.index_cast %swap3A_804 : i32 to index
        %swap3A_806 = arith.index_cast %mul3A_257 : i32 to index
        %swap3A_807 = tpu.vector_load %arg9[%swap3A_805, %swap3A_806] {strides = array<i32>} : memref<4x8192xf32, #tpu.memory_space<vmem>>, vector<1x16xf32>,
        %swap3A_808 = vector.shape_cast %swap3A_807 : vector<1x16xf32> to vector<16xf32>
        %swap3A_809 = vector.shape_cast %gather3A_803 : vector<16xf32> to vector<1x16xf32>
        tpu.vector_store %arg9[%swap3A_805, %swap3A_806], %swap3A_809 {strides = array<i32>} : memref<4x8192xf32, #tpu.memory_space<vmem>>, vector<1x16xf32>,
        %reshape3A_810 = vector.shape_cast %get3A_353 : vector<16xi32> to vector<16x1xi32>
        %gather3A_811 = vector.shape_cast %reshape3A_810 : vector<16x1xi32> to vector<16xi32>
        %gather3A_812 = tpu.dynamic_gather %get3A_11[%gather3A_811] in [0] : vector<16xf32>, vector<16xi32> -> vector<16xf32>
        %swap3A_813 = arith.constant 1 : i32
        %swap3A_814 = arith.index_cast %swap3A_813 : i32 to index
        %swap3A_815 = arith.index_cast %mul3A_257 : i32 to index
        %swap3A_816 = tpu.vector_load %arg9[%swap3A_814, %swap3A_815] {strides = array<i32>} : memref<4x8192xf32, #tpu.memory_space<vmem>>, vector<1x16xf32>,
        %swap3A_817 = vector.shape_cast %swap3A_816 : vector<1x16xf32> to vector<16xf32>
        %swap3A_818 = vector.shape_cast %gather3A_812 : vector<16xf32> to vector<1x16xf32>
        tpu.vector_store %arg9[%swap3A_814, %swap3A_815], %swap3A_818 {strides = array<i32>} : memref<4x8192xf32, #tpu.memory_space<vmem>>, vector<1x16xf32>,
        %reshape3A_819 = vector.shape_cast %get3A_353 : vector<16xi32> to vector<16x1xi32>
        %gather3A_820 = vector.shape_cast %reshape3A_819 : vector<16x1xi32> to vector<16xi32>
        %gather3A_821 = tpu.dynamic_gather %get3A_16[%gather3A_820] in [0] : vector<16xf32>, vector<16xi32> -> vector<16xf32>
        %swap3A_822 = arith.constant 2 : i32
        %swap3A_823 = arith.index_cast %swap3A_822 : i32 to index
        %swap3A_824 = arith.index_cast %mul3A_257 : i32 to index
        %swap3A_825 = tpu.vector_load %arg9[%swap3A_823, %swap3A_824] {strides = array<i32>} : memref<4x8192xf32, #tpu.memory_space<vmem>>, vector<1x16xf32>,
        %swap3A_826 = vector.shape_cast %swap3A_825 : vector<1x16xf32> to vector<16xf32>
        %swap3A_827 = vector.shape_cast %gather3A_821 : vector<16xf32> to vector<1x16xf32>
        tpu.vector_store %arg9[%swap3A_823, %swap3A_824], %swap3A_827 {strides = array<i32>} : memref<4x8192xf32, #tpu.memory_space<vmem>>, vector<1x16xf32>,
        %reshape3A_828 = vector.shape_cast %get3A_353 : vector<16xi32> to vector<16x1xi32>
        %gather3A_829 = vector.shape_cast %reshape3A_828 : vector<16x1xi32> to vector<16xi32>
        %gather3A_830 = tpu.dynamic_gather %get3A_21[%gather3A_829] in [0] : vector<16xf32>, vector<16xi32> -> vector<16xf32>
        %swap3A_831 = arith.constant 3 : i32
        %swap3A_832 = arith.index_cast %swap3A_831 : i32 to index
        %swap3A_833 = arith.index_cast %mul3A_257 : i32 to index
        %swap3A_834 = tpu.vector_load %arg9[%swap3A_832, %swap3A_833] {strides = array<i32>} : memref<4x8192xf32, #tpu.memory_space<vmem>>, vector<1x16xf32>,
        %swap3A_835 = vector.shape_cast %swap3A_834 : vector<1x16xf32> to vector<16xf32>
        %swap3A_836 = vector.shape_cast %gather3A_830 : vector<16xf32> to vector<1x16xf32>
        tpu.vector_store %arg9[%swap3A_832, %swap3A_833], %swap3A_836 {strides = array<i32>} : memref<4x8192xf32, #tpu.memory_space<vmem>>, vector<1x16xf32>,
        %reshape3A_837 = vector.shape_cast %get3A_359 : vector<16xi32> to vector<16x1xi32>
        %gather3A_838 = vector.shape_cast %reshape3A_837 : vector<16x1xi32> to vector<16xi32>
        %gather3A_839 = tpu.dynamic_gather %get3A_6[%gather3A_838] in [0] : vector<16xf32>, vector<16xi32> -> vector<16xf32>
        %swap3A_840 = arith.constant 0 : i32
        %swap3A_841 = arith.index_cast %swap3A_840 : i32 to index
        %swap3A_842 = arith.index_cast %mul3A_263 : i32 to index
        %swap3A_843 = tpu.vector_load %arg9[%swap3A_841, %swap3A_842] {strides = array<i32>} : memref<4x8192xf32, #tpu.memory_space<vmem>>, vector<1x16xf32>,
        %swap3A_844 = vector.shape_cast %swap3A_843 : vector<1x16xf32> to vector<16xf32>
        %swap3A_845 = vector.shape_cast %gather3A_839 : vector<16xf32> to vector<1x16xf32>
        tpu.vector_store %arg9[%swap3A_841, %swap3A_842], %swap3A_845 {strides = array<i32>} : memref<4x8192xf32, #tpu.memory_space<vmem>>, vector<1x16xf32>,
        %reshape3A_846 = vector.shape_cast %get3A_359 : vector<16xi32> to vector<16x1xi32>
        %gather3A_847 = vector.shape_cast %reshape3A_846 : vector<16x1xi32> to vector<16xi32>
        %gather3A_848 = tpu.dynamic_gather %get3A_11[%gather3A_847] in [0] : vector<16xf32>, vector<16xi32> -> vector<16xf32>
        %swap3A_849 = arith.constant 1 : i32
        %swap3A_850 = arith.index_cast %swap3A_849 : i32 to index
        %swap3A_851 = arith.index_cast %mul3A_263 : i32 to index
        %swap3A_852 = tpu.vector_load %arg9[%swap3A_850, %swap3A_851] {strides = array<i32>} : memref<4x8192xf32, #tpu.memory_space<vmem>>, vector<1x16xf32>,
        %swap3A_853 = vector.shape_cast %swap3A_852 : vector<1x16xf32> to vector<16xf32>
        %swap3A_854 = vector.shape_cast %gather3A_848 : vector<16xf32> to vector<1x16xf32>
        tpu.vector_store %arg9[%swap3A_850, %swap3A_851], %swap3A_854 {strides = array<i32>} : memref<4x8192xf32, #tpu.memory_space<vmem>>, vector<1x16xf32>,
        %reshape3A_855 = vector.shape_cast %get3A_359 : vector<16xi32> to vector<16x1xi32>
        %gather3A_856 = vector.shape_cast %reshape3A_855 : vector<16x1xi32> to vector<16xi32>
        %gather3A_857 = tpu.dynamic_gather %get3A_16[%gather3A_856] in [0] : vector<16xf32>, vector<16xi32> -> vector<16xf32>
        %swap3A_858 = arith.constant 2 : i32
        %swap3A_859 = arith.index_cast %swap3A_858 : i32 to index
        %swap3A_860 = arith.index_cast %mul3A_263 : i32 to index
        %swap3A_861 = tpu.vector_load %arg9[%swap3A_859, %swap3A_860] {strides = array<i32>} : memref<4x8192xf32, #tpu.memory_space<vmem>>, vector<1x16xf32>,
        %swap3A_862 = vector.shape_cast %swap3A_861 : vector<1x16xf32> to vector<16xf32>
        %swap3A_863 = vector.shape_cast %gather3A_857 : vector<16xf32> to vector<1x16xf32>
        tpu.vector_store %arg9[%swap3A_859, %swap3A_860], %swap3A_863 {strides = array<i32>} : memref<4x8192xf32, #tpu.memory_space<vmem>>, vector<1x16xf32>,
        %reshape3A_864 = vector.shape_cast %get3A_359 : vector<16xi32> to vector<16x1xi32>
        %gather3A_865 = vector.shape_cast %reshape3A_864 : vector<16x1xi32> to vector<16xi32>
        %gather3A_866 = tpu.dynamic_gather %get3A_21[%gather3A_865] in [0] : vector<16xf32>, vector<16xi32> -> vector<16xf32>
        %swap3A_867 = arith.constant 3 : i32
        %swap3A_868 = arith.index_cast %swap3A_867 : i32 to index
        %swap3A_869 = arith.index_cast %mul3A_263 : i32 to index
        %swap3A_870 = tpu.vector_load %arg9[%swap3A_868, %swap3A_869] {strides = array<i32>} : memref<4x8192xf32, #tpu.memory_space<vmem>>, vector<1x16xf32>,
        %swap3A_871 = vector.shape_cast %swap3A_870 : vector<1x16xf32> to vector<16xf32>
        %swap3A_872 = vector.shape_cast %gather3A_866 : vector<16xf32> to vector<1x16xf32>
        tpu.vector_store %arg9[%swap3A_868, %swap3A_869], %swap3A_872 {strides = array<i32>} : memref<4x8192xf32, #tpu.memory_space<vmem>>, vector<1x16xf32>,
        %reshape3A_873 = vector.shape_cast %get3A_365 : vector<16xi32> to vector<16x1xi32>
        %gather3A_874 = vector.shape_cast %reshape3A_873 : vector<16x1xi32> to vector<16xi32>
        %gather3A_875 = tpu.dynamic_gather %get3A_6[%gather3A_874] in [0] : vector<16xf32>, vector<16xi32> -> vector<16xf32>
        %swap3A_876 = arith.constant 0 : i32
        %swap3A_877 = arith.index_cast %swap3A_876 : i32 to index
        %swap3A_878 = arith.index_cast %mul3A_269 : i32 to index
        %swap3A_879 = tpu.vector_load %arg9[%swap3A_877, %swap3A_878] {strides = array<i32>} : memref<4x8192xf32, #tpu.memory_space<vmem>>, vector<1x16xf32>,
        %swap3A_880 = vector.shape_cast %swap3A_879 : vector<1x16xf32> to vector<16xf32>
        %swap3A_881 = vector.shape_cast %gather3A_875 : vector<16xf32> to vector<1x16xf32>
        tpu.vector_store %arg9[%swap3A_877, %swap3A_878], %swap3A_881 {strides = array<i32>} : memref<4x8192xf32, #tpu.memory_space<vmem>>, vector<1x16xf32>,
        %reshape3A_882 = vector.shape_cast %get3A_365 : vector<16xi32> to vector<16x1xi32>
        %gather3A_883 = vector.shape_cast %reshape3A_882 : vector<16x1xi32> to vector<16xi32>
        %gather3A_884 = tpu.dynamic_gather %get3A_11[%gather3A_883] in [0] : vector<16xf32>, vector<16xi32> -> vector<16xf32>
        %swap3A_885 = arith.constant 1 : i32
        %swap3A_886 = arith.index_cast %swap3A_885 : i32 to index
        %swap3A_887 = arith.index_cast %mul3A_269 : i32 to index
        %swap3A_888 = tpu.vector_load %arg9[%swap3A_886, %swap3A_887] {strides = array<i32>} : memref<4x8192xf32, #tpu.memory_space<vmem>>, vector<1x16xf32>,
        %swap3A_889 = vector.shape_cast %swap3A_888 : vector<1x16xf32> to vector<16xf32>
        %swap3A_890 = vector.shape_cast %gather3A_884 : vector<16xf32> to vector<1x16xf32>
        tpu.vector_store %arg9[%swap3A_886, %swap3A_887], %swap3A_890 {strides = array<i32>} : memref<4x8192xf32, #tpu.memory_space<vmem>>, vector<1x16xf32>,
        %reshape3A_891 = vector.shape_cast %get3A_365 : vector<16xi32> to vector<16x1xi32>
        %gather3A_892 = vector.shape_cast %reshape3A_891 : vector<16x1xi32> to vector<16xi32>
        %gather3A_893 = tpu.dynamic_gather %get3A_16[%gather3A_892] in [0] : vector<16xf32>, vector<16xi32> -> vector<16xf32>
        %swap3A_894 = arith.constant 2 : i32
        %swap3A_895 = arith.index_cast %swap3A_894 : i32 to index
        %swap3A_896 = arith.index_cast %mul3A_269 : i32 to index
        %swap3A_897 = tpu.vector_load %arg9[%swap3A_895, %swap3A_896] {strides = array<i32>} : memref<4x8192xf32, #tpu.memory_space<vmem>>, vector<1x16xf32>,
        %swap3A_898 = vector.shape_cast %swap3A_897 : vector<1x16xf32> to vector<16xf32>
        %swap3A_899 = vector.shape_cast %gather3A_893 : vector<16xf32> to vector<1x16xf32>
        tpu.vector_store %arg9[%swap3A_895, %swap3A_896], %swap3A_899 {strides = array<i32>} : memref<4x8192xf32, #tpu.memory_space<vmem>>, vector<1x16xf32>,
        %reshape3A_900 = vector.shape_cast %get3A_365 : vector<16xi32> to vector<16x1xi32>
        %gather3A_901 = vector.shape_cast %reshape3A_900 : vector<16x1xi32> to vector<16xi32>
        %gather3A_902 = tpu.dynamic_gather %get3A_21[%gather3A_901] in [0] : vector<16xf32>, vector<16xi32> -> vector<16xf32>
        %swap3A_903 = arith.constant 3 : i32
        %swap3A_904 = arith.index_cast %swap3A_903 : i32 to index
        %swap3A_905 = arith.index_cast %mul3A_269 : i32 to index
        %swap3A_906 = tpu.vector_load %arg9[%swap3A_904, %swap3A_905] {strides = array<i32>} : memref<4x8192xf32, #tpu.memory_space<vmem>>, vector<1x16xf32>,
        %swap3A_907 = vector.shape_cast %swap3A_906 : vector<1x16xf32> to vector<16xf32>
        %swap3A_908 = vector.shape_cast %gather3A_902 : vector<16xf32> to vector<1x16xf32>
        tpu.vector_store %arg9[%swap3A_904, %swap3A_905], %swap3A_908 {strides = array<i32>} : memref<4x8192xf32, #tpu.memory_space<vmem>>, vector<1x16xf32>,
        %reshape3A_909 = vector.shape_cast %get3A_371 : vector<16xi32> to vector<16x1xi32>
        %gather3A_910 = vector.shape_cast %reshape3A_909 : vector<16x1xi32> to vector<16xi32>
        %gather3A_911 = tpu.dynamic_gather %get3A_6[%gather3A_910] in [0] : vector<16xf32>, vector<16xi32> -> vector<16xf32>
        %swap3A_912 = arith.constant 0 : i32
        %swap3A_913 = arith.index_cast %swap3A_912 : i32 to index
        %swap3A_914 = arith.index_cast %mul3A_275 : i32 to index
        %swap3A_915 = tpu.vector_load %arg9[%swap3A_913, %swap3A_914] {strides = array<i32>} : memref<4x8192xf32, #tpu.memory_space<vmem>>, vector<1x16xf32>,
        %swap3A_916 = vector.shape_cast %swap3A_915 : vector<1x16xf32> to vector<16xf32>
        %swap3A_917 = vector.shape_cast %gather3A_911 : vector<16xf32> to vector<1x16xf32>
        tpu.vector_store %arg9[%swap3A_913, %swap3A_914], %swap3A_917 {strides = array<i32>} : memref<4x8192xf32, #tpu.memory_space<vmem>>, vector<1x16xf32>,
        %reshape3A_918 = vector.shape_cast %get3A_371 : vector<16xi32> to vector<16x1xi32>
        %gather3A_919 = vector.shape_cast %reshape3A_918 : vector<16x1xi32> to vector<16xi32>
        %gather3A_920 = tpu.dynamic_gather %get3A_11[%gather3A_919] in [0] : vector<16xf32>, vector<16xi32> -> vector<16xf32>
        %swap3A_921 = arith.constant 1 : i32
        %swap3A_922 = arith.index_cast %swap3A_921 : i32 to index
        %swap3A_923 = arith.index_cast %mul3A_275 : i32 to index
        %swap3A_924 = tpu.vector_load %arg9[%swap3A_922, %swap3A_923] {strides = array<i32>} : memref<4x8192xf32, #tpu.memory_space<vmem>>, vector<1x16xf32>,
        %swap3A_925 = vector.shape_cast %swap3A_924 : vector<1x16xf32> to vector<16xf32>
        %swap3A_926 = vector.shape_cast %gather3A_920 : vector<16xf32> to vector<1x16xf32>
        tpu.vector_store %arg9[%swap3A_922, %swap3A_923], %swap3A_926 {strides = array<i32>} : memref<4x8192xf32, #tpu.memory_space<vmem>>, vector<1x16xf32>,
        %reshape3A_927 = vector.shape_cast %get3A_371 : vector<16xi32> to vector<16x1xi32>
        %gather3A_928 = vector.shape_cast %reshape3A_927 : vector<16x1xi32> to vector<16xi32>
        %gather3A_929 = tpu.dynamic_gather %get3A_16[%gather3A_928] in [0] : vector<16xf32>, vector<16xi32> -> vector<16xf32>
        %swap3A_930 = arith.constant 2 : i32
        %swap3A_931 = arith.index_cast %swap3A_930 : i32 to index
        %swap3A_932 = arith.index_cast %mul3A_275 : i32 to index
        %swap3A_933 = tpu.vector_load %arg9[%swap3A_931, %swap3A_932] {strides = array<i32>} : memref<4x8192xf32, #tpu.memory_space<vmem>>, vector<1x16xf32>,
        %swap3A_934 = vector.shape_cast %swap3A_933 : vector<1x16xf32> to vector<16xf32>
        %swap3A_935 = vector.shape_cast %gather3A_929 : vector<16xf32> to vector<1x16xf32>
        tpu.vector_store %arg9[%swap3A_931, %swap3A_932], %swap3A_935 {strides = array<i32>} : memref<4x8192xf32, #tpu.memory_space<vmem>>, vector<1x16xf32>,
        %reshape3A_936 = vector.shape_cast %get3A_371 : vector<16xi32> to vector<16x1xi32>
        %gather3A_937 = vector.shape_cast %reshape3A_936 : vector<16x1xi32> to vector<16xi32>
        %gather3A_938 = tpu.dynamic_gather %get3A_21[%gather3A_937] in [0] : vector<16xf32>, vector<16xi32> -> vector<16xf32>
        %swap3A_939 = arith.constant 3 : i32
        %swap3A_940 = arith.index_cast %swap3A_939 : i32 to index
        %swap3A_941 = arith.index_cast %mul3A_275 : i32 to index
        %swap3A_942 = tpu.vector_load %arg9[%swap3A_940, %swap3A_941] {strides = array<i32>} : memref<4x8192xf32, #tpu.memory_space<vmem>>, vector<1x16xf32>,
        %swap3A_943 = vector.shape_cast %swap3A_942 : vector<1x16xf32> to vector<16xf32>
        %swap3A_944 = vector.shape_cast %gather3A_938 : vector<16xf32> to vector<1x16xf32>
        tpu.vector_store %arg9[%swap3A_940, %swap3A_941], %swap3A_944 {strides = array<i32>} : memref<4x8192xf32, #tpu.memory_space<vmem>>, vector<1x16xf32>,
      }
      %scan3A_104 = arith.constant 32 : i32
      %dma_start3A_105 = arith.constant 0 : i32
      %dma_start3A_106 = arith.constant 0 : i32
      %dma_start3A_107 = tpu.memref_slice %arg4[%add3A_92, %dma_start3A_105, %dma_start3A_106] : memref<1024x4x8192xf32, #tpu.memory_space<hbm>> -> memref<1x4x8192xf32, #tpu.memory_space<hbm>>
      %dma_start3A_108 = tpu.memref_squeeze %dma_start3A_107 : memref<1x4x8192xf32, #tpu.memory_space<hbm>> -> memref<4x8192xf32, #tpu.memory_space<hbm>>
      %dma_start3A_109 = arith.constant 0 : i32
      %dma_start3A_110 = arith.constant 0 : i32
      %dma_start3A_111 = tpu.memref_slice %arg4[%add3A_92, %dma_start3A_109, %dma_start3A_110] : memref<1024x4x8192xf32, #tpu.memory_space<hbm>> -> memref<1x4x8192xf32, #tpu.memory_space<hbm>>
      %dma_start3A_112 = tpu.memref_squeeze %dma_start3A_111 : memref<1x4x8192xf32, #tpu.memory_space<hbm>> -> memref<4x8192xf32, #tpu.memory_space<hbm>>
      tpu.enqueue_dma source(%arg9 : memref<4x8192xf32, #tpu.memory_space<vmem>>) target(%dma_start3A_112 : memref<4x8192xf32, #tpu.memory_space<hbm>>) target_semaphore(%arg11 : memref<!tpu.dma_semaphore, #tpu.memory_space<semaphore_mem>>)
      %mul3A_113 = arith.constant 2 : i32
      %mul3A_114 = arith.muli %scan3A_50, %mul3A_113 : i32
      %add3A_115 = arith.constant 1 : i32
      %add3A_116 = arith.addi %mul3A_114, %add3A_115 : i32
      %mul3A_117 = arith.constant 2 : i32
      %mul3A_118 = arith.muli %add3A_116, %mul3A_117 : i32
      %add3A_119 = arith.addi %mul3A_2, %mul3A_118 : i32
      %dma_wait3A_120 = arith.constant 0 : i32
      %dma_wait3A_121 = tpu.memref_slice %arg2[%add3A_119, %dma_wait3A_120] : memref<1024x8192xi32, #tpu.memory_space<hbm>> -> memref<2x8192xi32, #tpu.memory_space<hbm>>
      %dma_wait3A_122 = arith.constant 0 : i32
      %dma_wait3A_123 = tpu.memref_slice %arg2[%add3A_119, %dma_wait3A_122] : memref<1024x8192xi32, #tpu.memory_space<hbm>> -> memref<2x8192xi32, #tpu.memory_space<hbm>>
      tpu.wait_dma2 semaphore(%arg10 : memref<!tpu.dma_semaphore, #tpu.memory_space<semaphore_mem>>) src(%dma_wait3A_123 : memref<2x8192xi32, #tpu.memory_space<hbm>>) dst(%arg7 : memref<2x8192xi32, #tpu.memory_space<vmem>>)
      %lt3A_124 = arith.constant 15 : i32
      %lt3A_125 = arith.cmpi slt, %add3A_116, %lt3A_124 : i32
      %convert_element_type3A_126 = arith.extui %lt3A_125 : i1 to i32
      %cond3A_127 = arith.constant 0 : i32
      %cond3A_128 = arith.cmpi ne, %convert_element_type3A_126, %cond3A_127 : i32
      scf.if %cond3A_128 {
        %mul3A_179 = arith.constant 2 : i32
        %mul3A_180 = arith.muli %add3A_116, %mul3A_179 : i32
        %add3A_181 = arith.addi %mul3A_2, %mul3A_180 : i32
        %add3A_182 = arith.constant 2 : i32
        %add3A_183 = arith.addi %add3A_181, %add3A_182 : i32
        %dma_start3A_184 = arith.constant 0 : i32
        %dma_start3A_185 = tpu.memref_slice %arg2[%add3A_183, %dma_start3A_184] : memref<1024x8192xi32, #tpu.memory_space<hbm>> -> memref<2x8192xi32, #tpu.memory_space<hbm>>
        %dma_start3A_186 = arith.constant 0 : i32
        %dma_start3A_187 = tpu.memref_slice %arg2[%add3A_183, %dma_start3A_186] : memref<1024x8192xi32, #tpu.memory_space<hbm>> -> memref<2x8192xi32, #tpu.memory_space<hbm>>
        tpu.enqueue_dma source(%dma_start3A_187 : memref<2x8192xi32, #tpu.memory_space<hbm>>) target(%arg6 : memref<2x8192xi32, #tpu.memory_space<vmem>>) target_semaphore(%arg10 : memref<!tpu.dma_semaphore, #tpu.memory_space<semaphore_mem>>)
      } else {
      }
      %mul3A_129 = arith.constant 2 : i32
      %mul3A_130 = arith.muli %add3A_116, %mul3A_129 : i32
      %add3A_131 = arith.constant 0 : i32
      %add3A_132 = arith.addi %mul3A_130, %add3A_131 : i32
      %add3A_133 = arith.addi %mul3A_2, %add3A_132 : i32
      %ge3A_134 = arith.constant 2 : i32
      %ge3A_135 = arith.cmpi sge, %add3A_132, %ge3A_134 : i32
      %convert_element_type3A_136 = arith.extui %ge3A_135 : i1 to i32
      %cond3A_137 = arith.constant 0 : i32
      %cond3A_138 = arith.cmpi ne, %convert_element_type3A_136, %cond3A_137 : i32
      scf.if %cond3A_138 {
        %sub3A_179 = arith.constant 2 : i32
        %sub3A_180 = arith.subi %add3A_133, %sub3A_179 : i32
        %dma_wait3A_181 = arith.constant 0 : i32
        %dma_wait3A_182 = arith.constant 0 : i32
        %dma_wait3A_183 = tpu.memref_slice %arg4[%sub3A_180, %dma_wait3A_181, %dma_wait3A_182] : memref<1024x4x8192xf32, #tpu.memory_space<hbm>> -> memref<1x4x8192xf32, #tpu.memory_space<hbm>>
        %dma_wait3A_184 = tpu.memref_squeeze %dma_wait3A_183 : memref<1x4x8192xf32, #tpu.memory_space<hbm>> -> memref<4x8192xf32, #tpu.memory_space<hbm>>
        %dma_wait3A_185 = arith.constant 0 : i32
        %dma_wait3A_186 = arith.constant 0 : i32
        %dma_wait3A_187 = tpu.memref_slice %arg4[%sub3A_180, %dma_wait3A_185, %dma_wait3A_186] : memref<1024x4x8192xf32, #tpu.memory_space<hbm>> -> memref<1x4x8192xf32, #tpu.memory_space<hbm>>
        %dma_wait3A_188 = tpu.memref_squeeze %dma_wait3A_187 : memref<1x4x8192xf32, #tpu.memory_space<hbm>> -> memref<4x8192xf32, #tpu.memory_space<hbm>>
        tpu.wait_dma2 semaphore(%arg11 : memref<!tpu.dma_semaphore, #tpu.memory_space<semaphore_mem>>) src(%arg8 : memref<4x8192xf32, #tpu.memory_space<vmem>>) dst(%dma_wait3A_188 : memref<4x8192xf32, #tpu.memory_space<hbm>>)
      } else {
      }
      %scan3A_139 = arith.constant 0 : i32
      %scan3A_140 = arith.constant 0 : i32
      %scan3A_141 = arith.constant 0 : i32
      %scan3A_142 = arith.constant 32 : i32
      %scan3A_143 = arith.addi %scan3A_141, %scan3A_142 : i32
      %scan3A_144 = arith.constant 1 : i32
      scf.for %scan3A_179 = %scan3A_141 to %scan3A_143 step %scan3A_144  : i32 {
        %mul3A_180 = arith.constant 16 : i32
        %mul3A_181 = arith.muli %scan3A_179, %mul3A_180 : i32
        %add3A_182 = arith.constant 0 : i32
        %add3A_183 = arith.addi %mul3A_181, %add3A_182 : i32
        %mul3A_184 = arith.constant 16 : i32
        %mul3A_185 = arith.muli %add3A_183, %mul3A_184 : i32
        %mul3A_186 = arith.constant 16 : i32
        %mul3A_187 = arith.muli %scan3A_179, %mul3A_186 : i32
        %add3A_188 = arith.constant 1 : i32
        %add3A_189 = arith.addi %mul3A_187, %add3A_188 : i32
        %mul3A_190 = arith.constant 16 : i32
        %mul3A_191 = arith.muli %add3A_189, %mul3A_190 : i32
        %mul3A_192 = arith.constant 16 : i32
        %mul3A_193 = arith.muli %scan3A_179, %mul3A_192 : i32
        %add3A_194 = arith.constant 2 : i32
        %add3A_195 = arith.addi %mul3A_193, %add3A_194 : i32
        %mul3A_196 = arith.constant 16 : i32
        %mul3A_197 = arith.muli %add3A_195, %mul3A_196 : i32
        %mul3A_198 = arith.constant 16 : i32
        %mul3A_199 = arith.muli %scan3A_179, %mul3A_198 : i32
        %add3A_200 = arith.constant 3 : i32
        %add3A_201 = arith.addi %mul3A_199, %add3A_200 : i32
        %mul3A_202 = arith.constant 16 : i32
        %mul3A_203 = arith.muli %add3A_201, %mul3A_202 : i32
        %mul3A_204 = arith.constant 16 : i32
        %mul3A_205 = arith.muli %scan3A_179, %mul3A_204 : i32
        %add3A_206 = arith.constant 4 : i32
        %add3A_207 = arith.addi %mul3A_205, %add3A_206 : i32
        %mul3A_208 = arith.constant 16 : i32
        %mul3A_209 = arith.muli %add3A_207, %mul3A_208 : i32
        %mul3A_210 = arith.constant 16 : i32
        %mul3A_211 = arith.muli %scan3A_179, %mul3A_210 : i32
        %add3A_212 = arith.constant 5 : i32
        %add3A_213 = arith.addi %mul3A_211, %add3A_212 : i32
        %mul3A_214 = arith.constant 16 : i32
        %mul3A_215 = arith.muli %add3A_213, %mul3A_214 : i32
        %mul3A_216 = arith.constant 16 : i32
        %mul3A_217 = arith.muli %scan3A_179, %mul3A_216 : i32
        %add3A_218 = arith.constant 6 : i32
        %add3A_219 = arith.addi %mul3A_217, %add3A_218 : i32
        %mul3A_220 = arith.constant 16 : i32
        %mul3A_221 = arith.muli %add3A_219, %mul3A_220 : i32
        %mul3A_222 = arith.constant 16 : i32
        %mul3A_223 = arith.muli %scan3A_179, %mul3A_222 : i32
        %add3A_224 = arith.constant 7 : i32
        %add3A_225 = arith.addi %mul3A_223, %add3A_224 : i32
        %mul3A_226 = arith.constant 16 : i32
        %mul3A_227 = arith.muli %add3A_225, %mul3A_226 : i32
        %mul3A_228 = arith.constant 16 : i32
        %mul3A_229 = arith.muli %scan3A_179, %mul3A_228 : i32
        %add3A_230 = arith.constant 8 : i32
        %add3A_231 = arith.addi %mul3A_229, %add3A_230 : i32
        %mul3A_232 = arith.constant 16 : i32
        %mul3A_233 = arith.muli %add3A_231, %mul3A_232 : i32
        %mul3A_234 = arith.constant 16 : i32
        %mul3A_235 = arith.muli %scan3A_179, %mul3A_234 : i32
        %add3A_236 = arith.constant 9 : i32
        %add3A_237 = arith.addi %mul3A_235, %add3A_236 : i32
        %mul3A_238 = arith.constant 16 : i32
        %mul3A_239 = arith.muli %add3A_237, %mul3A_238 : i32
        %mul3A_240 = arith.constant 16 : i32
        %mul3A_241 = arith.muli %scan3A_179, %mul3A_240 : i32
        %add3A_242 = arith.constant 10 : i32
        %add3A_243 = arith.addi %mul3A_241, %add3A_242 : i32
        %mul3A_244 = arith.constant 16 : i32
        %mul3A_245 = arith.muli %add3A_243, %mul3A_244 : i32
        %mul3A_246 = arith.constant 16 : i32
        %mul3A_247 = arith.muli %scan3A_179, %mul3A_246 : i32
        %add3A_248 = arith.constant 11 : i32
        %add3A_249 = arith.addi %mul3A_247, %add3A_248 : i32
        %mul3A_250 = arith.constant 16 : i32
        %mul3A_251 = arith.muli %add3A_249, %mul3A_250 : i32
        %mul3A_252 = arith.constant 16 : i32
        %mul3A_253 = arith.muli %scan3A_179, %mul3A_252 : i32
        %add3A_254 = arith.constant 12 : i32
        %add3A_255 = arith.addi %mul3A_253, %add3A_254 : i32
        %mul3A_256 = arith.constant 16 : i32
        %mul3A_257 = arith.muli %add3A_255, %mul3A_256 : i32
        %mul3A_258 = arith.constant 16 : i32
        %mul3A_259 = arith.muli %scan3A_179, %mul3A_258 : i32
        %add3A_260 = arith.constant 13 : i32
        %add3A_261 = arith.addi %mul3A_259, %add3A_260 : i32
        %mul3A_262 = arith.constant 16 : i32
        %mul3A_263 = arith.muli %add3A_261, %mul3A_262 : i32
        %mul3A_264 = arith.constant 16 : i32
        %mul3A_265 = arith.muli %scan3A_179, %mul3A_264 : i32
        %add3A_266 = arith.constant 14 : i32
        %add3A_267 = arith.addi %mul3A_265, %add3A_266 : i32
        %mul3A_268 = arith.constant 16 : i32
        %mul3A_269 = arith.muli %add3A_267, %mul3A_268 : i32
        %mul3A_270 = arith.constant 16 : i32
        %mul3A_271 = arith.muli %scan3A_179, %mul3A_270 : i32
        %add3A_272 = arith.constant 15 : i32
        %add3A_273 = arith.addi %mul3A_271, %add3A_272 : i32
        %mul3A_274 = arith.constant 16 : i32
        %mul3A_275 = arith.muli %add3A_273, %mul3A_274 : i32
        %get3A_276 = arith.constant 0 : i32
        %get3A_277 = tpu.memref_slice %arg7[%scan3A_140, %get3A_276] : memref<2x8192xi32, #tpu.memory_space<vmem>> -> memref<1x8192xi32, #tpu.memory_space<vmem>>
        %get3A_278 = tpu.memref_squeeze %get3A_277 : memref<1x8192xi32, #tpu.memory_space<vmem>> -> memref<8192xi32, #tpu.memory_space<vmem>>
        %get3A_279 = arith.index_cast %mul3A_185 : i32 to index
        %get3A_280 = tpu.vector_load %get3A_278[%get3A_279] {strides = array<i32>} : memref<8192xi32, #tpu.memory_space<vmem>>, vector<16xi32>,
        %get3A_281 = vector.shape_cast %get3A_280 : vector<16xi32> to vector<16xi32>
        %get3A_282 = arith.constant 0 : i32
        %get3A_283 = tpu.memref_slice %arg7[%scan3A_140, %get3A_282] : memref<2x8192xi32, #tpu.memory_space<vmem>> -> memref<1x8192xi32, #tpu.memory_space<vmem>>
        %get3A_284 = tpu.memref_squeeze %get3A_283 : memref<1x8192xi32, #tpu.memory_space<vmem>> -> memref<8192xi32, #tpu.memory_space<vmem>>
        %get3A_285 = arith.index_cast %mul3A_191 : i32 to index
        %get3A_286 = tpu.vector_load %get3A_284[%get3A_285] {strides = array<i32>} : memref<8192xi32, #tpu.memory_space<vmem>>, vector<16xi32>,
        %get3A_287 = vector.shape_cast %get3A_286 : vector<16xi32> to vector<16xi32>
        %get3A_288 = arith.constant 0 : i32
        %get3A_289 = tpu.memref_slice %arg7[%scan3A_140, %get3A_288] : memref<2x8192xi32, #tpu.memory_space<vmem>> -> memref<1x8192xi32, #tpu.memory_space<vmem>>
        %get3A_290 = tpu.memref_squeeze %get3A_289 : memref<1x8192xi32, #tpu.memory_space<vmem>> -> memref<8192xi32, #tpu.memory_space<vmem>>
        %get3A_291 = arith.index_cast %mul3A_197 : i32 to index
        %get3A_292 = tpu.vector_load %get3A_290[%get3A_291] {strides = array<i32>} : memref<8192xi32, #tpu.memory_space<vmem>>, vector<16xi32>,
        %get3A_293 = vector.shape_cast %get3A_292 : vector<16xi32> to vector<16xi32>
        %get3A_294 = arith.constant 0 : i32
        %get3A_295 = tpu.memref_slice %arg7[%scan3A_140, %get3A_294] : memref<2x8192xi32, #tpu.memory_space<vmem>> -> memref<1x8192xi32, #tpu.memory_space<vmem>>
        %get3A_296 = tpu.memref_squeeze %get3A_295 : memref<1x8192xi32, #tpu.memory_space<vmem>> -> memref<8192xi32, #tpu.memory_space<vmem>>
        %get3A_297 = arith.index_cast %mul3A_203 : i32 to index
        %get3A_298 = tpu.vector_load %get3A_296[%get3A_297] {strides = array<i32>} : memref<8192xi32, #tpu.memory_space<vmem>>, vector<16xi32>,
        %get3A_299 = vector.shape_cast %get3A_298 : vector<16xi32> to vector<16xi32>
        %get3A_300 = arith.constant 0 : i32
        %get3A_301 = tpu.memref_slice %arg7[%scan3A_140, %get3A_300] : memref<2x8192xi32, #tpu.memory_space<vmem>> -> memref<1x8192xi32, #tpu.memory_space<vmem>>
        %get3A_302 = tpu.memref_squeeze %get3A_301 : memref<1x8192xi32, #tpu.memory_space<vmem>> -> memref<8192xi32, #tpu.memory_space<vmem>>
        %get3A_303 = arith.index_cast %mul3A_209 : i32 to index
        %get3A_304 = tpu.vector_load %get3A_302[%get3A_303] {strides = array<i32>} : memref<8192xi32, #tpu.memory_space<vmem>>, vector<16xi32>,
        %get3A_305 = vector.shape_cast %get3A_304 : vector<16xi32> to vector<16xi32>
        %get3A_306 = arith.constant 0 : i32
        %get3A_307 = tpu.memref_slice %arg7[%scan3A_140, %get3A_306] : memref<2x8192xi32, #tpu.memory_space<vmem>> -> memref<1x8192xi32, #tpu.memory_space<vmem>>
        %get3A_308 = tpu.memref_squeeze %get3A_307 : memref<1x8192xi32, #tpu.memory_space<vmem>> -> memref<8192xi32, #tpu.memory_space<vmem>>
        %get3A_309 = arith.index_cast %mul3A_215 : i32 to index
        %get3A_310 = tpu.vector_load %get3A_308[%get3A_309] {strides = array<i32>} : memref<8192xi32, #tpu.memory_space<vmem>>, vector<16xi32>,
        %get3A_311 = vector.shape_cast %get3A_310 : vector<16xi32> to vector<16xi32>
        %get3A_312 = arith.constant 0 : i32
        %get3A_313 = tpu.memref_slice %arg7[%scan3A_140, %get3A_312] : memref<2x8192xi32, #tpu.memory_space<vmem>> -> memref<1x8192xi32, #tpu.memory_space<vmem>>
        %get3A_314 = tpu.memref_squeeze %get3A_313 : memref<1x8192xi32, #tpu.memory_space<vmem>> -> memref<8192xi32, #tpu.memory_space<vmem>>
        %get3A_315 = arith.index_cast %mul3A_221 : i32 to index
        %get3A_316 = tpu.vector_load %get3A_314[%get3A_315] {strides = array<i32>} : memref<8192xi32, #tpu.memory_space<vmem>>, vector<16xi32>,
        %get3A_317 = vector.shape_cast %get3A_316 : vector<16xi32> to vector<16xi32>
        %get3A_318 = arith.constant 0 : i32
        %get3A_319 = tpu.memref_slice %arg7[%scan3A_140, %get3A_318] : memref<2x8192xi32, #tpu.memory_space<vmem>> -> memref<1x8192xi32, #tpu.memory_space<vmem>>
        %get3A_320 = tpu.memref_squeeze %get3A_319 : memref<1x8192xi32, #tpu.memory_space<vmem>> -> memref<8192xi32, #tpu.memory_space<vmem>>
        %get3A_321 = arith.index_cast %mul3A_227 : i32 to index
        %get3A_322 = tpu.vector_load %get3A_320[%get3A_321] {strides = array<i32>} : memref<8192xi32, #tpu.memory_space<vmem>>, vector<16xi32>,
        %get3A_323 = vector.shape_cast %get3A_322 : vector<16xi32> to vector<16xi32>
        %get3A_324 = arith.constant 0 : i32
        %get3A_325 = tpu.memref_slice %arg7[%scan3A_140, %get3A_324] : memref<2x8192xi32, #tpu.memory_space<vmem>> -> memref<1x8192xi32, #tpu.memory_space<vmem>>
        %get3A_326 = tpu.memref_squeeze %get3A_325 : memref<1x8192xi32, #tpu.memory_space<vmem>> -> memref<8192xi32, #tpu.memory_space<vmem>>
        %get3A_327 = arith.index_cast %mul3A_233 : i32 to index
        %get3A_328 = tpu.vector_load %get3A_326[%get3A_327] {strides = array<i32>} : memref<8192xi32, #tpu.memory_space<vmem>>, vector<16xi32>,
        %get3A_329 = vector.shape_cast %get3A_328 : vector<16xi32> to vector<16xi32>
        %get3A_330 = arith.constant 0 : i32
        %get3A_331 = tpu.memref_slice %arg7[%scan3A_140, %get3A_330] : memref<2x8192xi32, #tpu.memory_space<vmem>> -> memref<1x8192xi32, #tpu.memory_space<vmem>>
        %get3A_332 = tpu.memref_squeeze %get3A_331 : memref<1x8192xi32, #tpu.memory_space<vmem>> -> memref<8192xi32, #tpu.memory_space<vmem>>
        %get3A_333 = arith.index_cast %mul3A_239 : i32 to index
        %get3A_334 = tpu.vector_load %get3A_332[%get3A_333] {strides = array<i32>} : memref<8192xi32, #tpu.memory_space<vmem>>, vector<16xi32>,
        %get3A_335 = vector.shape_cast %get3A_334 : vector<16xi32> to vector<16xi32>
        %get3A_336 = arith.constant 0 : i32
        %get3A_337 = tpu.memref_slice %arg7[%scan3A_140, %get3A_336] : memref<2x8192xi32, #tpu.memory_space<vmem>> -> memref<1x8192xi32, #tpu.memory_space<vmem>>
        %get3A_338 = tpu.memref_squeeze %get3A_337 : memref<1x8192xi32, #tpu.memory_space<vmem>> -> memref<8192xi32, #tpu.memory_space<vmem>>
        %get3A_339 = arith.index_cast %mul3A_245 : i32 to index
        %get3A_340 = tpu.vector_load %get3A_338[%get3A_339] {strides = array<i32>} : memref<8192xi32, #tpu.memory_space<vmem>>, vector<16xi32>,
        %get3A_341 = vector.shape_cast %get3A_340 : vector<16xi32> to vector<16xi32>
        %get3A_342 = arith.constant 0 : i32
        %get3A_343 = tpu.memref_slice %arg7[%scan3A_140, %get3A_342] : memref<2x8192xi32, #tpu.memory_space<vmem>> -> memref<1x8192xi32, #tpu.memory_space<vmem>>
        %get3A_344 = tpu.memref_squeeze %get3A_343 : memref<1x8192xi32, #tpu.memory_space<vmem>> -> memref<8192xi32, #tpu.memory_space<vmem>>
        %get3A_345 = arith.index_cast %mul3A_251 : i32 to index
        %get3A_346 = tpu.vector_load %get3A_344[%get3A_345] {strides = array<i32>} : memref<8192xi32, #tpu.memory_space<vmem>>, vector<16xi32>,
        %get3A_347 = vector.shape_cast %get3A_346 : vector<16xi32> to vector<16xi32>
        %get3A_348 = arith.constant 0 : i32
        %get3A_349 = tpu.memref_slice %arg7[%scan3A_140, %get3A_348] : memref<2x8192xi32, #tpu.memory_space<vmem>> -> memref<1x8192xi32, #tpu.memory_space<vmem>>
        %get3A_350 = tpu.memref_squeeze %get3A_349 : memref<1x8192xi32, #tpu.memory_space<vmem>> -> memref<8192xi32, #tpu.memory_space<vmem>>
        %get3A_351 = arith.index_cast %mul3A_257 : i32 to index
        %get3A_352 = tpu.vector_load %get3A_350[%get3A_351] {strides = array<i32>} : memref<8192xi32, #tpu.memory_space<vmem>>, vector<16xi32>,
        %get3A_353 = vector.shape_cast %get3A_352 : vector<16xi32> to vector<16xi32>
        %get3A_354 = arith.constant 0 : i32
        %get3A_355 = tpu.memref_slice %arg7[%scan3A_140, %get3A_354] : memref<2x8192xi32, #tpu.memory_space<vmem>> -> memref<1x8192xi32, #tpu.memory_space<vmem>>
        %get3A_356 = tpu.memref_squeeze %get3A_355 : memref<1x8192xi32, #tpu.memory_space<vmem>> -> memref<8192xi32, #tpu.memory_space<vmem>>
        %get3A_357 = arith.index_cast %mul3A_263 : i32 to index
        %get3A_358 = tpu.vector_load %get3A_356[%get3A_357] {strides = array<i32>} : memref<8192xi32, #tpu.memory_space<vmem>>, vector<16xi32>,
        %get3A_359 = vector.shape_cast %get3A_358 : vector<16xi32> to vector<16xi32>
        %get3A_360 = arith.constant 0 : i32
        %get3A_361 = tpu.memref_slice %arg7[%scan3A_140, %get3A_360] : memref<2x8192xi32, #tpu.memory_space<vmem>> -> memref<1x8192xi32, #tpu.memory_space<vmem>>
        %get3A_362 = tpu.memref_squeeze %get3A_361 : memref<1x8192xi32, #tpu.memory_space<vmem>> -> memref<8192xi32, #tpu.memory_space<vmem>>
        %get3A_363 = arith.index_cast %mul3A_269 : i32 to index
        %get3A_364 = tpu.vector_load %get3A_362[%get3A_363] {strides = array<i32>} : memref<8192xi32, #tpu.memory_space<vmem>>, vector<16xi32>,
        %get3A_365 = vector.shape_cast %get3A_364 : vector<16xi32> to vector<16xi32>
        %get3A_366 = arith.constant 0 : i32
        %get3A_367 = tpu.memref_slice %arg7[%scan3A_140, %get3A_366] : memref<2x8192xi32, #tpu.memory_space<vmem>> -> memref<1x8192xi32, #tpu.memory_space<vmem>>
        %get3A_368 = tpu.memref_squeeze %get3A_367 : memref<1x8192xi32, #tpu.memory_space<vmem>> -> memref<8192xi32, #tpu.memory_space<vmem>>
        %get3A_369 = arith.index_cast %mul3A_275 : i32 to index
        %get3A_370 = tpu.vector_load %get3A_368[%get3A_369] {strides = array<i32>} : memref<8192xi32, #tpu.memory_space<vmem>>, vector<16xi32>,
        %get3A_371 = vector.shape_cast %get3A_370 : vector<16xi32> to vector<16xi32>
        %reshape3A = vector.shape_cast %get3A_281 : vector<16xi32> to vector<16x1xi32>
        %gather3A = vector.shape_cast %reshape3A : vector<16x1xi32> to vector<16xi32>
        %gather3A_372 = tpu.dynamic_gather %get3A_6[%gather3A] in [0] : vector<16xf32>, vector<16xi32> -> vector<16xf32>
        %swap3A = arith.constant 0 : i32
        %swap3A_373 = arith.index_cast %swap3A : i32 to index
        %swap3A_374 = arith.index_cast %mul3A_185 : i32 to index
        %swap3A_375 = tpu.vector_load %arg8[%swap3A_373, %swap3A_374] {strides = array<i32>} : memref<4x8192xf32, #tpu.memory_space<vmem>>, vector<1x16xf32>,
        %swap3A_376 = vector.shape_cast %swap3A_375 : vector<1x16xf32> to vector<16xf32>
        %swap3A_377 = vector.shape_cast %gather3A_372 : vector<16xf32> to vector<1x16xf32>
        tpu.vector_store %arg8[%swap3A_373, %swap3A_374], %swap3A_377 {strides = array<i32>} : memref<4x8192xf32, #tpu.memory_space<vmem>>, vector<1x16xf32>,
        %reshape3A_378 = vector.shape_cast %get3A_281 : vector<16xi32> to vector<16x1xi32>
        %gather3A_379 = vector.shape_cast %reshape3A_378 : vector<16x1xi32> to vector<16xi32>
        %gather3A_380 = tpu.dynamic_gather %get3A_11[%gather3A_379] in [0] : vector<16xf32>, vector<16xi32> -> vector<16xf32>
        %swap3A_381 = arith.constant 1 : i32
        %swap3A_382 = arith.index_cast %swap3A_381 : i32 to index
        %swap3A_383 = arith.index_cast %mul3A_185 : i32 to index
        %swap3A_384 = tpu.vector_load %arg8[%swap3A_382, %swap3A_383] {strides = array<i32>} : memref<4x8192xf32, #tpu.memory_space<vmem>>, vector<1x16xf32>,
        %swap3A_385 = vector.shape_cast %swap3A_384 : vector<1x16xf32> to vector<16xf32>
        %swap3A_386 = vector.shape_cast %gather3A_380 : vector<16xf32> to vector<1x16xf32>
        tpu.vector_store %arg8[%swap3A_382, %swap3A_383], %swap3A_386 {strides = array<i32>} : memref<4x8192xf32, #tpu.memory_space<vmem>>, vector<1x16xf32>,
        %reshape3A_387 = vector.shape_cast %get3A_281 : vector<16xi32> to vector<16x1xi32>
        %gather3A_388 = vector.shape_cast %reshape3A_387 : vector<16x1xi32> to vector<16xi32>
        %gather3A_389 = tpu.dynamic_gather %get3A_16[%gather3A_388] in [0] : vector<16xf32>, vector<16xi32> -> vector<16xf32>
        %swap3A_390 = arith.constant 2 : i32
        %swap3A_391 = arith.index_cast %swap3A_390 : i32 to index
        %swap3A_392 = arith.index_cast %mul3A_185 : i32 to index
        %swap3A_393 = tpu.vector_load %arg8[%swap3A_391, %swap3A_392] {strides = array<i32>} : memref<4x8192xf32, #tpu.memory_space<vmem>>, vector<1x16xf32>,
        %swap3A_394 = vector.shape_cast %swap3A_393 : vector<1x16xf32> to vector<16xf32>
        %swap3A_395 = vector.shape_cast %gather3A_389 : vector<16xf32> to vector<1x16xf32>
        tpu.vector_store %arg8[%swap3A_391, %swap3A_392], %swap3A_395 {strides = array<i32>} : memref<4x8192xf32, #tpu.memory_space<vmem>>, vector<1x16xf32>,
        %reshape3A_396 = vector.shape_cast %get3A_281 : vector<16xi32> to vector<16x1xi32>
        %gather3A_397 = vector.shape_cast %reshape3A_396 : vector<16x1xi32> to vector<16xi32>
        %gather3A_398 = tpu.dynamic_gather %get3A_21[%gather3A_397] in [0] : vector<16xf32>, vector<16xi32> -> vector<16xf32>
        %swap3A_399 = arith.constant 3 : i32
        %swap3A_400 = arith.index_cast %swap3A_399 : i32 to index
        %swap3A_401 = arith.index_cast %mul3A_185 : i32 to index
        %swap3A_402 = tpu.vector_load %arg8[%swap3A_400, %swap3A_401] {strides = array<i32>} : memref<4x8192xf32, #tpu.memory_space<vmem>>, vector<1x16xf32>,
        %swap3A_403 = vector.shape_cast %swap3A_402 : vector<1x16xf32> to vector<16xf32>
        %swap3A_404 = vector.shape_cast %gather3A_398 : vector<16xf32> to vector<1x16xf32>
        tpu.vector_store %arg8[%swap3A_400, %swap3A_401], %swap3A_404 {strides = array<i32>} : memref<4x8192xf32, #tpu.memory_space<vmem>>, vector<1x16xf32>,
        %reshape3A_405 = vector.shape_cast %get3A_287 : vector<16xi32> to vector<16x1xi32>
        %gather3A_406 = vector.shape_cast %reshape3A_405 : vector<16x1xi32> to vector<16xi32>
        %gather3A_407 = tpu.dynamic_gather %get3A_6[%gather3A_406] in [0] : vector<16xf32>, vector<16xi32> -> vector<16xf32>
        %swap3A_408 = arith.constant 0 : i32
        %swap3A_409 = arith.index_cast %swap3A_408 : i32 to index
        %swap3A_410 = arith.index_cast %mul3A_191 : i32 to index
        %swap3A_411 = tpu.vector_load %arg8[%swap3A_409, %swap3A_410] {strides = array<i32>} : memref<4x8192xf32, #tpu.memory_space<vmem>>, vector<1x16xf32>,
        %swap3A_412 = vector.shape_cast %swap3A_411 : vector<1x16xf32> to vector<16xf32>
        %swap3A_413 = vector.shape_cast %gather3A_407 : vector<16xf32> to vector<1x16xf32>
        tpu.vector_store %arg8[%swap3A_409, %swap3A_410], %swap3A_413 {strides = array<i32>} : memref<4x8192xf32, #tpu.memory_space<vmem>>, vector<1x16xf32>,
        %reshape3A_414 = vector.shape_cast %get3A_287 : vector<16xi32> to vector<16x1xi32>
        %gather3A_415 = vector.shape_cast %reshape3A_414 : vector<16x1xi32> to vector<16xi32>
        %gather3A_416 = tpu.dynamic_gather %get3A_11[%gather3A_415] in [0] : vector<16xf32>, vector<16xi32> -> vector<16xf32>
        %swap3A_417 = arith.constant 1 : i32
        %swap3A_418 = arith.index_cast %swap3A_417 : i32 to index
        %swap3A_419 = arith.index_cast %mul3A_191 : i32 to index
        %swap3A_420 = tpu.vector_load %arg8[%swap3A_418, %swap3A_419] {strides = array<i32>} : memref<4x8192xf32, #tpu.memory_space<vmem>>, vector<1x16xf32>,
        %swap3A_421 = vector.shape_cast %swap3A_420 : vector<1x16xf32> to vector<16xf32>
        %swap3A_422 = vector.shape_cast %gather3A_416 : vector<16xf32> to vector<1x16xf32>
        tpu.vector_store %arg8[%swap3A_418, %swap3A_419], %swap3A_422 {strides = array<i32>} : memref<4x8192xf32, #tpu.memory_space<vmem>>, vector<1x16xf32>,
        %reshape3A_423 = vector.shape_cast %get3A_287 : vector<16xi32> to vector<16x1xi32>
        %gather3A_424 = vector.shape_cast %reshape3A_423 : vector<16x1xi32> to vector<16xi32>
        %gather3A_425 = tpu.dynamic_gather %get3A_16[%gather3A_424] in [0] : vector<16xf32>, vector<16xi32> -> vector<16xf32>
        %swap3A_426 = arith.constant 2 : i32
        %swap3A_427 = arith.index_cast %swap3A_426 : i32 to index
        %swap3A_428 = arith.index_cast %mul3A_191 : i32 to index
        %swap3A_429 = tpu.vector_load %arg8[%swap3A_427, %swap3A_428] {strides = array<i32>} : memref<4x8192xf32, #tpu.memory_space<vmem>>, vector<1x16xf32>,
        %swap3A_430 = vector.shape_cast %swap3A_429 : vector<1x16xf32> to vector<16xf32>
        %swap3A_431 = vector.shape_cast %gather3A_425 : vector<16xf32> to vector<1x16xf32>
        tpu.vector_store %arg8[%swap3A_427, %swap3A_428], %swap3A_431 {strides = array<i32>} : memref<4x8192xf32, #tpu.memory_space<vmem>>, vector<1x16xf32>,
        %reshape3A_432 = vector.shape_cast %get3A_287 : vector<16xi32> to vector<16x1xi32>
        %gather3A_433 = vector.shape_cast %reshape3A_432 : vector<16x1xi32> to vector<16xi32>
        %gather3A_434 = tpu.dynamic_gather %get3A_21[%gather3A_433] in [0] : vector<16xf32>, vector<16xi32> -> vector<16xf32>
        %swap3A_435 = arith.constant 3 : i32
        %swap3A_436 = arith.index_cast %swap3A_435 : i32 to index
        %swap3A_437 = arith.index_cast %mul3A_191 : i32 to index
        %swap3A_438 = tpu.vector_load %arg8[%swap3A_436, %swap3A_437] {strides = array<i32>} : memref<4x8192xf32, #tpu.memory_space<vmem>>, vector<1x16xf32>,
        %swap3A_439 = vector.shape_cast %swap3A_438 : vector<1x16xf32> to vector<16xf32>
        %swap3A_440 = vector.shape_cast %gather3A_434 : vector<16xf32> to vector<1x16xf32>
        tpu.vector_store %arg8[%swap3A_436, %swap3A_437], %swap3A_440 {strides = array<i32>} : memref<4x8192xf32, #tpu.memory_space<vmem>>, vector<1x16xf32>,
        %reshape3A_441 = vector.shape_cast %get3A_293 : vector<16xi32> to vector<16x1xi32>
        %gather3A_442 = vector.shape_cast %reshape3A_441 : vector<16x1xi32> to vector<16xi32>
        %gather3A_443 = tpu.dynamic_gather %get3A_6[%gather3A_442] in [0] : vector<16xf32>, vector<16xi32> -> vector<16xf32>
        %swap3A_444 = arith.constant 0 : i32
        %swap3A_445 = arith.index_cast %swap3A_444 : i32 to index
        %swap3A_446 = arith.index_cast %mul3A_197 : i32 to index
        %swap3A_447 = tpu.vector_load %arg8[%swap3A_445, %swap3A_446] {strides = array<i32>} : memref<4x8192xf32, #tpu.memory_space<vmem>>, vector<1x16xf32>,
        %swap3A_448 = vector.shape_cast %swap3A_447 : vector<1x16xf32> to vector<16xf32>
        %swap3A_449 = vector.shape_cast %gather3A_443 : vector<16xf32> to vector<1x16xf32>
        tpu.vector_store %arg8[%swap3A_445, %swap3A_446], %swap3A_449 {strides = array<i32>} : memref<4x8192xf32, #tpu.memory_space<vmem>>, vector<1x16xf32>,
        %reshape3A_450 = vector.shape_cast %get3A_293 : vector<16xi32> to vector<16x1xi32>
        %gather3A_451 = vector.shape_cast %reshape3A_450 : vector<16x1xi32> to vector<16xi32>
        %gather3A_452 = tpu.dynamic_gather %get3A_11[%gather3A_451] in [0] : vector<16xf32>, vector<16xi32> -> vector<16xf32>
        %swap3A_453 = arith.constant 1 : i32
        %swap3A_454 = arith.index_cast %swap3A_453 : i32 to index
        %swap3A_455 = arith.index_cast %mul3A_197 : i32 to index
        %swap3A_456 = tpu.vector_load %arg8[%swap3A_454, %swap3A_455] {strides = array<i32>} : memref<4x8192xf32, #tpu.memory_space<vmem>>, vector<1x16xf32>,
        %swap3A_457 = vector.shape_cast %swap3A_456 : vector<1x16xf32> to vector<16xf32>
        %swap3A_458 = vector.shape_cast %gather3A_452 : vector<16xf32> to vector<1x16xf32>
        tpu.vector_store %arg8[%swap3A_454, %swap3A_455], %swap3A_458 {strides = array<i32>} : memref<4x8192xf32, #tpu.memory_space<vmem>>, vector<1x16xf32>,
        %reshape3A_459 = vector.shape_cast %get3A_293 : vector<16xi32> to vector<16x1xi32>
        %gather3A_460 = vector.shape_cast %reshape3A_459 : vector<16x1xi32> to vector<16xi32>
        %gather3A_461 = tpu.dynamic_gather %get3A_16[%gather3A_460] in [0] : vector<16xf32>, vector<16xi32> -> vector<16xf32>
        %swap3A_462 = arith.constant 2 : i32
        %swap3A_463 = arith.index_cast %swap3A_462 : i32 to index
        %swap3A_464 = arith.index_cast %mul3A_197 : i32 to index
        %swap3A_465 = tpu.vector_load %arg8[%swap3A_463, %swap3A_464] {strides = array<i32>} : memref<4x8192xf32, #tpu.memory_space<vmem>>, vector<1x16xf32>,
        %swap3A_466 = vector.shape_cast %swap3A_465 : vector<1x16xf32> to vector<16xf32>
        %swap3A_467 = vector.shape_cast %gather3A_461 : vector<16xf32> to vector<1x16xf32>
        tpu.vector_store %arg8[%swap3A_463, %swap3A_464], %swap3A_467 {strides = array<i32>} : memref<4x8192xf32, #tpu.memory_space<vmem>>, vector<1x16xf32>,
        %reshape3A_468 = vector.shape_cast %get3A_293 : vector<16xi32> to vector<16x1xi32>
        %gather3A_469 = vector.shape_cast %reshape3A_468 : vector<16x1xi32> to vector<16xi32>
        %gather3A_470 = tpu.dynamic_gather %get3A_21[%gather3A_469] in [0] : vector<16xf32>, vector<16xi32> -> vector<16xf32>
        %swap3A_471 = arith.constant 3 : i32
        %swap3A_472 = arith.index_cast %swap3A_471 : i32 to index
        %swap3A_473 = arith.index_cast %mul3A_197 : i32 to index
        %swap3A_474 = tpu.vector_load %arg8[%swap3A_472, %swap3A_473] {strides = array<i32>} : memref<4x8192xf32, #tpu.memory_space<vmem>>, vector<1x16xf32>,
        %swap3A_475 = vector.shape_cast %swap3A_474 : vector<1x16xf32> to vector<16xf32>
        %swap3A_476 = vector.shape_cast %gather3A_470 : vector<16xf32> to vector<1x16xf32>
        tpu.vector_store %arg8[%swap3A_472, %swap3A_473], %swap3A_476 {strides = array<i32>} : memref<4x8192xf32, #tpu.memory_space<vmem>>, vector<1x16xf32>,
        %reshape3A_477 = vector.shape_cast %get3A_299 : vector<16xi32> to vector<16x1xi32>
        %gather3A_478 = vector.shape_cast %reshape3A_477 : vector<16x1xi32> to vector<16xi32>
        %gather3A_479 = tpu.dynamic_gather %get3A_6[%gather3A_478] in [0] : vector<16xf32>, vector<16xi32> -> vector<16xf32>
        %swap3A_480 = arith.constant 0 : i32
        %swap3A_481 = arith.index_cast %swap3A_480 : i32 to index
        %swap3A_482 = arith.index_cast %mul3A_203 : i32 to index
        %swap3A_483 = tpu.vector_load %arg8[%swap3A_481, %swap3A_482] {strides = array<i32>} : memref<4x8192xf32, #tpu.memory_space<vmem>>, vector<1x16xf32>,
        %swap3A_484 = vector.shape_cast %swap3A_483 : vector<1x16xf32> to vector<16xf32>
        %swap3A_485 = vector.shape_cast %gather3A_479 : vector<16xf32> to vector<1x16xf32>
        tpu.vector_store %arg8[%swap3A_481, %swap3A_482], %swap3A_485 {strides = array<i32>} : memref<4x8192xf32, #tpu.memory_space<vmem>>, vector<1x16xf32>,
        %reshape3A_486 = vector.shape_cast %get3A_299 : vector<16xi32> to vector<16x1xi32>
        %gather3A_487 = vector.shape_cast %reshape3A_486 : vector<16x1xi32> to vector<16xi32>
        %gather3A_488 = tpu.dynamic_gather %get3A_11[%gather3A_487] in [0] : vector<16xf32>, vector<16xi32> -> vector<16xf32>
        %swap3A_489 = arith.constant 1 : i32
        %swap3A_490 = arith.index_cast %swap3A_489 : i32 to index
        %swap3A_491 = arith.index_cast %mul3A_203 : i32 to index
        %swap3A_492 = tpu.vector_load %arg8[%swap3A_490, %swap3A_491] {strides = array<i32>} : memref<4x8192xf32, #tpu.memory_space<vmem>>, vector<1x16xf32>,
        %swap3A_493 = vector.shape_cast %swap3A_492 : vector<1x16xf32> to vector<16xf32>
        %swap3A_494 = vector.shape_cast %gather3A_488 : vector<16xf32> to vector<1x16xf32>
        tpu.vector_store %arg8[%swap3A_490, %swap3A_491], %swap3A_494 {strides = array<i32>} : memref<4x8192xf32, #tpu.memory_space<vmem>>, vector<1x16xf32>,
        %reshape3A_495 = vector.shape_cast %get3A_299 : vector<16xi32> to vector<16x1xi32>
        %gather3A_496 = vector.shape_cast %reshape3A_495 : vector<16x1xi32> to vector<16xi32>
        %gather3A_497 = tpu.dynamic_gather %get3A_16[%gather3A_496] in [0] : vector<16xf32>, vector<16xi32> -> vector<16xf32>
        %swap3A_498 = arith.constant 2 : i32
        %swap3A_499 = arith.index_cast %swap3A_498 : i32 to index
        %swap3A_500 = arith.index_cast %mul3A_203 : i32 to index
        %swap3A_501 = tpu.vector_load %arg8[%swap3A_499, %swap3A_500] {strides = array<i32>} : memref<4x8192xf32, #tpu.memory_space<vmem>>, vector<1x16xf32>,
        %swap3A_502 = vector.shape_cast %swap3A_501 : vector<1x16xf32> to vector<16xf32>
        %swap3A_503 = vector.shape_cast %gather3A_497 : vector<16xf32> to vector<1x16xf32>
        tpu.vector_store %arg8[%swap3A_499, %swap3A_500], %swap3A_503 {strides = array<i32>} : memref<4x8192xf32, #tpu.memory_space<vmem>>, vector<1x16xf32>,
        %reshape3A_504 = vector.shape_cast %get3A_299 : vector<16xi32> to vector<16x1xi32>
        %gather3A_505 = vector.shape_cast %reshape3A_504 : vector<16x1xi32> to vector<16xi32>
        %gather3A_506 = tpu.dynamic_gather %get3A_21[%gather3A_505] in [0] : vector<16xf32>, vector<16xi32> -> vector<16xf32>
        %swap3A_507 = arith.constant 3 : i32
        %swap3A_508 = arith.index_cast %swap3A_507 : i32 to index
        %swap3A_509 = arith.index_cast %mul3A_203 : i32 to index
        %swap3A_510 = tpu.vector_load %arg8[%swap3A_508, %swap3A_509] {strides = array<i32>} : memref<4x8192xf32, #tpu.memory_space<vmem>>, vector<1x16xf32>,
        %swap3A_511 = vector.shape_cast %swap3A_510 : vector<1x16xf32> to vector<16xf32>
        %swap3A_512 = vector.shape_cast %gather3A_506 : vector<16xf32> to vector<1x16xf32>
        tpu.vector_store %arg8[%swap3A_508, %swap3A_509], %swap3A_512 {strides = array<i32>} : memref<4x8192xf32, #tpu.memory_space<vmem>>, vector<1x16xf32>,
        %reshape3A_513 = vector.shape_cast %get3A_305 : vector<16xi32> to vector<16x1xi32>
        %gather3A_514 = vector.shape_cast %reshape3A_513 : vector<16x1xi32> to vector<16xi32>
        %gather3A_515 = tpu.dynamic_gather %get3A_6[%gather3A_514] in [0] : vector<16xf32>, vector<16xi32> -> vector<16xf32>
        %swap3A_516 = arith.constant 0 : i32
        %swap3A_517 = arith.index_cast %swap3A_516 : i32 to index
        %swap3A_518 = arith.index_cast %mul3A_209 : i32 to index
        %swap3A_519 = tpu.vector_load %arg8[%swap3A_517, %swap3A_518] {strides = array<i32>} : memref<4x8192xf32, #tpu.memory_space<vmem>>, vector<1x16xf32>,
        %swap3A_520 = vector.shape_cast %swap3A_519 : vector<1x16xf32> to vector<16xf32>
        %swap3A_521 = vector.shape_cast %gather3A_515 : vector<16xf32> to vector<1x16xf32>
        tpu.vector_store %arg8[%swap3A_517, %swap3A_518], %swap3A_521 {strides = array<i32>} : memref<4x8192xf32, #tpu.memory_space<vmem>>, vector<1x16xf32>,
        %reshape3A_522 = vector.shape_cast %get3A_305 : vector<16xi32> to vector<16x1xi32>
        %gather3A_523 = vector.shape_cast %reshape3A_522 : vector<16x1xi32> to vector<16xi32>
        %gather3A_524 = tpu.dynamic_gather %get3A_11[%gather3A_523] in [0] : vector<16xf32>, vector<16xi32> -> vector<16xf32>
        %swap3A_525 = arith.constant 1 : i32
        %swap3A_526 = arith.index_cast %swap3A_525 : i32 to index
        %swap3A_527 = arith.index_cast %mul3A_209 : i32 to index
        %swap3A_528 = tpu.vector_load %arg8[%swap3A_526, %swap3A_527] {strides = array<i32>} : memref<4x8192xf32, #tpu.memory_space<vmem>>, vector<1x16xf32>,
        %swap3A_529 = vector.shape_cast %swap3A_528 : vector<1x16xf32> to vector<16xf32>
        %swap3A_530 = vector.shape_cast %gather3A_524 : vector<16xf32> to vector<1x16xf32>
        tpu.vector_store %arg8[%swap3A_526, %swap3A_527], %swap3A_530 {strides = array<i32>} : memref<4x8192xf32, #tpu.memory_space<vmem>>, vector<1x16xf32>,
        %reshape3A_531 = vector.shape_cast %get3A_305 : vector<16xi32> to vector<16x1xi32>
        %gather3A_532 = vector.shape_cast %reshape3A_531 : vector<16x1xi32> to vector<16xi32>
        %gather3A_533 = tpu.dynamic_gather %get3A_16[%gather3A_532] in [0] : vector<16xf32>, vector<16xi32> -> vector<16xf32>
        %swap3A_534 = arith.constant 2 : i32
        %swap3A_535 = arith.index_cast %swap3A_534 : i32 to index
        %swap3A_536 = arith.index_cast %mul3A_209 : i32 to index
        %swap3A_537 = tpu.vector_load %arg8[%swap3A_535, %swap3A_536] {strides = array<i32>} : memref<4x8192xf32, #tpu.memory_space<vmem>>, vector<1x16xf32>,
        %swap3A_538 = vector.shape_cast %swap3A_537 : vector<1x16xf32> to vector<16xf32>
        %swap3A_539 = vector.shape_cast %gather3A_533 : vector<16xf32> to vector<1x16xf32>
        tpu.vector_store %arg8[%swap3A_535, %swap3A_536], %swap3A_539 {strides = array<i32>} : memref<4x8192xf32, #tpu.memory_space<vmem>>, vector<1x16xf32>,
        %reshape3A_540 = vector.shape_cast %get3A_305 : vector<16xi32> to vector<16x1xi32>
        %gather3A_541 = vector.shape_cast %reshape3A_540 : vector<16x1xi32> to vector<16xi32>
        %gather3A_542 = tpu.dynamic_gather %get3A_21[%gather3A_541] in [0] : vector<16xf32>, vector<16xi32> -> vector<16xf32>
        %swap3A_543 = arith.constant 3 : i32
        %swap3A_544 = arith.index_cast %swap3A_543 : i32 to index
        %swap3A_545 = arith.index_cast %mul3A_209 : i32 to index
        %swap3A_546 = tpu.vector_load %arg8[%swap3A_544, %swap3A_545] {strides = array<i32>} : memref<4x8192xf32, #tpu.memory_space<vmem>>, vector<1x16xf32>,
        %swap3A_547 = vector.shape_cast %swap3A_546 : vector<1x16xf32> to vector<16xf32>
        %swap3A_548 = vector.shape_cast %gather3A_542 : vector<16xf32> to vector<1x16xf32>
        tpu.vector_store %arg8[%swap3A_544, %swap3A_545], %swap3A_548 {strides = array<i32>} : memref<4x8192xf32, #tpu.memory_space<vmem>>, vector<1x16xf32>,
        %reshape3A_549 = vector.shape_cast %get3A_311 : vector<16xi32> to vector<16x1xi32>
        %gather3A_550 = vector.shape_cast %reshape3A_549 : vector<16x1xi32> to vector<16xi32>
        %gather3A_551 = tpu.dynamic_gather %get3A_6[%gather3A_550] in [0] : vector<16xf32>, vector<16xi32> -> vector<16xf32>
        %swap3A_552 = arith.constant 0 : i32
        %swap3A_553 = arith.index_cast %swap3A_552 : i32 to index
        %swap3A_554 = arith.index_cast %mul3A_215 : i32 to index
        %swap3A_555 = tpu.vector_load %arg8[%swap3A_553, %swap3A_554] {strides = array<i32>} : memref<4x8192xf32, #tpu.memory_space<vmem>>, vector<1x16xf32>,
        %swap3A_556 = vector.shape_cast %swap3A_555 : vector<1x16xf32> to vector<16xf32>
        %swap3A_557 = vector.shape_cast %gather3A_551 : vector<16xf32> to vector<1x16xf32>
        tpu.vector_store %arg8[%swap3A_553, %swap3A_554], %swap3A_557 {strides = array<i32>} : memref<4x8192xf32, #tpu.memory_space<vmem>>, vector<1x16xf32>,
        %reshape3A_558 = vector.shape_cast %get3A_311 : vector<16xi32> to vector<16x1xi32>
        %gather3A_559 = vector.shape_cast %reshape3A_558 : vector<16x1xi32> to vector<16xi32>
        %gather3A_560 = tpu.dynamic_gather %get3A_11[%gather3A_559] in [0] : vector<16xf32>, vector<16xi32> -> vector<16xf32>
        %swap3A_561 = arith.constant 1 : i32
        %swap3A_562 = arith.index_cast %swap3A_561 : i32 to index
        %swap3A_563 = arith.index_cast %mul3A_215 : i32 to index
        %swap3A_564 = tpu.vector_load %arg8[%swap3A_562, %swap3A_563] {strides = array<i32>} : memref<4x8192xf32, #tpu.memory_space<vmem>>, vector<1x16xf32>,
        %swap3A_565 = vector.shape_cast %swap3A_564 : vector<1x16xf32> to vector<16xf32>
        %swap3A_566 = vector.shape_cast %gather3A_560 : vector<16xf32> to vector<1x16xf32>
        tpu.vector_store %arg8[%swap3A_562, %swap3A_563], %swap3A_566 {strides = array<i32>} : memref<4x8192xf32, #tpu.memory_space<vmem>>, vector<1x16xf32>,
        %reshape3A_567 = vector.shape_cast %get3A_311 : vector<16xi32> to vector<16x1xi32>
        %gather3A_568 = vector.shape_cast %reshape3A_567 : vector<16x1xi32> to vector<16xi32>
        %gather3A_569 = tpu.dynamic_gather %get3A_16[%gather3A_568] in [0] : vector<16xf32>, vector<16xi32> -> vector<16xf32>
        %swap3A_570 = arith.constant 2 : i32
        %swap3A_571 = arith.index_cast %swap3A_570 : i32 to index
        %swap3A_572 = arith.index_cast %mul3A_215 : i32 to index
        %swap3A_573 = tpu.vector_load %arg8[%swap3A_571, %swap3A_572] {strides = array<i32>} : memref<4x8192xf32, #tpu.memory_space<vmem>>, vector<1x16xf32>,
        %swap3A_574 = vector.shape_cast %swap3A_573 : vector<1x16xf32> to vector<16xf32>
        %swap3A_575 = vector.shape_cast %gather3A_569 : vector<16xf32> to vector<1x16xf32>
        tpu.vector_store %arg8[%swap3A_571, %swap3A_572], %swap3A_575 {strides = array<i32>} : memref<4x8192xf32, #tpu.memory_space<vmem>>, vector<1x16xf32>,
        %reshape3A_576 = vector.shape_cast %get3A_311 : vector<16xi32> to vector<16x1xi32>
        %gather3A_577 = vector.shape_cast %reshape3A_576 : vector<16x1xi32> to vector<16xi32>
        %gather3A_578 = tpu.dynamic_gather %get3A_21[%gather3A_577] in [0] : vector<16xf32>, vector<16xi32> -> vector<16xf32>
        %swap3A_579 = arith.constant 3 : i32
        %swap3A_580 = arith.index_cast %swap3A_579 : i32 to index
        %swap3A_581 = arith.index_cast %mul3A_215 : i32 to index
        %swap3A_582 = tpu.vector_load %arg8[%swap3A_580, %swap3A_581] {strides = array<i32>} : memref<4x8192xf32, #tpu.memory_space<vmem>>, vector<1x16xf32>,
        %swap3A_583 = vector.shape_cast %swap3A_582 : vector<1x16xf32> to vector<16xf32>
        %swap3A_584 = vector.shape_cast %gather3A_578 : vector<16xf32> to vector<1x16xf32>
        tpu.vector_store %arg8[%swap3A_580, %swap3A_581], %swap3A_584 {strides = array<i32>} : memref<4x8192xf32, #tpu.memory_space<vmem>>, vector<1x16xf32>,
        %reshape3A_585 = vector.shape_cast %get3A_317 : vector<16xi32> to vector<16x1xi32>
        %gather3A_586 = vector.shape_cast %reshape3A_585 : vector<16x1xi32> to vector<16xi32>
        %gather3A_587 = tpu.dynamic_gather %get3A_6[%gather3A_586] in [0] : vector<16xf32>, vector<16xi32> -> vector<16xf32>
        %swap3A_588 = arith.constant 0 : i32
        %swap3A_589 = arith.index_cast %swap3A_588 : i32 to index
        %swap3A_590 = arith.index_cast %mul3A_221 : i32 to index
        %swap3A_591 = tpu.vector_load %arg8[%swap3A_589, %swap3A_590] {strides = array<i32>} : memref<4x8192xf32, #tpu.memory_space<vmem>>, vector<1x16xf32>,
        %swap3A_592 = vector.shape_cast %swap3A_591 : vector<1x16xf32> to vector<16xf32>
        %swap3A_593 = vector.shape_cast %gather3A_587 : vector<16xf32> to vector<1x16xf32>
        tpu.vector_store %arg8[%swap3A_589, %swap3A_590], %swap3A_593 {strides = array<i32>} : memref<4x8192xf32, #tpu.memory_space<vmem>>, vector<1x16xf32>,
        %reshape3A_594 = vector.shape_cast %get3A_317 : vector<16xi32> to vector<16x1xi32>
        %gather3A_595 = vector.shape_cast %reshape3A_594 : vector<16x1xi32> to vector<16xi32>
        %gather3A_596 = tpu.dynamic_gather %get3A_11[%gather3A_595] in [0] : vector<16xf32>, vector<16xi32> -> vector<16xf32>
        %swap3A_597 = arith.constant 1 : i32
        %swap3A_598 = arith.index_cast %swap3A_597 : i32 to index
        %swap3A_599 = arith.index_cast %mul3A_221 : i32 to index
        %swap3A_600 = tpu.vector_load %arg8[%swap3A_598, %swap3A_599] {strides = array<i32>} : memref<4x8192xf32, #tpu.memory_space<vmem>>, vector<1x16xf32>,
        %swap3A_601 = vector.shape_cast %swap3A_600 : vector<1x16xf32> to vector<16xf32>
        %swap3A_602 = vector.shape_cast %gather3A_596 : vector<16xf32> to vector<1x16xf32>
        tpu.vector_store %arg8[%swap3A_598, %swap3A_599], %swap3A_602 {strides = array<i32>} : memref<4x8192xf32, #tpu.memory_space<vmem>>, vector<1x16xf32>,
        %reshape3A_603 = vector.shape_cast %get3A_317 : vector<16xi32> to vector<16x1xi32>
        %gather3A_604 = vector.shape_cast %reshape3A_603 : vector<16x1xi32> to vector<16xi32>
        %gather3A_605 = tpu.dynamic_gather %get3A_16[%gather3A_604] in [0] : vector<16xf32>, vector<16xi32> -> vector<16xf32>
        %swap3A_606 = arith.constant 2 : i32
        %swap3A_607 = arith.index_cast %swap3A_606 : i32 to index
        %swap3A_608 = arith.index_cast %mul3A_221 : i32 to index
        %swap3A_609 = tpu.vector_load %arg8[%swap3A_607, %swap3A_608] {strides = array<i32>} : memref<4x8192xf32, #tpu.memory_space<vmem>>, vector<1x16xf32>,
        %swap3A_610 = vector.shape_cast %swap3A_609 : vector<1x16xf32> to vector<16xf32>
        %swap3A_611 = vector.shape_cast %gather3A_605 : vector<16xf32> to vector<1x16xf32>
        tpu.vector_store %arg8[%swap3A_607, %swap3A_608], %swap3A_611 {strides = array<i32>} : memref<4x8192xf32, #tpu.memory_space<vmem>>, vector<1x16xf32>,
        %reshape3A_612 = vector.shape_cast %get3A_317 : vector<16xi32> to vector<16x1xi32>
        %gather3A_613 = vector.shape_cast %reshape3A_612 : vector<16x1xi32> to vector<16xi32>
        %gather3A_614 = tpu.dynamic_gather %get3A_21[%gather3A_613] in [0] : vector<16xf32>, vector<16xi32> -> vector<16xf32>
        %swap3A_615 = arith.constant 3 : i32
        %swap3A_616 = arith.index_cast %swap3A_615 : i32 to index
        %swap3A_617 = arith.index_cast %mul3A_221 : i32 to index
        %swap3A_618 = tpu.vector_load %arg8[%swap3A_616, %swap3A_617] {strides = array<i32>} : memref<4x8192xf32, #tpu.memory_space<vmem>>, vector<1x16xf32>,
        %swap3A_619 = vector.shape_cast %swap3A_618 : vector<1x16xf32> to vector<16xf32>
        %swap3A_620 = vector.shape_cast %gather3A_614 : vector<16xf32> to vector<1x16xf32>
        tpu.vector_store %arg8[%swap3A_616, %swap3A_617], %swap3A_620 {strides = array<i32>} : memref<4x8192xf32, #tpu.memory_space<vmem>>, vector<1x16xf32>,
        %reshape3A_621 = vector.shape_cast %get3A_323 : vector<16xi32> to vector<16x1xi32>
        %gather3A_622 = vector.shape_cast %reshape3A_621 : vector<16x1xi32> to vector<16xi32>
        %gather3A_623 = tpu.dynamic_gather %get3A_6[%gather3A_622] in [0] : vector<16xf32>, vector<16xi32> -> vector<16xf32>
        %swap3A_624 = arith.constant 0 : i32
        %swap3A_625 = arith.index_cast %swap3A_624 : i32 to index
        %swap3A_626 = arith.index_cast %mul3A_227 : i32 to index
        %swap3A_627 = tpu.vector_load %arg8[%swap3A_625, %swap3A_626] {strides = array<i32>} : memref<4x8192xf32, #tpu.memory_space<vmem>>, vector<1x16xf32>,
        %swap3A_628 = vector.shape_cast %swap3A_627 : vector<1x16xf32> to vector<16xf32>
        %swap3A_629 = vector.shape_cast %gather3A_623 : vector<16xf32> to vector<1x16xf32>
        tpu.vector_store %arg8[%swap3A_625, %swap3A_626], %swap3A_629 {strides = array<i32>} : memref<4x8192xf32, #tpu.memory_space<vmem>>, vector<1x16xf32>,
        %reshape3A_630 = vector.shape_cast %get3A_323 : vector<16xi32> to vector<16x1xi32>
        %gather3A_631 = vector.shape_cast %reshape3A_630 : vector<16x1xi32> to vector<16xi32>
        %gather3A_632 = tpu.dynamic_gather %get3A_11[%gather3A_631] in [0] : vector<16xf32>, vector<16xi32> -> vector<16xf32>
        %swap3A_633 = arith.constant 1 : i32
        %swap3A_634 = arith.index_cast %swap3A_633 : i32 to index
        %swap3A_635 = arith.index_cast %mul3A_227 : i32 to index
        %swap3A_636 = tpu.vector_load %arg8[%swap3A_634, %swap3A_635] {strides = array<i32>} : memref<4x8192xf32, #tpu.memory_space<vmem>>, vector<1x16xf32>,
        %swap3A_637 = vector.shape_cast %swap3A_636 : vector<1x16xf32> to vector<16xf32>
        %swap3A_638 = vector.shape_cast %gather3A_632 : vector<16xf32> to vector<1x16xf32>
        tpu.vector_store %arg8[%swap3A_634, %swap3A_635], %swap3A_638 {strides = array<i32>} : memref<4x8192xf32, #tpu.memory_space<vmem>>, vector<1x16xf32>,
        %reshape3A_639 = vector.shape_cast %get3A_323 : vector<16xi32> to vector<16x1xi32>
        %gather3A_640 = vector.shape_cast %reshape3A_639 : vector<16x1xi32> to vector<16xi32>
        %gather3A_641 = tpu.dynamic_gather %get3A_16[%gather3A_640] in [0] : vector<16xf32>, vector<16xi32> -> vector<16xf32>
        %swap3A_642 = arith.constant 2 : i32
        %swap3A_643 = arith.index_cast %swap3A_642 : i32 to index
        %swap3A_644 = arith.index_cast %mul3A_227 : i32 to index
        %swap3A_645 = tpu.vector_load %arg8[%swap3A_643, %swap3A_644] {strides = array<i32>} : memref<4x8192xf32, #tpu.memory_space<vmem>>, vector<1x16xf32>,
        %swap3A_646 = vector.shape_cast %swap3A_645 : vector<1x16xf32> to vector<16xf32>
        %swap3A_647 = vector.shape_cast %gather3A_641 : vector<16xf32> to vector<1x16xf32>
        tpu.vector_store %arg8[%swap3A_643, %swap3A_644], %swap3A_647 {strides = array<i32>} : memref<4x8192xf32, #tpu.memory_space<vmem>>, vector<1x16xf32>,
        %reshape3A_648 = vector.shape_cast %get3A_323 : vector<16xi32> to vector<16x1xi32>
        %gather3A_649 = vector.shape_cast %reshape3A_648 : vector<16x1xi32> to vector<16xi32>
        %gather3A_650 = tpu.dynamic_gather %get3A_21[%gather3A_649] in [0] : vector<16xf32>, vector<16xi32> -> vector<16xf32>
        %swap3A_651 = arith.constant 3 : i32
        %swap3A_652 = arith.index_cast %swap3A_651 : i32 to index
        %swap3A_653 = arith.index_cast %mul3A_227 : i32 to index
        %swap3A_654 = tpu.vector_load %arg8[%swap3A_652, %swap3A_653] {strides = array<i32>} : memref<4x8192xf32, #tpu.memory_space<vmem>>, vector<1x16xf32>,
        %swap3A_655 = vector.shape_cast %swap3A_654 : vector<1x16xf32> to vector<16xf32>
        %swap3A_656 = vector.shape_cast %gather3A_650 : vector<16xf32> to vector<1x16xf32>
        tpu.vector_store %arg8[%swap3A_652, %swap3A_653], %swap3A_656 {strides = array<i32>} : memref<4x8192xf32, #tpu.memory_space<vmem>>, vector<1x16xf32>,
        %reshape3A_657 = vector.shape_cast %get3A_329 : vector<16xi32> to vector<16x1xi32>
        %gather3A_658 = vector.shape_cast %reshape3A_657 : vector<16x1xi32> to vector<16xi32>
        %gather3A_659 = tpu.dynamic_gather %get3A_6[%gather3A_658] in [0] : vector<16xf32>, vector<16xi32> -> vector<16xf32>
        %swap3A_660 = arith.constant 0 : i32
        %swap3A_661 = arith.index_cast %swap3A_660 : i32 to index
        %swap3A_662 = arith.index_cast %mul3A_233 : i32 to index
        %swap3A_663 = tpu.vector_load %arg8[%swap3A_661, %swap3A_662] {strides = array<i32>} : memref<4x8192xf32, #tpu.memory_space<vmem>>, vector<1x16xf32>,
        %swap3A_664 = vector.shape_cast %swap3A_663 : vector<1x16xf32> to vector<16xf32>
        %swap3A_665 = vector.shape_cast %gather3A_659 : vector<16xf32> to vector<1x16xf32>
        tpu.vector_store %arg8[%swap3A_661, %swap3A_662], %swap3A_665 {strides = array<i32>} : memref<4x8192xf32, #tpu.memory_space<vmem>>, vector<1x16xf32>,
        %reshape3A_666 = vector.shape_cast %get3A_329 : vector<16xi32> to vector<16x1xi32>
        %gather3A_667 = vector.shape_cast %reshape3A_666 : vector<16x1xi32> to vector<16xi32>
        %gather3A_668 = tpu.dynamic_gather %get3A_11[%gather3A_667] in [0] : vector<16xf32>, vector<16xi32> -> vector<16xf32>
        %swap3A_669 = arith.constant 1 : i32
        %swap3A_670 = arith.index_cast %swap3A_669 : i32 to index
        %swap3A_671 = arith.index_cast %mul3A_233 : i32 to index
        %swap3A_672 = tpu.vector_load %arg8[%swap3A_670, %swap3A_671] {strides = array<i32>} : memref<4x8192xf32, #tpu.memory_space<vmem>>, vector<1x16xf32>,
        %swap3A_673 = vector.shape_cast %swap3A_672 : vector<1x16xf32> to vector<16xf32>
        %swap3A_674 = vector.shape_cast %gather3A_668 : vector<16xf32> to vector<1x16xf32>
        tpu.vector_store %arg8[%swap3A_670, %swap3A_671], %swap3A_674 {strides = array<i32>} : memref<4x8192xf32, #tpu.memory_space<vmem>>, vector<1x16xf32>,
        %reshape3A_675 = vector.shape_cast %get3A_329 : vector<16xi32> to vector<16x1xi32>
        %gather3A_676 = vector.shape_cast %reshape3A_675 : vector<16x1xi32> to vector<16xi32>
        %gather3A_677 = tpu.dynamic_gather %get3A_16[%gather3A_676] in [0] : vector<16xf32>, vector<16xi32> -> vector<16xf32>
        %swap3A_678 = arith.constant 2 : i32
        %swap3A_679 = arith.index_cast %swap3A_678 : i32 to index
        %swap3A_680 = arith.index_cast %mul3A_233 : i32 to index
        %swap3A_681 = tpu.vector_load %arg8[%swap3A_679, %swap3A_680] {strides = array<i32>} : memref<4x8192xf32, #tpu.memory_space<vmem>>, vector<1x16xf32>,
        %swap3A_682 = vector.shape_cast %swap3A_681 : vector<1x16xf32> to vector<16xf32>
        %swap3A_683 = vector.shape_cast %gather3A_677 : vector<16xf32> to vector<1x16xf32>
        tpu.vector_store %arg8[%swap3A_679, %swap3A_680], %swap3A_683 {strides = array<i32>} : memref<4x8192xf32, #tpu.memory_space<vmem>>, vector<1x16xf32>,
        %reshape3A_684 = vector.shape_cast %get3A_329 : vector<16xi32> to vector<16x1xi32>
        %gather3A_685 = vector.shape_cast %reshape3A_684 : vector<16x1xi32> to vector<16xi32>
        %gather3A_686 = tpu.dynamic_gather %get3A_21[%gather3A_685] in [0] : vector<16xf32>, vector<16xi32> -> vector<16xf32>
        %swap3A_687 = arith.constant 3 : i32
        %swap3A_688 = arith.index_cast %swap3A_687 : i32 to index
        %swap3A_689 = arith.index_cast %mul3A_233 : i32 to index
        %swap3A_690 = tpu.vector_load %arg8[%swap3A_688, %swap3A_689] {strides = array<i32>} : memref<4x8192xf32, #tpu.memory_space<vmem>>, vector<1x16xf32>,
        %swap3A_691 = vector.shape_cast %swap3A_690 : vector<1x16xf32> to vector<16xf32>
        %swap3A_692 = vector.shape_cast %gather3A_686 : vector<16xf32> to vector<1x16xf32>
        tpu.vector_store %arg8[%swap3A_688, %swap3A_689], %swap3A_692 {strides = array<i32>} : memref<4x8192xf32, #tpu.memory_space<vmem>>, vector<1x16xf32>,
        %reshape3A_693 = vector.shape_cast %get3A_335 : vector<16xi32> to vector<16x1xi32>
        %gather3A_694 = vector.shape_cast %reshape3A_693 : vector<16x1xi32> to vector<16xi32>
        %gather3A_695 = tpu.dynamic_gather %get3A_6[%gather3A_694] in [0] : vector<16xf32>, vector<16xi32> -> vector<16xf32>
        %swap3A_696 = arith.constant 0 : i32
        %swap3A_697 = arith.index_cast %swap3A_696 : i32 to index
        %swap3A_698 = arith.index_cast %mul3A_239 : i32 to index
        %swap3A_699 = tpu.vector_load %arg8[%swap3A_697, %swap3A_698] {strides = array<i32>} : memref<4x8192xf32, #tpu.memory_space<vmem>>, vector<1x16xf32>,
        %swap3A_700 = vector.shape_cast %swap3A_699 : vector<1x16xf32> to vector<16xf32>
        %swap3A_701 = vector.shape_cast %gather3A_695 : vector<16xf32> to vector<1x16xf32>
        tpu.vector_store %arg8[%swap3A_697, %swap3A_698], %swap3A_701 {strides = array<i32>} : memref<4x8192xf32, #tpu.memory_space<vmem>>, vector<1x16xf32>,
        %reshape3A_702 = vector.shape_cast %get3A_335 : vector<16xi32> to vector<16x1xi32>
        %gather3A_703 = vector.shape_cast %reshape3A_702 : vector<16x1xi32> to vector<16xi32>
        %gather3A_704 = tpu.dynamic_gather %get3A_11[%gather3A_703] in [0] : vector<16xf32>, vector<16xi32> -> vector<16xf32>
        %swap3A_705 = arith.constant 1 : i32
        %swap3A_706 = arith.index_cast %swap3A_705 : i32 to index
        %swap3A_707 = arith.index_cast %mul3A_239 : i32 to index
        %swap3A_708 = tpu.vector_load %arg8[%swap3A_706, %swap3A_707] {strides = array<i32>} : memref<4x8192xf32, #tpu.memory_space<vmem>>, vector<1x16xf32>,
        %swap3A_709 = vector.shape_cast %swap3A_708 : vector<1x16xf32> to vector<16xf32>
        %swap3A_710 = vector.shape_cast %gather3A_704 : vector<16xf32> to vector<1x16xf32>
        tpu.vector_store %arg8[%swap3A_706, %swap3A_707], %swap3A_710 {strides = array<i32>} : memref<4x8192xf32, #tpu.memory_space<vmem>>, vector<1x16xf32>,
        %reshape3A_711 = vector.shape_cast %get3A_335 : vector<16xi32> to vector<16x1xi32>
        %gather3A_712 = vector.shape_cast %reshape3A_711 : vector<16x1xi32> to vector<16xi32>
        %gather3A_713 = tpu.dynamic_gather %get3A_16[%gather3A_712] in [0] : vector<16xf32>, vector<16xi32> -> vector<16xf32>
        %swap3A_714 = arith.constant 2 : i32
        %swap3A_715 = arith.index_cast %swap3A_714 : i32 to index
        %swap3A_716 = arith.index_cast %mul3A_239 : i32 to index
        %swap3A_717 = tpu.vector_load %arg8[%swap3A_715, %swap3A_716] {strides = array<i32>} : memref<4x8192xf32, #tpu.memory_space<vmem>>, vector<1x16xf32>,
        %swap3A_718 = vector.shape_cast %swap3A_717 : vector<1x16xf32> to vector<16xf32>
        %swap3A_719 = vector.shape_cast %gather3A_713 : vector<16xf32> to vector<1x16xf32>
        tpu.vector_store %arg8[%swap3A_715, %swap3A_716], %swap3A_719 {strides = array<i32>} : memref<4x8192xf32, #tpu.memory_space<vmem>>, vector<1x16xf32>,
        %reshape3A_720 = vector.shape_cast %get3A_335 : vector<16xi32> to vector<16x1xi32>
        %gather3A_721 = vector.shape_cast %reshape3A_720 : vector<16x1xi32> to vector<16xi32>
        %gather3A_722 = tpu.dynamic_gather %get3A_21[%gather3A_721] in [0] : vector<16xf32>, vector<16xi32> -> vector<16xf32>
        %swap3A_723 = arith.constant 3 : i32
        %swap3A_724 = arith.index_cast %swap3A_723 : i32 to index
        %swap3A_725 = arith.index_cast %mul3A_239 : i32 to index
        %swap3A_726 = tpu.vector_load %arg8[%swap3A_724, %swap3A_725] {strides = array<i32>} : memref<4x8192xf32, #tpu.memory_space<vmem>>, vector<1x16xf32>,
        %swap3A_727 = vector.shape_cast %swap3A_726 : vector<1x16xf32> to vector<16xf32>
        %swap3A_728 = vector.shape_cast %gather3A_722 : vector<16xf32> to vector<1x16xf32>
        tpu.vector_store %arg8[%swap3A_724, %swap3A_725], %swap3A_728 {strides = array<i32>} : memref<4x8192xf32, #tpu.memory_space<vmem>>, vector<1x16xf32>,
        %reshape3A_729 = vector.shape_cast %get3A_341 : vector<16xi32> to vector<16x1xi32>
        %gather3A_730 = vector.shape_cast %reshape3A_729 : vector<16x1xi32> to vector<16xi32>
        %gather3A_731 = tpu.dynamic_gather %get3A_6[%gather3A_730] in [0] : vector<16xf32>, vector<16xi32> -> vector<16xf32>
        %swap3A_732 = arith.constant 0 : i32
        %swap3A_733 = arith.index_cast %swap3A_732 : i32 to index
        %swap3A_734 = arith.index_cast %mul3A_245 : i32 to index
        %swap3A_735 = tpu.vector_load %arg8[%swap3A_733, %swap3A_734] {strides = array<i32>} : memref<4x8192xf32, #tpu.memory_space<vmem>>, vector<1x16xf32>,
        %swap3A_736 = vector.shape_cast %swap3A_735 : vector<1x16xf32> to vector<16xf32>
        %swap3A_737 = vector.shape_cast %gather3A_731 : vector<16xf32> to vector<1x16xf32>
        tpu.vector_store %arg8[%swap3A_733, %swap3A_734], %swap3A_737 {strides = array<i32>} : memref<4x8192xf32, #tpu.memory_space<vmem>>, vector<1x16xf32>,
        %reshape3A_738 = vector.shape_cast %get3A_341 : vector<16xi32> to vector<16x1xi32>
        %gather3A_739 = vector.shape_cast %reshape3A_738 : vector<16x1xi32> to vector<16xi32>
        %gather3A_740 = tpu.dynamic_gather %get3A_11[%gather3A_739] in [0] : vector<16xf32>, vector<16xi32> -> vector<16xf32>
        %swap3A_741 = arith.constant 1 : i32
        %swap3A_742 = arith.index_cast %swap3A_741 : i32 to index
        %swap3A_743 = arith.index_cast %mul3A_245 : i32 to index
        %swap3A_744 = tpu.vector_load %arg8[%swap3A_742, %swap3A_743] {strides = array<i32>} : memref<4x8192xf32, #tpu.memory_space<vmem>>, vector<1x16xf32>,
        %swap3A_745 = vector.shape_cast %swap3A_744 : vector<1x16xf32> to vector<16xf32>
        %swap3A_746 = vector.shape_cast %gather3A_740 : vector<16xf32> to vector<1x16xf32>
        tpu.vector_store %arg8[%swap3A_742, %swap3A_743], %swap3A_746 {strides = array<i32>} : memref<4x8192xf32, #tpu.memory_space<vmem>>, vector<1x16xf32>,
        %reshape3A_747 = vector.shape_cast %get3A_341 : vector<16xi32> to vector<16x1xi32>
        %gather3A_748 = vector.shape_cast %reshape3A_747 : vector<16x1xi32> to vector<16xi32>
        %gather3A_749 = tpu.dynamic_gather %get3A_16[%gather3A_748] in [0] : vector<16xf32>, vector<16xi32> -> vector<16xf32>
        %swap3A_750 = arith.constant 2 : i32
        %swap3A_751 = arith.index_cast %swap3A_750 : i32 to index
        %swap3A_752 = arith.index_cast %mul3A_245 : i32 to index
        %swap3A_753 = tpu.vector_load %arg8[%swap3A_751, %swap3A_752] {strides = array<i32>} : memref<4x8192xf32, #tpu.memory_space<vmem>>, vector<1x16xf32>,
        %swap3A_754 = vector.shape_cast %swap3A_753 : vector<1x16xf32> to vector<16xf32>
        %swap3A_755 = vector.shape_cast %gather3A_749 : vector<16xf32> to vector<1x16xf32>
        tpu.vector_store %arg8[%swap3A_751, %swap3A_752], %swap3A_755 {strides = array<i32>} : memref<4x8192xf32, #tpu.memory_space<vmem>>, vector<1x16xf32>,
        %reshape3A_756 = vector.shape_cast %get3A_341 : vector<16xi32> to vector<16x1xi32>
        %gather3A_757 = vector.shape_cast %reshape3A_756 : vector<16x1xi32> to vector<16xi32>
        %gather3A_758 = tpu.dynamic_gather %get3A_21[%gather3A_757] in [0] : vector<16xf32>, vector<16xi32> -> vector<16xf32>
        %swap3A_759 = arith.constant 3 : i32
        %swap3A_760 = arith.index_cast %swap3A_759 : i32 to index
        %swap3A_761 = arith.index_cast %mul3A_245 : i32 to index
        %swap3A_762 = tpu.vector_load %arg8[%swap3A_760, %swap3A_761] {strides = array<i32>} : memref<4x8192xf32, #tpu.memory_space<vmem>>, vector<1x16xf32>,
        %swap3A_763 = vector.shape_cast %swap3A_762 : vector<1x16xf32> to vector<16xf32>
        %swap3A_764 = vector.shape_cast %gather3A_758 : vector<16xf32> to vector<1x16xf32>
        tpu.vector_store %arg8[%swap3A_760, %swap3A_761], %swap3A_764 {strides = array<i32>} : memref<4x8192xf32, #tpu.memory_space<vmem>>, vector<1x16xf32>,
        %reshape3A_765 = vector.shape_cast %get3A_347 : vector<16xi32> to vector<16x1xi32>
        %gather3A_766 = vector.shape_cast %reshape3A_765 : vector<16x1xi32> to vector<16xi32>
        %gather3A_767 = tpu.dynamic_gather %get3A_6[%gather3A_766] in [0] : vector<16xf32>, vector<16xi32> -> vector<16xf32>
        %swap3A_768 = arith.constant 0 : i32
        %swap3A_769 = arith.index_cast %swap3A_768 : i32 to index
        %swap3A_770 = arith.index_cast %mul3A_251 : i32 to index
        %swap3A_771 = tpu.vector_load %arg8[%swap3A_769, %swap3A_770] {strides = array<i32>} : memref<4x8192xf32, #tpu.memory_space<vmem>>, vector<1x16xf32>,
        %swap3A_772 = vector.shape_cast %swap3A_771 : vector<1x16xf32> to vector<16xf32>
        %swap3A_773 = vector.shape_cast %gather3A_767 : vector<16xf32> to vector<1x16xf32>
        tpu.vector_store %arg8[%swap3A_769, %swap3A_770], %swap3A_773 {strides = array<i32>} : memref<4x8192xf32, #tpu.memory_space<vmem>>, vector<1x16xf32>,
        %reshape3A_774 = vector.shape_cast %get3A_347 : vector<16xi32> to vector<16x1xi32>
        %gather3A_775 = vector.shape_cast %reshape3A_774 : vector<16x1xi32> to vector<16xi32>
        %gather3A_776 = tpu.dynamic_gather %get3A_11[%gather3A_775] in [0] : vector<16xf32>, vector<16xi32> -> vector<16xf32>
        %swap3A_777 = arith.constant 1 : i32
        %swap3A_778 = arith.index_cast %swap3A_777 : i32 to index
        %swap3A_779 = arith.index_cast %mul3A_251 : i32 to index
        %swap3A_780 = tpu.vector_load %arg8[%swap3A_778, %swap3A_779] {strides = array<i32>} : memref<4x8192xf32, #tpu.memory_space<vmem>>, vector<1x16xf32>,
        %swap3A_781 = vector.shape_cast %swap3A_780 : vector<1x16xf32> to vector<16xf32>
        %swap3A_782 = vector.shape_cast %gather3A_776 : vector<16xf32> to vector<1x16xf32>
        tpu.vector_store %arg8[%swap3A_778, %swap3A_779], %swap3A_782 {strides = array<i32>} : memref<4x8192xf32, #tpu.memory_space<vmem>>, vector<1x16xf32>,
        %reshape3A_783 = vector.shape_cast %get3A_347 : vector<16xi32> to vector<16x1xi32>
        %gather3A_784 = vector.shape_cast %reshape3A_783 : vector<16x1xi32> to vector<16xi32>
        %gather3A_785 = tpu.dynamic_gather %get3A_16[%gather3A_784] in [0] : vector<16xf32>, vector<16xi32> -> vector<16xf32>
        %swap3A_786 = arith.constant 2 : i32
        %swap3A_787 = arith.index_cast %swap3A_786 : i32 to index
        %swap3A_788 = arith.index_cast %mul3A_251 : i32 to index
        %swap3A_789 = tpu.vector_load %arg8[%swap3A_787, %swap3A_788] {strides = array<i32>} : memref<4x8192xf32, #tpu.memory_space<vmem>>, vector<1x16xf32>,
        %swap3A_790 = vector.shape_cast %swap3A_789 : vector<1x16xf32> to vector<16xf32>
        %swap3A_791 = vector.shape_cast %gather3A_785 : vector<16xf32> to vector<1x16xf32>
        tpu.vector_store %arg8[%swap3A_787, %swap3A_788], %swap3A_791 {strides = array<i32>} : memref<4x8192xf32, #tpu.memory_space<vmem>>, vector<1x16xf32>,
        %reshape3A_792 = vector.shape_cast %get3A_347 : vector<16xi32> to vector<16x1xi32>
        %gather3A_793 = vector.shape_cast %reshape3A_792 : vector<16x1xi32> to vector<16xi32>
        %gather3A_794 = tpu.dynamic_gather %get3A_21[%gather3A_793] in [0] : vector<16xf32>, vector<16xi32> -> vector<16xf32>
        %swap3A_795 = arith.constant 3 : i32
        %swap3A_796 = arith.index_cast %swap3A_795 : i32 to index
        %swap3A_797 = arith.index_cast %mul3A_251 : i32 to index
        %swap3A_798 = tpu.vector_load %arg8[%swap3A_796, %swap3A_797] {strides = array<i32>} : memref<4x8192xf32, #tpu.memory_space<vmem>>, vector<1x16xf32>,
        %swap3A_799 = vector.shape_cast %swap3A_798 : vector<1x16xf32> to vector<16xf32>
        %swap3A_800 = vector.shape_cast %gather3A_794 : vector<16xf32> to vector<1x16xf32>
        tpu.vector_store %arg8[%swap3A_796, %swap3A_797], %swap3A_800 {strides = array<i32>} : memref<4x8192xf32, #tpu.memory_space<vmem>>, vector<1x16xf32>,
        %reshape3A_801 = vector.shape_cast %get3A_353 : vector<16xi32> to vector<16x1xi32>
        %gather3A_802 = vector.shape_cast %reshape3A_801 : vector<16x1xi32> to vector<16xi32>
        %gather3A_803 = tpu.dynamic_gather %get3A_6[%gather3A_802] in [0] : vector<16xf32>, vector<16xi32> -> vector<16xf32>
        %swap3A_804 = arith.constant 0 : i32
        %swap3A_805 = arith.index_cast %swap3A_804 : i32 to index
        %swap3A_806 = arith.index_cast %mul3A_257 : i32 to index
        %swap3A_807 = tpu.vector_load %arg8[%swap3A_805, %swap3A_806] {strides = array<i32>} : memref<4x8192xf32, #tpu.memory_space<vmem>>, vector<1x16xf32>,
        %swap3A_808 = vector.shape_cast %swap3A_807 : vector<1x16xf32> to vector<16xf32>
        %swap3A_809 = vector.shape_cast %gather3A_803 : vector<16xf32> to vector<1x16xf32>
        tpu.vector_store %arg8[%swap3A_805, %swap3A_806], %swap3A_809 {strides = array<i32>} : memref<4x8192xf32, #tpu.memory_space<vmem>>, vector<1x16xf32>,
        %reshape3A_810 = vector.shape_cast %get3A_353 : vector<16xi32> to vector<16x1xi32>
        %gather3A_811 = vector.shape_cast %reshape3A_810 : vector<16x1xi32> to vector<16xi32>
        %gather3A_812 = tpu.dynamic_gather %get3A_11[%gather3A_811] in [0] : vector<16xf32>, vector<16xi32> -> vector<16xf32>
        %swap3A_813 = arith.constant 1 : i32
        %swap3A_814 = arith.index_cast %swap3A_813 : i32 to index
        %swap3A_815 = arith.index_cast %mul3A_257 : i32 to index
        %swap3A_816 = tpu.vector_load %arg8[%swap3A_814, %swap3A_815] {strides = array<i32>} : memref<4x8192xf32, #tpu.memory_space<vmem>>, vector<1x16xf32>,
        %swap3A_817 = vector.shape_cast %swap3A_816 : vector<1x16xf32> to vector<16xf32>
        %swap3A_818 = vector.shape_cast %gather3A_812 : vector<16xf32> to vector<1x16xf32>
        tpu.vector_store %arg8[%swap3A_814, %swap3A_815], %swap3A_818 {strides = array<i32>} : memref<4x8192xf32, #tpu.memory_space<vmem>>, vector<1x16xf32>,
        %reshape3A_819 = vector.shape_cast %get3A_353 : vector<16xi32> to vector<16x1xi32>
        %gather3A_820 = vector.shape_cast %reshape3A_819 : vector<16x1xi32> to vector<16xi32>
        %gather3A_821 = tpu.dynamic_gather %get3A_16[%gather3A_820] in [0] : vector<16xf32>, vector<16xi32> -> vector<16xf32>
        %swap3A_822 = arith.constant 2 : i32
        %swap3A_823 = arith.index_cast %swap3A_822 : i32 to index
        %swap3A_824 = arith.index_cast %mul3A_257 : i32 to index
        %swap3A_825 = tpu.vector_load %arg8[%swap3A_823, %swap3A_824] {strides = array<i32>} : memref<4x8192xf32, #tpu.memory_space<vmem>>, vector<1x16xf32>,
        %swap3A_826 = vector.shape_cast %swap3A_825 : vector<1x16xf32> to vector<16xf32>
        %swap3A_827 = vector.shape_cast %gather3A_821 : vector<16xf32> to vector<1x16xf32>
        tpu.vector_store %arg8[%swap3A_823, %swap3A_824], %swap3A_827 {strides = array<i32>} : memref<4x8192xf32, #tpu.memory_space<vmem>>, vector<1x16xf32>,
        %reshape3A_828 = vector.shape_cast %get3A_353 : vector<16xi32> to vector<16x1xi32>
        %gather3A_829 = vector.shape_cast %reshape3A_828 : vector<16x1xi32> to vector<16xi32>
        %gather3A_830 = tpu.dynamic_gather %get3A_21[%gather3A_829] in [0] : vector<16xf32>, vector<16xi32> -> vector<16xf32>
        %swap3A_831 = arith.constant 3 : i32
        %swap3A_832 = arith.index_cast %swap3A_831 : i32 to index
        %swap3A_833 = arith.index_cast %mul3A_257 : i32 to index
        %swap3A_834 = tpu.vector_load %arg8[%swap3A_832, %swap3A_833] {strides = array<i32>} : memref<4x8192xf32, #tpu.memory_space<vmem>>, vector<1x16xf32>,
        %swap3A_835 = vector.shape_cast %swap3A_834 : vector<1x16xf32> to vector<16xf32>
        %swap3A_836 = vector.shape_cast %gather3A_830 : vector<16xf32> to vector<1x16xf32>
        tpu.vector_store %arg8[%swap3A_832, %swap3A_833], %swap3A_836 {strides = array<i32>} : memref<4x8192xf32, #tpu.memory_space<vmem>>, vector<1x16xf32>,
        %reshape3A_837 = vector.shape_cast %get3A_359 : vector<16xi32> to vector<16x1xi32>
        %gather3A_838 = vector.shape_cast %reshape3A_837 : vector<16x1xi32> to vector<16xi32>
        %gather3A_839 = tpu.dynamic_gather %get3A_6[%gather3A_838] in [0] : vector<16xf32>, vector<16xi32> -> vector<16xf32>
        %swap3A_840 = arith.constant 0 : i32
        %swap3A_841 = arith.index_cast %swap3A_840 : i32 to index
        %swap3A_842 = arith.index_cast %mul3A_263 : i32 to index
        %swap3A_843 = tpu.vector_load %arg8[%swap3A_841, %swap3A_842] {strides = array<i32>} : memref<4x8192xf32, #tpu.memory_space<vmem>>, vector<1x16xf32>,
        %swap3A_844 = vector.shape_cast %swap3A_843 : vector<1x16xf32> to vector<16xf32>
        %swap3A_845 = vector.shape_cast %gather3A_839 : vector<16xf32> to vector<1x16xf32>
        tpu.vector_store %arg8[%swap3A_841, %swap3A_842], %swap3A_845 {strides = array<i32>} : memref<4x8192xf32, #tpu.memory_space<vmem>>, vector<1x16xf32>,
        %reshape3A_846 = vector.shape_cast %get3A_359 : vector<16xi32> to vector<16x1xi32>
        %gather3A_847 = vector.shape_cast %reshape3A_846 : vector<16x1xi32> to vector<16xi32>
        %gather3A_848 = tpu.dynamic_gather %get3A_11[%gather3A_847] in [0] : vector<16xf32>, vector<16xi32> -> vector<16xf32>
        %swap3A_849 = arith.constant 1 : i32
        %swap3A_850 = arith.index_cast %swap3A_849 : i32 to index
        %swap3A_851 = arith.index_cast %mul3A_263 : i32 to index
        %swap3A_852 = tpu.vector_load %arg8[%swap3A_850, %swap3A_851] {strides = array<i32>} : memref<4x8192xf32, #tpu.memory_space<vmem>>, vector<1x16xf32>,
        %swap3A_853 = vector.shape_cast %swap3A_852 : vector<1x16xf32> to vector<16xf32>
        %swap3A_854 = vector.shape_cast %gather3A_848 : vector<16xf32> to vector<1x16xf32>
        tpu.vector_store %arg8[%swap3A_850, %swap3A_851], %swap3A_854 {strides = array<i32>} : memref<4x8192xf32, #tpu.memory_space<vmem>>, vector<1x16xf32>,
        %reshape3A_855 = vector.shape_cast %get3A_359 : vector<16xi32> to vector<16x1xi32>
        %gather3A_856 = vector.shape_cast %reshape3A_855 : vector<16x1xi32> to vector<16xi32>
        %gather3A_857 = tpu.dynamic_gather %get3A_16[%gather3A_856] in [0] : vector<16xf32>, vector<16xi32> -> vector<16xf32>
        %swap3A_858 = arith.constant 2 : i32
        %swap3A_859 = arith.index_cast %swap3A_858 : i32 to index
        %swap3A_860 = arith.index_cast %mul3A_263 : i32 to index
        %swap3A_861 = tpu.vector_load %arg8[%swap3A_859, %swap3A_860] {strides = array<i32>} : memref<4x8192xf32, #tpu.memory_space<vmem>>, vector<1x16xf32>,
        %swap3A_862 = vector.shape_cast %swap3A_861 : vector<1x16xf32> to vector<16xf32>
        %swap3A_863 = vector.shape_cast %gather3A_857 : vector<16xf32> to vector<1x16xf32>
        tpu.vector_store %arg8[%swap3A_859, %swap3A_860], %swap3A_863 {strides = array<i32>} : memref<4x8192xf32, #tpu.memory_space<vmem>>, vector<1x16xf32>,
        %reshape3A_864 = vector.shape_cast %get3A_359 : vector<16xi32> to vector<16x1xi32>
        %gather3A_865 = vector.shape_cast %reshape3A_864 : vector<16x1xi32> to vector<16xi32>
        %gather3A_866 = tpu.dynamic_gather %get3A_21[%gather3A_865] in [0] : vector<16xf32>, vector<16xi32> -> vector<16xf32>
        %swap3A_867 = arith.constant 3 : i32
        %swap3A_868 = arith.index_cast %swap3A_867 : i32 to index
        %swap3A_869 = arith.index_cast %mul3A_263 : i32 to index
        %swap3A_870 = tpu.vector_load %arg8[%swap3A_868, %swap3A_869] {strides = array<i32>} : memref<4x8192xf32, #tpu.memory_space<vmem>>, vector<1x16xf32>,
        %swap3A_871 = vector.shape_cast %swap3A_870 : vector<1x16xf32> to vector<16xf32>
        %swap3A_872 = vector.shape_cast %gather3A_866 : vector<16xf32> to vector<1x16xf32>
        tpu.vector_store %arg8[%swap3A_868, %swap3A_869], %swap3A_872 {strides = array<i32>} : memref<4x8192xf32, #tpu.memory_space<vmem>>, vector<1x16xf32>,
        %reshape3A_873 = vector.shape_cast %get3A_365 : vector<16xi32> to vector<16x1xi32>
        %gather3A_874 = vector.shape_cast %reshape3A_873 : vector<16x1xi32> to vector<16xi32>
        %gather3A_875 = tpu.dynamic_gather %get3A_6[%gather3A_874] in [0] : vector<16xf32>, vector<16xi32> -> vector<16xf32>
        %swap3A_876 = arith.constant 0 : i32
        %swap3A_877 = arith.index_cast %swap3A_876 : i32 to index
        %swap3A_878 = arith.index_cast %mul3A_269 : i32 to index
        %swap3A_879 = tpu.vector_load %arg8[%swap3A_877, %swap3A_878] {strides = array<i32>} : memref<4x8192xf32, #tpu.memory_space<vmem>>, vector<1x16xf32>,
        %swap3A_880 = vector.shape_cast %swap3A_879 : vector<1x16xf32> to vector<16xf32>
        %swap3A_881 = vector.shape_cast %gather3A_875 : vector<16xf32> to vector<1x16xf32>
        tpu.vector_store %arg8[%swap3A_877, %swap3A_878], %swap3A_881 {strides = array<i32>} : memref<4x8192xf32, #tpu.memory_space<vmem>>, vector<1x16xf32>,
        %reshape3A_882 = vector.shape_cast %get3A_365 : vector<16xi32> to vector<16x1xi32>
        %gather3A_883 = vector.shape_cast %reshape3A_882 : vector<16x1xi32> to vector<16xi32>
        %gather3A_884 = tpu.dynamic_gather %get3A_11[%gather3A_883] in [0] : vector<16xf32>, vector<16xi32> -> vector<16xf32>
        %swap3A_885 = arith.constant 1 : i32
        %swap3A_886 = arith.index_cast %swap3A_885 : i32 to index
        %swap3A_887 = arith.index_cast %mul3A_269 : i32 to index
        %swap3A_888 = tpu.vector_load %arg8[%swap3A_886, %swap3A_887] {strides = array<i32>} : memref<4x8192xf32, #tpu.memory_space<vmem>>, vector<1x16xf32>,
        %swap3A_889 = vector.shape_cast %swap3A_888 : vector<1x16xf32> to vector<16xf32>
        %swap3A_890 = vector.shape_cast %gather3A_884 : vector<16xf32> to vector<1x16xf32>
        tpu.vector_store %arg8[%swap3A_886, %swap3A_887], %swap3A_890 {strides = array<i32>} : memref<4x8192xf32, #tpu.memory_space<vmem>>, vector<1x16xf32>,
        %reshape3A_891 = vector.shape_cast %get3A_365 : vector<16xi32> to vector<16x1xi32>
        %gather3A_892 = vector.shape_cast %reshape3A_891 : vector<16x1xi32> to vector<16xi32>
        %gather3A_893 = tpu.dynamic_gather %get3A_16[%gather3A_892] in [0] : vector<16xf32>, vector<16xi32> -> vector<16xf32>
        %swap3A_894 = arith.constant 2 : i32
        %swap3A_895 = arith.index_cast %swap3A_894 : i32 to index
        %swap3A_896 = arith.index_cast %mul3A_269 : i32 to index
        %swap3A_897 = tpu.vector_load %arg8[%swap3A_895, %swap3A_896] {strides = array<i32>} : memref<4x8192xf32, #tpu.memory_space<vmem>>, vector<1x16xf32>,
        %swap3A_898 = vector.shape_cast %swap3A_897 : vector<1x16xf32> to vector<16xf32>
        %swap3A_899 = vector.shape_cast %gather3A_893 : vector<16xf32> to vector<1x16xf32>
        tpu.vector_store %arg8[%swap3A_895, %swap3A_896], %swap3A_899 {strides = array<i32>} : memref<4x8192xf32, #tpu.memory_space<vmem>>, vector<1x16xf32>,
        %reshape3A_900 = vector.shape_cast %get3A_365 : vector<16xi32> to vector<16x1xi32>
        %gather3A_901 = vector.shape_cast %reshape3A_900 : vector<16x1xi32> to vector<16xi32>
        %gather3A_902 = tpu.dynamic_gather %get3A_21[%gather3A_901] in [0] : vector<16xf32>, vector<16xi32> -> vector<16xf32>
        %swap3A_903 = arith.constant 3 : i32
        %swap3A_904 = arith.index_cast %swap3A_903 : i32 to index
        %swap3A_905 = arith.index_cast %mul3A_269 : i32 to index
        %swap3A_906 = tpu.vector_load %arg8[%swap3A_904, %swap3A_905] {strides = array<i32>} : memref<4x8192xf32, #tpu.memory_space<vmem>>, vector<1x16xf32>,
        %swap3A_907 = vector.shape_cast %swap3A_906 : vector<1x16xf32> to vector<16xf32>
        %swap3A_908 = vector.shape_cast %gather3A_902 : vector<16xf32> to vector<1x16xf32>
        tpu.vector_store %arg8[%swap3A_904, %swap3A_905], %swap3A_908 {strides = array<i32>} : memref<4x8192xf32, #tpu.memory_space<vmem>>, vector<1x16xf32>,
        %reshape3A_909 = vector.shape_cast %get3A_371 : vector<16xi32> to vector<16x1xi32>
        %gather3A_910 = vector.shape_cast %reshape3A_909 : vector<16x1xi32> to vector<16xi32>
        %gather3A_911 = tpu.dynamic_gather %get3A_6[%gather3A_910] in [0] : vector<16xf32>, vector<16xi32> -> vector<16xf32>
        %swap3A_912 = arith.constant 0 : i32
        %swap3A_913 = arith.index_cast %swap3A_912 : i32 to index
        %swap3A_914 = arith.index_cast %mul3A_275 : i32 to index
        %swap3A_915 = tpu.vector_load %arg8[%swap3A_913, %swap3A_914] {strides = array<i32>} : memref<4x8192xf32, #tpu.memory_space<vmem>>, vector<1x16xf32>,
        %swap3A_916 = vector.shape_cast %swap3A_915 : vector<1x16xf32> to vector<16xf32>
        %swap3A_917 = vector.shape_cast %gather3A_911 : vector<16xf32> to vector<1x16xf32>
        tpu.vector_store %arg8[%swap3A_913, %swap3A_914], %swap3A_917 {strides = array<i32>} : memref<4x8192xf32, #tpu.memory_space<vmem>>, vector<1x16xf32>,
        %reshape3A_918 = vector.shape_cast %get3A_371 : vector<16xi32> to vector<16x1xi32>
        %gather3A_919 = vector.shape_cast %reshape3A_918 : vector<16x1xi32> to vector<16xi32>
        %gather3A_920 = tpu.dynamic_gather %get3A_11[%gather3A_919] in [0] : vector<16xf32>, vector<16xi32> -> vector<16xf32>
        %swap3A_921 = arith.constant 1 : i32
        %swap3A_922 = arith.index_cast %swap3A_921 : i32 to index
        %swap3A_923 = arith.index_cast %mul3A_275 : i32 to index
        %swap3A_924 = tpu.vector_load %arg8[%swap3A_922, %swap3A_923] {strides = array<i32>} : memref<4x8192xf32, #tpu.memory_space<vmem>>, vector<1x16xf32>,
        %swap3A_925 = vector.shape_cast %swap3A_924 : vector<1x16xf32> to vector<16xf32>
        %swap3A_926 = vector.shape_cast %gather3A_920 : vector<16xf32> to vector<1x16xf32>
        tpu.vector_store %arg8[%swap3A_922, %swap3A_923], %swap3A_926 {strides = array<i32>} : memref<4x8192xf32, #tpu.memory_space<vmem>>, vector<1x16xf32>,
        %reshape3A_927 = vector.shape_cast %get3A_371 : vector<16xi32> to vector<16x1xi32>
        %gather3A_928 = vector.shape_cast %reshape3A_927 : vector<16x1xi32> to vector<16xi32>
        %gather3A_929 = tpu.dynamic_gather %get3A_16[%gather3A_928] in [0] : vector<16xf32>, vector<16xi32> -> vector<16xf32>
        %swap3A_930 = arith.constant 2 : i32
        %swap3A_931 = arith.index_cast %swap3A_930 : i32 to index
        %swap3A_932 = arith.index_cast %mul3A_275 : i32 to index
        %swap3A_933 = tpu.vector_load %arg8[%swap3A_931, %swap3A_932] {strides = array<i32>} : memref<4x8192xf32, #tpu.memory_space<vmem>>, vector<1x16xf32>,
        %swap3A_934 = vector.shape_cast %swap3A_933 : vector<1x16xf32> to vector<16xf32>
        %swap3A_935 = vector.shape_cast %gather3A_929 : vector<16xf32> to vector<1x16xf32>
        tpu.vector_store %arg8[%swap3A_931, %swap3A_932], %swap3A_935 {strides = array<i32>} : memref<4x8192xf32, #tpu.memory_space<vmem>>, vector<1x16xf32>,
        %reshape3A_936 = vector.shape_cast %get3A_371 : vector<16xi32> to vector<16x1xi32>
        %gather3A_937 = vector.shape_cast %reshape3A_936 : vector<16x1xi32> to vector<16xi32>
        %gather3A_938 = tpu.dynamic_gather %get3A_21[%gather3A_937] in [0] : vector<16xf32>, vector<16xi32> -> vector<16xf32>
        %swap3A_939 = arith.constant 3 : i32
        %swap3A_940 = arith.index_cast %swap3A_939 : i32 to index
        %swap3A_941 = arith.index_cast %mul3A_275 : i32 to index
        %swap3A_942 = tpu.vector_load %arg8[%swap3A_940, %swap3A_941] {strides = array<i32>} : memref<4x8192xf32, #tpu.memory_space<vmem>>, vector<1x16xf32>,
        %swap3A_943 = vector.shape_cast %swap3A_942 : vector<1x16xf32> to vector<16xf32>
        %swap3A_944 = vector.shape_cast %gather3A_938 : vector<16xf32> to vector<1x16xf32>
        tpu.vector_store %arg8[%swap3A_940, %swap3A_941], %swap3A_944 {strides = array<i32>} : memref<4x8192xf32, #tpu.memory_space<vmem>>, vector<1x16xf32>,
      }
      %scan3A_145 = arith.constant 32 : i32
      %dma_start3A_146 = arith.constant 0 : i32
      %dma_start3A_147 = arith.constant 0 : i32
      %dma_start3A_148 = tpu.memref_slice %arg4[%add3A_133, %dma_start3A_146, %dma_start3A_147] : memref<1024x4x8192xf32, #tpu.memory_space<hbm>> -> memref<1x4x8192xf32, #tpu.memory_space<hbm>>
      %dma_start3A_149 = tpu.memref_squeeze %dma_start3A_148 : memref<1x4x8192xf32, #tpu.memory_space<hbm>> -> memref<4x8192xf32, #tpu.memory_space<hbm>>
      %dma_start3A_150 = arith.constant 0 : i32
      %dma_start3A_151 = arith.constant 0 : i32
      %dma_start3A_152 = tpu.memref_slice %arg4[%add3A_133, %dma_start3A_150, %dma_start3A_151] : memref<1024x4x8192xf32, #tpu.memory_space<hbm>> -> memref<1x4x8192xf32, #tpu.memory_space<hbm>>
      %dma_start3A_153 = tpu.memref_squeeze %dma_start3A_152 : memref<1x4x8192xf32, #tpu.memory_space<hbm>> -> memref<4x8192xf32, #tpu.memory_space<hbm>>
      tpu.enqueue_dma source(%arg8 : memref<4x8192xf32, #tpu.memory_space<vmem>>) target(%dma_start3A_153 : memref<4x8192xf32, #tpu.memory_space<hbm>>) target_semaphore(%arg11 : memref<!tpu.dma_semaphore, #tpu.memory_space<semaphore_mem>>)
      %mul3A_154 = arith.constant 2 : i32
      %mul3A_155 = arith.muli %add3A_116, %mul3A_154 : i32
      %add3A_156 = arith.constant 1 : i32
      %add3A_157 = arith.addi %mul3A_155, %add3A_156 : i32
      %add3A_158 = arith.addi %mul3A_2, %add3A_157 : i32
      %ge3A_159 = arith.constant 2 : i32
      %ge3A_160 = arith.cmpi sge, %add3A_157, %ge3A_159 : i32
      %convert_element_type3A_161 = arith.extui %ge3A_160 : i1 to i32
      %cond3A_162 = arith.constant 0 : i32
      %cond3A_163 = arith.cmpi ne, %convert_element_type3A_161, %cond3A_162 : i32
      scf.if %cond3A_163 {
        %sub3A_179 = arith.constant 2 : i32
        %sub3A_180 = arith.subi %add3A_158, %sub3A_179 : i32
        %dma_wait3A_181 = arith.constant 0 : i32
        %dma_wait3A_182 = arith.constant 0 : i32
        %dma_wait3A_183 = tpu.memref_slice %arg4[%sub3A_180, %dma_wait3A_181, %dma_wait3A_182] : memref<1024x4x8192xf32, #tpu.memory_space<hbm>> -> memref<1x4x8192xf32, #tpu.memory_space<hbm>>
        %dma_wait3A_184 = tpu.memref_squeeze %dma_wait3A_183 : memref<1x4x8192xf32, #tpu.memory_space<hbm>> -> memref<4x8192xf32, #tpu.memory_space<hbm>>
        %dma_wait3A_185 = arith.constant 0 : i32
        %dma_wait3A_186 = arith.constant 0 : i32
        %dma_wait3A_187 = tpu.memref_slice %arg4[%sub3A_180, %dma_wait3A_185, %dma_wait3A_186] : memref<1024x4x8192xf32, #tpu.memory_space<hbm>> -> memref<1x4x8192xf32, #tpu.memory_space<hbm>>
        %dma_wait3A_188 = tpu.memref_squeeze %dma_wait3A_187 : memref<1x4x8192xf32, #tpu.memory_space<hbm>> -> memref<4x8192xf32, #tpu.memory_space<hbm>>
        tpu.wait_dma2 semaphore(%arg11 : memref<!tpu.dma_semaphore, #tpu.memory_space<semaphore_mem>>) src(%arg9 : memref<4x8192xf32, #tpu.memory_space<vmem>>) dst(%dma_wait3A_188 : memref<4x8192xf32, #tpu.memory_space<hbm>>)
      } else {
      }
      %scan3A_164 = arith.constant 0 : i32
      %scan3A_165 = arith.constant 1 : i32
      %scan3A_166 = arith.constant 0 : i32
      %scan3A_167 = arith.constant 32 : i32
      %scan3A_168 = arith.addi %scan3A_166, %scan3A_167 : i32
      %scan3A_169 = arith.constant 1 : i32
      scf.for %scan3A_179 = %scan3A_166 to %scan3A_168 step %scan3A_169  : i32 {
        %mul3A_180 = arith.constant 16 : i32
        %mul3A_181 = arith.muli %scan3A_179, %mul3A_180 : i32
        %add3A_182 = arith.constant 0 : i32
        %add3A_183 = arith.addi %mul3A_181, %add3A_182 : i32
        %mul3A_184 = arith.constant 16 : i32
        %mul3A_185 = arith.muli %add3A_183, %mul3A_184 : i32
        %mul3A_186 = arith.constant 16 : i32
        %mul3A_187 = arith.muli %scan3A_179, %mul3A_186 : i32
        %add3A_188 = arith.constant 1 : i32
        %add3A_189 = arith.addi %mul3A_187, %add3A_188 : i32
        %mul3A_190 = arith.constant 16 : i32
        %mul3A_191 = arith.muli %add3A_189, %mul3A_190 : i32
        %mul3A_192 = arith.constant 16 : i32
        %mul3A_193 = arith.muli %scan3A_179, %mul3A_192 : i32
        %add3A_194 = arith.constant 2 : i32
        %add3A_195 = arith.addi %mul3A_193, %add3A_194 : i32
        %mul3A_196 = arith.constant 16 : i32
        %mul3A_197 = arith.muli %add3A_195, %mul3A_196 : i32
        %mul3A_198 = arith.constant 16 : i32
        %mul3A_199 = arith.muli %scan3A_179, %mul3A_198 : i32
        %add3A_200 = arith.constant 3 : i32
        %add3A_201 = arith.addi %mul3A_199, %add3A_200 : i32
        %mul3A_202 = arith.constant 16 : i32
        %mul3A_203 = arith.muli %add3A_201, %mul3A_202 : i32
        %mul3A_204 = arith.constant 16 : i32
        %mul3A_205 = arith.muli %scan3A_179, %mul3A_204 : i32
        %add3A_206 = arith.constant 4 : i32
        %add3A_207 = arith.addi %mul3A_205, %add3A_206 : i32
        %mul3A_208 = arith.constant 16 : i32
        %mul3A_209 = arith.muli %add3A_207, %mul3A_208 : i32
        %mul3A_210 = arith.constant 16 : i32
        %mul3A_211 = arith.muli %scan3A_179, %mul3A_210 : i32
        %add3A_212 = arith.constant 5 : i32
        %add3A_213 = arith.addi %mul3A_211, %add3A_212 : i32
        %mul3A_214 = arith.constant 16 : i32
        %mul3A_215 = arith.muli %add3A_213, %mul3A_214 : i32
        %mul3A_216 = arith.constant 16 : i32
        %mul3A_217 = arith.muli %scan3A_179, %mul3A_216 : i32
        %add3A_218 = arith.constant 6 : i32
        %add3A_219 = arith.addi %mul3A_217, %add3A_218 : i32
        %mul3A_220 = arith.constant 16 : i32
        %mul3A_221 = arith.muli %add3A_219, %mul3A_220 : i32
        %mul3A_222 = arith.constant 16 : i32
        %mul3A_223 = arith.muli %scan3A_179, %mul3A_222 : i32
        %add3A_224 = arith.constant 7 : i32
        %add3A_225 = arith.addi %mul3A_223, %add3A_224 : i32
        %mul3A_226 = arith.constant 16 : i32
        %mul3A_227 = arith.muli %add3A_225, %mul3A_226 : i32
        %mul3A_228 = arith.constant 16 : i32
        %mul3A_229 = arith.muli %scan3A_179, %mul3A_228 : i32
        %add3A_230 = arith.constant 8 : i32
        %add3A_231 = arith.addi %mul3A_229, %add3A_230 : i32
        %mul3A_232 = arith.constant 16 : i32
        %mul3A_233 = arith.muli %add3A_231, %mul3A_232 : i32
        %mul3A_234 = arith.constant 16 : i32
        %mul3A_235 = arith.muli %scan3A_179, %mul3A_234 : i32
        %add3A_236 = arith.constant 9 : i32
        %add3A_237 = arith.addi %mul3A_235, %add3A_236 : i32
        %mul3A_238 = arith.constant 16 : i32
        %mul3A_239 = arith.muli %add3A_237, %mul3A_238 : i32
        %mul3A_240 = arith.constant 16 : i32
        %mul3A_241 = arith.muli %scan3A_179, %mul3A_240 : i32
        %add3A_242 = arith.constant 10 : i32
        %add3A_243 = arith.addi %mul3A_241, %add3A_242 : i32
        %mul3A_244 = arith.constant 16 : i32
        %mul3A_245 = arith.muli %add3A_243, %mul3A_244 : i32
        %mul3A_246 = arith.constant 16 : i32
        %mul3A_247 = arith.muli %scan3A_179, %mul3A_246 : i32
        %add3A_248 = arith.constant 11 : i32
        %add3A_249 = arith.addi %mul3A_247, %add3A_248 : i32
        %mul3A_250 = arith.constant 16 : i32
        %mul3A_251 = arith.muli %add3A_249, %mul3A_250 : i32
        %mul3A_252 = arith.constant 16 : i32
        %mul3A_253 = arith.muli %scan3A_179, %mul3A_252 : i32
        %add3A_254 = arith.constant 12 : i32
        %add3A_255 = arith.addi %mul3A_253, %add3A_254 : i32
        %mul3A_256 = arith.constant 16 : i32
        %mul3A_257 = arith.muli %add3A_255, %mul3A_256 : i32
        %mul3A_258 = arith.constant 16 : i32
        %mul3A_259 = arith.muli %scan3A_179, %mul3A_258 : i32
        %add3A_260 = arith.constant 13 : i32
        %add3A_261 = arith.addi %mul3A_259, %add3A_260 : i32
        %mul3A_262 = arith.constant 16 : i32
        %mul3A_263 = arith.muli %add3A_261, %mul3A_262 : i32
        %mul3A_264 = arith.constant 16 : i32
        %mul3A_265 = arith.muli %scan3A_179, %mul3A_264 : i32
        %add3A_266 = arith.constant 14 : i32
        %add3A_267 = arith.addi %mul3A_265, %add3A_266 : i32
        %mul3A_268 = arith.constant 16 : i32
        %mul3A_269 = arith.muli %add3A_267, %mul3A_268 : i32
        %mul3A_270 = arith.constant 16 : i32
        %mul3A_271 = arith.muli %scan3A_179, %mul3A_270 : i32
        %add3A_272 = arith.constant 15 : i32
        %add3A_273 = arith.addi %mul3A_271, %add3A_272 : i32
        %mul3A_274 = arith.constant 16 : i32
        %mul3A_275 = arith.muli %add3A_273, %mul3A_274 : i32
        %get3A_276 = arith.constant 0 : i32
        %get3A_277 = tpu.memref_slice %arg7[%scan3A_165, %get3A_276] : memref<2x8192xi32, #tpu.memory_space<vmem>> -> memref<1x8192xi32, #tpu.memory_space<vmem>>
        %get3A_278 = tpu.memref_squeeze %get3A_277 : memref<1x8192xi32, #tpu.memory_space<vmem>> -> memref<8192xi32, #tpu.memory_space<vmem>>
        %get3A_279 = arith.index_cast %mul3A_185 : i32 to index
        %get3A_280 = tpu.vector_load %get3A_278[%get3A_279] {strides = array<i32>} : memref<8192xi32, #tpu.memory_space<vmem>>, vector<16xi32>,
        %get3A_281 = vector.shape_cast %get3A_280 : vector<16xi32> to vector<16xi32>
        %get3A_282 = arith.constant 0 : i32
        %get3A_283 = tpu.memref_slice %arg7[%scan3A_165, %get3A_282] : memref<2x8192xi32, #tpu.memory_space<vmem>> -> memref<1x8192xi32, #tpu.memory_space<vmem>>
        %get3A_284 = tpu.memref_squeeze %get3A_283 : memref<1x8192xi32, #tpu.memory_space<vmem>> -> memref<8192xi32, #tpu.memory_space<vmem>>
        %get3A_285 = arith.index_cast %mul3A_191 : i32 to index
        %get3A_286 = tpu.vector_load %get3A_284[%get3A_285] {strides = array<i32>} : memref<8192xi32, #tpu.memory_space<vmem>>, vector<16xi32>,
        %get3A_287 = vector.shape_cast %get3A_286 : vector<16xi32> to vector<16xi32>
        %get3A_288 = arith.constant 0 : i32
        %get3A_289 = tpu.memref_slice %arg7[%scan3A_165, %get3A_288] : memref<2x8192xi32, #tpu.memory_space<vmem>> -> memref<1x8192xi32, #tpu.memory_space<vmem>>
        %get3A_290 = tpu.memref_squeeze %get3A_289 : memref<1x8192xi32, #tpu.memory_space<vmem>> -> memref<8192xi32, #tpu.memory_space<vmem>>
        %get3A_291 = arith.index_cast %mul3A_197 : i32 to index
        %get3A_292 = tpu.vector_load %get3A_290[%get3A_291] {strides = array<i32>} : memref<8192xi32, #tpu.memory_space<vmem>>, vector<16xi32>,
        %get3A_293 = vector.shape_cast %get3A_292 : vector<16xi32> to vector<16xi32>
        %get3A_294 = arith.constant 0 : i32
        %get3A_295 = tpu.memref_slice %arg7[%scan3A_165, %get3A_294] : memref<2x8192xi32, #tpu.memory_space<vmem>> -> memref<1x8192xi32, #tpu.memory_space<vmem>>
        %get3A_296 = tpu.memref_squeeze %get3A_295 : memref<1x8192xi32, #tpu.memory_space<vmem>> -> memref<8192xi32, #tpu.memory_space<vmem>>
        %get3A_297 = arith.index_cast %mul3A_203 : i32 to index
        %get3A_298 = tpu.vector_load %get3A_296[%get3A_297] {strides = array<i32>} : memref<8192xi32, #tpu.memory_space<vmem>>, vector<16xi32>,
        %get3A_299 = vector.shape_cast %get3A_298 : vector<16xi32> to vector<16xi32>
        %get3A_300 = arith.constant 0 : i32
        %get3A_301 = tpu.memref_slice %arg7[%scan3A_165, %get3A_300] : memref<2x8192xi32, #tpu.memory_space<vmem>> -> memref<1x8192xi32, #tpu.memory_space<vmem>>
        %get3A_302 = tpu.memref_squeeze %get3A_301 : memref<1x8192xi32, #tpu.memory_space<vmem>> -> memref<8192xi32, #tpu.memory_space<vmem>>
        %get3A_303 = arith.index_cast %mul3A_209 : i32 to index
        %get3A_304 = tpu.vector_load %get3A_302[%get3A_303] {strides = array<i32>} : memref<8192xi32, #tpu.memory_space<vmem>>, vector<16xi32>,
        %get3A_305 = vector.shape_cast %get3A_304 : vector<16xi32> to vector<16xi32>
        %get3A_306 = arith.constant 0 : i32
        %get3A_307 = tpu.memref_slice %arg7[%scan3A_165, %get3A_306] : memref<2x8192xi32, #tpu.memory_space<vmem>> -> memref<1x8192xi32, #tpu.memory_space<vmem>>
        %get3A_308 = tpu.memref_squeeze %get3A_307 : memref<1x8192xi32, #tpu.memory_space<vmem>> -> memref<8192xi32, #tpu.memory_space<vmem>>
        %get3A_309 = arith.index_cast %mul3A_215 : i32 to index
        %get3A_310 = tpu.vector_load %get3A_308[%get3A_309] {strides = array<i32>} : memref<8192xi32, #tpu.memory_space<vmem>>, vector<16xi32>,
        %get3A_311 = vector.shape_cast %get3A_310 : vector<16xi32> to vector<16xi32>
        %get3A_312 = arith.constant 0 : i32
        %get3A_313 = tpu.memref_slice %arg7[%scan3A_165, %get3A_312] : memref<2x8192xi32, #tpu.memory_space<vmem>> -> memref<1x8192xi32, #tpu.memory_space<vmem>>
        %get3A_314 = tpu.memref_squeeze %get3A_313 : memref<1x8192xi32, #tpu.memory_space<vmem>> -> memref<8192xi32, #tpu.memory_space<vmem>>
        %get3A_315 = arith.index_cast %mul3A_221 : i32 to index
        %get3A_316 = tpu.vector_load %get3A_314[%get3A_315] {strides = array<i32>} : memref<8192xi32, #tpu.memory_space<vmem>>, vector<16xi32>,
        %get3A_317 = vector.shape_cast %get3A_316 : vector<16xi32> to vector<16xi32>
        %get3A_318 = arith.constant 0 : i32
        %get3A_319 = tpu.memref_slice %arg7[%scan3A_165, %get3A_318] : memref<2x8192xi32, #tpu.memory_space<vmem>> -> memref<1x8192xi32, #tpu.memory_space<vmem>>
        %get3A_320 = tpu.memref_squeeze %get3A_319 : memref<1x8192xi32, #tpu.memory_space<vmem>> -> memref<8192xi32, #tpu.memory_space<vmem>>
        %get3A_321 = arith.index_cast %mul3A_227 : i32 to index
        %get3A_322 = tpu.vector_load %get3A_320[%get3A_321] {strides = array<i32>} : memref<8192xi32, #tpu.memory_space<vmem>>, vector<16xi32>,
        %get3A_323 = vector.shape_cast %get3A_322 : vector<16xi32> to vector<16xi32>
        %get3A_324 = arith.constant 0 : i32
        %get3A_325 = tpu.memref_slice %arg7[%scan3A_165, %get3A_324] : memref<2x8192xi32, #tpu.memory_space<vmem>> -> memref<1x8192xi32, #tpu.memory_space<vmem>>
        %get3A_326 = tpu.memref_squeeze %get3A_325 : memref<1x8192xi32, #tpu.memory_space<vmem>> -> memref<8192xi32, #tpu.memory_space<vmem>>
        %get3A_327 = arith.index_cast %mul3A_233 : i32 to index
        %get3A_328 = tpu.vector_load %get3A_326[%get3A_327] {strides = array<i32>} : memref<8192xi32, #tpu.memory_space<vmem>>, vector<16xi32>,
        %get3A_329 = vector.shape_cast %get3A_328 : vector<16xi32> to vector<16xi32>
        %get3A_330 = arith.constant 0 : i32
        %get3A_331 = tpu.memref_slice %arg7[%scan3A_165, %get3A_330] : memref<2x8192xi32, #tpu.memory_space<vmem>> -> memref<1x8192xi32, #tpu.memory_space<vmem>>
        %get3A_332 = tpu.memref_squeeze %get3A_331 : memref<1x8192xi32, #tpu.memory_space<vmem>> -> memref<8192xi32, #tpu.memory_space<vmem>>
        %get3A_333 = arith.index_cast %mul3A_239 : i32 to index
        %get3A_334 = tpu.vector_load %get3A_332[%get3A_333] {strides = array<i32>} : memref<8192xi32, #tpu.memory_space<vmem>>, vector<16xi32>,
        %get3A_335 = vector.shape_cast %get3A_334 : vector<16xi32> to vector<16xi32>
        %get3A_336 = arith.constant 0 : i32
        %get3A_337 = tpu.memref_slice %arg7[%scan3A_165, %get3A_336] : memref<2x8192xi32, #tpu.memory_space<vmem>> -> memref<1x8192xi32, #tpu.memory_space<vmem>>
        %get3A_338 = tpu.memref_squeeze %get3A_337 : memref<1x8192xi32, #tpu.memory_space<vmem>> -> memref<8192xi32, #tpu.memory_space<vmem>>
        %get3A_339 = arith.index_cast %mul3A_245 : i32 to index
        %get3A_340 = tpu.vector_load %get3A_338[%get3A_339] {strides = array<i32>} : memref<8192xi32, #tpu.memory_space<vmem>>, vector<16xi32>,
        %get3A_341 = vector.shape_cast %get3A_340 : vector<16xi32> to vector<16xi32>
        %get3A_342 = arith.constant 0 : i32
        %get3A_343 = tpu.memref_slice %arg7[%scan3A_165, %get3A_342] : memref<2x8192xi32, #tpu.memory_space<vmem>> -> memref<1x8192xi32, #tpu.memory_space<vmem>>
        %get3A_344 = tpu.memref_squeeze %get3A_343 : memref<1x8192xi32, #tpu.memory_space<vmem>> -> memref<8192xi32, #tpu.memory_space<vmem>>
        %get3A_345 = arith.index_cast %mul3A_251 : i32 to index
        %get3A_346 = tpu.vector_load %get3A_344[%get3A_345] {strides = array<i32>} : memref<8192xi32, #tpu.memory_space<vmem>>, vector<16xi32>,
        %get3A_347 = vector.shape_cast %get3A_346 : vector<16xi32> to vector<16xi32>
        %get3A_348 = arith.constant 0 : i32
        %get3A_349 = tpu.memref_slice %arg7[%scan3A_165, %get3A_348] : memref<2x8192xi32, #tpu.memory_space<vmem>> -> memref<1x8192xi32, #tpu.memory_space<vmem>>
        %get3A_350 = tpu.memref_squeeze %get3A_349 : memref<1x8192xi32, #tpu.memory_space<vmem>> -> memref<8192xi32, #tpu.memory_space<vmem>>
        %get3A_351 = arith.index_cast %mul3A_257 : i32 to index
        %get3A_352 = tpu.vector_load %get3A_350[%get3A_351] {strides = array<i32>} : memref<8192xi32, #tpu.memory_space<vmem>>, vector<16xi32>,
        %get3A_353 = vector.shape_cast %get3A_352 : vector<16xi32> to vector<16xi32>
        %get3A_354 = arith.constant 0 : i32
        %get3A_355 = tpu.memref_slice %arg7[%scan3A_165, %get3A_354] : memref<2x8192xi32, #tpu.memory_space<vmem>> -> memref<1x8192xi32, #tpu.memory_space<vmem>>
        %get3A_356 = tpu.memref_squeeze %get3A_355 : memref<1x8192xi32, #tpu.memory_space<vmem>> -> memref<8192xi32, #tpu.memory_space<vmem>>
        %get3A_357 = arith.index_cast %mul3A_263 : i32 to index
        %get3A_358 = tpu.vector_load %get3A_356[%get3A_357] {strides = array<i32>} : memref<8192xi32, #tpu.memory_space<vmem>>, vector<16xi32>,
        %get3A_359 = vector.shape_cast %get3A_358 : vector<16xi32> to vector<16xi32>
        %get3A_360 = arith.constant 0 : i32
        %get3A_361 = tpu.memref_slice %arg7[%scan3A_165, %get3A_360] : memref<2x8192xi32, #tpu.memory_space<vmem>> -> memref<1x8192xi32, #tpu.memory_space<vmem>>
        %get3A_362 = tpu.memref_squeeze %get3A_361 : memref<1x8192xi32, #tpu.memory_space<vmem>> -> memref<8192xi32, #tpu.memory_space<vmem>>
        %get3A_363 = arith.index_cast %mul3A_269 : i32 to index
        %get3A_364 = tpu.vector_load %get3A_362[%get3A_363] {strides = array<i32>} : memref<8192xi32, #tpu.memory_space<vmem>>, vector<16xi32>,
        %get3A_365 = vector.shape_cast %get3A_364 : vector<16xi32> to vector<16xi32>
        %get3A_366 = arith.constant 0 : i32
        %get3A_367 = tpu.memref_slice %arg7[%scan3A_165, %get3A_366] : memref<2x8192xi32, #tpu.memory_space<vmem>> -> memref<1x8192xi32, #tpu.memory_space<vmem>>
        %get3A_368 = tpu.memref_squeeze %get3A_367 : memref<1x8192xi32, #tpu.memory_space<vmem>> -> memref<8192xi32, #tpu.memory_space<vmem>>
        %get3A_369 = arith.index_cast %mul3A_275 : i32 to index
        %get3A_370 = tpu.vector_load %get3A_368[%get3A_369] {strides = array<i32>} : memref<8192xi32, #tpu.memory_space<vmem>>, vector<16xi32>,
        %get3A_371 = vector.shape_cast %get3A_370 : vector<16xi32> to vector<16xi32>
        %reshape3A = vector.shape_cast %get3A_281 : vector<16xi32> to vector<16x1xi32>
        %gather3A = vector.shape_cast %reshape3A : vector<16x1xi32> to vector<16xi32>
        %gather3A_372 = tpu.dynamic_gather %get3A_6[%gather3A] in [0] : vector<16xf32>, vector<16xi32> -> vector<16xf32>
        %swap3A = arith.constant 0 : i32
        %swap3A_373 = arith.index_cast %swap3A : i32 to index
        %swap3A_374 = arith.index_cast %mul3A_185 : i32 to index
        %swap3A_375 = tpu.vector_load %arg9[%swap3A_373, %swap3A_374] {strides = array<i32>} : memref<4x8192xf32, #tpu.memory_space<vmem>>, vector<1x16xf32>,
        %swap3A_376 = vector.shape_cast %swap3A_375 : vector<1x16xf32> to vector<16xf32>
        %swap3A_377 = vector.shape_cast %gather3A_372 : vector<16xf32> to vector<1x16xf32>
        tpu.vector_store %arg9[%swap3A_373, %swap3A_374], %swap3A_377 {strides = array<i32>} : memref<4x8192xf32, #tpu.memory_space<vmem>>, vector<1x16xf32>,
        %reshape3A_378 = vector.shape_cast %get3A_281 : vector<16xi32> to vector<16x1xi32>
        %gather3A_379 = vector.shape_cast %reshape3A_378 : vector<16x1xi32> to vector<16xi32>
        %gather3A_380 = tpu.dynamic_gather %get3A_11[%gather3A_379] in [0] : vector<16xf32>, vector<16xi32> -> vector<16xf32>
        %swap3A_381 = arith.constant 1 : i32
        %swap3A_382 = arith.index_cast %swap3A_381 : i32 to index
        %swap3A_383 = arith.index_cast %mul3A_185 : i32 to index
        %swap3A_384 = tpu.vector_load %arg9[%swap3A_382, %swap3A_383] {strides = array<i32>} : memref<4x8192xf32, #tpu.memory_space<vmem>>, vector<1x16xf32>,
        %swap3A_385 = vector.shape_cast %swap3A_384 : vector<1x16xf32> to vector<16xf32>
        %swap3A_386 = vector.shape_cast %gather3A_380 : vector<16xf32> to vector<1x16xf32>
        tpu.vector_store %arg9[%swap3A_382, %swap3A_383], %swap3A_386 {strides = array<i32>} : memref<4x8192xf32, #tpu.memory_space<vmem>>, vector<1x16xf32>,
        %reshape3A_387 = vector.shape_cast %get3A_281 : vector<16xi32> to vector<16x1xi32>
        %gather3A_388 = vector.shape_cast %reshape3A_387 : vector<16x1xi32> to vector<16xi32>
        %gather3A_389 = tpu.dynamic_gather %get3A_16[%gather3A_388] in [0] : vector<16xf32>, vector<16xi32> -> vector<16xf32>
        %swap3A_390 = arith.constant 2 : i32
        %swap3A_391 = arith.index_cast %swap3A_390 : i32 to index
        %swap3A_392 = arith.index_cast %mul3A_185 : i32 to index
        %swap3A_393 = tpu.vector_load %arg9[%swap3A_391, %swap3A_392] {strides = array<i32>} : memref<4x8192xf32, #tpu.memory_space<vmem>>, vector<1x16xf32>,
        %swap3A_394 = vector.shape_cast %swap3A_393 : vector<1x16xf32> to vector<16xf32>
        %swap3A_395 = vector.shape_cast %gather3A_389 : vector<16xf32> to vector<1x16xf32>
        tpu.vector_store %arg9[%swap3A_391, %swap3A_392], %swap3A_395 {strides = array<i32>} : memref<4x8192xf32, #tpu.memory_space<vmem>>, vector<1x16xf32>,
        %reshape3A_396 = vector.shape_cast %get3A_281 : vector<16xi32> to vector<16x1xi32>
        %gather3A_397 = vector.shape_cast %reshape3A_396 : vector<16x1xi32> to vector<16xi32>
        %gather3A_398 = tpu.dynamic_gather %get3A_21[%gather3A_397] in [0] : vector<16xf32>, vector<16xi32> -> vector<16xf32>
        %swap3A_399 = arith.constant 3 : i32
        %swap3A_400 = arith.index_cast %swap3A_399 : i32 to index
        %swap3A_401 = arith.index_cast %mul3A_185 : i32 to index
        %swap3A_402 = tpu.vector_load %arg9[%swap3A_400, %swap3A_401] {strides = array<i32>} : memref<4x8192xf32, #tpu.memory_space<vmem>>, vector<1x16xf32>,
        %swap3A_403 = vector.shape_cast %swap3A_402 : vector<1x16xf32> to vector<16xf32>
        %swap3A_404 = vector.shape_cast %gather3A_398 : vector<16xf32> to vector<1x16xf32>
        tpu.vector_store %arg9[%swap3A_400, %swap3A_401], %swap3A_404 {strides = array<i32>} : memref<4x8192xf32, #tpu.memory_space<vmem>>, vector<1x16xf32>,
        %reshape3A_405 = vector.shape_cast %get3A_287 : vector<16xi32> to vector<16x1xi32>
        %gather3A_406 = vector.shape_cast %reshape3A_405 : vector<16x1xi32> to vector<16xi32>
        %gather3A_407 = tpu.dynamic_gather %get3A_6[%gather3A_406] in [0] : vector<16xf32>, vector<16xi32> -> vector<16xf32>
        %swap3A_408 = arith.constant 0 : i32
        %swap3A_409 = arith.index_cast %swap3A_408 : i32 to index
        %swap3A_410 = arith.index_cast %mul3A_191 : i32 to index
        %swap3A_411 = tpu.vector_load %arg9[%swap3A_409, %swap3A_410] {strides = array<i32>} : memref<4x8192xf32, #tpu.memory_space<vmem>>, vector<1x16xf32>,
        %swap3A_412 = vector.shape_cast %swap3A_411 : vector<1x16xf32> to vector<16xf32>
        %swap3A_413 = vector.shape_cast %gather3A_407 : vector<16xf32> to vector<1x16xf32>
        tpu.vector_store %arg9[%swap3A_409, %swap3A_410], %swap3A_413 {strides = array<i32>} : memref<4x8192xf32, #tpu.memory_space<vmem>>, vector<1x16xf32>,
        %reshape3A_414 = vector.shape_cast %get3A_287 : vector<16xi32> to vector<16x1xi32>
        %gather3A_415 = vector.shape_cast %reshape3A_414 : vector<16x1xi32> to vector<16xi32>
        %gather3A_416 = tpu.dynamic_gather %get3A_11[%gather3A_415] in [0] : vector<16xf32>, vector<16xi32> -> vector<16xf32>
        %swap3A_417 = arith.constant 1 : i32
        %swap3A_418 = arith.index_cast %swap3A_417 : i32 to index
        %swap3A_419 = arith.index_cast %mul3A_191 : i32 to index
        %swap3A_420 = tpu.vector_load %arg9[%swap3A_418, %swap3A_419] {strides = array<i32>} : memref<4x8192xf32, #tpu.memory_space<vmem>>, vector<1x16xf32>,
        %swap3A_421 = vector.shape_cast %swap3A_420 : vector<1x16xf32> to vector<16xf32>
        %swap3A_422 = vector.shape_cast %gather3A_416 : vector<16xf32> to vector<1x16xf32>
        tpu.vector_store %arg9[%swap3A_418, %swap3A_419], %swap3A_422 {strides = array<i32>} : memref<4x8192xf32, #tpu.memory_space<vmem>>, vector<1x16xf32>,
        %reshape3A_423 = vector.shape_cast %get3A_287 : vector<16xi32> to vector<16x1xi32>
        %gather3A_424 = vector.shape_cast %reshape3A_423 : vector<16x1xi32> to vector<16xi32>
        %gather3A_425 = tpu.dynamic_gather %get3A_16[%gather3A_424] in [0] : vector<16xf32>, vector<16xi32> -> vector<16xf32>
        %swap3A_426 = arith.constant 2 : i32
        %swap3A_427 = arith.index_cast %swap3A_426 : i32 to index
        %swap3A_428 = arith.index_cast %mul3A_191 : i32 to index
        %swap3A_429 = tpu.vector_load %arg9[%swap3A_427, %swap3A_428] {strides = array<i32>} : memref<4x8192xf32, #tpu.memory_space<vmem>>, vector<1x16xf32>,
        %swap3A_430 = vector.shape_cast %swap3A_429 : vector<1x16xf32> to vector<16xf32>
        %swap3A_431 = vector.shape_cast %gather3A_425 : vector<16xf32> to vector<1x16xf32>
        tpu.vector_store %arg9[%swap3A_427, %swap3A_428], %swap3A_431 {strides = array<i32>} : memref<4x8192xf32, #tpu.memory_space<vmem>>, vector<1x16xf32>,
        %reshape3A_432 = vector.shape_cast %get3A_287 : vector<16xi32> to vector<16x1xi32>
        %gather3A_433 = vector.shape_cast %reshape3A_432 : vector<16x1xi32> to vector<16xi32>
        %gather3A_434 = tpu.dynamic_gather %get3A_21[%gather3A_433] in [0] : vector<16xf32>, vector<16xi32> -> vector<16xf32>
        %swap3A_435 = arith.constant 3 : i32
        %swap3A_436 = arith.index_cast %swap3A_435 : i32 to index
        %swap3A_437 = arith.index_cast %mul3A_191 : i32 to index
        %swap3A_438 = tpu.vector_load %arg9[%swap3A_436, %swap3A_437] {strides = array<i32>} : memref<4x8192xf32, #tpu.memory_space<vmem>>, vector<1x16xf32>,
        %swap3A_439 = vector.shape_cast %swap3A_438 : vector<1x16xf32> to vector<16xf32>
        %swap3A_440 = vector.shape_cast %gather3A_434 : vector<16xf32> to vector<1x16xf32>
        tpu.vector_store %arg9[%swap3A_436, %swap3A_437], %swap3A_440 {strides = array<i32>} : memref<4x8192xf32, #tpu.memory_space<vmem>>, vector<1x16xf32>,
        %reshape3A_441 = vector.shape_cast %get3A_293 : vector<16xi32> to vector<16x1xi32>
        %gather3A_442 = vector.shape_cast %reshape3A_441 : vector<16x1xi32> to vector<16xi32>
        %gather3A_443 = tpu.dynamic_gather %get3A_6[%gather3A_442] in [0] : vector<16xf32>, vector<16xi32> -> vector<16xf32>
        %swap3A_444 = arith.constant 0 : i32
        %swap3A_445 = arith.index_cast %swap3A_444 : i32 to index
        %swap3A_446 = arith.index_cast %mul3A_197 : i32 to index
        %swap3A_447 = tpu.vector_load %arg9[%swap3A_445, %swap3A_446] {strides = array<i32>} : memref<4x8192xf32, #tpu.memory_space<vmem>>, vector<1x16xf32>,
        %swap3A_448 = vector.shape_cast %swap3A_447 : vector<1x16xf32> to vector<16xf32>
        %swap3A_449 = vector.shape_cast %gather3A_443 : vector<16xf32> to vector<1x16xf32>
        tpu.vector_store %arg9[%swap3A_445, %swap3A_446], %swap3A_449 {strides = array<i32>} : memref<4x8192xf32, #tpu.memory_space<vmem>>, vector<1x16xf32>,
        %reshape3A_450 = vector.shape_cast %get3A_293 : vector<16xi32> to vector<16x1xi32>
        %gather3A_451 = vector.shape_cast %reshape3A_450 : vector<16x1xi32> to vector<16xi32>
        %gather3A_452 = tpu.dynamic_gather %get3A_11[%gather3A_451] in [0] : vector<16xf32>, vector<16xi32> -> vector<16xf32>
        %swap3A_453 = arith.constant 1 : i32
        %swap3A_454 = arith.index_cast %swap3A_453 : i32 to index
        %swap3A_455 = arith.index_cast %mul3A_197 : i32 to index
        %swap3A_456 = tpu.vector_load %arg9[%swap3A_454, %swap3A_455] {strides = array<i32>} : memref<4x8192xf32, #tpu.memory_space<vmem>>, vector<1x16xf32>,
        %swap3A_457 = vector.shape_cast %swap3A_456 : vector<1x16xf32> to vector<16xf32>
        %swap3A_458 = vector.shape_cast %gather3A_452 : vector<16xf32> to vector<1x16xf32>
        tpu.vector_store %arg9[%swap3A_454, %swap3A_455], %swap3A_458 {strides = array<i32>} : memref<4x8192xf32, #tpu.memory_space<vmem>>, vector<1x16xf32>,
        %reshape3A_459 = vector.shape_cast %get3A_293 : vector<16xi32> to vector<16x1xi32>
        %gather3A_460 = vector.shape_cast %reshape3A_459 : vector<16x1xi32> to vector<16xi32>
        %gather3A_461 = tpu.dynamic_gather %get3A_16[%gather3A_460] in [0] : vector<16xf32>, vector<16xi32> -> vector<16xf32>
        %swap3A_462 = arith.constant 2 : i32
        %swap3A_463 = arith.index_cast %swap3A_462 : i32 to index
        %swap3A_464 = arith.index_cast %mul3A_197 : i32 to index
        %swap3A_465 = tpu.vector_load %arg9[%swap3A_463, %swap3A_464] {strides = array<i32>} : memref<4x8192xf32, #tpu.memory_space<vmem>>, vector<1x16xf32>,
        %swap3A_466 = vector.shape_cast %swap3A_465 : vector<1x16xf32> to vector<16xf32>
        %swap3A_467 = vector.shape_cast %gather3A_461 : vector<16xf32> to vector<1x16xf32>
        tpu.vector_store %arg9[%swap3A_463, %swap3A_464], %swap3A_467 {strides = array<i32>} : memref<4x8192xf32, #tpu.memory_space<vmem>>, vector<1x16xf32>,
        %reshape3A_468 = vector.shape_cast %get3A_293 : vector<16xi32> to vector<16x1xi32>
        %gather3A_469 = vector.shape_cast %reshape3A_468 : vector<16x1xi32> to vector<16xi32>
        %gather3A_470 = tpu.dynamic_gather %get3A_21[%gather3A_469] in [0] : vector<16xf32>, vector<16xi32> -> vector<16xf32>
        %swap3A_471 = arith.constant 3 : i32
        %swap3A_472 = arith.index_cast %swap3A_471 : i32 to index
        %swap3A_473 = arith.index_cast %mul3A_197 : i32 to index
        %swap3A_474 = tpu.vector_load %arg9[%swap3A_472, %swap3A_473] {strides = array<i32>} : memref<4x8192xf32, #tpu.memory_space<vmem>>, vector<1x16xf32>,
        %swap3A_475 = vector.shape_cast %swap3A_474 : vector<1x16xf32> to vector<16xf32>
        %swap3A_476 = vector.shape_cast %gather3A_470 : vector<16xf32> to vector<1x16xf32>
        tpu.vector_store %arg9[%swap3A_472, %swap3A_473], %swap3A_476 {strides = array<i32>} : memref<4x8192xf32, #tpu.memory_space<vmem>>, vector<1x16xf32>,
        %reshape3A_477 = vector.shape_cast %get3A_299 : vector<16xi32> to vector<16x1xi32>
        %gather3A_478 = vector.shape_cast %reshape3A_477 : vector<16x1xi32> to vector<16xi32>
        %gather3A_479 = tpu.dynamic_gather %get3A_6[%gather3A_478] in [0] : vector<16xf32>, vector<16xi32> -> vector<16xf32>
        %swap3A_480 = arith.constant 0 : i32
        %swap3A_481 = arith.index_cast %swap3A_480 : i32 to index
        %swap3A_482 = arith.index_cast %mul3A_203 : i32 to index
        %swap3A_483 = tpu.vector_load %arg9[%swap3A_481, %swap3A_482] {strides = array<i32>} : memref<4x8192xf32, #tpu.memory_space<vmem>>, vector<1x16xf32>,
        %swap3A_484 = vector.shape_cast %swap3A_483 : vector<1x16xf32> to vector<16xf32>
        %swap3A_485 = vector.shape_cast %gather3A_479 : vector<16xf32> to vector<1x16xf32>
        tpu.vector_store %arg9[%swap3A_481, %swap3A_482], %swap3A_485 {strides = array<i32>} : memref<4x8192xf32, #tpu.memory_space<vmem>>, vector<1x16xf32>,
        %reshape3A_486 = vector.shape_cast %get3A_299 : vector<16xi32> to vector<16x1xi32>
        %gather3A_487 = vector.shape_cast %reshape3A_486 : vector<16x1xi32> to vector<16xi32>
        %gather3A_488 = tpu.dynamic_gather %get3A_11[%gather3A_487] in [0] : vector<16xf32>, vector<16xi32> -> vector<16xf32>
        %swap3A_489 = arith.constant 1 : i32
        %swap3A_490 = arith.index_cast %swap3A_489 : i32 to index
        %swap3A_491 = arith.index_cast %mul3A_203 : i32 to index
        %swap3A_492 = tpu.vector_load %arg9[%swap3A_490, %swap3A_491] {strides = array<i32>} : memref<4x8192xf32, #tpu.memory_space<vmem>>, vector<1x16xf32>,
        %swap3A_493 = vector.shape_cast %swap3A_492 : vector<1x16xf32> to vector<16xf32>
        %swap3A_494 = vector.shape_cast %gather3A_488 : vector<16xf32> to vector<1x16xf32>
        tpu.vector_store %arg9[%swap3A_490, %swap3A_491], %swap3A_494 {strides = array<i32>} : memref<4x8192xf32, #tpu.memory_space<vmem>>, vector<1x16xf32>,
        %reshape3A_495 = vector.shape_cast %get3A_299 : vector<16xi32> to vector<16x1xi32>
        %gather3A_496 = vector.shape_cast %reshape3A_495 : vector<16x1xi32> to vector<16xi32>
        %gather3A_497 = tpu.dynamic_gather %get3A_16[%gather3A_496] in [0] : vector<16xf32>, vector<16xi32> -> vector<16xf32>
        %swap3A_498 = arith.constant 2 : i32
        %swap3A_499 = arith.index_cast %swap3A_498 : i32 to index
        %swap3A_500 = arith.index_cast %mul3A_203 : i32 to index
        %swap3A_501 = tpu.vector_load %arg9[%swap3A_499, %swap3A_500] {strides = array<i32>} : memref<4x8192xf32, #tpu.memory_space<vmem>>, vector<1x16xf32>,
        %swap3A_502 = vector.shape_cast %swap3A_501 : vector<1x16xf32> to vector<16xf32>
        %swap3A_503 = vector.shape_cast %gather3A_497 : vector<16xf32> to vector<1x16xf32>
        tpu.vector_store %arg9[%swap3A_499, %swap3A_500], %swap3A_503 {strides = array<i32>} : memref<4x8192xf32, #tpu.memory_space<vmem>>, vector<1x16xf32>,
        %reshape3A_504 = vector.shape_cast %get3A_299 : vector<16xi32> to vector<16x1xi32>
        %gather3A_505 = vector.shape_cast %reshape3A_504 : vector<16x1xi32> to vector<16xi32>
        %gather3A_506 = tpu.dynamic_gather %get3A_21[%gather3A_505] in [0] : vector<16xf32>, vector<16xi32> -> vector<16xf32>
        %swap3A_507 = arith.constant 3 : i32
        %swap3A_508 = arith.index_cast %swap3A_507 : i32 to index
        %swap3A_509 = arith.index_cast %mul3A_203 : i32 to index
        %swap3A_510 = tpu.vector_load %arg9[%swap3A_508, %swap3A_509] {strides = array<i32>} : memref<4x8192xf32, #tpu.memory_space<vmem>>, vector<1x16xf32>,
        %swap3A_511 = vector.shape_cast %swap3A_510 : vector<1x16xf32> to vector<16xf32>
        %swap3A_512 = vector.shape_cast %gather3A_506 : vector<16xf32> to vector<1x16xf32>
        tpu.vector_store %arg9[%swap3A_508, %swap3A_509], %swap3A_512 {strides = array<i32>} : memref<4x8192xf32, #tpu.memory_space<vmem>>, vector<1x16xf32>,
        %reshape3A_513 = vector.shape_cast %get3A_305 : vector<16xi32> to vector<16x1xi32>
        %gather3A_514 = vector.shape_cast %reshape3A_513 : vector<16x1xi32> to vector<16xi32>
        %gather3A_515 = tpu.dynamic_gather %get3A_6[%gather3A_514] in [0] : vector<16xf32>, vector<16xi32> -> vector<16xf32>
        %swap3A_516 = arith.constant 0 : i32
        %swap3A_517 = arith.index_cast %swap3A_516 : i32 to index
        %swap3A_518 = arith.index_cast %mul3A_209 : i32 to index
        %swap3A_519 = tpu.vector_load %arg9[%swap3A_517, %swap3A_518] {strides = array<i32>} : memref<4x8192xf32, #tpu.memory_space<vmem>>, vector<1x16xf32>,
        %swap3A_520 = vector.shape_cast %swap3A_519 : vector<1x16xf32> to vector<16xf32>
        %swap3A_521 = vector.shape_cast %gather3A_515 : vector<16xf32> to vector<1x16xf32>
        tpu.vector_store %arg9[%swap3A_517, %swap3A_518], %swap3A_521 {strides = array<i32>} : memref<4x8192xf32, #tpu.memory_space<vmem>>, vector<1x16xf32>,
        %reshape3A_522 = vector.shape_cast %get3A_305 : vector<16xi32> to vector<16x1xi32>
        %gather3A_523 = vector.shape_cast %reshape3A_522 : vector<16x1xi32> to vector<16xi32>
        %gather3A_524 = tpu.dynamic_gather %get3A_11[%gather3A_523] in [0] : vector<16xf32>, vector<16xi32> -> vector<16xf32>
        %swap3A_525 = arith.constant 1 : i32
        %swap3A_526 = arith.index_cast %swap3A_525 : i32 to index
        %swap3A_527 = arith.index_cast %mul3A_209 : i32 to index
        %swap3A_528 = tpu.vector_load %arg9[%swap3A_526, %swap3A_527] {strides = array<i32>} : memref<4x8192xf32, #tpu.memory_space<vmem>>, vector<1x16xf32>,
        %swap3A_529 = vector.shape_cast %swap3A_528 : vector<1x16xf32> to vector<16xf32>
        %swap3A_530 = vector.shape_cast %gather3A_524 : vector<16xf32> to vector<1x16xf32>
        tpu.vector_store %arg9[%swap3A_526, %swap3A_527], %swap3A_530 {strides = array<i32>} : memref<4x8192xf32, #tpu.memory_space<vmem>>, vector<1x16xf32>,
        %reshape3A_531 = vector.shape_cast %get3A_305 : vector<16xi32> to vector<16x1xi32>
        %gather3A_532 = vector.shape_cast %reshape3A_531 : vector<16x1xi32> to vector<16xi32>
        %gather3A_533 = tpu.dynamic_gather %get3A_16[%gather3A_532] in [0] : vector<16xf32>, vector<16xi32> -> vector<16xf32>
        %swap3A_534 = arith.constant 2 : i32
        %swap3A_535 = arith.index_cast %swap3A_534 : i32 to index
        %swap3A_536 = arith.index_cast %mul3A_209 : i32 to index
        %swap3A_537 = tpu.vector_load %arg9[%swap3A_535, %swap3A_536] {strides = array<i32>} : memref<4x8192xf32, #tpu.memory_space<vmem>>, vector<1x16xf32>,
        %swap3A_538 = vector.shape_cast %swap3A_537 : vector<1x16xf32> to vector<16xf32>
        %swap3A_539 = vector.shape_cast %gather3A_533 : vector<16xf32> to vector<1x16xf32>
        tpu.vector_store %arg9[%swap3A_535, %swap3A_536], %swap3A_539 {strides = array<i32>} : memref<4x8192xf32, #tpu.memory_space<vmem>>, vector<1x16xf32>,
        %reshape3A_540 = vector.shape_cast %get3A_305 : vector<16xi32> to vector<16x1xi32>
        %gather3A_541 = vector.shape_cast %reshape3A_540 : vector<16x1xi32> to vector<16xi32>
        %gather3A_542 = tpu.dynamic_gather %get3A_21[%gather3A_541] in [0] : vector<16xf32>, vector<16xi32> -> vector<16xf32>
        %swap3A_543 = arith.constant 3 : i32
        %swap3A_544 = arith.index_cast %swap3A_543 : i32 to index
        %swap3A_545 = arith.index_cast %mul3A_209 : i32 to index
        %swap3A_546 = tpu.vector_load %arg9[%swap3A_544, %swap3A_545] {strides = array<i32>} : memref<4x8192xf32, #tpu.memory_space<vmem>>, vector<1x16xf32>,
        %swap3A_547 = vector.shape_cast %swap3A_546 : vector<1x16xf32> to vector<16xf32>
        %swap3A_548 = vector.shape_cast %gather3A_542 : vector<16xf32> to vector<1x16xf32>
        tpu.vector_store %arg9[%swap3A_544, %swap3A_545], %swap3A_548 {strides = array<i32>} : memref<4x8192xf32, #tpu.memory_space<vmem>>, vector<1x16xf32>,
        %reshape3A_549 = vector.shape_cast %get3A_311 : vector<16xi32> to vector<16x1xi32>
        %gather3A_550 = vector.shape_cast %reshape3A_549 : vector<16x1xi32> to vector<16xi32>
        %gather3A_551 = tpu.dynamic_gather %get3A_6[%gather3A_550] in [0] : vector<16xf32>, vector<16xi32> -> vector<16xf32>
        %swap3A_552 = arith.constant 0 : i32
        %swap3A_553 = arith.index_cast %swap3A_552 : i32 to index
        %swap3A_554 = arith.index_cast %mul3A_215 : i32 to index
        %swap3A_555 = tpu.vector_load %arg9[%swap3A_553, %swap3A_554] {strides = array<i32>} : memref<4x8192xf32, #tpu.memory_space<vmem>>, vector<1x16xf32>,
        %swap3A_556 = vector.shape_cast %swap3A_555 : vector<1x16xf32> to vector<16xf32>
        %swap3A_557 = vector.shape_cast %gather3A_551 : vector<16xf32> to vector<1x16xf32>
        tpu.vector_store %arg9[%swap3A_553, %swap3A_554], %swap3A_557 {strides = array<i32>} : memref<4x8192xf32, #tpu.memory_space<vmem>>, vector<1x16xf32>,
        %reshape3A_558 = vector.shape_cast %get3A_311 : vector<16xi32> to vector<16x1xi32>
        %gather3A_559 = vector.shape_cast %reshape3A_558 : vector<16x1xi32> to vector<16xi32>
        %gather3A_560 = tpu.dynamic_gather %get3A_11[%gather3A_559] in [0] : vector<16xf32>, vector<16xi32> -> vector<16xf32>
        %swap3A_561 = arith.constant 1 : i32
        %swap3A_562 = arith.index_cast %swap3A_561 : i32 to index
        %swap3A_563 = arith.index_cast %mul3A_215 : i32 to index
        %swap3A_564 = tpu.vector_load %arg9[%swap3A_562, %swap3A_563] {strides = array<i32>} : memref<4x8192xf32, #tpu.memory_space<vmem>>, vector<1x16xf32>,
        %swap3A_565 = vector.shape_cast %swap3A_564 : vector<1x16xf32> to vector<16xf32>
        %swap3A_566 = vector.shape_cast %gather3A_560 : vector<16xf32> to vector<1x16xf32>
        tpu.vector_store %arg9[%swap3A_562, %swap3A_563], %swap3A_566 {strides = array<i32>} : memref<4x8192xf32, #tpu.memory_space<vmem>>, vector<1x16xf32>,
        %reshape3A_567 = vector.shape_cast %get3A_311 : vector<16xi32> to vector<16x1xi32>
        %gather3A_568 = vector.shape_cast %reshape3A_567 : vector<16x1xi32> to vector<16xi32>
        %gather3A_569 = tpu.dynamic_gather %get3A_16[%gather3A_568] in [0] : vector<16xf32>, vector<16xi32> -> vector<16xf32>
        %swap3A_570 = arith.constant 2 : i32
        %swap3A_571 = arith.index_cast %swap3A_570 : i32 to index
        %swap3A_572 = arith.index_cast %mul3A_215 : i32 to index
        %swap3A_573 = tpu.vector_load %arg9[%swap3A_571, %swap3A_572] {strides = array<i32>} : memref<4x8192xf32, #tpu.memory_space<vmem>>, vector<1x16xf32>,
        %swap3A_574 = vector.shape_cast %swap3A_573 : vector<1x16xf32> to vector<16xf32>
        %swap3A_575 = vector.shape_cast %gather3A_569 : vector<16xf32> to vector<1x16xf32>
        tpu.vector_store %arg9[%swap3A_571, %swap3A_572], %swap3A_575 {strides = array<i32>} : memref<4x8192xf32, #tpu.memory_space<vmem>>, vector<1x16xf32>,
        %reshape3A_576 = vector.shape_cast %get3A_311 : vector<16xi32> to vector<16x1xi32>
        %gather3A_577 = vector.shape_cast %reshape3A_576 : vector<16x1xi32> to vector<16xi32>
        %gather3A_578 = tpu.dynamic_gather %get3A_21[%gather3A_577] in [0] : vector<16xf32>, vector<16xi32> -> vector<16xf32>
        %swap3A_579 = arith.constant 3 : i32
        %swap3A_580 = arith.index_cast %swap3A_579 : i32 to index
        %swap3A_581 = arith.index_cast %mul3A_215 : i32 to index
        %swap3A_582 = tpu.vector_load %arg9[%swap3A_580, %swap3A_581] {strides = array<i32>} : memref<4x8192xf32, #tpu.memory_space<vmem>>, vector<1x16xf32>,
        %swap3A_583 = vector.shape_cast %swap3A_582 : vector<1x16xf32> to vector<16xf32>
        %swap3A_584 = vector.shape_cast %gather3A_578 : vector<16xf32> to vector<1x16xf32>
        tpu.vector_store %arg9[%swap3A_580, %swap3A_581], %swap3A_584 {strides = array<i32>} : memref<4x8192xf32, #tpu.memory_space<vmem>>, vector<1x16xf32>,
        %reshape3A_585 = vector.shape_cast %get3A_317 : vector<16xi32> to vector<16x1xi32>
        %gather3A_586 = vector.shape_cast %reshape3A_585 : vector<16x1xi32> to vector<16xi32>
        %gather3A_587 = tpu.dynamic_gather %get3A_6[%gather3A_586] in [0] : vector<16xf32>, vector<16xi32> -> vector<16xf32>
        %swap3A_588 = arith.constant 0 : i32
        %swap3A_589 = arith.index_cast %swap3A_588 : i32 to index
        %swap3A_590 = arith.index_cast %mul3A_221 : i32 to index
        %swap3A_591 = tpu.vector_load %arg9[%swap3A_589, %swap3A_590] {strides = array<i32>} : memref<4x8192xf32, #tpu.memory_space<vmem>>, vector<1x16xf32>,
        %swap3A_592 = vector.shape_cast %swap3A_591 : vector<1x16xf32> to vector<16xf32>
        %swap3A_593 = vector.shape_cast %gather3A_587 : vector<16xf32> to vector<1x16xf32>
        tpu.vector_store %arg9[%swap3A_589, %swap3A_590], %swap3A_593 {strides = array<i32>} : memref<4x8192xf32, #tpu.memory_space<vmem>>, vector<1x16xf32>,
        %reshape3A_594 = vector.shape_cast %get3A_317 : vector<16xi32> to vector<16x1xi32>
        %gather3A_595 = vector.shape_cast %reshape3A_594 : vector<16x1xi32> to vector<16xi32>
        %gather3A_596 = tpu.dynamic_gather %get3A_11[%gather3A_595] in [0] : vector<16xf32>, vector<16xi32> -> vector<16xf32>
        %swap3A_597 = arith.constant 1 : i32
        %swap3A_598 = arith.index_cast %swap3A_597 : i32 to index
        %swap3A_599 = arith.index_cast %mul3A_221 : i32 to index
        %swap3A_600 = tpu.vector_load %arg9[%swap3A_598, %swap3A_599] {strides = array<i32>} : memref<4x8192xf32, #tpu.memory_space<vmem>>, vector<1x16xf32>,
        %swap3A_601 = vector.shape_cast %swap3A_600 : vector<1x16xf32> to vector<16xf32>
        %swap3A_602 = vector.shape_cast %gather3A_596 : vector<16xf32> to vector<1x16xf32>
        tpu.vector_store %arg9[%swap3A_598, %swap3A_599], %swap3A_602 {strides = array<i32>} : memref<4x8192xf32, #tpu.memory_space<vmem>>, vector<1x16xf32>,
        %reshape3A_603 = vector.shape_cast %get3A_317 : vector<16xi32> to vector<16x1xi32>
        %gather3A_604 = vector.shape_cast %reshape3A_603 : vector<16x1xi32> to vector<16xi32>
        %gather3A_605 = tpu.dynamic_gather %get3A_16[%gather3A_604] in [0] : vector<16xf32>, vector<16xi32> -> vector<16xf32>
        %swap3A_606 = arith.constant 2 : i32
        %swap3A_607 = arith.index_cast %swap3A_606 : i32 to index
        %swap3A_608 = arith.index_cast %mul3A_221 : i32 to index
        %swap3A_609 = tpu.vector_load %arg9[%swap3A_607, %swap3A_608] {strides = array<i32>} : memref<4x8192xf32, #tpu.memory_space<vmem>>, vector<1x16xf32>,
        %swap3A_610 = vector.shape_cast %swap3A_609 : vector<1x16xf32> to vector<16xf32>
        %swap3A_611 = vector.shape_cast %gather3A_605 : vector<16xf32> to vector<1x16xf32>
        tpu.vector_store %arg9[%swap3A_607, %swap3A_608], %swap3A_611 {strides = array<i32>} : memref<4x8192xf32, #tpu.memory_space<vmem>>, vector<1x16xf32>,
        %reshape3A_612 = vector.shape_cast %get3A_317 : vector<16xi32> to vector<16x1xi32>
        %gather3A_613 = vector.shape_cast %reshape3A_612 : vector<16x1xi32> to vector<16xi32>
        %gather3A_614 = tpu.dynamic_gather %get3A_21[%gather3A_613] in [0] : vector<16xf32>, vector<16xi32> -> vector<16xf32>
        %swap3A_615 = arith.constant 3 : i32
        %swap3A_616 = arith.index_cast %swap3A_615 : i32 to index
        %swap3A_617 = arith.index_cast %mul3A_221 : i32 to index
        %swap3A_618 = tpu.vector_load %arg9[%swap3A_616, %swap3A_617] {strides = array<i32>} : memref<4x8192xf32, #tpu.memory_space<vmem>>, vector<1x16xf32>,
        %swap3A_619 = vector.shape_cast %swap3A_618 : vector<1x16xf32> to vector<16xf32>
        %swap3A_620 = vector.shape_cast %gather3A_614 : vector<16xf32> to vector<1x16xf32>
        tpu.vector_store %arg9[%swap3A_616, %swap3A_617], %swap3A_620 {strides = array<i32>} : memref<4x8192xf32, #tpu.memory_space<vmem>>, vector<1x16xf32>,
        %reshape3A_621 = vector.shape_cast %get3A_323 : vector<16xi32> to vector<16x1xi32>
        %gather3A_622 = vector.shape_cast %reshape3A_621 : vector<16x1xi32> to vector<16xi32>
        %gather3A_623 = tpu.dynamic_gather %get3A_6[%gather3A_622] in [0] : vector<16xf32>, vector<16xi32> -> vector<16xf32>
        %swap3A_624 = arith.constant 0 : i32
        %swap3A_625 = arith.index_cast %swap3A_624 : i32 to index
        %swap3A_626 = arith.index_cast %mul3A_227 : i32 to index
        %swap3A_627 = tpu.vector_load %arg9[%swap3A_625, %swap3A_626] {strides = array<i32>} : memref<4x8192xf32, #tpu.memory_space<vmem>>, vector<1x16xf32>,
        %swap3A_628 = vector.shape_cast %swap3A_627 : vector<1x16xf32> to vector<16xf32>
        %swap3A_629 = vector.shape_cast %gather3A_623 : vector<16xf32> to vector<1x16xf32>
        tpu.vector_store %arg9[%swap3A_625, %swap3A_626], %swap3A_629 {strides = array<i32>} : memref<4x8192xf32, #tpu.memory_space<vmem>>, vector<1x16xf32>,
        %reshape3A_630 = vector.shape_cast %get3A_323 : vector<16xi32> to vector<16x1xi32>
        %gather3A_631 = vector.shape_cast %reshape3A_630 : vector<16x1xi32> to vector<16xi32>
        %gather3A_632 = tpu.dynamic_gather %get3A_11[%gather3A_631] in [0] : vector<16xf32>, vector<16xi32> -> vector<16xf32>
        %swap3A_633 = arith.constant 1 : i32
        %swap3A_634 = arith.index_cast %swap3A_633 : i32 to index
        %swap3A_635 = arith.index_cast %mul3A_227 : i32 to index
        %swap3A_636 = tpu.vector_load %arg9[%swap3A_634, %swap3A_635] {strides = array<i32>} : memref<4x8192xf32, #tpu.memory_space<vmem>>, vector<1x16xf32>,
        %swap3A_637 = vector.shape_cast %swap3A_636 : vector<1x16xf32> to vector<16xf32>
        %swap3A_638 = vector.shape_cast %gather3A_632 : vector<16xf32> to vector<1x16xf32>
        tpu.vector_store %arg9[%swap3A_634, %swap3A_635], %swap3A_638 {strides = array<i32>} : memref<4x8192xf32, #tpu.memory_space<vmem>>, vector<1x16xf32>,
        %reshape3A_639 = vector.shape_cast %get3A_323 : vector<16xi32> to vector<16x1xi32>
        %gather3A_640 = vector.shape_cast %reshape3A_639 : vector<16x1xi32> to vector<16xi32>
        %gather3A_641 = tpu.dynamic_gather %get3A_16[%gather3A_640] in [0] : vector<16xf32>, vector<16xi32> -> vector<16xf32>
        %swap3A_642 = arith.constant 2 : i32
        %swap3A_643 = arith.index_cast %swap3A_642 : i32 to index
        %swap3A_644 = arith.index_cast %mul3A_227 : i32 to index
        %swap3A_645 = tpu.vector_load %arg9[%swap3A_643, %swap3A_644] {strides = array<i32>} : memref<4x8192xf32, #tpu.memory_space<vmem>>, vector<1x16xf32>,
        %swap3A_646 = vector.shape_cast %swap3A_645 : vector<1x16xf32> to vector<16xf32>
        %swap3A_647 = vector.shape_cast %gather3A_641 : vector<16xf32> to vector<1x16xf32>
        tpu.vector_store %arg9[%swap3A_643, %swap3A_644], %swap3A_647 {strides = array<i32>} : memref<4x8192xf32, #tpu.memory_space<vmem>>, vector<1x16xf32>,
        %reshape3A_648 = vector.shape_cast %get3A_323 : vector<16xi32> to vector<16x1xi32>
        %gather3A_649 = vector.shape_cast %reshape3A_648 : vector<16x1xi32> to vector<16xi32>
        %gather3A_650 = tpu.dynamic_gather %get3A_21[%gather3A_649] in [0] : vector<16xf32>, vector<16xi32> -> vector<16xf32>
        %swap3A_651 = arith.constant 3 : i32
        %swap3A_652 = arith.index_cast %swap3A_651 : i32 to index
        %swap3A_653 = arith.index_cast %mul3A_227 : i32 to index
        %swap3A_654 = tpu.vector_load %arg9[%swap3A_652, %swap3A_653] {strides = array<i32>} : memref<4x8192xf32, #tpu.memory_space<vmem>>, vector<1x16xf32>,
        %swap3A_655 = vector.shape_cast %swap3A_654 : vector<1x16xf32> to vector<16xf32>
        %swap3A_656 = vector.shape_cast %gather3A_650 : vector<16xf32> to vector<1x16xf32>
        tpu.vector_store %arg9[%swap3A_652, %swap3A_653], %swap3A_656 {strides = array<i32>} : memref<4x8192xf32, #tpu.memory_space<vmem>>, vector<1x16xf32>,
        %reshape3A_657 = vector.shape_cast %get3A_329 : vector<16xi32> to vector<16x1xi32>
        %gather3A_658 = vector.shape_cast %reshape3A_657 : vector<16x1xi32> to vector<16xi32>
        %gather3A_659 = tpu.dynamic_gather %get3A_6[%gather3A_658] in [0] : vector<16xf32>, vector<16xi32> -> vector<16xf32>
        %swap3A_660 = arith.constant 0 : i32
        %swap3A_661 = arith.index_cast %swap3A_660 : i32 to index
        %swap3A_662 = arith.index_cast %mul3A_233 : i32 to index
        %swap3A_663 = tpu.vector_load %arg9[%swap3A_661, %swap3A_662] {strides = array<i32>} : memref<4x8192xf32, #tpu.memory_space<vmem>>, vector<1x16xf32>,
        %swap3A_664 = vector.shape_cast %swap3A_663 : vector<1x16xf32> to vector<16xf32>
        %swap3A_665 = vector.shape_cast %gather3A_659 : vector<16xf32> to vector<1x16xf32>
        tpu.vector_store %arg9[%swap3A_661, %swap3A_662], %swap3A_665 {strides = array<i32>} : memref<4x8192xf32, #tpu.memory_space<vmem>>, vector<1x16xf32>,
        %reshape3A_666 = vector.shape_cast %get3A_329 : vector<16xi32> to vector<16x1xi32>
        %gather3A_667 = vector.shape_cast %reshape3A_666 : vector<16x1xi32> to vector<16xi32>
        %gather3A_668 = tpu.dynamic_gather %get3A_11[%gather3A_667] in [0] : vector<16xf32>, vector<16xi32> -> vector<16xf32>
        %swap3A_669 = arith.constant 1 : i32
        %swap3A_670 = arith.index_cast %swap3A_669 : i32 to index
        %swap3A_671 = arith.index_cast %mul3A_233 : i32 to index
        %swap3A_672 = tpu.vector_load %arg9[%swap3A_670, %swap3A_671] {strides = array<i32>} : memref<4x8192xf32, #tpu.memory_space<vmem>>, vector<1x16xf32>,
        %swap3A_673 = vector.shape_cast %swap3A_672 : vector<1x16xf32> to vector<16xf32>
        %swap3A_674 = vector.shape_cast %gather3A_668 : vector<16xf32> to vector<1x16xf32>
        tpu.vector_store %arg9[%swap3A_670, %swap3A_671], %swap3A_674 {strides = array<i32>} : memref<4x8192xf32, #tpu.memory_space<vmem>>, vector<1x16xf32>,
        %reshape3A_675 = vector.shape_cast %get3A_329 : vector<16xi32> to vector<16x1xi32>
        %gather3A_676 = vector.shape_cast %reshape3A_675 : vector<16x1xi32> to vector<16xi32>
        %gather3A_677 = tpu.dynamic_gather %get3A_16[%gather3A_676] in [0] : vector<16xf32>, vector<16xi32> -> vector<16xf32>
        %swap3A_678 = arith.constant 2 : i32
        %swap3A_679 = arith.index_cast %swap3A_678 : i32 to index
        %swap3A_680 = arith.index_cast %mul3A_233 : i32 to index
        %swap3A_681 = tpu.vector_load %arg9[%swap3A_679, %swap3A_680] {strides = array<i32>} : memref<4x8192xf32, #tpu.memory_space<vmem>>, vector<1x16xf32>,
        %swap3A_682 = vector.shape_cast %swap3A_681 : vector<1x16xf32> to vector<16xf32>
        %swap3A_683 = vector.shape_cast %gather3A_677 : vector<16xf32> to vector<1x16xf32>
        tpu.vector_store %arg9[%swap3A_679, %swap3A_680], %swap3A_683 {strides = array<i32>} : memref<4x8192xf32, #tpu.memory_space<vmem>>, vector<1x16xf32>,
        %reshape3A_684 = vector.shape_cast %get3A_329 : vector<16xi32> to vector<16x1xi32>
        %gather3A_685 = vector.shape_cast %reshape3A_684 : vector<16x1xi32> to vector<16xi32>
        %gather3A_686 = tpu.dynamic_gather %get3A_21[%gather3A_685] in [0] : vector<16xf32>, vector<16xi32> -> vector<16xf32>
        %swap3A_687 = arith.constant 3 : i32
        %swap3A_688 = arith.index_cast %swap3A_687 : i32 to index
        %swap3A_689 = arith.index_cast %mul3A_233 : i32 to index
        %swap3A_690 = tpu.vector_load %arg9[%swap3A_688, %swap3A_689] {strides = array<i32>} : memref<4x8192xf32, #tpu.memory_space<vmem>>, vector<1x16xf32>,
        %swap3A_691 = vector.shape_cast %swap3A_690 : vector<1x16xf32> to vector<16xf32>
        %swap3A_692 = vector.shape_cast %gather3A_686 : vector<16xf32> to vector<1x16xf32>
        tpu.vector_store %arg9[%swap3A_688, %swap3A_689], %swap3A_692 {strides = array<i32>} : memref<4x8192xf32, #tpu.memory_space<vmem>>, vector<1x16xf32>,
        %reshape3A_693 = vector.shape_cast %get3A_335 : vector<16xi32> to vector<16x1xi32>
        %gather3A_694 = vector.shape_cast %reshape3A_693 : vector<16x1xi32> to vector<16xi32>
        %gather3A_695 = tpu.dynamic_gather %get3A_6[%gather3A_694] in [0] : vector<16xf32>, vector<16xi32> -> vector<16xf32>
        %swap3A_696 = arith.constant 0 : i32
        %swap3A_697 = arith.index_cast %swap3A_696 : i32 to index
        %swap3A_698 = arith.index_cast %mul3A_239 : i32 to index
        %swap3A_699 = tpu.vector_load %arg9[%swap3A_697, %swap3A_698] {strides = array<i32>} : memref<4x8192xf32, #tpu.memory_space<vmem>>, vector<1x16xf32>,
        %swap3A_700 = vector.shape_cast %swap3A_699 : vector<1x16xf32> to vector<16xf32>
        %swap3A_701 = vector.shape_cast %gather3A_695 : vector<16xf32> to vector<1x16xf32>
        tpu.vector_store %arg9[%swap3A_697, %swap3A_698], %swap3A_701 {strides = array<i32>} : memref<4x8192xf32, #tpu.memory_space<vmem>>, vector<1x16xf32>,
        %reshape3A_702 = vector.shape_cast %get3A_335 : vector<16xi32> to vector<16x1xi32>
        %gather3A_703 = vector.shape_cast %reshape3A_702 : vector<16x1xi32> to vector<16xi32>
        %gather3A_704 = tpu.dynamic_gather %get3A_11[%gather3A_703] in [0] : vector<16xf32>, vector<16xi32> -> vector<16xf32>
        %swap3A_705 = arith.constant 1 : i32
        %swap3A_706 = arith.index_cast %swap3A_705 : i32 to index
        %swap3A_707 = arith.index_cast %mul3A_239 : i32 to index
        %swap3A_708 = tpu.vector_load %arg9[%swap3A_706, %swap3A_707] {strides = array<i32>} : memref<4x8192xf32, #tpu.memory_space<vmem>>, vector<1x16xf32>,
        %swap3A_709 = vector.shape_cast %swap3A_708 : vector<1x16xf32> to vector<16xf32>
        %swap3A_710 = vector.shape_cast %gather3A_704 : vector<16xf32> to vector<1x16xf32>
        tpu.vector_store %arg9[%swap3A_706, %swap3A_707], %swap3A_710 {strides = array<i32>} : memref<4x8192xf32, #tpu.memory_space<vmem>>, vector<1x16xf32>,
        %reshape3A_711 = vector.shape_cast %get3A_335 : vector<16xi32> to vector<16x1xi32>
        %gather3A_712 = vector.shape_cast %reshape3A_711 : vector<16x1xi32> to vector<16xi32>
        %gather3A_713 = tpu.dynamic_gather %get3A_16[%gather3A_712] in [0] : vector<16xf32>, vector<16xi32> -> vector<16xf32>
        %swap3A_714 = arith.constant 2 : i32
        %swap3A_715 = arith.index_cast %swap3A_714 : i32 to index
        %swap3A_716 = arith.index_cast %mul3A_239 : i32 to index
        %swap3A_717 = tpu.vector_load %arg9[%swap3A_715, %swap3A_716] {strides = array<i32>} : memref<4x8192xf32, #tpu.memory_space<vmem>>, vector<1x16xf32>,
        %swap3A_718 = vector.shape_cast %swap3A_717 : vector<1x16xf32> to vector<16xf32>
        %swap3A_719 = vector.shape_cast %gather3A_713 : vector<16xf32> to vector<1x16xf32>
        tpu.vector_store %arg9[%swap3A_715, %swap3A_716], %swap3A_719 {strides = array<i32>} : memref<4x8192xf32, #tpu.memory_space<vmem>>, vector<1x16xf32>,
        %reshape3A_720 = vector.shape_cast %get3A_335 : vector<16xi32> to vector<16x1xi32>
        %gather3A_721 = vector.shape_cast %reshape3A_720 : vector<16x1xi32> to vector<16xi32>
        %gather3A_722 = tpu.dynamic_gather %get3A_21[%gather3A_721] in [0] : vector<16xf32>, vector<16xi32> -> vector<16xf32>
        %swap3A_723 = arith.constant 3 : i32
        %swap3A_724 = arith.index_cast %swap3A_723 : i32 to index
        %swap3A_725 = arith.index_cast %mul3A_239 : i32 to index
        %swap3A_726 = tpu.vector_load %arg9[%swap3A_724, %swap3A_725] {strides = array<i32>} : memref<4x8192xf32, #tpu.memory_space<vmem>>, vector<1x16xf32>,
        %swap3A_727 = vector.shape_cast %swap3A_726 : vector<1x16xf32> to vector<16xf32>
        %swap3A_728 = vector.shape_cast %gather3A_722 : vector<16xf32> to vector<1x16xf32>
        tpu.vector_store %arg9[%swap3A_724, %swap3A_725], %swap3A_728 {strides = array<i32>} : memref<4x8192xf32, #tpu.memory_space<vmem>>, vector<1x16xf32>,
        %reshape3A_729 = vector.shape_cast %get3A_341 : vector<16xi32> to vector<16x1xi32>
        %gather3A_730 = vector.shape_cast %reshape3A_729 : vector<16x1xi32> to vector<16xi32>
        %gather3A_731 = tpu.dynamic_gather %get3A_6[%gather3A_730] in [0] : vector<16xf32>, vector<16xi32> -> vector<16xf32>
        %swap3A_732 = arith.constant 0 : i32
        %swap3A_733 = arith.index_cast %swap3A_732 : i32 to index
        %swap3A_734 = arith.index_cast %mul3A_245 : i32 to index
        %swap3A_735 = tpu.vector_load %arg9[%swap3A_733, %swap3A_734] {strides = array<i32>} : memref<4x8192xf32, #tpu.memory_space<vmem>>, vector<1x16xf32>,
        %swap3A_736 = vector.shape_cast %swap3A_735 : vector<1x16xf32> to vector<16xf32>
        %swap3A_737 = vector.shape_cast %gather3A_731 : vector<16xf32> to vector<1x16xf32>
        tpu.vector_store %arg9[%swap3A_733, %swap3A_734], %swap3A_737 {strides = array<i32>} : memref<4x8192xf32, #tpu.memory_space<vmem>>, vector<1x16xf32>,
        %reshape3A_738 = vector.shape_cast %get3A_341 : vector<16xi32> to vector<16x1xi32>
        %gather3A_739 = vector.shape_cast %reshape3A_738 : vector<16x1xi32> to vector<16xi32>
        %gather3A_740 = tpu.dynamic_gather %get3A_11[%gather3A_739] in [0] : vector<16xf32>, vector<16xi32> -> vector<16xf32>
        %swap3A_741 = arith.constant 1 : i32
        %swap3A_742 = arith.index_cast %swap3A_741 : i32 to index
        %swap3A_743 = arith.index_cast %mul3A_245 : i32 to index
        %swap3A_744 = tpu.vector_load %arg9[%swap3A_742, %swap3A_743] {strides = array<i32>} : memref<4x8192xf32, #tpu.memory_space<vmem>>, vector<1x16xf32>,
        %swap3A_745 = vector.shape_cast %swap3A_744 : vector<1x16xf32> to vector<16xf32>
        %swap3A_746 = vector.shape_cast %gather3A_740 : vector<16xf32> to vector<1x16xf32>
        tpu.vector_store %arg9[%swap3A_742, %swap3A_743], %swap3A_746 {strides = array<i32>} : memref<4x8192xf32, #tpu.memory_space<vmem>>, vector<1x16xf32>,
        %reshape3A_747 = vector.shape_cast %get3A_341 : vector<16xi32> to vector<16x1xi32>
        %gather3A_748 = vector.shape_cast %reshape3A_747 : vector<16x1xi32> to vector<16xi32>
        %gather3A_749 = tpu.dynamic_gather %get3A_16[%gather3A_748] in [0] : vector<16xf32>, vector<16xi32> -> vector<16xf32>
        %swap3A_750 = arith.constant 2 : i32
        %swap3A_751 = arith.index_cast %swap3A_750 : i32 to index
        %swap3A_752 = arith.index_cast %mul3A_245 : i32 to index
        %swap3A_753 = tpu.vector_load %arg9[%swap3A_751, %swap3A_752] {strides = array<i32>} : memref<4x8192xf32, #tpu.memory_space<vmem>>, vector<1x16xf32>,
        %swap3A_754 = vector.shape_cast %swap3A_753 : vector<1x16xf32> to vector<16xf32>
        %swap3A_755 = vector.shape_cast %gather3A_749 : vector<16xf32> to vector<1x16xf32>
        tpu.vector_store %arg9[%swap3A_751, %swap3A_752], %swap3A_755 {strides = array<i32>} : memref<4x8192xf32, #tpu.memory_space<vmem>>, vector<1x16xf32>,
        %reshape3A_756 = vector.shape_cast %get3A_341 : vector<16xi32> to vector<16x1xi32>
        %gather3A_757 = vector.shape_cast %reshape3A_756 : vector<16x1xi32> to vector<16xi32>
        %gather3A_758 = tpu.dynamic_gather %get3A_21[%gather3A_757] in [0] : vector<16xf32>, vector<16xi32> -> vector<16xf32>
        %swap3A_759 = arith.constant 3 : i32
        %swap3A_760 = arith.index_cast %swap3A_759 : i32 to index
        %swap3A_761 = arith.index_cast %mul3A_245 : i32 to index
        %swap3A_762 = tpu.vector_load %arg9[%swap3A_760, %swap3A_761] {strides = array<i32>} : memref<4x8192xf32, #tpu.memory_space<vmem>>, vector<1x16xf32>,
        %swap3A_763 = vector.shape_cast %swap3A_762 : vector<1x16xf32> to vector<16xf32>
        %swap3A_764 = vector.shape_cast %gather3A_758 : vector<16xf32> to vector<1x16xf32>
        tpu.vector_store %arg9[%swap3A_760, %swap3A_761], %swap3A_764 {strides = array<i32>} : memref<4x8192xf32, #tpu.memory_space<vmem>>, vector<1x16xf32>,
        %reshape3A_765 = vector.shape_cast %get3A_347 : vector<16xi32> to vector<16x1xi32>
        %gather3A_766 = vector.shape_cast %reshape3A_765 : vector<16x1xi32> to vector<16xi32>
        %gather3A_767 = tpu.dynamic_gather %get3A_6[%gather3A_766] in [0] : vector<16xf32>, vector<16xi32> -> vector<16xf32>
        %swap3A_768 = arith.constant 0 : i32
        %swap3A_769 = arith.index_cast %swap3A_768 : i32 to index
        %swap3A_770 = arith.index_cast %mul3A_251 : i32 to index
        %swap3A_771 = tpu.vector_load %arg9[%swap3A_769, %swap3A_770] {strides = array<i32>} : memref<4x8192xf32, #tpu.memory_space<vmem>>, vector<1x16xf32>,
        %swap3A_772 = vector.shape_cast %swap3A_771 : vector<1x16xf32> to vector<16xf32>
        %swap3A_773 = vector.shape_cast %gather3A_767 : vector<16xf32> to vector<1x16xf32>
        tpu.vector_store %arg9[%swap3A_769, %swap3A_770], %swap3A_773 {strides = array<i32>} : memref<4x8192xf32, #tpu.memory_space<vmem>>, vector<1x16xf32>,
        %reshape3A_774 = vector.shape_cast %get3A_347 : vector<16xi32> to vector<16x1xi32>
        %gather3A_775 = vector.shape_cast %reshape3A_774 : vector<16x1xi32> to vector<16xi32>
        %gather3A_776 = tpu.dynamic_gather %get3A_11[%gather3A_775] in [0] : vector<16xf32>, vector<16xi32> -> vector<16xf32>
        %swap3A_777 = arith.constant 1 : i32
        %swap3A_778 = arith.index_cast %swap3A_777 : i32 to index
        %swap3A_779 = arith.index_cast %mul3A_251 : i32 to index
        %swap3A_780 = tpu.vector_load %arg9[%swap3A_778, %swap3A_779] {strides = array<i32>} : memref<4x8192xf32, #tpu.memory_space<vmem>>, vector<1x16xf32>,
        %swap3A_781 = vector.shape_cast %swap3A_780 : vector<1x16xf32> to vector<16xf32>
        %swap3A_782 = vector.shape_cast %gather3A_776 : vector<16xf32> to vector<1x16xf32>
        tpu.vector_store %arg9[%swap3A_778, %swap3A_779], %swap3A_782 {strides = array<i32>} : memref<4x8192xf32, #tpu.memory_space<vmem>>, vector<1x16xf32>,
        %reshape3A_783 = vector.shape_cast %get3A_347 : vector<16xi32> to vector<16x1xi32>
        %gather3A_784 = vector.shape_cast %reshape3A_783 : vector<16x1xi32> to vector<16xi32>
        %gather3A_785 = tpu.dynamic_gather %get3A_16[%gather3A_784] in [0] : vector<16xf32>, vector<16xi32> -> vector<16xf32>
        %swap3A_786 = arith.constant 2 : i32
        %swap3A_787 = arith.index_cast %swap3A_786 : i32 to index
        %swap3A_788 = arith.index_cast %mul3A_251 : i32 to index
        %swap3A_789 = tpu.vector_load %arg9[%swap3A_787, %swap3A_788] {strides = array<i32>} : memref<4x8192xf32, #tpu.memory_space<vmem>>, vector<1x16xf32>,
        %swap3A_790 = vector.shape_cast %swap3A_789 : vector<1x16xf32> to vector<16xf32>
        %swap3A_791 = vector.shape_cast %gather3A_785 : vector<16xf32> to vector<1x16xf32>
        tpu.vector_store %arg9[%swap3A_787, %swap3A_788], %swap3A_791 {strides = array<i32>} : memref<4x8192xf32, #tpu.memory_space<vmem>>, vector<1x16xf32>,
        %reshape3A_792 = vector.shape_cast %get3A_347 : vector<16xi32> to vector<16x1xi32>
        %gather3A_793 = vector.shape_cast %reshape3A_792 : vector<16x1xi32> to vector<16xi32>
        %gather3A_794 = tpu.dynamic_gather %get3A_21[%gather3A_793] in [0] : vector<16xf32>, vector<16xi32> -> vector<16xf32>
        %swap3A_795 = arith.constant 3 : i32
        %swap3A_796 = arith.index_cast %swap3A_795 : i32 to index
        %swap3A_797 = arith.index_cast %mul3A_251 : i32 to index
        %swap3A_798 = tpu.vector_load %arg9[%swap3A_796, %swap3A_797] {strides = array<i32>} : memref<4x8192xf32, #tpu.memory_space<vmem>>, vector<1x16xf32>,
        %swap3A_799 = vector.shape_cast %swap3A_798 : vector<1x16xf32> to vector<16xf32>
        %swap3A_800 = vector.shape_cast %gather3A_794 : vector<16xf32> to vector<1x16xf32>
        tpu.vector_store %arg9[%swap3A_796, %swap3A_797], %swap3A_800 {strides = array<i32>} : memref<4x8192xf32, #tpu.memory_space<vmem>>, vector<1x16xf32>,
        %reshape3A_801 = vector.shape_cast %get3A_353 : vector<16xi32> to vector<16x1xi32>
        %gather3A_802 = vector.shape_cast %reshape3A_801 : vector<16x1xi32> to vector<16xi32>
        %gather3A_803 = tpu.dynamic_gather %get3A_6[%gather3A_802] in [0] : vector<16xf32>, vector<16xi32> -> vector<16xf32>
        %swap3A_804 = arith.constant 0 : i32
        %swap3A_805 = arith.index_cast %swap3A_804 : i32 to index
        %swap3A_806 = arith.index_cast %mul3A_257 : i32 to index
        %swap3A_807 = tpu.vector_load %arg9[%swap3A_805, %swap3A_806] {strides = array<i32>} : memref<4x8192xf32, #tpu.memory_space<vmem>>, vector<1x16xf32>,
        %swap3A_808 = vector.shape_cast %swap3A_807 : vector<1x16xf32> to vector<16xf32>
        %swap3A_809 = vector.shape_cast %gather3A_803 : vector<16xf32> to vector<1x16xf32>
        tpu.vector_store %arg9[%swap3A_805, %swap3A_806], %swap3A_809 {strides = array<i32>} : memref<4x8192xf32, #tpu.memory_space<vmem>>, vector<1x16xf32>,
        %reshape3A_810 = vector.shape_cast %get3A_353 : vector<16xi32> to vector<16x1xi32>
        %gather3A_811 = vector.shape_cast %reshape3A_810 : vector<16x1xi32> to vector<16xi32>
        %gather3A_812 = tpu.dynamic_gather %get3A_11[%gather3A_811] in [0] : vector<16xf32>, vector<16xi32> -> vector<16xf32>
        %swap3A_813 = arith.constant 1 : i32
        %swap3A_814 = arith.index_cast %swap3A_813 : i32 to index
        %swap3A_815 = arith.index_cast %mul3A_257 : i32 to index
        %swap3A_816 = tpu.vector_load %arg9[%swap3A_814, %swap3A_815] {strides = array<i32>} : memref<4x8192xf32, #tpu.memory_space<vmem>>, vector<1x16xf32>,
        %swap3A_817 = vector.shape_cast %swap3A_816 : vector<1x16xf32> to vector<16xf32>
        %swap3A_818 = vector.shape_cast %gather3A_812 : vector<16xf32> to vector<1x16xf32>
        tpu.vector_store %arg9[%swap3A_814, %swap3A_815], %swap3A_818 {strides = array<i32>} : memref<4x8192xf32, #tpu.memory_space<vmem>>, vector<1x16xf32>,
        %reshape3A_819 = vector.shape_cast %get3A_353 : vector<16xi32> to vector<16x1xi32>
        %gather3A_820 = vector.shape_cast %reshape3A_819 : vector<16x1xi32> to vector<16xi32>
        %gather3A_821 = tpu.dynamic_gather %get3A_16[%gather3A_820] in [0] : vector<16xf32>, vector<16xi32> -> vector<16xf32>
        %swap3A_822 = arith.constant 2 : i32
        %swap3A_823 = arith.index_cast %swap3A_822 : i32 to index
        %swap3A_824 = arith.index_cast %mul3A_257 : i32 to index
        %swap3A_825 = tpu.vector_load %arg9[%swap3A_823, %swap3A_824] {strides = array<i32>} : memref<4x8192xf32, #tpu.memory_space<vmem>>, vector<1x16xf32>,
        %swap3A_826 = vector.shape_cast %swap3A_825 : vector<1x16xf32> to vector<16xf32>
        %swap3A_827 = vector.shape_cast %gather3A_821 : vector<16xf32> to vector<1x16xf32>
        tpu.vector_store %arg9[%swap3A_823, %swap3A_824], %swap3A_827 {strides = array<i32>} : memref<4x8192xf32, #tpu.memory_space<vmem>>, vector<1x16xf32>,
        %reshape3A_828 = vector.shape_cast %get3A_353 : vector<16xi32> to vector<16x1xi32>
        %gather3A_829 = vector.shape_cast %reshape3A_828 : vector<16x1xi32> to vector<16xi32>
        %gather3A_830 = tpu.dynamic_gather %get3A_21[%gather3A_829] in [0] : vector<16xf32>, vector<16xi32> -> vector<16xf32>
        %swap3A_831 = arith.constant 3 : i32
        %swap3A_832 = arith.index_cast %swap3A_831 : i32 to index
        %swap3A_833 = arith.index_cast %mul3A_257 : i32 to index
        %swap3A_834 = tpu.vector_load %arg9[%swap3A_832, %swap3A_833] {strides = array<i32>} : memref<4x8192xf32, #tpu.memory_space<vmem>>, vector<1x16xf32>,
        %swap3A_835 = vector.shape_cast %swap3A_834 : vector<1x16xf32> to vector<16xf32>
        %swap3A_836 = vector.shape_cast %gather3A_830 : vector<16xf32> to vector<1x16xf32>
        tpu.vector_store %arg9[%swap3A_832, %swap3A_833], %swap3A_836 {strides = array<i32>} : memref<4x8192xf32, #tpu.memory_space<vmem>>, vector<1x16xf32>,
        %reshape3A_837 = vector.shape_cast %get3A_359 : vector<16xi32> to vector<16x1xi32>
        %gather3A_838 = vector.shape_cast %reshape3A_837 : vector<16x1xi32> to vector<16xi32>
        %gather3A_839 = tpu.dynamic_gather %get3A_6[%gather3A_838] in [0] : vector<16xf32>, vector<16xi32> -> vector<16xf32>
        %swap3A_840 = arith.constant 0 : i32
        %swap3A_841 = arith.index_cast %swap3A_840 : i32 to index
        %swap3A_842 = arith.index_cast %mul3A_263 : i32 to index
        %swap3A_843 = tpu.vector_load %arg9[%swap3A_841, %swap3A_842] {strides = array<i32>} : memref<4x8192xf32, #tpu.memory_space<vmem>>, vector<1x16xf32>,
        %swap3A_844 = vector.shape_cast %swap3A_843 : vector<1x16xf32> to vector<16xf32>
        %swap3A_845 = vector.shape_cast %gather3A_839 : vector<16xf32> to vector<1x16xf32>
        tpu.vector_store %arg9[%swap3A_841, %swap3A_842], %swap3A_845 {strides = array<i32>} : memref<4x8192xf32, #tpu.memory_space<vmem>>, vector<1x16xf32>,
        %reshape3A_846 = vector.shape_cast %get3A_359 : vector<16xi32> to vector<16x1xi32>
        %gather3A_847 = vector.shape_cast %reshape3A_846 : vector<16x1xi32> to vector<16xi32>
        %gather3A_848 = tpu.dynamic_gather %get3A_11[%gather3A_847] in [0] : vector<16xf32>, vector<16xi32> -> vector<16xf32>
        %swap3A_849 = arith.constant 1 : i32
        %swap3A_850 = arith.index_cast %swap3A_849 : i32 to index
        %swap3A_851 = arith.index_cast %mul3A_263 : i32 to index
        %swap3A_852 = tpu.vector_load %arg9[%swap3A_850, %swap3A_851] {strides = array<i32>} : memref<4x8192xf32, #tpu.memory_space<vmem>>, vector<1x16xf32>,
        %swap3A_853 = vector.shape_cast %swap3A_852 : vector<1x16xf32> to vector<16xf32>
        %swap3A_854 = vector.shape_cast %gather3A_848 : vector<16xf32> to vector<1x16xf32>
        tpu.vector_store %arg9[%swap3A_850, %swap3A_851], %swap3A_854 {strides = array<i32>} : memref<4x8192xf32, #tpu.memory_space<vmem>>, vector<1x16xf32>,
        %reshape3A_855 = vector.shape_cast %get3A_359 : vector<16xi32> to vector<16x1xi32>
        %gather3A_856 = vector.shape_cast %reshape3A_855 : vector<16x1xi32> to vector<16xi32>
        %gather3A_857 = tpu.dynamic_gather %get3A_16[%gather3A_856] in [0] : vector<16xf32>, vector<16xi32> -> vector<16xf32>
        %swap3A_858 = arith.constant 2 : i32
        %swap3A_859 = arith.index_cast %swap3A_858 : i32 to index
        %swap3A_860 = arith.index_cast %mul3A_263 : i32 to index
        %swap3A_861 = tpu.vector_load %arg9[%swap3A_859, %swap3A_860] {strides = array<i32>} : memref<4x8192xf32, #tpu.memory_space<vmem>>, vector<1x16xf32>,
        %swap3A_862 = vector.shape_cast %swap3A_861 : vector<1x16xf32> to vector<16xf32>
        %swap3A_863 = vector.shape_cast %gather3A_857 : vector<16xf32> to vector<1x16xf32>
        tpu.vector_store %arg9[%swap3A_859, %swap3A_860], %swap3A_863 {strides = array<i32>} : memref<4x8192xf32, #tpu.memory_space<vmem>>, vector<1x16xf32>,
        %reshape3A_864 = vector.shape_cast %get3A_359 : vector<16xi32> to vector<16x1xi32>
        %gather3A_865 = vector.shape_cast %reshape3A_864 : vector<16x1xi32> to vector<16xi32>
        %gather3A_866 = tpu.dynamic_gather %get3A_21[%gather3A_865] in [0] : vector<16xf32>, vector<16xi32> -> vector<16xf32>
        %swap3A_867 = arith.constant 3 : i32
        %swap3A_868 = arith.index_cast %swap3A_867 : i32 to index
        %swap3A_869 = arith.index_cast %mul3A_263 : i32 to index
        %swap3A_870 = tpu.vector_load %arg9[%swap3A_868, %swap3A_869] {strides = array<i32>} : memref<4x8192xf32, #tpu.memory_space<vmem>>, vector<1x16xf32>,
        %swap3A_871 = vector.shape_cast %swap3A_870 : vector<1x16xf32> to vector<16xf32>
        %swap3A_872 = vector.shape_cast %gather3A_866 : vector<16xf32> to vector<1x16xf32>
        tpu.vector_store %arg9[%swap3A_868, %swap3A_869], %swap3A_872 {strides = array<i32>} : memref<4x8192xf32, #tpu.memory_space<vmem>>, vector<1x16xf32>,
        %reshape3A_873 = vector.shape_cast %get3A_365 : vector<16xi32> to vector<16x1xi32>
        %gather3A_874 = vector.shape_cast %reshape3A_873 : vector<16x1xi32> to vector<16xi32>
        %gather3A_875 = tpu.dynamic_gather %get3A_6[%gather3A_874] in [0] : vector<16xf32>, vector<16xi32> -> vector<16xf32>
        %swap3A_876 = arith.constant 0 : i32
        %swap3A_877 = arith.index_cast %swap3A_876 : i32 to index
        %swap3A_878 = arith.index_cast %mul3A_269 : i32 to index
        %swap3A_879 = tpu.vector_load %arg9[%swap3A_877, %swap3A_878] {strides = array<i32>} : memref<4x8192xf32, #tpu.memory_space<vmem>>, vector<1x16xf32>,
        %swap3A_880 = vector.shape_cast %swap3A_879 : vector<1x16xf32> to vector<16xf32>
        %swap3A_881 = vector.shape_cast %gather3A_875 : vector<16xf32> to vector<1x16xf32>
        tpu.vector_store %arg9[%swap3A_877, %swap3A_878], %swap3A_881 {strides = array<i32>} : memref<4x8192xf32, #tpu.memory_space<vmem>>, vector<1x16xf32>,
        %reshape3A_882 = vector.shape_cast %get3A_365 : vector<16xi32> to vector<16x1xi32>
        %gather3A_883 = vector.shape_cast %reshape3A_882 : vector<16x1xi32> to vector<16xi32>
        %gather3A_884 = tpu.dynamic_gather %get3A_11[%gather3A_883] in [0] : vector<16xf32>, vector<16xi32> -> vector<16xf32>
        %swap3A_885 = arith.constant 1 : i32
        %swap3A_886 = arith.index_cast %swap3A_885 : i32 to index
        %swap3A_887 = arith.index_cast %mul3A_269 : i32 to index
        %swap3A_888 = tpu.vector_load %arg9[%swap3A_886, %swap3A_887] {strides = array<i32>} : memref<4x8192xf32, #tpu.memory_space<vmem>>, vector<1x16xf32>,
        %swap3A_889 = vector.shape_cast %swap3A_888 : vector<1x16xf32> to vector<16xf32>
        %swap3A_890 = vector.shape_cast %gather3A_884 : vector<16xf32> to vector<1x16xf32>
        tpu.vector_store %arg9[%swap3A_886, %swap3A_887], %swap3A_890 {strides = array<i32>} : memref<4x8192xf32, #tpu.memory_space<vmem>>, vector<1x16xf32>,
        %reshape3A_891 = vector.shape_cast %get3A_365 : vector<16xi32> to vector<16x1xi32>
        %gather3A_892 = vector.shape_cast %reshape3A_891 : vector<16x1xi32> to vector<16xi32>
        %gather3A_893 = tpu.dynamic_gather %get3A_16[%gather3A_892] in [0] : vector<16xf32>, vector<16xi32> -> vector<16xf32>
        %swap3A_894 = arith.constant 2 : i32
        %swap3A_895 = arith.index_cast %swap3A_894 : i32 to index
        %swap3A_896 = arith.index_cast %mul3A_269 : i32 to index
        %swap3A_897 = tpu.vector_load %arg9[%swap3A_895, %swap3A_896] {strides = array<i32>} : memref<4x8192xf32, #tpu.memory_space<vmem>>, vector<1x16xf32>,
        %swap3A_898 = vector.shape_cast %swap3A_897 : vector<1x16xf32> to vector<16xf32>
        %swap3A_899 = vector.shape_cast %gather3A_893 : vector<16xf32> to vector<1x16xf32>
        tpu.vector_store %arg9[%swap3A_895, %swap3A_896], %swap3A_899 {strides = array<i32>} : memref<4x8192xf32, #tpu.memory_space<vmem>>, vector<1x16xf32>,
        %reshape3A_900 = vector.shape_cast %get3A_365 : vector<16xi32> to vector<16x1xi32>
        %gather3A_901 = vector.shape_cast %reshape3A_900 : vector<16x1xi32> to vector<16xi32>
        %gather3A_902 = tpu.dynamic_gather %get3A_21[%gather3A_901] in [0] : vector<16xf32>, vector<16xi32> -> vector<16xf32>
        %swap3A_903 = arith.constant 3 : i32
        %swap3A_904 = arith.index_cast %swap3A_903 : i32 to index
        %swap3A_905 = arith.index_cast %mul3A_269 : i32 to index
        %swap3A_906 = tpu.vector_load %arg9[%swap3A_904, %swap3A_905] {strides = array<i32>} : memref<4x8192xf32, #tpu.memory_space<vmem>>, vector<1x16xf32>,
        %swap3A_907 = vector.shape_cast %swap3A_906 : vector<1x16xf32> to vector<16xf32>
        %swap3A_908 = vector.shape_cast %gather3A_902 : vector<16xf32> to vector<1x16xf32>
        tpu.vector_store %arg9[%swap3A_904, %swap3A_905], %swap3A_908 {strides = array<i32>} : memref<4x8192xf32, #tpu.memory_space<vmem>>, vector<1x16xf32>,
        %reshape3A_909 = vector.shape_cast %get3A_371 : vector<16xi32> to vector<16x1xi32>
        %gather3A_910 = vector.shape_cast %reshape3A_909 : vector<16x1xi32> to vector<16xi32>
        %gather3A_911 = tpu.dynamic_gather %get3A_6[%gather3A_910] in [0] : vector<16xf32>, vector<16xi32> -> vector<16xf32>
        %swap3A_912 = arith.constant 0 : i32
        %swap3A_913 = arith.index_cast %swap3A_912 : i32 to index
        %swap3A_914 = arith.index_cast %mul3A_275 : i32 to index
        %swap3A_915 = tpu.vector_load %arg9[%swap3A_913, %swap3A_914] {strides = array<i32>} : memref<4x8192xf32, #tpu.memory_space<vmem>>, vector<1x16xf32>,
        %swap3A_916 = vector.shape_cast %swap3A_915 : vector<1x16xf32> to vector<16xf32>
        %swap3A_917 = vector.shape_cast %gather3A_911 : vector<16xf32> to vector<1x16xf32>
        tpu.vector_store %arg9[%swap3A_913, %swap3A_914], %swap3A_917 {strides = array<i32>} : memref<4x8192xf32, #tpu.memory_space<vmem>>, vector<1x16xf32>,
        %reshape3A_918 = vector.shape_cast %get3A_371 : vector<16xi32> to vector<16x1xi32>
        %gather3A_919 = vector.shape_cast %reshape3A_918 : vector<16x1xi32> to vector<16xi32>
        %gather3A_920 = tpu.dynamic_gather %get3A_11[%gather3A_919] in [0] : vector<16xf32>, vector<16xi32> -> vector<16xf32>
        %swap3A_921 = arith.constant 1 : i32
        %swap3A_922 = arith.index_cast %swap3A_921 : i32 to index
        %swap3A_923 = arith.index_cast %mul3A_275 : i32 to index
        %swap3A_924 = tpu.vector_load %arg9[%swap3A_922, %swap3A_923] {strides = array<i32>} : memref<4x8192xf32, #tpu.memory_space<vmem>>, vector<1x16xf32>,
        %swap3A_925 = vector.shape_cast %swap3A_924 : vector<1x16xf32> to vector<16xf32>
        %swap3A_926 = vector.shape_cast %gather3A_920 : vector<16xf32> to vector<1x16xf32>
        tpu.vector_store %arg9[%swap3A_922, %swap3A_923], %swap3A_926 {strides = array<i32>} : memref<4x8192xf32, #tpu.memory_space<vmem>>, vector<1x16xf32>,
        %reshape3A_927 = vector.shape_cast %get3A_371 : vector<16xi32> to vector<16x1xi32>
        %gather3A_928 = vector.shape_cast %reshape3A_927 : vector<16x1xi32> to vector<16xi32>
        %gather3A_929 = tpu.dynamic_gather %get3A_16[%gather3A_928] in [0] : vector<16xf32>, vector<16xi32> -> vector<16xf32>
        %swap3A_930 = arith.constant 2 : i32
        %swap3A_931 = arith.index_cast %swap3A_930 : i32 to index
        %swap3A_932 = arith.index_cast %mul3A_275 : i32 to index
        %swap3A_933 = tpu.vector_load %arg9[%swap3A_931, %swap3A_932] {strides = array<i32>} : memref<4x8192xf32, #tpu.memory_space<vmem>>, vector<1x16xf32>,
        %swap3A_934 = vector.shape_cast %swap3A_933 : vector<1x16xf32> to vector<16xf32>
        %swap3A_935 = vector.shape_cast %gather3A_929 : vector<16xf32> to vector<1x16xf32>
        tpu.vector_store %arg9[%swap3A_931, %swap3A_932], %swap3A_935 {strides = array<i32>} : memref<4x8192xf32, #tpu.memory_space<vmem>>, vector<1x16xf32>,
        %reshape3A_936 = vector.shape_cast %get3A_371 : vector<16xi32> to vector<16x1xi32>
        %gather3A_937 = vector.shape_cast %reshape3A_936 : vector<16x1xi32> to vector<16xi32>
        %gather3A_938 = tpu.dynamic_gather %get3A_21[%gather3A_937] in [0] : vector<16xf32>, vector<16xi32> -> vector<16xf32>
        %swap3A_939 = arith.constant 3 : i32
        %swap3A_940 = arith.index_cast %swap3A_939 : i32 to index
        %swap3A_941 = arith.index_cast %mul3A_275 : i32 to index
        %swap3A_942 = tpu.vector_load %arg9[%swap3A_940, %swap3A_941] {strides = array<i32>} : memref<4x8192xf32, #tpu.memory_space<vmem>>, vector<1x16xf32>,
        %swap3A_943 = vector.shape_cast %swap3A_942 : vector<1x16xf32> to vector<16xf32>
        %swap3A_944 = vector.shape_cast %gather3A_938 : vector<16xf32> to vector<1x16xf32>
        tpu.vector_store %arg9[%swap3A_940, %swap3A_941], %swap3A_944 {strides = array<i32>} : memref<4x8192xf32, #tpu.memory_space<vmem>>, vector<1x16xf32>,
      }
      %scan3A_170 = arith.constant 32 : i32
      %dma_start3A_171 = arith.constant 0 : i32
      %dma_start3A_172 = arith.constant 0 : i32
      %dma_start3A_173 = tpu.memref_slice %arg4[%add3A_158, %dma_start3A_171, %dma_start3A_172] : memref<1024x4x8192xf32, #tpu.memory_space<hbm>> -> memref<1x4x8192xf32, #tpu.memory_space<hbm>>
      %dma_start3A_174 = tpu.memref_squeeze %dma_start3A_173 : memref<1x4x8192xf32, #tpu.memory_space<hbm>> -> memref<4x8192xf32, #tpu.memory_space<hbm>>
      %dma_start3A_175 = arith.constant 0 : i32
      %dma_start3A_176 = arith.constant 0 : i32
      %dma_start3A_177 = tpu.memref_slice %arg4[%add3A_158, %dma_start3A_175, %dma_start3A_176] : memref<1024x4x8192xf32, #tpu.memory_space<hbm>> -> memref<1x4x8192xf32, #tpu.memory_space<hbm>>
      %dma_start3A_178 = tpu.memref_squeeze %dma_start3A_177 : memref<1x4x8192xf32, #tpu.memory_space<hbm>> -> memref<4x8192xf32, #tpu.memory_space<hbm>>
      tpu.enqueue_dma source(%arg9 : memref<4x8192xf32, #tpu.memory_space<vmem>>) target(%dma_start3A_178 : memref<4x8192xf32, #tpu.memory_space<hbm>>) target_semaphore(%arg11 : memref<!tpu.dma_semaphore, #tpu.memory_space<semaphore_mem>>)
    }
    %scan3A_29 = arith.constant 8 : i32
    %add3A_30 = arith.constant 32 : i32
    %add3A_31 = arith.addi %mul3A_2, %add3A_30 : i32
    %sub3A = arith.constant 2 : i32
    %sub3A_32 = arith.subi %add3A_31, %sub3A : i32
    %dma_wait3A = arith.constant 0 : i32
    %dma_wait3A_33 = arith.constant 0 : i32
    %dma_wait3A_34 = tpu.memref_slice %arg4[%sub3A_32, %dma_wait3A, %dma_wait3A_33] : memref<1024x4x8192xf32, #tpu.memory_space<hbm>> -> memref<1x4x8192xf32, #tpu.memory_space<hbm>>
    %dma_wait3A_35 = tpu.memref_squeeze %dma_wait3A_34 : memref<1x4x8192xf32, #tpu.memory_space<hbm>> -> memref<4x8192xf32, #tpu.memory_space<hbm>>
    %dma_wait3A_36 = arith.constant 0 : i32
    %dma_wait3A_37 = arith.constant 0 : i32
    %dma_wait3A_38 = tpu.memref_slice %arg4[%sub3A_32, %dma_wait3A_36, %dma_wait3A_37] : memref<1024x4x8192xf32, #tpu.memory_space<hbm>> -> memref<1x4x8192xf32, #tpu.memory_space<hbm>>
    %dma_wait3A_39 = tpu.memref_squeeze %dma_wait3A_38 : memref<1x4x8192xf32, #tpu.memory_space<hbm>> -> memref<4x8192xf32, #tpu.memory_space<hbm>>
    tpu.wait_dma2 semaphore(%arg11 : memref<!tpu.dma_semaphore, #tpu.memory_space<semaphore_mem>>) src(%arg8 : memref<4x8192xf32, #tpu.memory_space<vmem>>) dst(%dma_wait3A_39 : memref<4x8192xf32, #tpu.memory_space<hbm>>)
    %sub3A_40 = arith.constant 1 : i32
    %sub3A_41 = arith.subi %add3A_31, %sub3A_40 : i32
    %dma_wait3A_42 = arith.constant 0 : i32
    %dma_wait3A_43 = arith.constant 0 : i32
    %dma_wait3A_44 = tpu.memref_slice %arg4[%sub3A_41, %dma_wait3A_42, %dma_wait3A_43] : memref<1024x4x8192xf32, #tpu.memory_space<hbm>> -> memref<1x4x8192xf32, #tpu.memory_space<hbm>>
    %dma_wait3A_45 = tpu.memref_squeeze %dma_wait3A_44 : memref<1x4x8192xf32, #tpu.memory_space<hbm>> -> memref<4x8192xf32, #tpu.memory_space<hbm>>
    %dma_wait3A_46 = arith.constant 0 : i32
    %dma_wait3A_47 = arith.constant 0 : i32
    %dma_wait3A_48 = tpu.memref_slice %arg4[%sub3A_41, %dma_wait3A_46, %dma_wait3A_47] : memref<1024x4x8192xf32, #tpu.memory_space<hbm>> -> memref<1x4x8192xf32, #tpu.memory_space<hbm>>
    %dma_wait3A_49 = tpu.memref_squeeze %dma_wait3A_48 : memref<1x4x8192xf32, #tpu.memory_space<hbm>> -> memref<4x8192xf32, #tpu.memory_space<hbm>>
    tpu.wait_dma2 semaphore(%arg11 : memref<!tpu.dma_semaphore, #tpu.memory_space<semaphore_mem>>) src(%arg9 : memref<4x8192xf32, #tpu.memory_space<vmem>>) dst(%dma_wait3A_49 : memref<4x8192xf32, #tpu.memory_space<hbm>>)
    return
  }
}

</mosaic_0001>

<sc_bundles>
// kernel: kernel.3.cloned.1.call-start
scs
__scs_entry_jumppad:
0x0: {  	(pc) =	sbr.rel $0x88, $3  }
0x1: {  	(tag) =	ssettag $0x0;
	lr =	simm.s32 $0x1  }
0x2: {  	[smem:$0x3F9F] =	sst lr;
	_ =	strace $0xD0000000  }
0x3: {  	_ = 	snop  }
0x4: {  	_ = 	snop  }
0x5: {  	_ = 	snop  }
0x6: {  	_ = 	snop  }
0x7: {  	_ = 	snop  }
__scs_overlays_trampoline_lowered:
0x8: {  	[smem:$0x3FAE] =	sst s0  }
0x9: {  	[smem:$0x3FAF] =	sst s1  }
0xa: {  	[smem:$0x3FB0] =	sst s2  }
0xb: {  	[smem:$0x3FB1] =	sst s3  }
0xc: {  	[smem:$0x3FB2] =	sst s4  }
0xd: {  	[smem:$0x3FB3] =	sst s5  }
0xe: {  	[smem:$0x3FB4] =	sst s6  }
0xf: {  	[smem:$0x3FB5] =	sst s7  }
0x10: {  	[smem:$0x3FB6] =	sst s8  }
0x11: {  	[smem:$0x3FB7] =	sst s9;
	s0 =	simm.s32 @!p0 $0x0  }
0x12: {  	s1 =	sld [smem:$0x3F9D];
	s0 =	simm.s32 @p0 $0x1  }
0x13: {  	[smem:$0x3FB8] =	sst s0;
	s0 =	simm.s32 @!p1 $0x0  }
0x14: {  	s2 =	sld [smem:$0x3F9C];
	s0 =	simm.s32 @p1 $0x1  }
0x15: {  	[smem:$0x3FB9] =	sst s0;
	s0 =	simm.s32 @!p2 $0x0  }
0x16: {  	s3 =	sld [smem:$0x3FDB];
	s0 =	simm.s32 @p2 $0x1  }
0x17: {  	s4 =	simm.s32 $0x1BF5;
	[smem:$0x3FBB] =	sst s0  }
0x18: {  	s0 =	sld [smem:$0x3F9E];
	_ =	swait.ge [sflag:s4], $0x0  }
0x19: {  	s7 =	sld [smem:$0x3F9F]  }
0x1a: {  	s8 =	sadd.s32 $0xFFFFE003, lr  }
0x1b: {  	s9 =	sadd.s32 $0xFFFFFEF7, lr;
	s5 =	simm.s32 $0xFFFFFFFF;
	p2 =	slt.u32 s8, $0xFFFFF086  }
0x1c: {  	p1 =	slt.u32 s9, $0xF7A;
	s5 =	simm.s32 @!p2 $0x0  }
0x1d: {  	s5 =	simm.s32 @p1 $0x1;
	p0 =	seq.s32 s7, s2  }
0x1e: {  	s7 =	smul.u32 @!p0 $0xF7A, s2;
	p2 =	seq.s32 @!p0 s5, $0x0  }
0x1f: {  	s9 =	smul.u32 $0xF7A, s1;
	s8 =	simm.s32 @!p0 $0x1BF5;
	p2 =	por !p2, p0  }
0x20: {  	[sflag:s8] =	ssyncset.s32 @!p0 $0xFFFFF086;
	s6 =	sadd.s32 @!p0 s3, s7;
	s7 =	simm.s32 @!p0 $0x108  }
0x21: {  	s3 =	sadd.s32 s3, s9;
	s6 =	sadd.s32 @!p0 $0x88, s6;
	s7 =	simm.s32 @p2 $0x1082  }
0x22: {  	[simem:s7], [sflag:s8] =	dma.local @!p0 [hbm:s6], $0xF7A  }
0x23: {  	s9 =	sor.u32 $0xD0000000, s2;
	s6 =	simm.s32 $0x108;
	_ =	swait.ge @!p0 [sflag:s8], $0x0  }
0x24: {  	s3 =	sadd.s32 $0x88, s3;
	s6 =	simm.s32 @!p1 $0x1082;
	[sflag:s4] =	ssyncset.s32 $0xFFFFF086  }
0x25: {  	[simem:s6], [sflag:s4] =	dma.local [hbm:s3], $0xF7A  }
0x26: {  	[smem:$0x3F9F] =	sst s1;
	(tag) =	ssettag s2;
	_ =	strace s9  }
0x27: {  	s1 =	sld [smem:$0x3FAF]  }
0x28: {  	s2 =	sld [smem:$0x3FB0]  }
0x29: {  	s4 =	sld [smem:$0x3FB2]  }
0x2a: {  	p0 =	seq.s32 s5, $0x0;
	s5 =	sld [smem:$0x3FB3]  }
0x2b: {  	s6 =	sld [smem:$0x3FB4]  }
0x2c: {  	s7 =	sld [smem:$0x3FB5]  }
0x2d: {  	s3 =	simm.s32 $0x108;
	s8 =	sld [smem:$0x3FB6]  }
0x2e: {  	s3 =	simm.s32 @!p0 $0x1082;
	s9 =	sld [smem:$0x3FB7]  }
0x2f: {  	lr =	sadd.s32 s0, s3;
	s0 =	sld [smem:$0x3FAE]  }
0x30: {  	s3 =	sld [smem:$0x3FB1]  }
0x31: {  	[smem:$0x3FBA] =	sst s10  }
0x32: {  	s10 =	sld [smem:$0x3FB8];
	_ =	sdelay $0x3  }
0x33: {  	p0 =	seq.s32 s10, $0x1;
	s10 =	sld [smem:$0x3FBA];
	_ =	sdelay $0x3  }
0x34: {  	[smem:$0x3FBA] =	sst s10  }
0x35: {  	s10 =	sld [smem:$0x3FB9];
	_ =	sdelay $0x3  }
0x36: {  	p1 =	seq.s32 s10, $0x1;
	s10 =	sld [smem:$0x3FBA];
	_ =	sdelay $0x3  }
0x37: {  	[smem:$0x3FBA] =	sst s10  }
0x38: {  	s10 =	sld [smem:$0x3FBB]  }
0x39: {  	_ = 	snop;
	(pc) =	sbr.ind lr, $3  }
0x3a: {  	_ = 	snop  }
0x3b: {  	_ = 	snop  }
0x3c: {  	p2 =	seq.s32 s10, $0x1;
	s10 =	sld [smem:$0x3FBA]  }
0x3d: {  	_ =	shalt  }
0x3e: {  	_ =	shalt  }
0x3f: {  	_ =	shalt  }
0x40: {  	_ =	shalt  }
0x41: {  	_ =	shalt  }
0x42: {  	_ =	shalt  }
0x43: {  	_ =	shalt  }
0x44: {  	_ =	shalt  }
0x45: {  	_ =	shalt  }
0x46: {  	_ =	shalt  }
0x47: {  	_ =	shalt  }
0x48: {  	_ =	shalt  }
0x49: {  	_ =	shalt  }
0x4a: {  	_ =	shalt  }
0x4b: {  	_ =	shalt  }
0x4c: {  	_ =	shalt  }
0x4d: {  	_ =	shalt  }
0x4e: {  	_ =	shalt  }
0x4f: {  	_ =	shalt  }
0x50: {  	_ =	shalt  }
0x51: {  	_ =	shalt  }
0x52: {  	_ =	shalt  }
0x53: {  	_ =	shalt  }
0x54: {  	_ =	shalt  }
0x55: {  	_ =	shalt  }
0x56: {  	_ =	shalt  }
0x57: {  	_ =	shalt  }
0x58: {  	_ =	shalt  }
0x59: {  	_ =	shalt  }
0x5a: {  	_ =	shalt  }
0x5b: {  	_ =	shalt  }
0x5c: {  	_ =	shalt  }
0x5d: {  	_ =	shalt  }
0x5e: {  	_ =	shalt  }
0x5f: {  	_ =	shalt  }
0x60: {  	_ =	shalt  }
0x61: {  	_ =	shalt  }
0x62: {  	_ =	shalt  }
0x63: {  	_ =	shalt  }
0x64: {  	_ =	shalt  }
0x65: {  	_ =	shalt  }
0x66: {  	_ =	shalt  }
0x67: {  	_ =	shalt  }
0x68: {  	_ =	shalt  }
0x69: {  	_ =	shalt  }
0x6a: {  	_ =	shalt  }
0x6b: {  	_ =	shalt  }
0x6c: {  	_ =	shalt  }
0x6d: {  	_ =	shalt  }
0x6e: {  	_ =	shalt  }
0x6f: {  	_ =	shalt  }
0x70: {  	_ =	shalt  }
0x71: {  	_ =	shalt  }
0x72: {  	_ =	shalt  }
0x73: {  	_ =	shalt  }
0x74: {  	_ =	shalt  }
0x75: {  	_ =	shalt  }
0x76: {  	_ =	shalt  }
0x77: {  	_ =	shalt  }
0x78: {  	_ =	shalt  }
0x79: {  	_ =	shalt  }
0x7a: {  	_ =	shalt  }
0x7b: {  	_ =	shalt  }
0x7c: {  	_ =	shalt  }
0x7d: {  	_ =	shalt  }
0x7e: {  	_ =	shalt  }
0x7f: {  	_ =	shalt  }
0x80: {  	_ =	shalt  }
0x81: {  	_ =	shalt  }
0x82: {  	_ =	shalt  }
0x83: {  	_ =	shalt  }
0x84: {  	_ =	shalt  }
0x85: {  	_ =	shalt  }
0x86: {  	_ =	shalt  }
0x87: {  	_ =	shalt  }
.Lfunc_end0:
.L_simem_size_0:
called_computation_lowered:
.L_overlay_start_0:
0x88: {  	s2 =	sld [smem:$0x3FD9]  }
0x89: {  	s3 =	sld [smem:$0x3FFE];
	_ =	sdelay $0x1  }
0x8a: {  	s1 =	srdreg.scid  }
0x8b: {  	s0 =	sand.u32 $0x1, s1  }
0x8c: {  	s18 =	sshll.u32 s0, $0xA;
	s2 =	sadd.s32 s3, s2  }
0x8d: {  	s2 =	sadd.s32 s2, s18  }
0x8e: {  	[smem:$0x3FC6] =	sst s2  }
0x8f: {  	_ = 	snop  }
0x90: {  	s2 =	sld [smem:$0x3FC9]  }
0x91: {  	s19 =	sld [smem:$0x3FC8]  }
0x92: {  	s4 =	sld [smem:$0x3FD0];
	(tm) =	ssettm $0x1  }
0x93: {  	s5 =	sld [smem:$0x3FFB];
	_ =	sdelay $0x3  }
0x94: {  	_ =	strace s5  }
0x95: {  	s5 =	sld [smem:$0x3FFC];
	_ =	sdelay $0x3  }
0x96: {  	_ =	strace s5  }
0x97: {  	s5 =	sld [smem:$0x3FFD];
	_ =	sdelay $0x3  }
0x98: {  	_ =	strace s5  }
0x99: {  	_ =	strace $0x8FFFFFFF  }
0x9a: {  	s20 =	sld [smem:$0x3FDB];
	_ =	sdelay $0x1  }
0x9b: {  	s6 =	simm.s32 $_scs_section_size  }
0x9c: {  	s7 =	simm.s32 $_size__tile_overlayer_lowered;
	s8 =	simm.s32 $_tile_overlayer_lowered  }
0x9d: {  	s23 =	simm.s32 $0x1BFF;
	s22 =	sshll.u32 s8, $0x1;
	s5 =	sadd.s32 s6, s20  }
0x9e: {  	s9 =	simm.s32 $0x0;
	s21 =	sshll.u32 s7, $0x1;
	s7 =	sadd.s32 s22, s5  }
0x9f: {  	[timem:s9], [sflag:s23] =	dma.local [hbm:s7], s21  }
0xa0: {  	_ =	swait.ge [sflag:s23], s21  }
0xa1: {  	s6 =	ssub.s32 $0x0, s21;
	[sflag:s23] =	ssyncset.done $0x0  }
0xa2: {  	[sflag:s23] =	ssyncadd.s32 s6;
	_ =	sdelay $0x1  }
0xa3: {  	s24 =	simm.s32 $0x1B8B  }
0xa4: {  	_ =	swait.ge [sflag:s24], $0x1  }
0xa5: {  	[sflag:s24] =	ssyncset.done $0x0  }
0xa6: {  	s25 =	simm.s32 $0x1B8E;
	[sflag:s24] =	ssyncadd.s32 $0xFFFFFFFF  }
0xa7: {  	s26 =	simm.s32 $execute0_lowered;
	[smem:$0x3FD2] =	sst s25  }
0xa8: {  	s6 =	sshll.u32 s26, $0x1;
	_ =	strace $0x80000046;
	[dreg:$0x1] =	wrdreg $0xFFFFFFFF  }
0xa9: {  	s28 =	simm.s32 $_size_execute0_lowered;
	s5 =	sadd.s32 s5, s6;
	[dreg:$0x0] =	wrdreg $0x0  }
0xaa: {  	s6 =	sshll.u32 s28, $0x1;
	[dreg:$0x2] =	wrdreg s5  }
0xab: {  	[dreg:$0x3] =	wrdreg s6  }
0xac: {  	[dreg:$0x4] =	wrdreg $0xC0  }
0xad: {  	_ =	task [dreg:s9], $0x5FFFF  }
0xae: {  	[dreg:$0x1] =	wrdreg $0xFFFFFFFF  }
0xaf: {  	[dreg:$0x0] =	wrdreg $0x60  }
0xb0: {  	[dreg:$0x2] =	wrdreg s2  }
0xb1: {  	[dreg:$0x3] =	wrdreg s19  }
0xb2: {  	[dreg:$0x4] =	wrdreg s4  }
0xb3: {  	[dreg:$0x5] =	wrdreg $0x9  }
0xb4: {  	_ =	task.clear_ibuf [dreg:s9], $0x6FFFF;
	_ =	strace $0x90000046  }
0xb5: {  	s29 =	simm.s32 $0x9;
	_ =	strace $0x80000048  }
0xb6: {  	_ =	swait.ge [sflag:s29], $0x1  }
0xb7: {  	[sflag:s29] =	ssyncadd.s32 $0xFFFFFFFF  }
0xb8: {  	_ =	strace $0x90000048  }
0xb9: {  	_ =	sfence  }
0xba: {  	s30 =	sld [smem:$0x0];
	_ =	sdelay $0x2  }
0xbb: {  	s31 =	sshll.u32 s1, $0xD;
	s1 =	sshrl.u32 s1, $0x2  }
0xbc: {  	s3 =	sand.u32 $0x4000, s31;
	s1 =	sadd.s32 s1, s30  }
0xbd: {  	s0 =	sor.u32 s3, s0;
	s1 =	sshll.u32 s1, $0x11  }
0xbe: {  	s0 =	sor.u32 s1, s0  }
0xbf: {  	s0 =	sadd.s32 $0x8F2B, s0  }
0xc0: {  	[sflag:s0] =	ssyncadd.remote.s32 $0x1  }
0xc1: {  	_ =	sfence.sel $0xFFFF  }
0xc2: {  	[dreg:$0x0] =	wrdreg $0xFFFFFFFF;
	(pc) =	sbr.abs _section_cstart, $3  }
0xc3: {  	[dreg:$0x1] =	wrdreg $0xFFFFFFFF  }
0xc4: {  	_ =	task.clear_ibuf [dreg:s9], $0x2FFFF;
	_ =	strace $0x9FFFFFFF  }
0xc5: {  	(tm) =	ssettm $0x7FFFFFFF  }
tec
execute0_lowered:
.L_overlay_start_1:
0x0: {  	(tag) =	ssettag $0x1  }
0x1: {  	s1 =	rddreg [dreg:$0x0]  }
0x2: {  	s2 =	rddreg [dreg:$0x1]  }
0x3: {  	s4 =	rddreg [dreg:$0x2]  }
0x4: {  	s0 =	rddreg [dreg:$0x3];
	s6 =	srdreg.scid  }
0x5: {  	s5 =	simm.s32 $0x0;
	s3 =	stileid.u32;
	s10 =	simm.s32 $0x100  }
0x6: {  	s11 =	simm.s32 $0x400;
	s12 =	simm.s32 $0x200;
	s13 =	simm.s32 $0x1  }
0x7: {  	s14 =	simm.s32 $0x4200;
	s15 =	simm.s32 $0x8200;
	s16 =	simm.s32 $0x10200  }
0x8: {  	s17 =	simm.s32 $0x2;
	s18 =	simm.s32 $0x0;
	s6 =	sand.u32 $0x1, s6  }
0x9: {  	s8 =	sshll.u32 s3, $0x6;
	s7 =	ssub.s32 $0x2, s6;
	s6 =	sshll.u32 s6, $0x5  }
0xa: {  	[smem:$0x7FF] =	sst s5;
	s9 =	sshrl.u32 s7, $0x1;
	s6 =	sor.u32 s6, s8  }
0xb: {  	_ =	strace $0x80000047;
	s30 =	ssub.s32 s7, s9;
	s31 =	sshll.u32 s6, $0xA  }
0xc: {  	s9 =	simm.s32 $0x3;
	s7 =	sadd.s32 s1, s31;
	s8 =	smax.u32 s30, $0x1  }
.LBB2_1:
0xd: {  	[tilespmem:s5], [sflag:$0x3] =	stream.linear.gather [hbm4b:s2+s5], $0x200, $0x38;
	[tilespmem:$0x18200] =	vst v63  }
0xe: {  	_ =	swait.ge [sflag:s9], $0x200  }
0xf: {  	[sflag:s9] =	ssyncset.done $0x0  }
0x10: {  	[sflag:s9] =	ssyncadd.s32 $0xFFFFFE00  }
0x11: {  	v0 =	vld [tilespmem:$0x0]  }
0x12: {  	v1 =	vld [tilespmem:$0x80]  }
0x13: {  	s19 =	simm.s32 $0x0;
	v2 =	vld [tilespmem:$0x100]  }
0x14: {  	v3 =	vld [tilespmem:$0x180];
	[tilespmem:s12], [sflag:$0x1] =	stream.strided.gather [hbm4b:s7+s10], $0x4000, s11, s10, $0x38  }
.LBB2_2:
0x15: {  	s21 =	sshll.u32 s19, $0x2  }
0x16: {  	s20 =	sshll.u32 s19, $0x6;
	s22 =	sor.u32 s6, s21  }
0x17: {  	s20 =	sand.u32 $0x40, s20;
	s23 =	sshll.u32 s22, $0xA  }
0x18: {  	_ =	swait.ge [sflag:s13], $0x4000;
	s20 =	sadd.s32 s20, s1;
	s23 =	sand.u32 $0xFE000, s23  }
0x19: {  	p0 =	seq.s32 s19, $0x0;
	[sflag:s13] =	ssyncset.done $0x0;
	s20 =	sadd.s32 s23, s20  }
0x1a: {  	[sflag:s13] =	ssyncadd.s32 $0xFFFFC000;
	s23 =	simm.s32 @!p0 $0x2;
	s20 =	sadd.s32 $0x20, s20  }
0x1b: {  	[tilespmem:s14], [sflag:$0x1] =	stream.strided.gather [hbm4b:s20+s10], $0x4000, s11, s10, $0x38;
	[tilespmem:$0x18200] =	vst v63  }
0x1c: {  	_ =	swait.ge @!p0 [sflag:s23], $0x8000  }
0x1d: {  	s24 =	simm.s32 $0x8400;
	[sflag:s23] =	ssyncset.done @!p0 $0x0  }
0x1e: {  	s20 =	sshll.u32 s19, $0x1;
	[sflag:s23] =	ssyncadd.s32 @!p0 $0xFFFF8000;
	s23 =	simm.s32 $0x0  }
.LBB2_3:
0x1f: {  	s25 =	sshra.s32 s23, $0x2  }
0x20: {  	v4 =	vld [tilespmem:s25+$0x200]  }
0x21: {  	v5 =	vld [tilespmem:s25+$0x210]  }
0x22: {  	v6 =	vld [tilespmem:s25+$0x220]  }
0x23: {  	v7 =	vld [tilespmem:s25+$0x230]  }
0x24: {  	v8 =	vld [tilespmem:s25+$0x240]  }
0x25: {  	v9 =	vld [tilespmem:s25+$0x250]  }
0x26: {  	v10 =	vld [tilespmem:s25+$0x260]  }
0x27: {  	v11 =	vld [tilespmem:s25+$0x270]  }
0x28: {  	v12 =	vld [tilespmem:s25+$0x300]  }
0x29: {  	v13 =	vld [tilespmem:s25+$0x310]  }
0x2a: {  	v14 =	vld [tilespmem:s25+$0x320]  }
0x2b: {  	v15 =	vld [tilespmem:s25+$0x330]  }
0x2c: {  	v16 =	vld [tilespmem:s25+$0x340];
	v18 =	vand.u32 $0xF, v4  }
0x2d: {  	v17 =	vld [tilespmem:s25+$0x350];
	v20 =	vperm.xlane v0, v18  }
0x2e: {  	v19 =	vld [tilespmem:s25+$0x360];
	v21 =	vperm.xlane v1, v18  }
0x2f: {  	v4 =	vld [tilespmem:s25+$0x370];
	v61 =	vperm.xlane v2, v18;
	[tilespmem:s24+$0xFFFFFE00] =	vst v20  }
0x30: {  	v5 =	vand.u32 $0xF, v5;
	v18 =	vperm.xlane v3, v18;
	[tilespmem:s24+$0xFFFFFE80] =	vst v21  }
0x31: {  	v62 =	vperm.xlane v0, v5;
	[tilespmem:s24+$0xFFFFFF00] =	vst v61  }
0x32: {  	v63 =	vperm.xlane v1, v5;
	[tilespmem:s24+$0xFFFFFF80] =	vst v18  }
0x33: {  	v24 =	vperm.xlane v2, v5;
	[tilespmem:s24+$0xFFFFFE10] =	vst v62  }
0x34: {  	v6 =	vand.u32 $0xF, v6;
	v5 =	vperm.xlane v3, v5;
	[tilespmem:s24+$0xFFFFFE90] =	vst v63  }
0x35: {  	v25 =	vperm.xlane v0, v6;
	[tilespmem:s24+$0xFFFFFF10] =	vst v24  }
0x36: {  	v26 =	vperm.xlane v2, v6;
	[tilespmem:s24+$0xFFFFFF90] =	vst v5  }
0x37: {  	v27 =	vand.u32 $0xF, v7;
	v5 =	vperm.xlane v1, v6;
	[tilespmem:s24+$0xFFFFFE20] =	vst v25  }
0x38: {  	v7 =	vperm.xlane v0, v27;
	[tilespmem:s24+$0xFFFFFF20] =	vst v26  }
0x39: {  	[tilespmem:s24+$0xFFFFFEA0] =	vst v5;
	v5 =	vperm.xlane v3, v6  }
0x3a: {  	v28 =	vperm.xlane v2, v27;
	[tilespmem:s24+$0xFFFFFE30] =	vst v7  }
0x3b: {  	v29 =	vand.u32 $0xF, v8;
	[tilespmem:s24+$0xFFFFFFA0] =	vst v5;
	v5 =	vperm.xlane v1, v27  }
0x3c: {  	v30 =	vperm.xlane v0, v29;
	[tilespmem:s24+$0xFFFFFF30] =	vst v28  }
0x3d: {  	[tilespmem:s24+$0xFFFFFEB0] =	vst v5;
	v5 =	vperm.xlane v3, v27  }
0x3e: {  	v31 =	vperm.xlane v2, v29;
	[tilespmem:s24+$0xFFFFFE40] =	vst v30  }
0x3f: {  	v32 =	vand.u32 $0xF, v9;
	[tilespmem:s24+$0xFFFFFFB0] =	vst v5;
	v5 =	vperm.xlane v1, v29  }
0x40: {  	v33 =	vperm.xlane v0, v32;
	[tilespmem:s24+$0xFFFFFF40] =	vst v31  }
0x41: {  	[tilespmem:s24+$0xFFFFFEC0] =	vst v5;
	v5 =	vperm.xlane v3, v29  }
0x42: {  	v34 =	vperm.xlane v2, v32;
	[tilespmem:s24+$0xFFFFFE50] =	vst v33  }
0x43: {  	v35 =	vand.u32 $0xF, v10;
	[tilespmem:s24+$0xFFFFFFC0] =	vst v5;
	v5 =	vperm.xlane v1, v32  }
0x44: {  	v36 =	vperm.xlane v0, v35;
	[tilespmem:s24+$0xFFFFFF50] =	vst v34  }
0x45: {  	[tilespmem:s24+$0xFFFFFED0] =	vst v5;
	v5 =	vperm.xlane v3, v32  }
0x46: {  	v37 =	vperm.xlane v2, v35;
	[tilespmem:s24+$0xFFFFFE60] =	vst v36  }
0x47: {  	v38 =	vand.u32 $0xF, v11;
	[tilespmem:s24+$0xFFFFFFD0] =	vst v5;
	v5 =	vperm.xlane v1, v35  }
0x48: {  	v39 =	vperm.xlane v0, v38;
	[tilespmem:s24+$0xFFFFFF60] =	vst v37  }
0x49: {  	[tilespmem:s24+$0xFFFFFEE0] =	vst v5;
	v5 =	vperm.xlane v3, v35  }
0x4a: {  	v40 =	vperm.xlane v2, v38;
	[tilespmem:s24+$0xFFFFFE70] =	vst v39  }
0x4b: {  	v41 =	vand.u32 $0xF, v12;
	[tilespmem:s24+$0xFFFFFFE0] =	vst v5;
	v5 =	vperm.xlane v1, v38  }
0x4c: {  	v42 =	vperm.xlane v0, v41;
	[tilespmem:s24+$0xFFFFFF70] =	vst v40  }
0x4d: {  	[tilespmem:s24+$0xFFFFFEF0] =	vst v5;
	v5 =	vperm.xlane v3, v38  }
0x4e: {  	v43 =	vperm.xlane v2, v41;
	[tilespmem:s24+$0x0] =	vst v42  }
0x4f: {  	v44 =	vand.u32 $0xF, v13;
	[tilespmem:s24+$0xFFFFFFF0] =	vst v5;
	v5 =	vperm.xlane v1, v41  }
0x50: {  	v45 =	vperm.xlane v0, v44;
	[tilespmem:s24+$0x100] =	vst v43  }
0x51: {  	[tilespmem:s24+$0x80] =	vst v5;
	v5 =	vperm.xlane v3, v41  }
0x52: {  	v46 =	vperm.xlane v2, v44;
	[tilespmem:s24+$0x10] =	vst v45  }
0x53: {  	v47 =	vand.u32 $0xF, v14;
	[tilespmem:s24+$0x180] =	vst v5;
	v5 =	vperm.xlane v1, v44  }
0x54: {  	v48 =	vperm.xlane v0, v47;
	[tilespmem:s24+$0x110] =	vst v46  }
0x55: {  	[tilespmem:s24+$0x90] =	vst v5;
	v5 =	vperm.xlane v3, v44  }
0x56: {  	v49 =	vperm.xlane v2, v47;
	[tilespmem:s24+$0x20] =	vst v48  }
0x57: {  	v50 =	vand.u32 $0xF, v15;
	[tilespmem:s24+$0x190] =	vst v5;
	v5 =	vperm.xlane v1, v47  }
0x58: {  	v51 =	vperm.xlane v0, v50;
	[tilespmem:s24+$0x120] =	vst v49  }
0x59: {  	[tilespmem:s24+$0xA0] =	vst v5;
	v5 =	vperm.xlane v3, v47  }
0x5a: {  	v52 =	vperm.xlane v2, v50;
	[tilespmem:s24+$0x30] =	vst v51  }
0x5b: {  	v53 =	vand.u32 $0xF, v16;
	[tilespmem:s24+$0x1A0] =	vst v5;
	v5 =	vperm.xlane v1, v50  }
0x5c: {  	v54 =	vperm.xlane v0, v53;
	[tilespmem:s24+$0x130] =	vst v52  }
0x5d: {  	[tilespmem:s24+$0xB0] =	vst v5;
	v5 =	vperm.xlane v3, v50  }
0x5e: {  	v55 =	vperm.xlane v2, v53;
	[tilespmem:s24+$0x40] =	vst v54  }
0x5f: {  	v56 =	vand.u32 $0xF, v17;
	[tilespmem:s24+$0x1B0] =	vst v5;
	v5 =	vperm.xlane v1, v53  }
0x60: {  	v57 =	vperm.xlane v0, v56;
	[tilespmem:s24+$0x140] =	vst v55  }
0x61: {  	[tilespmem:s24+$0xC0] =	vst v5;
	v5 =	vperm.xlane v3, v53  }
0x62: {  	v58 =	vperm.xlane v2, v56;
	[tilespmem:s24+$0x50] =	vst v57  }
0x63: {  	v59 =	vand.u32 $0xF, v19;
	[tilespmem:s24+$0x1C0] =	vst v5;
	v5 =	vperm.xlane v1, v56  }
0x64: {  	v60 =	vperm.xlane v0, v59;
	[tilespmem:s24+$0x150] =	vst v58  }
0x65: {  	[tilespmem:s24+$0xD0] =	vst v5;
	v5 =	vperm.xlane v3, v56  }
0x66: {  	[tilespmem:s24+$0x60] =	vst v60;
	v61 =	vperm.xlane v2, v59  }
0x67: {  	v4 =	vand.u32 $0xF, v4;
	[tilespmem:s24+$0x1D0] =	vst v5;
	v5 =	vperm.xlane v1, v59  }
0x68: {  	[tilespmem:s24+$0x160] =	vst v61;
	v62 =	vperm.xlane v0, v4  }
0x69: {  	p1 =	sne.s32 s23, $0xF800;
	[tilespmem:s24+$0xE0] =	vst v5;
	v5 =	vperm.xlane v3, v59  }
.Ltmp0:
0x6a: {  	v63 =	vperm.xlane v2, v4;
	[tilespmem:s24+$0x70] =	vst v62;
	(pc) =	sbr.rel @p1 .LBB2_3-.Ltmp0, $4  }
0x6b: {  	[tilespmem:s24+$0x1E0] =	vst v5;
	v5 =	vperm.xlane v1, v4  }
0x6c: {  	[tilespmem:s24+$0x170] =	vst v63;
	v4 =	vperm.xlane v3, v4  }
0x6d: {  	[tilespmem:s24+$0xF0] =	vst v5  }
0x6e: {  	s23 =	sadd.s32 $0x800, s23;
	[tilespmem:s24+$0x1F0] =	vst v4;
	s24 =	sadd.s32 $0x400, s24  }
0x6f: {  	s22 =	sshll.u32 s22, $0xC  }
0x70: {  	s22 =	sadd.s32 s4, s22  }
0x71: {  	[hbm4b:s22+s5] =	stream.linear.scatter [tilespmem:s15], [sflag:$0x2], $0x8000, $0x38;
	[tilespmem:$0x18200] =	vst v63  }
0x72: {  	s22 =	simm.s32 @!p0 $0x2  }
0x73: {  	_ =	swait.ge @!p0 [sflag:s22], $0x8000  }
0x74: {  	s21 =	sadd.s32 s21, s6;
	s23 =	simm.s32 $0x10400;
	[sflag:s22] =	ssyncset.done @!p0 $0x0  }
0x75: {  	s21 =	sadd.s32 $0x1, s21;
	[sflag:s22] =	ssyncadd.s32 @!p0 $0xFFFF8000;
	s22 =	simm.s32 $0x0  }
.LBB2_5:
0x76: {  	s24 =	sshra.s32 s22, $0x2  }
0x77: {  	v4 =	vld [tilespmem:s24+$0x280]  }
0x78: {  	v5 =	vld [tilespmem:s24+$0x290]  }
0x79: {  	v6 =	vld [tilespmem:s24+$0x2A0]  }
0x7a: {  	v7 =	vld [tilespmem:s24+$0x2B0]  }
0x7b: {  	v8 =	vld [tilespmem:s24+$0x2C0]  }
0x7c: {  	v9 =	vld [tilespmem:s24+$0x2D0]  }
0x7d: {  	v10 =	vld [tilespmem:s24+$0x2E0]  }
0x7e: {  	v11 =	vld [tilespmem:s24+$0x2F0]  }
0x7f: {  	v12 =	vld [tilespmem:s24+$0x380]  }
0x80: {  	v13 =	vld [tilespmem:s24+$0x390]  }
0x81: {  	v14 =	vld [tilespmem:s24+$0x3A0]  }
0x82: {  	v15 =	vld [tilespmem:s24+$0x3B0]  }
0x83: {  	v16 =	vld [tilespmem:s24+$0x3C0];
	v18 =	vand.u32 $0xF, v4  }
0x84: {  	v17 =	vld [tilespmem:s24+$0x3D0];
	v20 =	vperm.xlane v0, v18  }
0x85: {  	v19 =	vld [tilespmem:s24+$0x3E0];
	v21 =	vperm.xlane v1, v18  }
0x86: {  	v4 =	vld [tilespmem:s24+$0x3F0];
	v61 =	vperm.xlane v2, v18;
	[tilespmem:s23+$0xFFFFFE00] =	vst v20  }
0x87: {  	v5 =	vand.u32 $0xF, v5;
	v18 =	vperm.xlane v3, v18;
	[tilespmem:s23+$0xFFFFFE80] =	vst v21  }
0x88: {  	v62 =	vperm.xlane v0, v5;
	[tilespmem:s23+$0xFFFFFF00] =	vst v61  }
0x89: {  	v63 =	vperm.xlane v1, v5;
	[tilespmem:s23+$0xFFFFFF80] =	vst v18  }
0x8a: {  	v24 =	vperm.xlane v2, v5;
	[tilespmem:s23+$0xFFFFFE10] =	vst v62  }
0x8b: {  	v6 =	vand.u32 $0xF, v6;
	v5 =	vperm.xlane v3, v5;
	[tilespmem:s23+$0xFFFFFE90] =	vst v63  }
0x8c: {  	v25 =	vperm.xlane v0, v6;
	[tilespmem:s23+$0xFFFFFF10] =	vst v24  }
0x8d: {  	v26 =	vperm.xlane v2, v6;
	[tilespmem:s23+$0xFFFFFF90] =	vst v5  }
0x8e: {  	v27 =	vand.u32 $0xF, v7;
	v5 =	vperm.xlane v1, v6;
	[tilespmem:s23+$0xFFFFFE20] =	vst v25  }
0x8f: {  	v7 =	vperm.xlane v0, v27;
	[tilespmem:s23+$0xFFFFFF20] =	vst v26  }
0x90: {  	[tilespmem:s23+$0xFFFFFEA0] =	vst v5;
	v5 =	vperm.xlane v3, v6  }
0x91: {  	v28 =	vperm.xlane v2, v27;
	[tilespmem:s23+$0xFFFFFE30] =	vst v7  }
0x92: {  	v29 =	vand.u32 $0xF, v8;
	[tilespmem:s23+$0xFFFFFFA0] =	vst v5;
	v5 =	vperm.xlane v1, v27  }
0x93: {  	v30 =	vperm.xlane v0, v29;
	[tilespmem:s23+$0xFFFFFF30] =	vst v28  }
0x94: {  	[tilespmem:s23+$0xFFFFFEB0] =	vst v5;
	v5 =	vperm.xlane v3, v27  }
0x95: {  	v31 =	vperm.xlane v2, v29;
	[tilespmem:s23+$0xFFFFFE40] =	vst v30  }
0x96: {  	v32 =	vand.u32 $0xF, v9;
	[tilespmem:s23+$0xFFFFFFB0] =	vst v5;
	v5 =	vperm.xlane v1, v29  }
0x97: {  	v33 =	vperm.xlane v0, v32;
	[tilespmem:s23+$0xFFFFFF40] =	vst v31  }
0x98: {  	[tilespmem:s23+$0xFFFFFEC0] =	vst v5;
	v5 =	vperm.xlane v3, v29  }
0x99: {  	v34 =	vperm.xlane v2, v32;
	[tilespmem:s23+$0xFFFFFE50] =	vst v33  }
0x9a: {  	v35 =	vand.u32 $0xF, v10;
	[tilespmem:s23+$0xFFFFFFC0] =	vst v5;
	v5 =	vperm.xlane v1, v32  }
0x9b: {  	v36 =	vperm.xlane v0, v35;
	[tilespmem:s23+$0xFFFFFF50] =	vst v34  }
0x9c: {  	[tilespmem:s23+$0xFFFFFED0] =	vst v5;
	v5 =	vperm.xlane v3, v32  }
0x9d: {  	v37 =	vperm.xlane v2, v35;
	[tilespmem:s23+$0xFFFFFE60] =	vst v36  }
0x9e: {  	v38 =	vand.u32 $0xF, v11;
	[tilespmem:s23+$0xFFFFFFD0] =	vst v5;
	v5 =	vperm.xlane v1, v35  }
0x9f: {  	v39 =	vperm.xlane v0, v38;
	[tilespmem:s23+$0xFFFFFF60] =	vst v37  }
0xa0: {  	[tilespmem:s23+$0xFFFFFEE0] =	vst v5;
	v5 =	vperm.xlane v3, v35  }
0xa1: {  	v40 =	vperm.xlane v2, v38;
	[tilespmem:s23+$0xFFFFFE70] =	vst v39  }
0xa2: {  	v41 =	vand.u32 $0xF, v12;
	[tilespmem:s23+$0xFFFFFFE0] =	vst v5;
	v5 =	vperm.xlane v1, v38  }
0xa3: {  	v42 =	vperm.xlane v0, v41;
	[tilespmem:s23+$0xFFFFFF70] =	vst v40  }
0xa4: {  	[tilespmem:s23+$0xFFFFFEF0] =	vst v5;
	v5 =	vperm.xlane v3, v38  }
0xa5: {  	v43 =	vperm.xlane v2, v41;
	[tilespmem:s23+$0x0] =	vst v42  }
0xa6: {  	v44 =	vand.u32 $0xF, v13;
	[tilespmem:s23+$0xFFFFFFF0] =	vst v5;
	v5 =	vperm.xlane v1, v41  }
0xa7: {  	v45 =	vperm.xlane v0, v44;
	[tilespmem:s23+$0x100] =	vst v43  }
0xa8: {  	[tilespmem:s23+$0x80] =	vst v5;
	v5 =	vperm.xlane v3, v41  }
0xa9: {  	v46 =	vperm.xlane v2, v44;
	[tilespmem:s23+$0x10] =	vst v45  }
0xaa: {  	v47 =	vand.u32 $0xF, v14;
	[tilespmem:s23+$0x180] =	vst v5;
	v5 =	vperm.xlane v1, v44  }
0xab: {  	v48 =	vperm.xlane v0, v47;
	[tilespmem:s23+$0x110] =	vst v46  }
0xac: {  	[tilespmem:s23+$0x90] =	vst v5;
	v5 =	vperm.xlane v3, v44  }
0xad: {  	v49 =	vperm.xlane v2, v47;
	[tilespmem:s23+$0x20] =	vst v48  }
0xae: {  	v50 =	vand.u32 $0xF, v15;
	[tilespmem:s23+$0x190] =	vst v5;
	v5 =	vperm.xlane v1, v47  }
0xaf: {  	v51 =	vperm.xlane v0, v50;
	[tilespmem:s23+$0x120] =	vst v49  }
0xb0: {  	[tilespmem:s23+$0xA0] =	vst v5;
	v5 =	vperm.xlane v3, v47  }
0xb1: {  	v52 =	vperm.xlane v2, v50;
	[tilespmem:s23+$0x30] =	vst v51  }
0xb2: {  	v53 =	vand.u32 $0xF, v16;
	[tilespmem:s23+$0x1A0] =	vst v5;
	v5 =	vperm.xlane v1, v50  }
0xb3: {  	v54 =	vperm.xlane v0, v53;
	[tilespmem:s23+$0x130] =	vst v52  }
0xb4: {  	[tilespmem:s23+$0xB0] =	vst v5;
	v5 =	vperm.xlane v3, v50  }
0xb5: {  	v55 =	vperm.xlane v2, v53;
	[tilespmem:s23+$0x40] =	vst v54  }
0xb6: {  	v56 =	vand.u32 $0xF, v17;
	[tilespmem:s23+$0x1B0] =	vst v5;
	v5 =	vperm.xlane v1, v53  }
0xb7: {  	v57 =	vperm.xlane v0, v56;
	[tilespmem:s23+$0x140] =	vst v55  }
0xb8: {  	[tilespmem:s23+$0xC0] =	vst v5;
	v5 =	vperm.xlane v3, v53  }
0xb9: {  	v58 =	vperm.xlane v2, v56;
	[tilespmem:s23+$0x50] =	vst v57  }
0xba: {  	v59 =	vand.u32 $0xF, v19;
	[tilespmem:s23+$0x1C0] =	vst v5;
	v5 =	vperm.xlane v1, v56  }
0xbb: {  	v60 =	vperm.xlane v0, v59;
	[tilespmem:s23+$0x150] =	vst v58  }
0xbc: {  	[tilespmem:s23+$0xD0] =	vst v5;
	v5 =	vperm.xlane v3, v56  }
0xbd: {  	[tilespmem:s23+$0x60] =	vst v60;
	v61 =	vperm.xlane v2, v59  }
0xbe: {  	v4 =	vand.u32 $0xF, v4;
	[tilespmem:s23+$0x1D0] =	vst v5;
	v5 =	vperm.xlane v1, v59  }
0xbf: {  	[tilespmem:s23+$0x160] =	vst v61;
	v62 =	vperm.xlane v0, v4  }
0xc0: {  	p0 =	sne.s32 s22, $0xF800;
	[tilespmem:s23+$0xE0] =	vst v5;
	v5 =	vperm.xlane v3, v59  }
.Ltmp1:
0xc1: {  	v63 =	vperm.xlane v2, v4;
	[tilespmem:s23+$0x70] =	vst v62;
	(pc) =	sbr.rel @p0 .LBB2_5-.Ltmp1, $4  }
0xc2: {  	[tilespmem:s23+$0x1E0] =	vst v5;
	v5 =	vperm.xlane v1, v4  }
0xc3: {  	[tilespmem:s23+$0x170] =	vst v63;
	v4 =	vperm.xlane v3, v4  }
0xc4: {  	[tilespmem:s23+$0xF0] =	vst v5  }
0xc5: {  	s22 =	sadd.s32 $0x800, s22;
	[tilespmem:s23+$0x1F0] =	vst v4;
	s23 =	sadd.s32 $0x400, s23  }
0xc6: {  	s21 =	sshll.u32 s21, $0xC;
	s22 =	sor.u32 $0x1, s20  }
0xc7: {  	s21 =	sadd.s32 s4, s21;
	s20 =	sshll.u32 s22, $0x1  }
0xc8: {  	[hbm4b:s21+s5] =	stream.linear.scatter [tilespmem:s16], [sflag:$0x2], $0x8000, $0x38;
	[tilespmem:$0x18200] =	vst v63  }
0xc9: {  	p0 =	sgt.u32 s22, $0xE;
	s21 =	sor.u32 s6, s20  }
0xca: {  	s22 =	sadd.s32 @!p0 $0x2, s21  }
0xcb: {  	s24 =	simm.s32 @!p0 $0x400;
	s25 =	simm.s32 @!p0 $0x200;
	s23 =	sshll.u32 @!p0 s22, $0x4  }
0xcc: {  	_ =	swait.ge [sflag:s13], $0x4000;
	s22 =	sshll.u32 @!p0 s22, $0xA;
	s23 =	sand.u32 @!p0 $0x40, s23  }
0xcd: {  	[sflag:s13] =	ssyncset.done $0x0;
	s22 =	sand.u32 @!p0 $0xFFFE000, s22;
	s23 =	sadd.s32 @!p0 s1, s23  }
0xce: {  	[sflag:s13] =	ssyncadd.s32 $0xFFFFC000;
	s22 =	sadd.s32 @!p0 s22, s23;
	s23 =	simm.s32 @!p0 $0x100  }
0xcf: {  	[tilespmem:s25], [sflag:$0x1] =	stream.strided.gather @!p0 [hbm4b:s22+s23], $0x4000, s24, s23, $0x38;
	[tilespmem:$0x18200] =	vst v63  }
0xd0: {  	_ =	swait.ge [sflag:s17], $0x8000  }
0xd1: {  	[sflag:s17] =	ssyncset.done $0x0  }
0xd2: {  	s22 =	simm.s32 $0x0;
	s23 =	simm.s32 $0x8400;
	[sflag:s17] =	ssyncadd.s32 $0xFFFF8000  }
.LBB2_7:
0xd3: {  	s24 =	sshra.s32 s22, $0x2  }
0xd4: {  	v4 =	vld [tilespmem:s24+$0x4200]  }
0xd5: {  	v5 =	vld [tilespmem:s24+$0x4210]  }
0xd6: {  	v6 =	vld [tilespmem:s24+$0x4220]  }
0xd7: {  	v7 =	vld [tilespmem:s24+$0x4230]  }
0xd8: {  	v8 =	vld [tilespmem:s24+$0x4240]  }
0xd9: {  	v9 =	vld [tilespmem:s24+$0x4250]  }
0xda: {  	v10 =	vld [tilespmem:s24+$0x4260]  }
0xdb: {  	v11 =	vld [tilespmem:s24+$0x4270]  }
0xdc: {  	v12 =	vld [tilespmem:s24+$0x4300]  }
0xdd: {  	v13 =	vld [tilespmem:s24+$0x4310]  }
0xde: {  	v14 =	vld [tilespmem:s24+$0x4320]  }
0xdf: {  	v15 =	vld [tilespmem:s24+$0x4330]  }
0xe0: {  	v16 =	vld [tilespmem:s24+$0x4340];
	v18 =	vand.u32 $0xF, v4  }
0xe1: {  	v17 =	vld [tilespmem:s24+$0x4350];
	v20 =	vperm.xlane v0, v18  }
0xe2: {  	v19 =	vld [tilespmem:s24+$0x4360];
	v21 =	vperm.xlane v1, v18  }
0xe3: {  	v4 =	vld [tilespmem:s24+$0x4370];
	v61 =	vperm.xlane v2, v18;
	[tilespmem:s23+$0xFFFFFE00] =	vst v20  }
0xe4: {  	v5 =	vand.u32 $0xF, v5;
	v18 =	vperm.xlane v3, v18;
	[tilespmem:s23+$0xFFFFFE80] =	vst v21  }
0xe5: {  	v62 =	vperm.xlane v0, v5;
	[tilespmem:s23+$0xFFFFFF00] =	vst v61  }
0xe6: {  	v63 =	vperm.xlane v1, v5;
	[tilespmem:s23+$0xFFFFFF80] =	vst v18  }
0xe7: {  	v24 =	vperm.xlane v2, v5;
	[tilespmem:s23+$0xFFFFFE10] =	vst v62  }
0xe8: {  	v6 =	vand.u32 $0xF, v6;
	v5 =	vperm.xlane v3, v5;
	[tilespmem:s23+$0xFFFFFE90] =	vst v63  }
0xe9: {  	v25 =	vperm.xlane v0, v6;
	[tilespmem:s23+$0xFFFFFF10] =	vst v24  }
0xea: {  	v26 =	vperm.xlane v2, v6;
	[tilespmem:s23+$0xFFFFFF90] =	vst v5  }
0xeb: {  	v27 =	vand.u32 $0xF, v7;
	v5 =	vperm.xlane v1, v6;
	[tilespmem:s23+$0xFFFFFE20] =	vst v25  }
0xec: {  	v7 =	vperm.xlane v0, v27;
	[tilespmem:s23+$0xFFFFFF20] =	vst v26  }
0xed: {  	[tilespmem:s23+$0xFFFFFEA0] =	vst v5;
	v5 =	vperm.xlane v3, v6  }
0xee: {  	v28 =	vperm.xlane v2, v27;
	[tilespmem:s23+$0xFFFFFE30] =	vst v7  }
0xef: {  	v29 =	vand.u32 $0xF, v8;
	[tilespmem:s23+$0xFFFFFFA0] =	vst v5;
	v5 =	vperm.xlane v1, v27  }
0xf0: {  	v30 =	vperm.xlane v0, v29;
	[tilespmem:s23+$0xFFFFFF30] =	vst v28  }
0xf1: {  	[tilespmem:s23+$0xFFFFFEB0] =	vst v5;
	v5 =	vperm.xlane v3, v27  }
0xf2: {  	v31 =	vperm.xlane v2, v29;
	[tilespmem:s23+$0xFFFFFE40] =	vst v30  }
0xf3: {  	v32 =	vand.u32 $0xF, v9;
	[tilespmem:s23+$0xFFFFFFB0] =	vst v5;
	v5 =	vperm.xlane v1, v29  }
0xf4: {  	v33 =	vperm.xlane v0, v32;
	[tilespmem:s23+$0xFFFFFF40] =	vst v31  }
0xf5: {  	[tilespmem:s23+$0xFFFFFEC0] =	vst v5;
	v5 =	vperm.xlane v3, v29  }
0xf6: {  	v34 =	vperm.xlane v2, v32;
	[tilespmem:s23+$0xFFFFFE50] =	vst v33  }
0xf7: {  	v35 =	vand.u32 $0xF, v10;
	[tilespmem:s23+$0xFFFFFFC0] =	vst v5;
	v5 =	vperm.xlane v1, v32  }
0xf8: {  	v36 =	vperm.xlane v0, v35;
	[tilespmem:s23+$0xFFFFFF50] =	vst v34  }
0xf9: {  	[tilespmem:s23+$0xFFFFFED0] =	vst v5;
	v5 =	vperm.xlane v3, v32  }
0xfa: {  	v37 =	vperm.xlane v2, v35;
	[tilespmem:s23+$0xFFFFFE60] =	vst v36  }
0xfb: {  	v38 =	vand.u32 $0xF, v11;
	[tilespmem:s23+$0xFFFFFFD0] =	vst v5;
	v5 =	vperm.xlane v1, v35  }
0xfc: {  	v39 =	vperm.xlane v0, v38;
	[tilespmem:s23+$0xFFFFFF60] =	vst v37  }
0xfd: {  	[tilespmem:s23+$0xFFFFFEE0] =	vst v5;
	v5 =	vperm.xlane v3, v35  }
0xfe: {  	v40 =	vperm.xlane v2, v38;
	[tilespmem:s23+$0xFFFFFE70] =	vst v39  }
0xff: {  	v41 =	vand.u32 $0xF, v12;
	[tilespmem:s23+$0xFFFFFFE0] =	vst v5;
	v5 =	vperm.xlane v1, v38  }
0x100: {  	v42 =	vperm.xlane v0, v41;
	[tilespmem:s23+$0xFFFFFF70] =	vst v40  }
0x101: {  	[tilespmem:s23+$0xFFFFFEF0] =	vst v5;
	v5 =	vperm.xlane v3, v38  }
0x102: {  	v43 =	vperm.xlane v2, v41;
	[tilespmem:s23+$0x0] =	vst v42  }
0x103: {  	v44 =	vand.u32 $0xF, v13;
	[tilespmem:s23+$0xFFFFFFF0] =	vst v5;
	v5 =	vperm.xlane v1, v41  }
0x104: {  	v45 =	vperm.xlane v0, v44;
	[tilespmem:s23+$0x100] =	vst v43  }
0x105: {  	[tilespmem:s23+$0x80] =	vst v5;
	v5 =	vperm.xlane v3, v41  }
0x106: {  	v46 =	vperm.xlane v2, v44;
	[tilespmem:s23+$0x10] =	vst v45  }
0x107: {  	v47 =	vand.u32 $0xF, v14;
	[tilespmem:s23+$0x180] =	vst v5;
	v5 =	vperm.xlane v1, v44  }
0x108: {  	v48 =	vperm.xlane v0, v47;
	[tilespmem:s23+$0x110] =	vst v46  }
0x109: {  	[tilespmem:s23+$0x90] =	vst v5;
	v5 =	vperm.xlane v3, v44  }
0x10a: {  	v49 =	vperm.xlane v2, v47;
	[tilespmem:s23+$0x20] =	vst v48  }
0x10b: {  	v50 =	vand.u32 $0xF, v15;
	[tilespmem:s23+$0x190] =	vst v5;
	v5 =	vperm.xlane v1, v47  }
0x10c: {  	v51 =	vperm.xlane v0, v50;
	[tilespmem:s23+$0x120] =	vst v49  }
0x10d: {  	[tilespmem:s23+$0xA0] =	vst v5;
	v5 =	vperm.xlane v3, v47  }
0x10e: {  	v52 =	vperm.xlane v2, v50;
	[tilespmem:s23+$0x30] =	vst v51  }
0x10f: {  	v53 =	vand.u32 $0xF, v16;
	[tilespmem:s23+$0x1A0] =	vst v5;
	v5 =	vperm.xlane v1, v50  }
0x110: {  	v54 =	vperm.xlane v0, v53;
	[tilespmem:s23+$0x130] =	vst v52  }
0x111: {  	[tilespmem:s23+$0xB0] =	vst v5;
	v5 =	vperm.xlane v3, v50  }
0x112: {  	v55 =	vperm.xlane v2, v53;
	[tilespmem:s23+$0x40] =	vst v54  }
0x113: {  	v56 =	vand.u32 $0xF, v17;
	[tilespmem:s23+$0x1B0] =	vst v5;
	v5 =	vperm.xlane v1, v53  }
0x114: {  	v57 =	vperm.xlane v0, v56;
	[tilespmem:s23+$0x140] =	vst v55  }
0x115: {  	[tilespmem:s23+$0xC0] =	vst v5;
	v5 =	vperm.xlane v3, v53  }
0x116: {  	v58 =	vperm.xlane v2, v56;
	[tilespmem:s23+$0x50] =	vst v57  }
0x117: {  	v59 =	vand.u32 $0xF, v19;
	[tilespmem:s23+$0x1C0] =	vst v5;
	v5 =	vperm.xlane v1, v56  }
0x118: {  	v60 =	vperm.xlane v0, v59;
	[tilespmem:s23+$0x150] =	vst v58  }
0x119: {  	[tilespmem:s23+$0xD0] =	vst v5;
	v5 =	vperm.xlane v3, v56  }
0x11a: {  	[tilespmem:s23+$0x60] =	vst v60;
	v61 =	vperm.xlane v2, v59  }
0x11b: {  	v4 =	vand.u32 $0xF, v4;
	[tilespmem:s23+$0x1D0] =	vst v5;
	v5 =	vperm.xlane v1, v59  }
0x11c: {  	[tilespmem:s23+$0x160] =	vst v61;
	v62 =	vperm.xlane v0, v4  }
0x11d: {  	p0 =	sne.s32 s22, $0xF800;
	[tilespmem:s23+$0xE0] =	vst v5;
	v5 =	vperm.xlane v3, v59  }
.Ltmp2:
0x11e: {  	v63 =	vperm.xlane v2, v4;
	[tilespmem:s23+$0x70] =	vst v62;
	(pc) =	sbr.rel @p0 .LBB2_7-.Ltmp2, $4  }
0x11f: {  	[tilespmem:s23+$0x1E0] =	vst v5;
	v5 =	vperm.xlane v1, v4  }
0x120: {  	[tilespmem:s23+$0x170] =	vst v63;
	v4 =	vperm.xlane v3, v4  }
0x121: {  	[tilespmem:s23+$0xF0] =	vst v5  }
0x122: {  	s22 =	sadd.s32 $0x800, s22;
	[tilespmem:s23+$0x1F0] =	vst v4;
	s23 =	sadd.s32 $0x400, s23  }
0x123: {  	s21 =	sshll.u32 s21, $0xC  }
0x124: {  	s21 =	sand.u32 $0x1FFFE000, s21  }
0x125: {  	s22 =	sadd.s32 s4, s21;
	s21 =	simm.s32 $0x0  }
0x126: {  	[hbm4b:s22+s21] =	stream.linear.scatter [tilespmem:s15], [sflag:$0x2], $0x8000, $0x38;
	[tilespmem:$0x18200] =	vst v63  }
0x127: {  	_ =	swait.ge [sflag:s17], $0x8000  }
0x128: {  	[sflag:s17] =	ssyncset.done $0x0  }
0x129: {  	s22 =	simm.s32 $0x10400;
	[sflag:s17] =	ssyncadd.s32 $0xFFFF8000  }
.LBB2_9:
0x12a: {  	s23 =	sshra.s32 s21, $0x2  }
0x12b: {  	v4 =	vld [tilespmem:s23+$0x4280]  }
0x12c: {  	v5 =	vld [tilespmem:s23+$0x4290]  }
0x12d: {  	v6 =	vld [tilespmem:s23+$0x42A0]  }
0x12e: {  	v7 =	vld [tilespmem:s23+$0x42B0]  }
0x12f: {  	v8 =	vld [tilespmem:s23+$0x42C0]  }
0x130: {  	v9 =	vld [tilespmem:s23+$0x42D0]  }
0x131: {  	v10 =	vld [tilespmem:s23+$0x42E0]  }
0x132: {  	v11 =	vld [tilespmem:s23+$0x42F0]  }
0x133: {  	v12 =	vld [tilespmem:s23+$0x4380]  }
0x134: {  	v13 =	vld [tilespmem:s23+$0x4390]  }
0x135: {  	v14 =	vld [tilespmem:s23+$0x43A0]  }
0x136: {  	v15 =	vld [tilespmem:s23+$0x43B0]  }
0x137: {  	v16 =	vld [tilespmem:s23+$0x43C0];
	v18 =	vand.u32 $0xF, v4  }
0x138: {  	v17 =	vld [tilespmem:s23+$0x43D0];
	v20 =	vperm.xlane v0, v18  }
0x139: {  	v19 =	vld [tilespmem:s23+$0x43E0];
	v21 =	vperm.xlane v1, v18  }
0x13a: {  	v4 =	vld [tilespmem:s23+$0x43F0];
	v61 =	vperm.xlane v2, v18;
	[tilespmem:s22+$0xFFFFFE00] =	vst v20  }
0x13b: {  	v5 =	vand.u32 $0xF, v5;
	v18 =	vperm.xlane v3, v18;
	[tilespmem:s22+$0xFFFFFE80] =	vst v21  }
0x13c: {  	v62 =	vperm.xlane v0, v5;
	[tilespmem:s22+$0xFFFFFF00] =	vst v61  }
0x13d: {  	v63 =	vperm.xlane v1, v5;
	[tilespmem:s22+$0xFFFFFF80] =	vst v18  }
0x13e: {  	v24 =	vperm.xlane v2, v5;
	[tilespmem:s22+$0xFFFFFE10] =	vst v62  }
0x13f: {  	v6 =	vand.u32 $0xF, v6;
	v5 =	vperm.xlane v3, v5;
	[tilespmem:s22+$0xFFFFFE90] =	vst v63  }
0x140: {  	v25 =	vperm.xlane v0, v6;
	[tilespmem:s22+$0xFFFFFF10] =	vst v24  }
0x141: {  	v26 =	vperm.xlane v2, v6;
	[tilespmem:s22+$0xFFFFFF90] =	vst v5  }
0x142: {  	v27 =	vand.u32 $0xF, v7;
	v5 =	vperm.xlane v1, v6;
	[tilespmem:s22+$0xFFFFFE20] =	vst v25  }
0x143: {  	v7 =	vperm.xlane v0, v27;
	[tilespmem:s22+$0xFFFFFF20] =	vst v26  }
0x144: {  	[tilespmem:s22+$0xFFFFFEA0] =	vst v5;
	v5 =	vperm.xlane v3, v6  }
0x145: {  	v28 =	vperm.xlane v2, v27;
	[tilespmem:s22+$0xFFFFFE30] =	vst v7  }
0x146: {  	v29 =	vand.u32 $0xF, v8;
	[tilespmem:s22+$0xFFFFFFA0] =	vst v5;
	v5 =	vperm.xlane v1, v27  }
0x147: {  	v30 =	vperm.xlane v0, v29;
	[tilespmem:s22+$0xFFFFFF30] =	vst v28  }
0x148: {  	[tilespmem:s22+$0xFFFFFEB0] =	vst v5;
	v5 =	vperm.xlane v3, v27  }
0x149: {  	v31 =	vperm.xlane v2, v29;
	[tilespmem:s22+$0xFFFFFE40] =	vst v30  }
0x14a: {  	v32 =	vand.u32 $0xF, v9;
	[tilespmem:s22+$0xFFFFFFB0] =	vst v5;
	v5 =	vperm.xlane v1, v29  }
0x14b: {  	v33 =	vperm.xlane v0, v32;
	[tilespmem:s22+$0xFFFFFF40] =	vst v31  }
0x14c: {  	[tilespmem:s22+$0xFFFFFEC0] =	vst v5;
	v5 =	vperm.xlane v3, v29  }
0x14d: {  	v34 =	vperm.xlane v2, v32;
	[tilespmem:s22+$0xFFFFFE50] =	vst v33  }
0x14e: {  	v35 =	vand.u32 $0xF, v10;
	[tilespmem:s22+$0xFFFFFFC0] =	vst v5;
	v5 =	vperm.xlane v1, v32  }
0x14f: {  	v36 =	vperm.xlane v0, v35;
	[tilespmem:s22+$0xFFFFFF50] =	vst v34  }
0x150: {  	[tilespmem:s22+$0xFFFFFED0] =	vst v5;
	v5 =	vperm.xlane v3, v32  }
0x151: {  	v37 =	vperm.xlane v2, v35;
	[tilespmem:s22+$0xFFFFFE60] =	vst v36  }
0x152: {  	v38 =	vand.u32 $0xF, v11;
	[tilespmem:s22+$0xFFFFFFD0] =	vst v5;
	v5 =	vperm.xlane v1, v35  }
0x153: {  	v39 =	vperm.xlane v0, v38;
	[tilespmem:s22+$0xFFFFFF60] =	vst v37  }
0x154: {  	[tilespmem:s22+$0xFFFFFEE0] =	vst v5;
	v5 =	vperm.xlane v3, v35  }
0x155: {  	v40 =	vperm.xlane v2, v38;
	[tilespmem:s22+$0xFFFFFE70] =	vst v39  }
0x156: {  	v41 =	vand.u32 $0xF, v12;
	[tilespmem:s22+$0xFFFFFFE0] =	vst v5;
	v5 =	vperm.xlane v1, v38  }
0x157: {  	v42 =	vperm.xlane v0, v41;
	[tilespmem:s22+$0xFFFFFF70] =	vst v40  }
0x158: {  	[tilespmem:s22+$0xFFFFFEF0] =	vst v5;
	v5 =	vperm.xlane v3, v38  }
0x159: {  	v43 =	vperm.xlane v2, v41;
	[tilespmem:s22+$0x0] =	vst v42  }
0x15a: {  	v44 =	vand.u32 $0xF, v13;
	[tilespmem:s22+$0xFFFFFFF0] =	vst v5;
	v5 =	vperm.xlane v1, v41  }
0x15b: {  	v45 =	vperm.xlane v0, v44;
	[tilespmem:s22+$0x100] =	vst v43  }
0x15c: {  	[tilespmem:s22+$0x80] =	vst v5;
	v5 =	vperm.xlane v3, v41  }
0x15d: {  	v46 =	vperm.xlane v2, v44;
	[tilespmem:s22+$0x10] =	vst v45  }
0x15e: {  	v47 =	vand.u32 $0xF, v14;
	[tilespmem:s22+$0x180] =	vst v5;
	v5 =	vperm.xlane v1, v44  }
0x15f: {  	v48 =	vperm.xlane v0, v47;
	[tilespmem:s22+$0x110] =	vst v46  }
0x160: {  	[tilespmem:s22+$0x90] =	vst v5;
	v5 =	vperm.xlane v3, v44  }
0x161: {  	v49 =	vperm.xlane v2, v47;
	[tilespmem:s22+$0x20] =	vst v48  }
0x162: {  	v50 =	vand.u32 $0xF, v15;
	[tilespmem:s22+$0x190] =	vst v5;
	v5 =	vperm.xlane v1, v47  }
0x163: {  	v51 =	vperm.xlane v0, v50;
	[tilespmem:s22+$0x120] =	vst v49  }
0x164: {  	[tilespmem:s22+$0xA0] =	vst v5;
	v5 =	vperm.xlane v3, v47  }
0x165: {  	v52 =	vperm.xlane v2, v50;
	[tilespmem:s22+$0x30] =	vst v51  }
0x166: {  	v53 =	vand.u32 $0xF, v16;
	[tilespmem:s22+$0x1A0] =	vst v5;
	v5 =	vperm.xlane v1, v50  }
0x167: {  	v54 =	vperm.xlane v0, v53;
	[tilespmem:s22+$0x130] =	vst v52  }
0x168: {  	[tilespmem:s22+$0xB0] =	vst v5;
	v5 =	vperm.xlane v3, v50  }
0x169: {  	v55 =	vperm.xlane v2, v53;
	[tilespmem:s22+$0x40] =	vst v54  }
0x16a: {  	v56 =	vand.u32 $0xF, v17;
	[tilespmem:s22+$0x1B0] =	vst v5;
	v5 =	vperm.xlane v1, v53  }
0x16b: {  	v57 =	vperm.xlane v0, v56;
	[tilespmem:s22+$0x140] =	vst v55  }
0x16c: {  	[tilespmem:s22+$0xC0] =	vst v5;
	v5 =	vperm.xlane v3, v53  }
0x16d: {  	v58 =	vperm.xlane v2, v56;
	[tilespmem:s22+$0x50] =	vst v57  }
0x16e: {  	v59 =	vand.u32 $0xF, v19;
	[tilespmem:s22+$0x1C0] =	vst v5;
	v5 =	vperm.xlane v1, v56  }
0x16f: {  	v60 =	vperm.xlane v0, v59;
	[tilespmem:s22+$0x150] =	vst v58  }
0x170: {  	[tilespmem:s22+$0xD0] =	vst v5;
	v5 =	vperm.xlane v3, v56  }
0x171: {  	[tilespmem:s22+$0x60] =	vst v60;
	v61 =	vperm.xlane v2, v59  }
0x172: {  	v4 =	vand.u32 $0xF, v4;
	[tilespmem:s22+$0x1D0] =	vst v5;
	v5 =	vperm.xlane v1, v59  }
0x173: {  	[tilespmem:s22+$0x160] =	vst v61;
	v62 =	vperm.xlane v0, v4  }
0x174: {  	p0 =	sne.s32 s21, $0xF800;
	[tilespmem:s22+$0xE0] =	vst v5;
	v5 =	vperm.xlane v3, v59  }
.Ltmp3:
0x175: {  	v63 =	vperm.xlane v2, v4;
	[tilespmem:s22+$0x70] =	vst v62;
	(pc) =	sbr.rel @p0 .LBB2_9-.Ltmp3, $4  }
0x176: {  	[tilespmem:s22+$0x1E0] =	vst v5;
	v5 =	vperm.xlane v1, v4  }
0x177: {  	[tilespmem:s22+$0x170] =	vst v63;
	v4 =	vperm.xlane v3, v4  }
0x178: {  	[tilespmem:s22+$0xF0] =	vst v5  }
0x179: {  	s21 =	sadd.s32 $0x800, s21;
	[tilespmem:s22+$0x1F0] =	vst v4;
	s22 =	sadd.s32 $0x400, s22  }
0x17a: {  	s19 =	sadd.s32 $0x1, s19  }
0x17b: {  	s20 =	sadd.s32 s20, s6;
	p0 =	sne.s32 s19, $0x8  }
.Ltmp4:
0x17c: {  	s20 =	sshll.u32 s20, $0xC;
	(pc) =	sbr.rel @p0 .LBB2_2-.Ltmp4, $4  }
0x17d: {  	s20 =	sadd.s32 $0x1000, s20  }
0x17e: {  	s20 =	sand.u32 $0x1FFFF000, s20  }
0x17f: {  	s20 =	sadd.s32 s4, s20  }
0x180: {  	[hbm4b:s20+s5] =	stream.linear.scatter [tilespmem:s16], [sflag:$0x2], $0x8000, $0x38;
	[tilespmem:$0x18200] =	vst v63  }
0x181: {  	s18 =	sadd.s32 $0x1, s18  }
0x182: {  	_ =	swait.ge [sflag:s17], $0x8000;
	p0 =	sne.s32 s18, s8  }
.Ltmp5:
0x183: {  	[sflag:s17] =	ssyncset.done $0x0;
	(pc) =	sbr.rel @p0 .LBB2_1-.Ltmp5, $4  }
0x184: {  	[sflag:s17] =	ssyncadd.s32 $0xFFFF8000  }
0x185: {  	_ =	swait.ge [sflag:s17], $0x8000  }
0x186: {  	[sflag:s17] =	ssyncset.done $0x0  }
0x187: {  	[sflag:s17] =	ssyncadd.s32 $0xFFFF8000  }
0x188: {  	_ =	sfence.sel $0x180000  }
0x189: {  	[bflag:$0x0] =	sbarrier.arrive $0xFFFF  }
0x18a: {  	p0 =	sne.s32 s3, $0x0;
	_ =	strace $0x90000047  }
0x18b: {  	s0 =	sadd.s32 @!p0 $0x100000, s0;
	[bflag:$0x2] =	sbarrier.arrive $0xFFFF  }
0x18c: {  	[sflag:s0] =	ssyncadd.tile.s32 @!p0 $0x1;
	_ =	shalt  }
.Lfunc_end2:
_tile_overlayer_lowered:
.L_overlay_start_2:
0x18d: {  	(tag) =	ssettag $0x2  }
0x18e: {  	s0 =	rddreg [dreg:$0x0];
	s2 =	stileid.u32  }
0x18f: {  	s1 =	rddreg [dreg:$0x1];
	p0 =	sne.s32 s2, $0x0  }
0x190: {  	s3 =	rddreg [dreg:$0x2];
	[bflag:$0x3] =	sbarrier.arrive $0xFFFF;
	s2 =	simm.s32 @!p0 $0x1C03  }
0x191: {  	[timem:s3], [sflag:s2] =	dma.local @!p0 [hbm:s0], s1  }
0x192: {  	s0 =	simm.s32 @!p0 $0x3  }
0x193: {  	_ =	swait.ge @!p0 [sflag:s0], s1  }
0x194: {  	s1 =	ssub.s32 @!p0 $0x0, s1;
	[sflag:s0] =	ssyncset.done @!p0 $0x0  }
0x195: {  	[sflag:s0] =	ssyncadd.s32 @!p0 s1  }
0x196: {  	[bflag:$0x3] =	sbarrier.arrive $0xFFFF  }
0x197: {  	_ =	shalt  }

</sc_bundles>
